<compile_context>
chip_gen: v7x
topology: tpu7x:2x2x1
jax: 0.10.2.dev20260603
libtpu: 0.0.44.dev20260713+nightly
codegen_flags: <defaults>
</compile_context>

<pallas_src>
import functools

import jax
import jax.numpy as jnp
from jax import lax
from jax.experimental import pallas as pl
from jax.experimental.pallas import tpu as pltpu
from jax.experimental.pallas import tpu_sc as plsc

N = 100000
E = 3200000
D_EDGE = 16
D_NODE = 128
H = 128

NC = 2
NS = 16
NW = NC * NS
G = 128
NGROUPS = E // G
UNITS = NGROUPS // 8
UPW = UNITS // NW
EXTRA_U = UNITS - UPW * NW
CH = 4
RPT = 6256
RPT_LAST = N - (NS - 1) * RPT
ZROWS = CH * G


def _sc_segment_sum(col, edge_attr):
    mesh = plsc.VectorSubcoreMesh(
        core_axis_name="c", subcore_axis_name="s", num_cores=NC, num_subcores=NS
    )

    @functools.partial(
        pl.kernel,
        mesh=mesh,
        compiler_params=pltpu.CompilerParams(use_tc_tiling_on_sc=False),
        out_type=jax.ShapeDtypeStruct((NC, N, D_EDGE), jnp.float32),
        scratch_types=[
            pltpu.VMEM((2, CH, G), jnp.int32),
            pltpu.VMEM((2, CH * G), jnp.int32),
            pltpu.VMEM((2, ZROWS, D_EDGE), jnp.float32),
            pltpu.VMEM_SHARED((N, D_EDGE), jnp.float32),
            pltpu.SemaphoreType.DMA,
            pltpu.SemaphoreType.DMA,
            pltpu.SemaphoreType.DMA,
        ],
    )
    def scatter_kernel(
        col_hbm, ea_hbm, out_hbm, idx_v, idx16_v, rows_v, acc, lsem0, lsem1, ssem
    ):
        c = lax.axis_index("c")
        s = lax.axis_index("s")
        wid = c * NS + s
        lsems = [lsem0, lsem1]

        @pl.loop(0, ZROWS)
        def _(i):
            rows_v[0, i] = jnp.zeros((D_EDGE,), jnp.float32)

        zbase = s * RPT
        nz = RPT // ZROWS
        for t in range(nz):
            pltpu.sync_copy(rows_v.at[0], acc.at[pl.ds(zbase + t * ZROWS, ZROWS)])

        @pl.when(s < NS - 1)
        def _():
            pltpu.sync_copy(
                rows_v.at[0, pl.ds(0, RPT - nz * ZROWS)],
                acc.at[pl.ds(zbase + nz * ZROWS, RPT - nz * ZROWS)],
            )

        @pl.when(s == NS - 1)
        def _():
            pltpu.sync_copy(
                rows_v.at[0, pl.ds(0, RPT_LAST - nz * ZROWS)],
                acc.at[pl.ds(zbase + nz * ZROWS, RPT_LAST - nz * ZROWS)],
            )

        plsc.subcore_barrier()

        u0 = wid * UPW + jnp.minimum(wid, EXTRA_U)
        gq = u0 * 8
        nch = 2 * (UPW + (wid < EXTRA_U).astype(jnp.int32))

        def issue_load(ci, b):
            g = gq + ci * CH
            pltpu.async_copy(
                ea_hbm.at[pl.ds(g * G, CH * G)], rows_v.at[b], lsems[b]
            )
            pltpu.async_copy(
                col_hbm.at[1, pl.ds(g * G, CH * G)], idx16_v.at[b], lsems[b]
            )

        def wait_load(ci, b):
            g = gq + ci * CH
            pltpu.make_async_copy(
                ea_hbm.at[pl.ds(g * G, CH * G)], rows_v.at[b], lsems[b]
            ).wait()
            pltpu.make_async_copy(
                col_hbm.at[1, pl.ds(g * G, CH * G)], idx16_v.at[b], lsems[b]
            ).wait()

        def do_scatter(b):
            for j in range(CH):
                for k in range(G // D_EDGE):
                    idx_v[b, j, pl.ds(k * D_EDGE, D_EDGE)] = idx16_v[
                        b, pl.ds((j * G + k * D_EDGE), D_EDGE)
                    ]
            descs = [
                pltpu.async_copy(
                    rows_v.at[b, pl.ds(j * G, G)],
                    acc.at[idx_v.at[b, j]],
                    ssem,
                    add=True,
                )
                for j in range(CH)
            ]
            for dsc in descs:
                dsc.wait()

        issue_load(0, 0)

        @pl.loop(0, nch, step=2)
        def _(ci0):
            for b in range(2):
                ci = ci0 + b

                @pl.when(ci + 1 < nch)
                def _():
                    issue_load(ci + 1, 1 - b)

                wait_load(ci, b)
                do_scatter(b)

        plsc.subcore_barrier()

        @pl.when(s < NS - 1)
        def _():
            pltpu.sync_copy(
                acc.at[pl.ds(zbase, RPT)], out_hbm.at[c, pl.ds(zbase, RPT)]
            )

        @pl.when(s == NS - 1)
        def _():
            pltpu.sync_copy(
                acc.at[pl.ds(zbase, RPT_LAST)],
                out_hbm.at[c, pl.ds(zbase, RPT_LAST)],
            )

    return scatter_kernel(col, edge_attr)


BLK = 2000


def _mlp_body(x_ref, p_ref, w0a, w0b, b0, w1, b1, w2, b2, gam, bet, o_ref):
    x = x_ref[...]
    a = p_ref[0] + p_ref[1]
    h = jnp.dot(x, w0a[...], preferred_element_type=jnp.float32)
    h += jnp.dot(a, w0b[...], preferred_element_type=jnp.float32)
    h = jnp.maximum(h + b0[...], 0.0)
    h = jnp.maximum(
        jnp.dot(h, w1[...], preferred_element_type=jnp.float32) + b1[...], 0.0
    )
    o = jnp.dot(h, w2[...], preferred_element_type=jnp.float32) + b2[...]
    mu = jnp.mean(o, axis=-1, keepdims=True)
    var = jnp.mean((o - mu) * (o - mu), axis=-1, keepdims=True)
    o_ref[...] = (o - mu) * lax.rsqrt(var + 1e-5) * gam[...] + bet[...]


def _mlp(node_attr, partials, w0a, w0b, b0, w1, b1, w2, b2, gam, bet):
    full = lambda shape: pl.BlockSpec(shape, lambda i: (0,) * len(shape))
    return pl.pallas_call(
        _mlp_body,
        grid=(N // BLK,),
        in_specs=[
            pl.BlockSpec((BLK, D_NODE), lambda i: (i, 0)),
            pl.BlockSpec((NC, BLK, D_EDGE), lambda i: (0, i, 0)),
            full((D_NODE, H)),
            full((D_EDGE, H)),
            full((1, H)),
            full((H, H)),
            full((1, H)),
            full((H, D_NODE)),
            full((1, D_NODE)),
            full((1, D_NODE)),
            full((1, D_NODE)),
        ],
        out_specs=pl.BlockSpec((BLK, D_NODE), lambda i: (i, 0)),
        out_shape=jax.ShapeDtypeStruct((N, D_NODE), jnp.float32),
    )(node_attr, partials, w0a, w0b, b0, w1, b1, w2, b2, gam, bet)


def kernel(node_attr, edge_attr, edge_index, W0, b0, W1, b1, W2, b2, ln_gamma, ln_beta):
    partials = _sc_segment_sum(edge_index, edge_attr)
    row = lambda v: v.reshape(1, -1)
    return _mlp(
        node_attr,
        partials,
        W0[:D_NODE],
        W0[D_NODE:],
        row(b0),
        W1,
        row(b1),
        W2,
        row(b2),
        row(ln_gamma),
        row(ln_beta),
    )

# --- scband reference (transcript-rebuilt; emitter-appended) ---
"""Pipeline reference for scband-node-block-38345468018711 (READ-ONLY COPY).

The authoritative reference and input builder live on the scoring server;
editing this copy changes nothing except your own understanding.
"""

import jax, jax.numpy as jnp
import numpy as np

N = 100000
E = 3200000
D_NODE = 128
D_EDGE = 16
H = 128


def setup_inputs(seed: int = 0) -> dict:
    key = jax.random.key(seed)
    ks = jax.random.split(key, 12)
    node_attr = jax.random.normal(ks[0], (N, D_NODE), dtype=jnp.float32)
    edge_attr = jax.random.normal(ks[1], (E, D_EDGE), dtype=jnp.float32)
    edge_index = jax.random.randint(ks[2], (2, E), 0, N, dtype=jnp.int32)
    # MLP params: Linear(in=D_NODE+D_EDGE, H) -> ReLU -> Linear(H, H) -> ReLU -> Linear(H, D_NODE) -> LayerNorm
    W0 = jax.random.normal(ks[3], (D_NODE + D_EDGE, H), dtype=jnp.float32) * 0.05
    b0 = jnp.zeros((H,), dtype=jnp.float32)
    W1 = jax.random.normal(ks[4], (H, H), dtype=jnp.float32) * 0.05
    b1 = jnp.zeros((H,), dtype=jnp.float32)
    W2 = jax.random.normal(ks[5], (H, D_NODE), dtype=jnp.float32) * 0.05
    b2 = jnp.zeros((D_NODE,), dtype=jnp.float32)
    ln_gamma = jnp.ones((D_NODE,), dtype=jnp.float32)
    ln_beta = jnp.zeros((D_NODE,), dtype=jnp.float32)
    return {
        "node_attr": node_attr,
        "edge_attr": edge_attr,
        "edge_index": edge_index,
        "W0": W0, "b0": b0,
        "W1": W1, "b1": b1,
        "W2": W2, "b2": b2,
        "ln_gamma": ln_gamma, "ln_beta": ln_beta,
    }


def reference(node_attr, edge_attr, edge_index, W0, b0, W1, b1, W2, b2, ln_gamma, ln_beta):
    col = edge_index[1]
    # scatter_add of edge features into destination nodes
    edge_aggr = jax.ops.segment_sum(edge_attr, col, num_segments=node_attr.shape[0])
    node_input = jnp.concatenate([node_attr, edge_aggr], axis=-1)
    h = jax.nn.relu(node_input @ W0 + b0)
    h = jax.nn.relu(h @ W1 + b1)
    out = h @ W2 + b2
    # LayerNorm over last dim
    mean = jnp.mean(out, axis=-1, keepdims=True)
    var = jnp.var(out, axis=-1, keepdims=True)
    out = (out - mean) / jnp.sqrt(var + 1e-5) * ln_gamma + ln_beta
    return out

if __name__ == "__main__":
    import jax
    _d = setup_inputs()
    print(jax.jit(kernel)(*tuple(_d.values())))

</pallas_src>

<mosaic_0001>
#map = affine_map<(d0, d1) -> (0, 0)>
#map1 = affine_map<(d0, d1) -> (0, 0, 0)>
module attributes {stable_mosaic.version = 14 : i64} {
  func.func @scatter_kernel(%arg0: i32, %arg1: i32, %arg2: memref<2x3200000xi32, #tpu.memory_space<hbm>>, %arg3: memref<3200000x16xf32, #tpu.memory_space<hbm>>, %arg4: memref<2x100000x16xf32, #tpu.memory_space<hbm>>, %arg5: memref<2x4x128xi32, #tpu.memory_space<vmem>>, %arg6: memref<2x512xi32, #tpu.memory_space<vmem>>, %arg7: memref<2x512x16xf32, #tpu.memory_space<vmem>>, %arg8: memref<100000x16xf32, #tpu.memory_space<vmem_shared>>, %arg9: memref<!tpu.dma_semaphore, #tpu.memory_space<semaphore_mem>>, %arg10: memref<!tpu.dma_semaphore, #tpu.memory_space<semaphore_mem>>, %arg11: memref<!tpu.dma_semaphore, #tpu.memory_space<semaphore_mem>>) attributes {dimension_semantics = [#tpu.dimension_semantics<core_parallel>, #tpu.dimension_semantics<subcore_parallel>], iteration_bounds = array<i64: 2, 16>, scalar_prefetch = 0 : i64, scratch_operands = 7 : i64, tpu.core_type = #tpu.core_type<sc_vector_subcore>, window_params = [{transform_indices = #map}, {transform_indices = #map}, {transform_indices = #map1}]} {
    %mul3A = arith.constant 16 : i32
    %mul3A_0 = arith.muli %arg0, %mul3A : i32
    %add3A = arith.addi %mul3A_0, %arg1 : i32
    %scan3A = arith.constant 0 : i32
    %scan3A_1 = arith.constant 512 : i32
    %scan3A_2 = arith.addi %scan3A, %scan3A_1 : i32
    %scan3A_3 = arith.constant 1 : i32
    scf.for %scan3A_118 = %scan3A to %scan3A_2 step %scan3A_3  : i32 {
      %mul3A_119 = arith.constant 1 : i32
      %mul3A_120 = arith.muli %scan3A_118, %mul3A_119 : i32
      %add3A_121 = arith.constant 0 : i32
      %add3A_122 = arith.addi %add3A_121, %mul3A_120 : i32
      %broadcast_in_dim3A = arith.constant 0.000000e+00 : f32
      %broadcast_in_dim3A_123 = vector.broadcast %broadcast_in_dim3A : f32 to vector<16xf32>
      %swap3A = arith.constant 0 : i32
      %swap3A_124 = arith.index_cast %swap3A : i32 to index
      %swap3A_125 = arith.index_cast %add3A_122 : i32 to index
      %swap3A_126 = arith.constant 0 : index
      %swap3A_127 = tpu.vector_load %arg7[%swap3A_124, %swap3A_125, %swap3A_126] {strides = array<i32>} : memref<2x512x16xf32, #tpu.memory_space<vmem>>, vector<1x1x16xf32>,
      %swap3A_128 = vector.shape_cast %swap3A_127 : vector<1x1x16xf32> to vector<16xf32>
      %swap3A_129 = vector.shape_cast %broadcast_in_dim3A_123 : vector<16xf32> to vector<1x1x16xf32>
      tpu.vector_store %arg7[%swap3A_124, %swap3A_125, %swap3A_126], %swap3A_129 {strides = array<i32>} : memref<2x512x16xf32, #tpu.memory_space<vmem>>, vector<1x1x16xf32>,
    }
    %scan3A_4 = arith.constant 512 : i32
    %mul3A_5 = arith.constant 6256 : i32
    %mul3A_6 = arith.muli %arg1, %mul3A_5 : i32
    %add3A_7 = arith.constant 0 : i32
    %add3A_8 = arith.addi %mul3A_6, %add3A_7 : i32
    %run_scoped3A = arith.constant 0 : i32
    "tpu.region"() ({
      %run_scoped3A_118 = tpu.sem_alloc : memref<!tpu.dma_semaphore, #tpu.memory_space<semaphore_mem>>
      %dma_start3A_119 = arith.constant 0 : i32
      %dma_start3A_120 = arith.constant 0 : i32
      %dma_start3A_121 = tpu.memref_slice %arg7[%run_scoped3A, %dma_start3A_119, %dma_start3A_120] : memref<2x512x16xf32, #tpu.memory_space<vmem>> -> memref<1x512x16xf32, #tpu.memory_space<vmem>>
      %dma_start3A_122 = tpu.memref_squeeze %dma_start3A_121 : memref<1x512x16xf32, #tpu.memory_space<vmem>> -> memref<512x16xf32, #tpu.memory_space<vmem>>
      %dma_start3A_123 = arith.constant 0 : i32
      %dma_start3A_124 = tpu.memref_slice %arg8[%add3A_8, %dma_start3A_123] : memref<100000x16xf32, #tpu.memory_space<vmem_shared>> -> memref<512x16xf32, #tpu.memory_space<vmem_shared>>
      %dma_start3A_125 = arith.constant 0 : i32
      %dma_start3A_126 = tpu.memref_slice %arg8[%add3A_8, %dma_start3A_125] : memref<100000x16xf32, #tpu.memory_space<vmem_shared>> -> memref<512x16xf32, #tpu.memory_space<vmem_shared>>
      %dma_start3A_127 = arith.constant 0 : i32
      %dma_start3A_128 = arith.constant 0 : i32
      %dma_start3A_129 = tpu.memref_slice %arg7[%run_scoped3A, %dma_start3A_127, %dma_start3A_128] : memref<2x512x16xf32, #tpu.memory_space<vmem>> -> memref<1x512x16xf32, #tpu.memory_space<vmem>>
      %dma_start3A_130 = tpu.memref_squeeze %dma_start3A_129 : memref<1x512x16xf32, #tpu.memory_space<vmem>> -> memref<512x16xf32, #tpu.memory_space<vmem>>
      tpu.enqueue_dma source(%dma_start3A_130 : memref<512x16xf32, #tpu.memory_space<vmem>>) target(%dma_start3A_126 : memref<512x16xf32, #tpu.memory_space<vmem_shared>>) target_semaphore(%run_scoped3A_118 : memref<!tpu.dma_semaphore, #tpu.memory_space<semaphore_mem>>)
      %dma_wait3A = arith.constant 0 : i32
      %dma_wait3A_131 = arith.constant 0 : i32
      %dma_wait3A_132 = tpu.memref_slice %arg7[%run_scoped3A, %dma_wait3A, %dma_wait3A_131] : memref<2x512x16xf32, #tpu.memory_space<vmem>> -> memref<1x512x16xf32, #tpu.memory_space<vmem>>
      %dma_wait3A_133 = tpu.memref_squeeze %dma_wait3A_132 : memref<1x512x16xf32, #tpu.memory_space<vmem>> -> memref<512x16xf32, #tpu.memory_space<vmem>>
      %dma_wait3A_134 = arith.constant 0 : i32
      %dma_wait3A_135 = tpu.memref_slice %arg8[%add3A_8, %dma_wait3A_134] : memref<100000x16xf32, #tpu.memory_space<vmem_shared>> -> memref<512x16xf32, #tpu.memory_space<vmem_shared>>
      %dma_wait3A_136 = arith.constant 0 : i32
      %dma_wait3A_137 = tpu.memref_slice %arg8[%add3A_8, %dma_wait3A_136] : memref<100000x16xf32, #tpu.memory_space<vmem_shared>> -> memref<512x16xf32, #tpu.memory_space<vmem_shared>>
      %dma_wait3A_138 = arith.constant 0 : i32
      %dma_wait3A_139 = arith.constant 0 : i32
      %dma_wait3A_140 = tpu.memref_slice %arg7[%run_scoped3A, %dma_wait3A_138, %dma_wait3A_139] : memref<2x512x16xf32, #tpu.memory_space<vmem>> -> memref<1x512x16xf32, #tpu.memory_space<vmem>>
      %dma_wait3A_141 = tpu.memref_squeeze %dma_wait3A_140 : memref<1x512x16xf32, #tpu.memory_space<vmem>> -> memref<512x16xf32, #tpu.memory_space<vmem>>
      tpu.wait_dma2 semaphore(%run_scoped3A_118 : memref<!tpu.dma_semaphore, #tpu.memory_space<semaphore_mem>>) src(%dma_wait3A_141 : memref<512x16xf32, #tpu.memory_space<vmem>>) dst(%dma_wait3A_137 : memref<512x16xf32, #tpu.memory_space<vmem_shared>>)
      tpu.yield
    }) : () -> ()
    %add3A_9 = arith.constant 512 : i32
    %add3A_10 = arith.addi %mul3A_6, %add3A_9 : i32
    %run_scoped3A_11 = arith.constant 0 : i32
    "tpu.region"() ({
      %run_scoped3A_118 = tpu.sem_alloc : memref<!tpu.dma_semaphore, #tpu.memory_space<semaphore_mem>>
      %dma_start3A_119 = arith.constant 0 : i32
      %dma_start3A_120 = arith.constant 0 : i32
      %dma_start3A_121 = tpu.memref_slice %arg7[%run_scoped3A_11, %dma_start3A_119, %dma_start3A_120] : memref<2x512x16xf32, #tpu.memory_space<vmem>> -> memref<1x512x16xf32, #tpu.memory_space<vmem>>
      %dma_start3A_122 = tpu.memref_squeeze %dma_start3A_121 : memref<1x512x16xf32, #tpu.memory_space<vmem>> -> memref<512x16xf32, #tpu.memory_space<vmem>>
      %dma_start3A_123 = arith.constant 0 : i32
      %dma_start3A_124 = tpu.memref_slice %arg8[%add3A_10, %dma_start3A_123] : memref<100000x16xf32, #tpu.memory_space<vmem_shared>> -> memref<512x16xf32, #tpu.memory_space<vmem_shared>>
      %dma_start3A_125 = arith.constant 0 : i32
      %dma_start3A_126 = tpu.memref_slice %arg8[%add3A_10, %dma_start3A_125] : memref<100000x16xf32, #tpu.memory_space<vmem_shared>> -> memref<512x16xf32, #tpu.memory_space<vmem_shared>>
      %dma_start3A_127 = arith.constant 0 : i32
      %dma_start3A_128 = arith.constant 0 : i32
      %dma_start3A_129 = tpu.memref_slice %arg7[%run_scoped3A_11, %dma_start3A_127, %dma_start3A_128] : memref<2x512x16xf32, #tpu.memory_space<vmem>> -> memref<1x512x16xf32, #tpu.memory_space<vmem>>
      %dma_start3A_130 = tpu.memref_squeeze %dma_start3A_129 : memref<1x512x16xf32, #tpu.memory_space<vmem>> -> memref<512x16xf32, #tpu.memory_space<vmem>>
      tpu.enqueue_dma source(%dma_start3A_130 : memref<512x16xf32, #tpu.memory_space<vmem>>) target(%dma_start3A_126 : memref<512x16xf32, #tpu.memory_space<vmem_shared>>) target_semaphore(%run_scoped3A_118 : memref<!tpu.dma_semaphore, #tpu.memory_space<semaphore_mem>>)
      %dma_wait3A = arith.constant 0 : i32
      %dma_wait3A_131 = arith.constant 0 : i32
      %dma_wait3A_132 = tpu.memref_slice %arg7[%run_scoped3A_11, %dma_wait3A, %dma_wait3A_131] : memref<2x512x16xf32, #tpu.memory_space<vmem>> -> memref<1x512x16xf32, #tpu.memory_space<vmem>>
      %dma_wait3A_133 = tpu.memref_squeeze %dma_wait3A_132 : memref<1x512x16xf32, #tpu.memory_space<vmem>> -> memref<512x16xf32, #tpu.memory_space<vmem>>
      %dma_wait3A_134 = arith.constant 0 : i32
      %dma_wait3A_135 = tpu.memref_slice %arg8[%add3A_10, %dma_wait3A_134] : memref<100000x16xf32, #tpu.memory_space<vmem_shared>> -> memref<512x16xf32, #tpu.memory_space<vmem_shared>>
      %dma_wait3A_136 = arith.constant 0 : i32
      %dma_wait3A_137 = tpu.memref_slice %arg8[%add3A_10, %dma_wait3A_136] : memref<100000x16xf32, #tpu.memory_space<vmem_shared>> -> memref<512x16xf32, #tpu.memory_space<vmem_shared>>
      %dma_wait3A_138 = arith.constant 0 : i32
      %dma_wait3A_139 = arith.constant 0 : i32
      %dma_wait3A_140 = tpu.memref_slice %arg7[%run_scoped3A_11, %dma_wait3A_138, %dma_wait3A_139] : memref<2x512x16xf32, #tpu.memory_space<vmem>> -> memref<1x512x16xf32, #tpu.memory_space<vmem>>
      %dma_wait3A_141 = tpu.memref_squeeze %dma_wait3A_140 : memref<1x512x16xf32, #tpu.memory_space<vmem>> -> memref<512x16xf32, #tpu.memory_space<vmem>>
      tpu.wait_dma2 semaphore(%run_scoped3A_118 : memref<!tpu.dma_semaphore, #tpu.memory_space<semaphore_mem>>) src(%dma_wait3A_141 : memref<512x16xf32, #tpu.memory_space<vmem>>) dst(%dma_wait3A_137 : memref<512x16xf32, #tpu.memory_space<vmem_shared>>)
      tpu.yield
    }) : () -> ()
    %add3A_12 = arith.constant 1024 : i32
    %add3A_13 = arith.addi %mul3A_6, %add3A_12 : i32
    %run_scoped3A_14 = arith.constant 0 : i32
    "tpu.region"() ({
      %run_scoped3A_118 = tpu.sem_alloc : memref<!tpu.dma_semaphore, #tpu.memory_space<semaphore_mem>>
      %dma_start3A_119 = arith.constant 0 : i32
      %dma_start3A_120 = arith.constant 0 : i32
      %dma_start3A_121 = tpu.memref_slice %arg7[%run_scoped3A_14, %dma_start3A_119, %dma_start3A_120] : memref<2x512x16xf32, #tpu.memory_space<vmem>> -> memref<1x512x16xf32, #tpu.memory_space<vmem>>
      %dma_start3A_122 = tpu.memref_squeeze %dma_start3A_121 : memref<1x512x16xf32, #tpu.memory_space<vmem>> -> memref<512x16xf32, #tpu.memory_space<vmem>>
      %dma_start3A_123 = arith.constant 0 : i32
      %dma_start3A_124 = tpu.memref_slice %arg8[%add3A_13, %dma_start3A_123] : memref<100000x16xf32, #tpu.memory_space<vmem_shared>> -> memref<512x16xf32, #tpu.memory_space<vmem_shared>>
      %dma_start3A_125 = arith.constant 0 : i32
      %dma_start3A_126 = tpu.memref_slice %arg8[%add3A_13, %dma_start3A_125] : memref<100000x16xf32, #tpu.memory_space<vmem_shared>> -> memref<512x16xf32, #tpu.memory_space<vmem_shared>>
      %dma_start3A_127 = arith.constant 0 : i32
      %dma_start3A_128 = arith.constant 0 : i32
      %dma_start3A_129 = tpu.memref_slice %arg7[%run_scoped3A_14, %dma_start3A_127, %dma_start3A_128] : memref<2x512x16xf32, #tpu.memory_space<vmem>> -> memref<1x512x16xf32, #tpu.memory_space<vmem>>
      %dma_start3A_130 = tpu.memref_squeeze %dma_start3A_129 : memref<1x512x16xf32, #tpu.memory_space<vmem>> -> memref<512x16xf32, #tpu.memory_space<vmem>>
      tpu.enqueue_dma source(%dma_start3A_130 : memref<512x16xf32, #tpu.memory_space<vmem>>) target(%dma_start3A_126 : memref<512x16xf32, #tpu.memory_space<vmem_shared>>) target_semaphore(%run_scoped3A_118 : memref<!tpu.dma_semaphore, #tpu.memory_space<semaphore_mem>>)
      %dma_wait3A = arith.constant 0 : i32
      %dma_wait3A_131 = arith.constant 0 : i32
      %dma_wait3A_132 = tpu.memref_slice %arg7[%run_scoped3A_14, %dma_wait3A, %dma_wait3A_131] : memref<2x512x16xf32, #tpu.memory_space<vmem>> -> memref<1x512x16xf32, #tpu.memory_space<vmem>>
      %dma_wait3A_133 = tpu.memref_squeeze %dma_wait3A_132 : memref<1x512x16xf32, #tpu.memory_space<vmem>> -> memref<512x16xf32, #tpu.memory_space<vmem>>
      %dma_wait3A_134 = arith.constant 0 : i32
      %dma_wait3A_135 = tpu.memref_slice %arg8[%add3A_13, %dma_wait3A_134] : memref<100000x16xf32, #tpu.memory_space<vmem_shared>> -> memref<512x16xf32, #tpu.memory_space<vmem_shared>>
      %dma_wait3A_136 = arith.constant 0 : i32
      %dma_wait3A_137 = tpu.memref_slice %arg8[%add3A_13, %dma_wait3A_136] : memref<100000x16xf32, #tpu.memory_space<vmem_shared>> -> memref<512x16xf32, #tpu.memory_space<vmem_shared>>
      %dma_wait3A_138 = arith.constant 0 : i32
      %dma_wait3A_139 = arith.constant 0 : i32
      %dma_wait3A_140 = tpu.memref_slice %arg7[%run_scoped3A_14, %dma_wait3A_138, %dma_wait3A_139] : memref<2x512x16xf32, #tpu.memory_space<vmem>> -> memref<1x512x16xf32, #tpu.memory_space<vmem>>
      %dma_wait3A_141 = tpu.memref_squeeze %dma_wait3A_140 : memref<1x512x16xf32, #tpu.memory_space<vmem>> -> memref<512x16xf32, #tpu.memory_space<vmem>>
      tpu.wait_dma2 semaphore(%run_scoped3A_118 : memref<!tpu.dma_semaphore, #tpu.memory_space<semaphore_mem>>) src(%dma_wait3A_141 : memref<512x16xf32, #tpu.memory_space<vmem>>) dst(%dma_wait3A_137 : memref<512x16xf32, #tpu.memory_space<vmem_shared>>)
      tpu.yield
    }) : () -> ()
    %add3A_15 = arith.constant 1536 : i32
    %add3A_16 = arith.addi %mul3A_6, %add3A_15 : i32
    %run_scoped3A_17 = arith.constant 0 : i32
    "tpu.region"() ({
      %run_scoped3A_118 = tpu.sem_alloc : memref<!tpu.dma_semaphore, #tpu.memory_space<semaphore_mem>>
      %dma_start3A_119 = arith.constant 0 : i32
      %dma_start3A_120 = arith.constant 0 : i32
      %dma_start3A_121 = tpu.memref_slice %arg7[%run_scoped3A_17, %dma_start3A_119, %dma_start3A_120] : memref<2x512x16xf32, #tpu.memory_space<vmem>> -> memref<1x512x16xf32, #tpu.memory_space<vmem>>
      %dma_start3A_122 = tpu.memref_squeeze %dma_start3A_121 : memref<1x512x16xf32, #tpu.memory_space<vmem>> -> memref<512x16xf32, #tpu.memory_space<vmem>>
      %dma_start3A_123 = arith.constant 0 : i32
      %dma_start3A_124 = tpu.memref_slice %arg8[%add3A_16, %dma_start3A_123] : memref<100000x16xf32, #tpu.memory_space<vmem_shared>> -> memref<512x16xf32, #tpu.memory_space<vmem_shared>>
      %dma_start3A_125 = arith.constant 0 : i32
      %dma_start3A_126 = tpu.memref_slice %arg8[%add3A_16, %dma_start3A_125] : memref<100000x16xf32, #tpu.memory_space<vmem_shared>> -> memref<512x16xf32, #tpu.memory_space<vmem_shared>>
      %dma_start3A_127 = arith.constant 0 : i32
      %dma_start3A_128 = arith.constant 0 : i32
      %dma_start3A_129 = tpu.memref_slice %arg7[%run_scoped3A_17, %dma_start3A_127, %dma_start3A_128] : memref<2x512x16xf32, #tpu.memory_space<vmem>> -> memref<1x512x16xf32, #tpu.memory_space<vmem>>
      %dma_start3A_130 = tpu.memref_squeeze %dma_start3A_129 : memref<1x512x16xf32, #tpu.memory_space<vmem>> -> memref<512x16xf32, #tpu.memory_space<vmem>>
      tpu.enqueue_dma source(%dma_start3A_130 : memref<512x16xf32, #tpu.memory_space<vmem>>) target(%dma_start3A_126 : memref<512x16xf32, #tpu.memory_space<vmem_shared>>) target_semaphore(%run_scoped3A_118 : memref<!tpu.dma_semaphore, #tpu.memory_space<semaphore_mem>>)
      %dma_wait3A = arith.constant 0 : i32
      %dma_wait3A_131 = arith.constant 0 : i32
      %dma_wait3A_132 = tpu.memref_slice %arg7[%run_scoped3A_17, %dma_wait3A, %dma_wait3A_131] : memref<2x512x16xf32, #tpu.memory_space<vmem>> -> memref<1x512x16xf32, #tpu.memory_space<vmem>>
      %dma_wait3A_133 = tpu.memref_squeeze %dma_wait3A_132 : memref<1x512x16xf32, #tpu.memory_space<vmem>> -> memref<512x16xf32, #tpu.memory_space<vmem>>
      %dma_wait3A_134 = arith.constant 0 : i32
      %dma_wait3A_135 = tpu.memref_slice %arg8[%add3A_16, %dma_wait3A_134] : memref<100000x16xf32, #tpu.memory_space<vmem_shared>> -> memref<512x16xf32, #tpu.memory_space<vmem_shared>>
      %dma_wait3A_136 = arith.constant 0 : i32
      %dma_wait3A_137 = tpu.memref_slice %arg8[%add3A_16, %dma_wait3A_136] : memref<100000x16xf32, #tpu.memory_space<vmem_shared>> -> memref<512x16xf32, #tpu.memory_space<vmem_shared>>
      %dma_wait3A_138 = arith.constant 0 : i32
      %dma_wait3A_139 = arith.constant 0 : i32
      %dma_wait3A_140 = tpu.memref_slice %arg7[%run_scoped3A_17, %dma_wait3A_138, %dma_wait3A_139] : memref<2x512x16xf32, #tpu.memory_space<vmem>> -> memref<1x512x16xf32, #tpu.memory_space<vmem>>
      %dma_wait3A_141 = tpu.memref_squeeze %dma_wait3A_140 : memref<1x512x16xf32, #tpu.memory_space<vmem>> -> memref<512x16xf32, #tpu.memory_space<vmem>>
      tpu.wait_dma2 semaphore(%run_scoped3A_118 : memref<!tpu.dma_semaphore, #tpu.memory_space<semaphore_mem>>) src(%dma_wait3A_141 : memref<512x16xf32, #tpu.memory_space<vmem>>) dst(%dma_wait3A_137 : memref<512x16xf32, #tpu.memory_space<vmem_shared>>)
      tpu.yield
    }) : () -> ()
    %add3A_18 = arith.constant 2048 : i32
    %add3A_19 = arith.addi %mul3A_6, %add3A_18 : i32
    %run_scoped3A_20 = arith.constant 0 : i32
    "tpu.region"() ({
      %run_scoped3A_118 = tpu.sem_alloc : memref<!tpu.dma_semaphore, #tpu.memory_space<semaphore_mem>>
      %dma_start3A_119 = arith.constant 0 : i32
      %dma_start3A_120 = arith.constant 0 : i32
      %dma_start3A_121 = tpu.memref_slice %arg7[%run_scoped3A_20, %dma_start3A_119, %dma_start3A_120] : memref<2x512x16xf32, #tpu.memory_space<vmem>> -> memref<1x512x16xf32, #tpu.memory_space<vmem>>
      %dma_start3A_122 = tpu.memref_squeeze %dma_start3A_121 : memref<1x512x16xf32, #tpu.memory_space<vmem>> -> memref<512x16xf32, #tpu.memory_space<vmem>>
      %dma_start3A_123 = arith.constant 0 : i32
      %dma_start3A_124 = tpu.memref_slice %arg8[%add3A_19, %dma_start3A_123] : memref<100000x16xf32, #tpu.memory_space<vmem_shared>> -> memref<512x16xf32, #tpu.memory_space<vmem_shared>>
      %dma_start3A_125 = arith.constant 0 : i32
      %dma_start3A_126 = tpu.memref_slice %arg8[%add3A_19, %dma_start3A_125] : memref<100000x16xf32, #tpu.memory_space<vmem_shared>> -> memref<512x16xf32, #tpu.memory_space<vmem_shared>>
      %dma_start3A_127 = arith.constant 0 : i32
      %dma_start3A_128 = arith.constant 0 : i32
      %dma_start3A_129 = tpu.memref_slice %arg7[%run_scoped3A_20, %dma_start3A_127, %dma_start3A_128] : memref<2x512x16xf32, #tpu.memory_space<vmem>> -> memref<1x512x16xf32, #tpu.memory_space<vmem>>
      %dma_start3A_130 = tpu.memref_squeeze %dma_start3A_129 : memref<1x512x16xf32, #tpu.memory_space<vmem>> -> memref<512x16xf32, #tpu.memory_space<vmem>>
      tpu.enqueue_dma source(%dma_start3A_130 : memref<512x16xf32, #tpu.memory_space<vmem>>) target(%dma_start3A_126 : memref<512x16xf32, #tpu.memory_space<vmem_shared>>) target_semaphore(%run_scoped3A_118 : memref<!tpu.dma_semaphore, #tpu.memory_space<semaphore_mem>>)
      %dma_wait3A = arith.constant 0 : i32
      %dma_wait3A_131 = arith.constant 0 : i32
      %dma_wait3A_132 = tpu.memref_slice %arg7[%run_scoped3A_20, %dma_wait3A, %dma_wait3A_131] : memref<2x512x16xf32, #tpu.memory_space<vmem>> -> memref<1x512x16xf32, #tpu.memory_space<vmem>>
      %dma_wait3A_133 = tpu.memref_squeeze %dma_wait3A_132 : memref<1x512x16xf32, #tpu.memory_space<vmem>> -> memref<512x16xf32, #tpu.memory_space<vmem>>
      %dma_wait3A_134 = arith.constant 0 : i32
      %dma_wait3A_135 = tpu.memref_slice %arg8[%add3A_19, %dma_wait3A_134] : memref<100000x16xf32, #tpu.memory_space<vmem_shared>> -> memref<512x16xf32, #tpu.memory_space<vmem_shared>>
      %dma_wait3A_136 = arith.constant 0 : i32
      %dma_wait3A_137 = tpu.memref_slice %arg8[%add3A_19, %dma_wait3A_136] : memref<100000x16xf32, #tpu.memory_space<vmem_shared>> -> memref<512x16xf32, #tpu.memory_space<vmem_shared>>
      %dma_wait3A_138 = arith.constant 0 : i32
      %dma_wait3A_139 = arith.constant 0 : i32
      %dma_wait3A_140 = tpu.memref_slice %arg7[%run_scoped3A_20, %dma_wait3A_138, %dma_wait3A_139] : memref<2x512x16xf32, #tpu.memory_space<vmem>> -> memref<1x512x16xf32, #tpu.memory_space<vmem>>
      %dma_wait3A_141 = tpu.memref_squeeze %dma_wait3A_140 : memref<1x512x16xf32, #tpu.memory_space<vmem>> -> memref<512x16xf32, #tpu.memory_space<vmem>>
      tpu.wait_dma2 semaphore(%run_scoped3A_118 : memref<!tpu.dma_semaphore, #tpu.memory_space<semaphore_mem>>) src(%dma_wait3A_141 : memref<512x16xf32, #tpu.memory_space<vmem>>) dst(%dma_wait3A_137 : memref<512x16xf32, #tpu.memory_space<vmem_shared>>)
      tpu.yield
    }) : () -> ()
    %add3A_21 = arith.constant 2560 : i32
    %add3A_22 = arith.addi %mul3A_6, %add3A_21 : i32
    %run_scoped3A_23 = arith.constant 0 : i32
    "tpu.region"() ({
      %run_scoped3A_118 = tpu.sem_alloc : memref<!tpu.dma_semaphore, #tpu.memory_space<semaphore_mem>>
      %dma_start3A_119 = arith.constant 0 : i32
      %dma_start3A_120 = arith.constant 0 : i32
      %dma_start3A_121 = tpu.memref_slice %arg7[%run_scoped3A_23, %dma_start3A_119, %dma_start3A_120] : memref<2x512x16xf32, #tpu.memory_space<vmem>> -> memref<1x512x16xf32, #tpu.memory_space<vmem>>
      %dma_start3A_122 = tpu.memref_squeeze %dma_start3A_121 : memref<1x512x16xf32, #tpu.memory_space<vmem>> -> memref<512x16xf32, #tpu.memory_space<vmem>>
      %dma_start3A_123 = arith.constant 0 : i32
      %dma_start3A_124 = tpu.memref_slice %arg8[%add3A_22, %dma_start3A_123] : memref<100000x16xf32, #tpu.memory_space<vmem_shared>> -> memref<512x16xf32, #tpu.memory_space<vmem_shared>>
      %dma_start3A_125 = arith.constant 0 : i32
      %dma_start3A_126 = tpu.memref_slice %arg8[%add3A_22, %dma_start3A_125] : memref<100000x16xf32, #tpu.memory_space<vmem_shared>> -> memref<512x16xf32, #tpu.memory_space<vmem_shared>>
      %dma_start3A_127 = arith.constant 0 : i32
      %dma_start3A_128 = arith.constant 0 : i32
      %dma_start3A_129 = tpu.memref_slice %arg7[%run_scoped3A_23, %dma_start3A_127, %dma_start3A_128] : memref<2x512x16xf32, #tpu.memory_space<vmem>> -> memref<1x512x16xf32, #tpu.memory_space<vmem>>
      %dma_start3A_130 = tpu.memref_squeeze %dma_start3A_129 : memref<1x512x16xf32, #tpu.memory_space<vmem>> -> memref<512x16xf32, #tpu.memory_space<vmem>>
      tpu.enqueue_dma source(%dma_start3A_130 : memref<512x16xf32, #tpu.memory_space<vmem>>) target(%dma_start3A_126 : memref<512x16xf32, #tpu.memory_space<vmem_shared>>) target_semaphore(%run_scoped3A_118 : memref<!tpu.dma_semaphore, #tpu.memory_space<semaphore_mem>>)
      %dma_wait3A = arith.constant 0 : i32
      %dma_wait3A_131 = arith.constant 0 : i32
      %dma_wait3A_132 = tpu.memref_slice %arg7[%run_scoped3A_23, %dma_wait3A, %dma_wait3A_131] : memref<2x512x16xf32, #tpu.memory_space<vmem>> -> memref<1x512x16xf32, #tpu.memory_space<vmem>>
      %dma_wait3A_133 = tpu.memref_squeeze %dma_wait3A_132 : memref<1x512x16xf32, #tpu.memory_space<vmem>> -> memref<512x16xf32, #tpu.memory_space<vmem>>
      %dma_wait3A_134 = arith.constant 0 : i32
      %dma_wait3A_135 = tpu.memref_slice %arg8[%add3A_22, %dma_wait3A_134] : memref<100000x16xf32, #tpu.memory_space<vmem_shared>> -> memref<512x16xf32, #tpu.memory_space<vmem_shared>>
      %dma_wait3A_136 = arith.constant 0 : i32
      %dma_wait3A_137 = tpu.memref_slice %arg8[%add3A_22, %dma_wait3A_136] : memref<100000x16xf32, #tpu.memory_space<vmem_shared>> -> memref<512x16xf32, #tpu.memory_space<vmem_shared>>
      %dma_wait3A_138 = arith.constant 0 : i32
      %dma_wait3A_139 = arith.constant 0 : i32
      %dma_wait3A_140 = tpu.memref_slice %arg7[%run_scoped3A_23, %dma_wait3A_138, %dma_wait3A_139] : memref<2x512x16xf32, #tpu.memory_space<vmem>> -> memref<1x512x16xf32, #tpu.memory_space<vmem>>
      %dma_wait3A_141 = tpu.memref_squeeze %dma_wait3A_140 : memref<1x512x16xf32, #tpu.memory_space<vmem>> -> memref<512x16xf32, #tpu.memory_space<vmem>>
      tpu.wait_dma2 semaphore(%run_scoped3A_118 : memref<!tpu.dma_semaphore, #tpu.memory_space<semaphore_mem>>) src(%dma_wait3A_141 : memref<512x16xf32, #tpu.memory_space<vmem>>) dst(%dma_wait3A_137 : memref<512x16xf32, #tpu.memory_space<vmem_shared>>)
      tpu.yield
    }) : () -> ()
    %add3A_24 = arith.constant 3072 : i32
    %add3A_25 = arith.addi %mul3A_6, %add3A_24 : i32
    %run_scoped3A_26 = arith.constant 0 : i32
    "tpu.region"() ({
      %run_scoped3A_118 = tpu.sem_alloc : memref<!tpu.dma_semaphore, #tpu.memory_space<semaphore_mem>>
      %dma_start3A_119 = arith.constant 0 : i32
      %dma_start3A_120 = arith.constant 0 : i32
      %dma_start3A_121 = tpu.memref_slice %arg7[%run_scoped3A_26, %dma_start3A_119, %dma_start3A_120] : memref<2x512x16xf32, #tpu.memory_space<vmem>> -> memref<1x512x16xf32, #tpu.memory_space<vmem>>
      %dma_start3A_122 = tpu.memref_squeeze %dma_start3A_121 : memref<1x512x16xf32, #tpu.memory_space<vmem>> -> memref<512x16xf32, #tpu.memory_space<vmem>>
      %dma_start3A_123 = arith.constant 0 : i32
      %dma_start3A_124 = tpu.memref_slice %arg8[%add3A_25, %dma_start3A_123] : memref<100000x16xf32, #tpu.memory_space<vmem_shared>> -> memref<512x16xf32, #tpu.memory_space<vmem_shared>>
      %dma_start3A_125 = arith.constant 0 : i32
      %dma_start3A_126 = tpu.memref_slice %arg8[%add3A_25, %dma_start3A_125] : memref<100000x16xf32, #tpu.memory_space<vmem_shared>> -> memref<512x16xf32, #tpu.memory_space<vmem_shared>>
      %dma_start3A_127 = arith.constant 0 : i32
      %dma_start3A_128 = arith.constant 0 : i32
      %dma_start3A_129 = tpu.memref_slice %arg7[%run_scoped3A_26, %dma_start3A_127, %dma_start3A_128] : memref<2x512x16xf32, #tpu.memory_space<vmem>> -> memref<1x512x16xf32, #tpu.memory_space<vmem>>
      %dma_start3A_130 = tpu.memref_squeeze %dma_start3A_129 : memref<1x512x16xf32, #tpu.memory_space<vmem>> -> memref<512x16xf32, #tpu.memory_space<vmem>>
      tpu.enqueue_dma source(%dma_start3A_130 : memref<512x16xf32, #tpu.memory_space<vmem>>) target(%dma_start3A_126 : memref<512x16xf32, #tpu.memory_space<vmem_shared>>) target_semaphore(%run_scoped3A_118 : memref<!tpu.dma_semaphore, #tpu.memory_space<semaphore_mem>>)
      %dma_wait3A = arith.constant 0 : i32
      %dma_wait3A_131 = arith.constant 0 : i32
      %dma_wait3A_132 = tpu.memref_slice %arg7[%run_scoped3A_26, %dma_wait3A, %dma_wait3A_131] : memref<2x512x16xf32, #tpu.memory_space<vmem>> -> memref<1x512x16xf32, #tpu.memory_space<vmem>>
      %dma_wait3A_133 = tpu.memref_squeeze %dma_wait3A_132 : memref<1x512x16xf32, #tpu.memory_space<vmem>> -> memref<512x16xf32, #tpu.memory_space<vmem>>
      %dma_wait3A_134 = arith.constant 0 : i32
      %dma_wait3A_135 = tpu.memref_slice %arg8[%add3A_25, %dma_wait3A_134] : memref<100000x16xf32, #tpu.memory_space<vmem_shared>> -> memref<512x16xf32, #tpu.memory_space<vmem_shared>>
      %dma_wait3A_136 = arith.constant 0 : i32
      %dma_wait3A_137 = tpu.memref_slice %arg8[%add3A_25, %dma_wait3A_136] : memref<100000x16xf32, #tpu.memory_space<vmem_shared>> -> memref<512x16xf32, #tpu.memory_space<vmem_shared>>
      %dma_wait3A_138 = arith.constant 0 : i32
      %dma_wait3A_139 = arith.constant 0 : i32
      %dma_wait3A_140 = tpu.memref_slice %arg7[%run_scoped3A_26, %dma_wait3A_138, %dma_wait3A_139] : memref<2x512x16xf32, #tpu.memory_space<vmem>> -> memref<1x512x16xf32, #tpu.memory_space<vmem>>
      %dma_wait3A_141 = tpu.memref_squeeze %dma_wait3A_140 : memref<1x512x16xf32, #tpu.memory_space<vmem>> -> memref<512x16xf32, #tpu.memory_space<vmem>>
      tpu.wait_dma2 semaphore(%run_scoped3A_118 : memref<!tpu.dma_semaphore, #tpu.memory_space<semaphore_mem>>) src(%dma_wait3A_141 : memref<512x16xf32, #tpu.memory_space<vmem>>) dst(%dma_wait3A_137 : memref<512x16xf32, #tpu.memory_space<vmem_shared>>)
      tpu.yield
    }) : () -> ()
    %add3A_27 = arith.constant 3584 : i32
    %add3A_28 = arith.addi %mul3A_6, %add3A_27 : i32
    %run_scoped3A_29 = arith.constant 0 : i32
    "tpu.region"() ({
      %run_scoped3A_118 = tpu.sem_alloc : memref<!tpu.dma_semaphore, #tpu.memory_space<semaphore_mem>>
      %dma_start3A_119 = arith.constant 0 : i32
      %dma_start3A_120 = arith.constant 0 : i32
      %dma_start3A_121 = tpu.memref_slice %arg7[%run_scoped3A_29, %dma_start3A_119, %dma_start3A_120] : memref<2x512x16xf32, #tpu.memory_space<vmem>> -> memref<1x512x16xf32, #tpu.memory_space<vmem>>
      %dma_start3A_122 = tpu.memref_squeeze %dma_start3A_121 : memref<1x512x16xf32, #tpu.memory_space<vmem>> -> memref<512x16xf32, #tpu.memory_space<vmem>>
      %dma_start3A_123 = arith.constant 0 : i32
      %dma_start3A_124 = tpu.memref_slice %arg8[%add3A_28, %dma_start3A_123] : memref<100000x16xf32, #tpu.memory_space<vmem_shared>> -> memref<512x16xf32, #tpu.memory_space<vmem_shared>>
      %dma_start3A_125 = arith.constant 0 : i32
      %dma_start3A_126 = tpu.memref_slice %arg8[%add3A_28, %dma_start3A_125] : memref<100000x16xf32, #tpu.memory_space<vmem_shared>> -> memref<512x16xf32, #tpu.memory_space<vmem_shared>>
      %dma_start3A_127 = arith.constant 0 : i32
      %dma_start3A_128 = arith.constant 0 : i32
      %dma_start3A_129 = tpu.memref_slice %arg7[%run_scoped3A_29, %dma_start3A_127, %dma_start3A_128] : memref<2x512x16xf32, #tpu.memory_space<vmem>> -> memref<1x512x16xf32, #tpu.memory_space<vmem>>
      %dma_start3A_130 = tpu.memref_squeeze %dma_start3A_129 : memref<1x512x16xf32, #tpu.memory_space<vmem>> -> memref<512x16xf32, #tpu.memory_space<vmem>>
      tpu.enqueue_dma source(%dma_start3A_130 : memref<512x16xf32, #tpu.memory_space<vmem>>) target(%dma_start3A_126 : memref<512x16xf32, #tpu.memory_space<vmem_shared>>) target_semaphore(%run_scoped3A_118 : memref<!tpu.dma_semaphore, #tpu.memory_space<semaphore_mem>>)
      %dma_wait3A = arith.constant 0 : i32
      %dma_wait3A_131 = arith.constant 0 : i32
      %dma_wait3A_132 = tpu.memref_slice %arg7[%run_scoped3A_29, %dma_wait3A, %dma_wait3A_131] : memref<2x512x16xf32, #tpu.memory_space<vmem>> -> memref<1x512x16xf32, #tpu.memory_space<vmem>>
      %dma_wait3A_133 = tpu.memref_squeeze %dma_wait3A_132 : memref<1x512x16xf32, #tpu.memory_space<vmem>> -> memref<512x16xf32, #tpu.memory_space<vmem>>
      %dma_wait3A_134 = arith.constant 0 : i32
      %dma_wait3A_135 = tpu.memref_slice %arg8[%add3A_28, %dma_wait3A_134] : memref<100000x16xf32, #tpu.memory_space<vmem_shared>> -> memref<512x16xf32, #tpu.memory_space<vmem_shared>>
      %dma_wait3A_136 = arith.constant 0 : i32
      %dma_wait3A_137 = tpu.memref_slice %arg8[%add3A_28, %dma_wait3A_136] : memref<100000x16xf32, #tpu.memory_space<vmem_shared>> -> memref<512x16xf32, #tpu.memory_space<vmem_shared>>
      %dma_wait3A_138 = arith.constant 0 : i32
      %dma_wait3A_139 = arith.constant 0 : i32
      %dma_wait3A_140 = tpu.memref_slice %arg7[%run_scoped3A_29, %dma_wait3A_138, %dma_wait3A_139] : memref<2x512x16xf32, #tpu.memory_space<vmem>> -> memref<1x512x16xf32, #tpu.memory_space<vmem>>
      %dma_wait3A_141 = tpu.memref_squeeze %dma_wait3A_140 : memref<1x512x16xf32, #tpu.memory_space<vmem>> -> memref<512x16xf32, #tpu.memory_space<vmem>>
      tpu.wait_dma2 semaphore(%run_scoped3A_118 : memref<!tpu.dma_semaphore, #tpu.memory_space<semaphore_mem>>) src(%dma_wait3A_141 : memref<512x16xf32, #tpu.memory_space<vmem>>) dst(%dma_wait3A_137 : memref<512x16xf32, #tpu.memory_space<vmem_shared>>)
      tpu.yield
    }) : () -> ()
    %add3A_30 = arith.constant 4096 : i32
    %add3A_31 = arith.addi %mul3A_6, %add3A_30 : i32
    %run_scoped3A_32 = arith.constant 0 : i32
    "tpu.region"() ({
      %run_scoped3A_118 = tpu.sem_alloc : memref<!tpu.dma_semaphore, #tpu.memory_space<semaphore_mem>>
      %dma_start3A_119 = arith.constant 0 : i32
      %dma_start3A_120 = arith.constant 0 : i32
      %dma_start3A_121 = tpu.memref_slice %arg7[%run_scoped3A_32, %dma_start3A_119, %dma_start3A_120] : memref<2x512x16xf32, #tpu.memory_space<vmem>> -> memref<1x512x16xf32, #tpu.memory_space<vmem>>
      %dma_start3A_122 = tpu.memref_squeeze %dma_start3A_121 : memref<1x512x16xf32, #tpu.memory_space<vmem>> -> memref<512x16xf32, #tpu.memory_space<vmem>>
      %dma_start3A_123 = arith.constant 0 : i32
      %dma_start3A_124 = tpu.memref_slice %arg8[%add3A_31, %dma_start3A_123] : memref<100000x16xf32, #tpu.memory_space<vmem_shared>> -> memref<512x16xf32, #tpu.memory_space<vmem_shared>>
      %dma_start3A_125 = arith.constant 0 : i32
      %dma_start3A_126 = tpu.memref_slice %arg8[%add3A_31, %dma_start3A_125] : memref<100000x16xf32, #tpu.memory_space<vmem_shared>> -> memref<512x16xf32, #tpu.memory_space<vmem_shared>>
      %dma_start3A_127 = arith.constant 0 : i32
      %dma_start3A_128 = arith.constant 0 : i32
      %dma_start3A_129 = tpu.memref_slice %arg7[%run_scoped3A_32, %dma_start3A_127, %dma_start3A_128] : memref<2x512x16xf32, #tpu.memory_space<vmem>> -> memref<1x512x16xf32, #tpu.memory_space<vmem>>
      %dma_start3A_130 = tpu.memref_squeeze %dma_start3A_129 : memref<1x512x16xf32, #tpu.memory_space<vmem>> -> memref<512x16xf32, #tpu.memory_space<vmem>>
      tpu.enqueue_dma source(%dma_start3A_130 : memref<512x16xf32, #tpu.memory_space<vmem>>) target(%dma_start3A_126 : memref<512x16xf32, #tpu.memory_space<vmem_shared>>) target_semaphore(%run_scoped3A_118 : memref<!tpu.dma_semaphore, #tpu.memory_space<semaphore_mem>>)
      %dma_wait3A = arith.constant 0 : i32
      %dma_wait3A_131 = arith.constant 0 : i32
      %dma_wait3A_132 = tpu.memref_slice %arg7[%run_scoped3A_32, %dma_wait3A, %dma_wait3A_131] : memref<2x512x16xf32, #tpu.memory_space<vmem>> -> memref<1x512x16xf32, #tpu.memory_space<vmem>>
      %dma_wait3A_133 = tpu.memref_squeeze %dma_wait3A_132 : memref<1x512x16xf32, #tpu.memory_space<vmem>> -> memref<512x16xf32, #tpu.memory_space<vmem>>
      %dma_wait3A_134 = arith.constant 0 : i32
      %dma_wait3A_135 = tpu.memref_slice %arg8[%add3A_31, %dma_wait3A_134] : memref<100000x16xf32, #tpu.memory_space<vmem_shared>> -> memref<512x16xf32, #tpu.memory_space<vmem_shared>>
      %dma_wait3A_136 = arith.constant 0 : i32
      %dma_wait3A_137 = tpu.memref_slice %arg8[%add3A_31, %dma_wait3A_136] : memref<100000x16xf32, #tpu.memory_space<vmem_shared>> -> memref<512x16xf32, #tpu.memory_space<vmem_shared>>
      %dma_wait3A_138 = arith.constant 0 : i32
      %dma_wait3A_139 = arith.constant 0 : i32
      %dma_wait3A_140 = tpu.memref_slice %arg7[%run_scoped3A_32, %dma_wait3A_138, %dma_wait3A_139] : memref<2x512x16xf32, #tpu.memory_space<vmem>> -> memref<1x512x16xf32, #tpu.memory_space<vmem>>
      %dma_wait3A_141 = tpu.memref_squeeze %dma_wait3A_140 : memref<1x512x16xf32, #tpu.memory_space<vmem>> -> memref<512x16xf32, #tpu.memory_space<vmem>>
      tpu.wait_dma2 semaphore(%run_scoped3A_118 : memref<!tpu.dma_semaphore, #tpu.memory_space<semaphore_mem>>) src(%dma_wait3A_141 : memref<512x16xf32, #tpu.memory_space<vmem>>) dst(%dma_wait3A_137 : memref<512x16xf32, #tpu.memory_space<vmem_shared>>)
      tpu.yield
    }) : () -> ()
    %add3A_33 = arith.constant 4608 : i32
    %add3A_34 = arith.addi %mul3A_6, %add3A_33 : i32
    %run_scoped3A_35 = arith.constant 0 : i32
    "tpu.region"() ({
      %run_scoped3A_118 = tpu.sem_alloc : memref<!tpu.dma_semaphore, #tpu.memory_space<semaphore_mem>>
      %dma_start3A_119 = arith.constant 0 : i32
      %dma_start3A_120 = arith.constant 0 : i32
      %dma_start3A_121 = tpu.memref_slice %arg7[%run_scoped3A_35, %dma_start3A_119, %dma_start3A_120] : memref<2x512x16xf32, #tpu.memory_space<vmem>> -> memref<1x512x16xf32, #tpu.memory_space<vmem>>
      %dma_start3A_122 = tpu.memref_squeeze %dma_start3A_121 : memref<1x512x16xf32, #tpu.memory_space<vmem>> -> memref<512x16xf32, #tpu.memory_space<vmem>>
      %dma_start3A_123 = arith.constant 0 : i32
      %dma_start3A_124 = tpu.memref_slice %arg8[%add3A_34, %dma_start3A_123] : memref<100000x16xf32, #tpu.memory_space<vmem_shared>> -> memref<512x16xf32, #tpu.memory_space<vmem_shared>>
      %dma_start3A_125 = arith.constant 0 : i32
      %dma_start3A_126 = tpu.memref_slice %arg8[%add3A_34, %dma_start3A_125] : memref<100000x16xf32, #tpu.memory_space<vmem_shared>> -> memref<512x16xf32, #tpu.memory_space<vmem_shared>>
      %dma_start3A_127 = arith.constant 0 : i32
      %dma_start3A_128 = arith.constant 0 : i32
      %dma_start3A_129 = tpu.memref_slice %arg7[%run_scoped3A_35, %dma_start3A_127, %dma_start3A_128] : memref<2x512x16xf32, #tpu.memory_space<vmem>> -> memref<1x512x16xf32, #tpu.memory_space<vmem>>
      %dma_start3A_130 = tpu.memref_squeeze %dma_start3A_129 : memref<1x512x16xf32, #tpu.memory_space<vmem>> -> memref<512x16xf32, #tpu.memory_space<vmem>>
      tpu.enqueue_dma source(%dma_start3A_130 : memref<512x16xf32, #tpu.memory_space<vmem>>) target(%dma_start3A_126 : memref<512x16xf32, #tpu.memory_space<vmem_shared>>) target_semaphore(%run_scoped3A_118 : memref<!tpu.dma_semaphore, #tpu.memory_space<semaphore_mem>>)
      %dma_wait3A = arith.constant 0 : i32
      %dma_wait3A_131 = arith.constant 0 : i32
      %dma_wait3A_132 = tpu.memref_slice %arg7[%run_scoped3A_35, %dma_wait3A, %dma_wait3A_131] : memref<2x512x16xf32, #tpu.memory_space<vmem>> -> memref<1x512x16xf32, #tpu.memory_space<vmem>>
      %dma_wait3A_133 = tpu.memref_squeeze %dma_wait3A_132 : memref<1x512x16xf32, #tpu.memory_space<vmem>> -> memref<512x16xf32, #tpu.memory_space<vmem>>
      %dma_wait3A_134 = arith.constant 0 : i32
      %dma_wait3A_135 = tpu.memref_slice %arg8[%add3A_34, %dma_wait3A_134] : memref<100000x16xf32, #tpu.memory_space<vmem_shared>> -> memref<512x16xf32, #tpu.memory_space<vmem_shared>>
      %dma_wait3A_136 = arith.constant 0 : i32
      %dma_wait3A_137 = tpu.memref_slice %arg8[%add3A_34, %dma_wait3A_136] : memref<100000x16xf32, #tpu.memory_space<vmem_shared>> -> memref<512x16xf32, #tpu.memory_space<vmem_shared>>
      %dma_wait3A_138 = arith.constant 0 : i32
      %dma_wait3A_139 = arith.constant 0 : i32
      %dma_wait3A_140 = tpu.memref_slice %arg7[%run_scoped3A_35, %dma_wait3A_138, %dma_wait3A_139] : memref<2x512x16xf32, #tpu.memory_space<vmem>> -> memref<1x512x16xf32, #tpu.memory_space<vmem>>
      %dma_wait3A_141 = tpu.memref_squeeze %dma_wait3A_140 : memref<1x512x16xf32, #tpu.memory_space<vmem>> -> memref<512x16xf32, #tpu.memory_space<vmem>>
      tpu.wait_dma2 semaphore(%run_scoped3A_118 : memref<!tpu.dma_semaphore, #tpu.memory_space<semaphore_mem>>) src(%dma_wait3A_141 : memref<512x16xf32, #tpu.memory_space<vmem>>) dst(%dma_wait3A_137 : memref<512x16xf32, #tpu.memory_space<vmem_shared>>)
      tpu.yield
    }) : () -> ()
    %add3A_36 = arith.constant 5120 : i32
    %add3A_37 = arith.addi %mul3A_6, %add3A_36 : i32
    %run_scoped3A_38 = arith.constant 0 : i32
    "tpu.region"() ({
      %run_scoped3A_118 = tpu.sem_alloc : memref<!tpu.dma_semaphore, #tpu.memory_space<semaphore_mem>>
      %dma_start3A_119 = arith.constant 0 : i32
      %dma_start3A_120 = arith.constant 0 : i32
      %dma_start3A_121 = tpu.memref_slice %arg7[%run_scoped3A_38, %dma_start3A_119, %dma_start3A_120] : memref<2x512x16xf32, #tpu.memory_space<vmem>> -> memref<1x512x16xf32, #tpu.memory_space<vmem>>
      %dma_start3A_122 = tpu.memref_squeeze %dma_start3A_121 : memref<1x512x16xf32, #tpu.memory_space<vmem>> -> memref<512x16xf32, #tpu.memory_space<vmem>>
      %dma_start3A_123 = arith.constant 0 : i32
      %dma_start3A_124 = tpu.memref_slice %arg8[%add3A_37, %dma_start3A_123] : memref<100000x16xf32, #tpu.memory_space<vmem_shared>> -> memref<512x16xf32, #tpu.memory_space<vmem_shared>>
      %dma_start3A_125 = arith.constant 0 : i32
      %dma_start3A_126 = tpu.memref_slice %arg8[%add3A_37, %dma_start3A_125] : memref<100000x16xf32, #tpu.memory_space<vmem_shared>> -> memref<512x16xf32, #tpu.memory_space<vmem_shared>>
      %dma_start3A_127 = arith.constant 0 : i32
      %dma_start3A_128 = arith.constant 0 : i32
      %dma_start3A_129 = tpu.memref_slice %arg7[%run_scoped3A_38, %dma_start3A_127, %dma_start3A_128] : memref<2x512x16xf32, #tpu.memory_space<vmem>> -> memref<1x512x16xf32, #tpu.memory_space<vmem>>
      %dma_start3A_130 = tpu.memref_squeeze %dma_start3A_129 : memref<1x512x16xf32, #tpu.memory_space<vmem>> -> memref<512x16xf32, #tpu.memory_space<vmem>>
      tpu.enqueue_dma source(%dma_start3A_130 : memref<512x16xf32, #tpu.memory_space<vmem>>) target(%dma_start3A_126 : memref<512x16xf32, #tpu.memory_space<vmem_shared>>) target_semaphore(%run_scoped3A_118 : memref<!tpu.dma_semaphore, #tpu.memory_space<semaphore_mem>>)
      %dma_wait3A = arith.constant 0 : i32
      %dma_wait3A_131 = arith.constant 0 : i32
      %dma_wait3A_132 = tpu.memref_slice %arg7[%run_scoped3A_38, %dma_wait3A, %dma_wait3A_131] : memref<2x512x16xf32, #tpu.memory_space<vmem>> -> memref<1x512x16xf32, #tpu.memory_space<vmem>>
      %dma_wait3A_133 = tpu.memref_squeeze %dma_wait3A_132 : memref<1x512x16xf32, #tpu.memory_space<vmem>> -> memref<512x16xf32, #tpu.memory_space<vmem>>
      %dma_wait3A_134 = arith.constant 0 : i32
      %dma_wait3A_135 = tpu.memref_slice %arg8[%add3A_37, %dma_wait3A_134] : memref<100000x16xf32, #tpu.memory_space<vmem_shared>> -> memref<512x16xf32, #tpu.memory_space<vmem_shared>>
      %dma_wait3A_136 = arith.constant 0 : i32
      %dma_wait3A_137 = tpu.memref_slice %arg8[%add3A_37, %dma_wait3A_136] : memref<100000x16xf32, #tpu.memory_space<vmem_shared>> -> memref<512x16xf32, #tpu.memory_space<vmem_shared>>
      %dma_wait3A_138 = arith.constant 0 : i32
      %dma_wait3A_139 = arith.constant 0 : i32
      %dma_wait3A_140 = tpu.memref_slice %arg7[%run_scoped3A_38, %dma_wait3A_138, %dma_wait3A_139] : memref<2x512x16xf32, #tpu.memory_space<vmem>> -> memref<1x512x16xf32, #tpu.memory_space<vmem>>
      %dma_wait3A_141 = tpu.memref_squeeze %dma_wait3A_140 : memref<1x512x16xf32, #tpu.memory_space<vmem>> -> memref<512x16xf32, #tpu.memory_space<vmem>>
      tpu.wait_dma2 semaphore(%run_scoped3A_118 : memref<!tpu.dma_semaphore, #tpu.memory_space<semaphore_mem>>) src(%dma_wait3A_141 : memref<512x16xf32, #tpu.memory_space<vmem>>) dst(%dma_wait3A_137 : memref<512x16xf32, #tpu.memory_space<vmem_shared>>)
      tpu.yield
    }) : () -> ()
    %add3A_39 = arith.constant 5632 : i32
    %add3A_40 = arith.addi %mul3A_6, %add3A_39 : i32
    %run_scoped3A_41 = arith.constant 0 : i32
    "tpu.region"() ({
      %run_scoped3A_118 = tpu.sem_alloc : memref<!tpu.dma_semaphore, #tpu.memory_space<semaphore_mem>>
      %dma_start3A_119 = arith.constant 0 : i32
      %dma_start3A_120 = arith.constant 0 : i32
      %dma_start3A_121 = tpu.memref_slice %arg7[%run_scoped3A_41, %dma_start3A_119, %dma_start3A_120] : memref<2x512x16xf32, #tpu.memory_space<vmem>> -> memref<1x512x16xf32, #tpu.memory_space<vmem>>
      %dma_start3A_122 = tpu.memref_squeeze %dma_start3A_121 : memref<1x512x16xf32, #tpu.memory_space<vmem>> -> memref<512x16xf32, #tpu.memory_space<vmem>>
      %dma_start3A_123 = arith.constant 0 : i32
      %dma_start3A_124 = tpu.memref_slice %arg8[%add3A_40, %dma_start3A_123] : memref<100000x16xf32, #tpu.memory_space<vmem_shared>> -> memref<512x16xf32, #tpu.memory_space<vmem_shared>>
      %dma_start3A_125 = arith.constant 0 : i32
      %dma_start3A_126 = tpu.memref_slice %arg8[%add3A_40, %dma_start3A_125] : memref<100000x16xf32, #tpu.memory_space<vmem_shared>> -> memref<512x16xf32, #tpu.memory_space<vmem_shared>>
      %dma_start3A_127 = arith.constant 0 : i32
      %dma_start3A_128 = arith.constant 0 : i32
      %dma_start3A_129 = tpu.memref_slice %arg7[%run_scoped3A_41, %dma_start3A_127, %dma_start3A_128] : memref<2x512x16xf32, #tpu.memory_space<vmem>> -> memref<1x512x16xf32, #tpu.memory_space<vmem>>
      %dma_start3A_130 = tpu.memref_squeeze %dma_start3A_129 : memref<1x512x16xf32, #tpu.memory_space<vmem>> -> memref<512x16xf32, #tpu.memory_space<vmem>>
      tpu.enqueue_dma source(%dma_start3A_130 : memref<512x16xf32, #tpu.memory_space<vmem>>) target(%dma_start3A_126 : memref<512x16xf32, #tpu.memory_space<vmem_shared>>) target_semaphore(%run_scoped3A_118 : memref<!tpu.dma_semaphore, #tpu.memory_space<semaphore_mem>>)
      %dma_wait3A = arith.constant 0 : i32
      %dma_wait3A_131 = arith.constant 0 : i32
      %dma_wait3A_132 = tpu.memref_slice %arg7[%run_scoped3A_41, %dma_wait3A, %dma_wait3A_131] : memref<2x512x16xf32, #tpu.memory_space<vmem>> -> memref<1x512x16xf32, #tpu.memory_space<vmem>>
      %dma_wait3A_133 = tpu.memref_squeeze %dma_wait3A_132 : memref<1x512x16xf32, #tpu.memory_space<vmem>> -> memref<512x16xf32, #tpu.memory_space<vmem>>
      %dma_wait3A_134 = arith.constant 0 : i32
      %dma_wait3A_135 = tpu.memref_slice %arg8[%add3A_40, %dma_wait3A_134] : memref<100000x16xf32, #tpu.memory_space<vmem_shared>> -> memref<512x16xf32, #tpu.memory_space<vmem_shared>>
      %dma_wait3A_136 = arith.constant 0 : i32
      %dma_wait3A_137 = tpu.memref_slice %arg8[%add3A_40, %dma_wait3A_136] : memref<100000x16xf32, #tpu.memory_space<vmem_shared>> -> memref<512x16xf32, #tpu.memory_space<vmem_shared>>
      %dma_wait3A_138 = arith.constant 0 : i32
      %dma_wait3A_139 = arith.constant 0 : i32
      %dma_wait3A_140 = tpu.memref_slice %arg7[%run_scoped3A_41, %dma_wait3A_138, %dma_wait3A_139] : memref<2x512x16xf32, #tpu.memory_space<vmem>> -> memref<1x512x16xf32, #tpu.memory_space<vmem>>
      %dma_wait3A_141 = tpu.memref_squeeze %dma_wait3A_140 : memref<1x512x16xf32, #tpu.memory_space<vmem>> -> memref<512x16xf32, #tpu.memory_space<vmem>>
      tpu.wait_dma2 semaphore(%run_scoped3A_118 : memref<!tpu.dma_semaphore, #tpu.memory_space<semaphore_mem>>) src(%dma_wait3A_141 : memref<512x16xf32, #tpu.memory_space<vmem>>) dst(%dma_wait3A_137 : memref<512x16xf32, #tpu.memory_space<vmem_shared>>)
      tpu.yield
    }) : () -> ()
    %lt3A = arith.constant 15 : i32
    %lt3A_42 = arith.cmpi slt, %arg1, %lt3A : i32
    %convert_element_type3A = arith.extui %lt3A_42 : i1 to i32
    %cond3A = arith.constant 0 : i32
    %cond3A_43 = arith.cmpi ne, %convert_element_type3A, %cond3A : i32
    scf.if %cond3A_43 {
      %add3A_118 = arith.constant 6144 : i32
      %add3A_119 = arith.addi %mul3A_6, %add3A_118 : i32
      %run_scoped3A_120 = arith.constant 0 : i32
      "tpu.region"() ({
        %run_scoped3A_121 = tpu.sem_alloc : memref<!tpu.dma_semaphore, #tpu.memory_space<semaphore_mem>>
        %dma_start3A_122 = arith.constant 0 : i32
        %dma_start3A_123 = arith.constant 0 : i32
        %dma_start3A_124 = tpu.memref_slice %arg7[%run_scoped3A_120, %dma_start3A_122, %dma_start3A_123] : memref<2x512x16xf32, #tpu.memory_space<vmem>> -> memref<1x112x16xf32, #tpu.memory_space<vmem>>
        %dma_start3A_125 = tpu.memref_squeeze %dma_start3A_124 : memref<1x112x16xf32, #tpu.memory_space<vmem>> -> memref<112x16xf32, #tpu.memory_space<vmem>>
        %dma_start3A_126 = arith.constant 0 : i32
        %dma_start3A_127 = tpu.memref_slice %arg8[%add3A_119, %dma_start3A_126] : memref<100000x16xf32, #tpu.memory_space<vmem_shared>> -> memref<112x16xf32, #tpu.memory_space<vmem_shared>>
        %dma_start3A_128 = arith.constant 0 : i32
        %dma_start3A_129 = tpu.memref_slice %arg8[%add3A_119, %dma_start3A_128] : memref<100000x16xf32, #tpu.memory_space<vmem_shared>> -> memref<112x16xf32, #tpu.memory_space<vmem_shared>>
        %dma_start3A_130 = arith.constant 0 : i32
        %dma_start3A_131 = arith.constant 0 : i32
        %dma_start3A_132 = tpu.memref_slice %arg7[%run_scoped3A_120, %dma_start3A_130, %dma_start3A_131] : memref<2x512x16xf32, #tpu.memory_space<vmem>> -> memref<1x112x16xf32, #tpu.memory_space<vmem>>
        %dma_start3A_133 = tpu.memref_squeeze %dma_start3A_132 : memref<1x112x16xf32, #tpu.memory_space<vmem>> -> memref<112x16xf32, #tpu.memory_space<vmem>>
        tpu.enqueue_dma source(%dma_start3A_133 : memref<112x16xf32, #tpu.memory_space<vmem>>) target(%dma_start3A_129 : memref<112x16xf32, #tpu.memory_space<vmem_shared>>) target_semaphore(%run_scoped3A_121 : memref<!tpu.dma_semaphore, #tpu.memory_space<semaphore_mem>>)
        %dma_wait3A = arith.constant 0 : i32
        %dma_wait3A_134 = arith.constant 0 : i32
        %dma_wait3A_135 = tpu.memref_slice %arg7[%run_scoped3A_120, %dma_wait3A, %dma_wait3A_134] : memref<2x512x16xf32, #tpu.memory_space<vmem>> -> memref<1x112x16xf32, #tpu.memory_space<vmem>>
        %dma_wait3A_136 = tpu.memref_squeeze %dma_wait3A_135 : memref<1x112x16xf32, #tpu.memory_space<vmem>> -> memref<112x16xf32, #tpu.memory_space<vmem>>
        %dma_wait3A_137 = arith.constant 0 : i32
        %dma_wait3A_138 = tpu.memref_slice %arg8[%add3A_119, %dma_wait3A_137] : memref<100000x16xf32, #tpu.memory_space<vmem_shared>> -> memref<112x16xf32, #tpu.memory_space<vmem_shared>>
        %dma_wait3A_139 = arith.constant 0 : i32
        %dma_wait3A_140 = tpu.memref_slice %arg8[%add3A_119, %dma_wait3A_139] : memref<100000x16xf32, #tpu.memory_space<vmem_shared>> -> memref<112x16xf32, #tpu.memory_space<vmem_shared>>
        %dma_wait3A_141 = arith.constant 0 : i32
        %dma_wait3A_142 = arith.constant 0 : i32
        %dma_wait3A_143 = tpu.memref_slice %arg7[%run_scoped3A_120, %dma_wait3A_141, %dma_wait3A_142] : memref<2x512x16xf32, #tpu.memory_space<vmem>> -> memref<1x112x16xf32, #tpu.memory_space<vmem>>
        %dma_wait3A_144 = tpu.memref_squeeze %dma_wait3A_143 : memref<1x112x16xf32, #tpu.memory_space<vmem>> -> memref<112x16xf32, #tpu.memory_space<vmem>>
        tpu.wait_dma2 semaphore(%run_scoped3A_121 : memref<!tpu.dma_semaphore, #tpu.memory_space<semaphore_mem>>) src(%dma_wait3A_144 : memref<112x16xf32, #tpu.memory_space<vmem>>) dst(%dma_wait3A_140 : memref<112x16xf32, #tpu.memory_space<vmem_shared>>)
        tpu.yield
      }) : () -> ()
    } else {
    }
    %eq3A = arith.constant 15 : i32
    %eq3A_44 = arith.cmpi eq, %arg1, %eq3A : i32
    %convert_element_type3A_45 = arith.extui %eq3A_44 : i1 to i32
    %cond3A_46 = arith.constant 0 : i32
    %cond3A_47 = arith.cmpi ne, %convert_element_type3A_45, %cond3A_46 : i32
    scf.if %cond3A_47 {
      %add3A_118 = arith.constant 6144 : i32
      %add3A_119 = arith.addi %mul3A_6, %add3A_118 : i32
      %run_scoped3A_120 = arith.constant 0 : i32
      "tpu.region"() ({
        %run_scoped3A_121 = tpu.sem_alloc : memref<!tpu.dma_semaphore, #tpu.memory_space<semaphore_mem>>
        %dma_start3A_122 = arith.constant 0 : i32
        %dma_start3A_123 = arith.constant 0 : i32
        %dma_start3A_124 = tpu.memref_slice %arg7[%run_scoped3A_120, %dma_start3A_122, %dma_start3A_123] : memref<2x512x16xf32, #tpu.memory_space<vmem>> -> memref<1x16x16xf32, #tpu.memory_space<vmem>>
        %dma_start3A_125 = tpu.memref_squeeze %dma_start3A_124 : memref<1x16x16xf32, #tpu.memory_space<vmem>> -> memref<16x16xf32, #tpu.memory_space<vmem>>
        %dma_start3A_126 = arith.constant 0 : i32
        %dma_start3A_127 = tpu.memref_slice %arg8[%add3A_119, %dma_start3A_126] : memref<100000x16xf32, #tpu.memory_space<vmem_shared>> -> memref<16x16xf32, #tpu.memory_space<vmem_shared>>
        %dma_start3A_128 = arith.constant 0 : i32
        %dma_start3A_129 = tpu.memref_slice %arg8[%add3A_119, %dma_start3A_128] : memref<100000x16xf32, #tpu.memory_space<vmem_shared>> -> memref<16x16xf32, #tpu.memory_space<vmem_shared>>
        %dma_start3A_130 = arith.constant 0 : i32
        %dma_start3A_131 = arith.constant 0 : i32
        %dma_start3A_132 = tpu.memref_slice %arg7[%run_scoped3A_120, %dma_start3A_130, %dma_start3A_131] : memref<2x512x16xf32, #tpu.memory_space<vmem>> -> memref<1x16x16xf32, #tpu.memory_space<vmem>>
        %dma_start3A_133 = tpu.memref_squeeze %dma_start3A_132 : memref<1x16x16xf32, #tpu.memory_space<vmem>> -> memref<16x16xf32, #tpu.memory_space<vmem>>
        tpu.enqueue_dma source(%dma_start3A_133 : memref<16x16xf32, #tpu.memory_space<vmem>>) target(%dma_start3A_129 : memref<16x16xf32, #tpu.memory_space<vmem_shared>>) target_semaphore(%run_scoped3A_121 : memref<!tpu.dma_semaphore, #tpu.memory_space<semaphore_mem>>)
        %dma_wait3A = arith.constant 0 : i32
        %dma_wait3A_134 = arith.constant 0 : i32
        %dma_wait3A_135 = tpu.memref_slice %arg7[%run_scoped3A_120, %dma_wait3A, %dma_wait3A_134] : memref<2x512x16xf32, #tpu.memory_space<vmem>> -> memref<1x16x16xf32, #tpu.memory_space<vmem>>
        %dma_wait3A_136 = tpu.memref_squeeze %dma_wait3A_135 : memref<1x16x16xf32, #tpu.memory_space<vmem>> -> memref<16x16xf32, #tpu.memory_space<vmem>>
        %dma_wait3A_137 = arith.constant 0 : i32
        %dma_wait3A_138 = tpu.memref_slice %arg8[%add3A_119, %dma_wait3A_137] : memref<100000x16xf32, #tpu.memory_space<vmem_shared>> -> memref<16x16xf32, #tpu.memory_space<vmem_shared>>
        %dma_wait3A_139 = arith.constant 0 : i32
        %dma_wait3A_140 = tpu.memref_slice %arg8[%add3A_119, %dma_wait3A_139] : memref<100000x16xf32, #tpu.memory_space<vmem_shared>> -> memref<16x16xf32, #tpu.memory_space<vmem_shared>>
        %dma_wait3A_141 = arith.constant 0 : i32
        %dma_wait3A_142 = arith.constant 0 : i32
        %dma_wait3A_143 = tpu.memref_slice %arg7[%run_scoped3A_120, %dma_wait3A_141, %dma_wait3A_142] : memref<2x512x16xf32, #tpu.memory_space<vmem>> -> memref<1x16x16xf32, #tpu.memory_space<vmem>>
        %dma_wait3A_144 = tpu.memref_squeeze %dma_wait3A_143 : memref<1x16x16xf32, #tpu.memory_space<vmem>> -> memref<16x16xf32, #tpu.memory_space<vmem>>
        tpu.wait_dma2 semaphore(%run_scoped3A_121 : memref<!tpu.dma_semaphore, #tpu.memory_space<semaphore_mem>>) src(%dma_wait3A_144 : memref<16x16xf32, #tpu.memory_space<vmem>>) dst(%dma_wait3A_140 : memref<16x16xf32, #tpu.memory_space<vmem_shared>>)
        tpu.yield
      }) : () -> ()
    } else {
    }
    %barrier3A = arith.constant 0 : index
    tpu.barrier barrier_id(%barrier3A)
    %mul3A_48 = arith.constant 97 : i32
    %mul3A_49 = arith.muli %add3A, %mul3A_48 : i32
    %min3A = arith.constant 21 : i32
    %min3A_50 = arith.minsi %add3A, %min3A : i32
    %add3A_51 = arith.addi %mul3A_49, %min3A_50 : i32
    %mul3A_52 = arith.constant 8 : i32
    %mul3A_53 = arith.muli %add3A_51, %mul3A_52 : i32
    %lt3A_54 = arith.constant 21 : i32
    %lt3A_55 = arith.cmpi slt, %add3A, %lt3A_54 : i32
    %convert_element_type3A_56 = arith.extui %lt3A_55 : i1 to i32
    %add3A_57 = arith.constant 97 : i32
    %add3A_58 = arith.addi %add3A_57, %convert_element_type3A_56 : i32
    %mul3A_59 = arith.constant 2 : i32
    %mul3A_60 = arith.muli %mul3A_59, %add3A_58 : i32
    %add3A_61 = arith.constant 0 : i32
    %add3A_62 = arith.addi %mul3A_53, %add3A_61 : i32
    %mul3A_63 = arith.constant 128 : i32
    %mul3A_64 = arith.muli %add3A_62, %mul3A_63 : i32
    %dma_start3A = arith.constant 0 : i32
    %dma_start3A_65 = arith.constant 0 : i32
    %dma_start3A_66 = arith.constant 0 : i32
    %dma_start3A_67 = tpu.memref_slice %arg7[%dma_start3A, %dma_start3A_65, %dma_start3A_66] : memref<2x512x16xf32, #tpu.memory_space<vmem>> -> memref<1x512x16xf32, #tpu.memory_space<vmem>>
    %dma_start3A_68 = tpu.memref_squeeze %dma_start3A_67 : memref<1x512x16xf32, #tpu.memory_space<vmem>> -> memref<512x16xf32, #tpu.memory_space<vmem>>
    %dma_start3A_69 = arith.constant 0 : i32
    %dma_start3A_70 = tpu.memref_slice %arg3[%mul3A_64, %dma_start3A_69] : memref<3200000x16xf32, #tpu.memory_space<hbm>> -> memref<512x16xf32, #tpu.memory_space<hbm>>
    %dma_start3A_71 = arith.constant 0 : i32
    %dma_start3A_72 = arith.constant 0 : i32
    %dma_start3A_73 = tpu.memref_slice %arg7[%dma_start3A, %dma_start3A_71, %dma_start3A_72] : memref<2x512x16xf32, #tpu.memory_space<vmem>> -> memref<1x512x16xf32, #tpu.memory_space<vmem>>
    %dma_start3A_74 = tpu.memref_squeeze %dma_start3A_73 : memref<1x512x16xf32, #tpu.memory_space<vmem>> -> memref<512x16xf32, #tpu.memory_space<vmem>>
    %dma_start3A_75 = arith.constant 0 : i32
    %dma_start3A_76 = tpu.memref_slice %arg3[%mul3A_64, %dma_start3A_75] : memref<3200000x16xf32, #tpu.memory_space<hbm>> -> memref<512x16xf32, #tpu.memory_space<hbm>>
    tpu.enqueue_dma source(%dma_start3A_76 : memref<512x16xf32, #tpu.memory_space<hbm>>) target(%dma_start3A_74 : memref<512x16xf32, #tpu.memory_space<vmem>>) target_semaphore(%arg9 : memref<!tpu.dma_semaphore, #tpu.memory_space<semaphore_mem>>)
    %mul3A_77 = arith.constant 128 : i32
    %mul3A_78 = arith.muli %add3A_62, %mul3A_77 : i32
    %dma_start3A_79 = arith.constant 1 : i32
    %dma_start3A_80 = arith.constant 0 : i32
    %dma_start3A_81 = arith.constant 0 : i32
    %dma_start3A_82 = tpu.memref_slice %arg6[%dma_start3A_80, %dma_start3A_81] : memref<2x512xi32, #tpu.memory_space<vmem>> -> memref<1x512xi32, #tpu.memory_space<vmem>>
    %dma_start3A_83 = tpu.memref_squeeze %dma_start3A_82 : memref<1x512xi32, #tpu.memory_space<vmem>> -> memref<512xi32, #tpu.memory_space<vmem>>
    %dma_start3A_84 = tpu.memref_slice %arg2[%dma_start3A_79, %mul3A_78] : memref<2x3200000xi32, #tpu.memory_space<hbm>> -> memref<1x512xi32, #tpu.memory_space<hbm>>
    %dma_start3A_85 = tpu.memref_squeeze %dma_start3A_84 : memref<1x512xi32, #tpu.memory_space<hbm>> -> memref<512xi32, #tpu.memory_space<hbm>>
    %dma_start3A_86 = arith.constant 0 : i32
    %dma_start3A_87 = tpu.memref_slice %arg6[%dma_start3A_80, %dma_start3A_86] : memref<2x512xi32, #tpu.memory_space<vmem>> -> memref<1x512xi32, #tpu.memory_space<vmem>>
    %dma_start3A_88 = tpu.memref_squeeze %dma_start3A_87 : memref<1x512xi32, #tpu.memory_space<vmem>> -> memref<512xi32, #tpu.memory_space<vmem>>
    %dma_start3A_89 = tpu.memref_slice %arg2[%dma_start3A_79, %mul3A_78] : memref<2x3200000xi32, #tpu.memory_space<hbm>> -> memref<1x512xi32, #tpu.memory_space<hbm>>
    %dma_start3A_90 = tpu.memref_squeeze %dma_start3A_89 : memref<1x512xi32, #tpu.memory_space<hbm>> -> memref<512xi32, #tpu.memory_space<hbm>>
    tpu.enqueue_dma source(%dma_start3A_90 : memref<512xi32, #tpu.memory_space<hbm>>) target(%dma_start3A_88 : memref<512xi32, #tpu.memory_space<vmem>>) target_semaphore(%arg9 : memref<!tpu.dma_semaphore, #tpu.memory_space<semaphore_mem>>)
    %sub3A = arith.constant 0 : i32
    %sub3A_91 = arith.subi %mul3A_60, %sub3A : i32
    %sub3A_92 = arith.constant 2 : i32
    %sub3A_93 = arith.constant 1 : i32
    %sub3A_94 = arith.subi %sub3A_92, %sub3A_93 : i32
    %add3A_95 = arith.addi %sub3A_91, %sub3A_94 : i32
    %div3A = arith.constant 2 : i32
    %div3A_96 = arith.divsi %add3A_95, %div3A : i32
    %while3A = arith.constant 2 : i32
    %while3A_97 = arith.constant 0 : i32
    %while3A_98 = arith.constant 0 : i32
    %while3A_99 = arith.subi %div3A_96, %while3A_98 : i32
    %while3A_100 = arith.addi %while3A_98, %while3A_99 : i32
    %while3A_101 = arith.constant 1 : i32
    %while3A_102 = arith.divsi %while3A_99, %while3A_101 : i32
    %while3A_103 = arith.muli %while3A_102, %while3A_101 : i32
    %while3A_104 = arith.addi %while3A_98, %while3A_103 : i32
    %while3A_105 = arith.constant 1 : i32
    scf.for %while3A_118 = %while3A_98 to %while3A_104 step %while3A_105  : i32 {
      %mul3A_119 = arith.muli %while3A_118, %while3A : i32
      %add3A_120 = arith.addi %while3A_97, %mul3A_119 : i32
      %add3A_121 = arith.constant 0 : i32
      %add3A_122 = arith.addi %add3A_120, %add3A_121 : i32
      %add3A_123 = arith.constant 1 : i32
      %add3A_124 = arith.addi %add3A_122, %add3A_123 : i32
      %lt3A_125 = arith.cmpi slt, %add3A_124, %mul3A_60 : i32
      %convert_element_type3A_126 = arith.extui %lt3A_125 : i1 to i32
      %cond3A_127 = arith.constant 0 : i32
      %cond3A_128 = arith.cmpi ne, %convert_element_type3A_126, %cond3A_127 : i32
      scf.if %cond3A_128 {
        %add3A_1238 = arith.constant 1 : i32
        %add3A_1239 = arith.addi %add3A_122, %add3A_1238 : i32
        %mul3A_1240 = arith.constant 4 : i32
        %mul3A_1241 = arith.muli %add3A_1239, %mul3A_1240 : i32
        %add3A_1242 = arith.addi %mul3A_53, %mul3A_1241 : i32
        %mul3A_1243 = arith.constant 128 : i32
        %mul3A_1244 = arith.muli %add3A_1242, %mul3A_1243 : i32
        %dma_start3A_1245 = arith.constant 1 : i32
        %dma_start3A_1246 = arith.constant 0 : i32
        %dma_start3A_1247 = arith.constant 0 : i32
        %dma_start3A_1248 = tpu.memref_slice %arg7[%dma_start3A_1245, %dma_start3A_1246, %dma_start3A_1247] : memref<2x512x16xf32, #tpu.memory_space<vmem>> -> memref<1x512x16xf32, #tpu.memory_space<vmem>>
        %dma_start3A_1249 = tpu.memref_squeeze %dma_start3A_1248 : memref<1x512x16xf32, #tpu.memory_space<vmem>> -> memref<512x16xf32, #tpu.memory_space<vmem>>
        %dma_start3A_1250 = arith.constant 0 : i32
        %dma_start3A_1251 = tpu.memref_slice %arg3[%mul3A_1244, %dma_start3A_1250] : memref<3200000x16xf32, #tpu.memory_space<hbm>> -> memref<512x16xf32, #tpu.memory_space<hbm>>
        %dma_start3A_1252 = arith.constant 0 : i32
        %dma_start3A_1253 = arith.constant 0 : i32
        %dma_start3A_1254 = tpu.memref_slice %arg7[%dma_start3A_1245, %dma_start3A_1252, %dma_start3A_1253] : memref<2x512x16xf32, #tpu.memory_space<vmem>> -> memref<1x512x16xf32, #tpu.memory_space<vmem>>
        %dma_start3A_1255 = tpu.memref_squeeze %dma_start3A_1254 : memref<1x512x16xf32, #tpu.memory_space<vmem>> -> memref<512x16xf32, #tpu.memory_space<vmem>>
        %dma_start3A_1256 = arith.constant 0 : i32
        %dma_start3A_1257 = tpu.memref_slice %arg3[%mul3A_1244, %dma_start3A_1256] : memref<3200000x16xf32, #tpu.memory_space<hbm>> -> memref<512x16xf32, #tpu.memory_space<hbm>>
        tpu.enqueue_dma source(%dma_start3A_1257 : memref<512x16xf32, #tpu.memory_space<hbm>>) target(%dma_start3A_1255 : memref<512x16xf32, #tpu.memory_space<vmem>>) target_semaphore(%arg10 : memref<!tpu.dma_semaphore, #tpu.memory_space<semaphore_mem>>)
        %mul3A_1258 = arith.constant 128 : i32
        %mul3A_1259 = arith.muli %add3A_1242, %mul3A_1258 : i32
        %dma_start3A_1260 = arith.constant 1 : i32
        %dma_start3A_1261 = arith.constant 1 : i32
        %dma_start3A_1262 = arith.constant 0 : i32
        %dma_start3A_1263 = tpu.memref_slice %arg6[%dma_start3A_1261, %dma_start3A_1262] : memref<2x512xi32, #tpu.memory_space<vmem>> -> memref<1x512xi32, #tpu.memory_space<vmem>>
        %dma_start3A_1264 = tpu.memref_squeeze %dma_start3A_1263 : memref<1x512xi32, #tpu.memory_space<vmem>> -> memref<512xi32, #tpu.memory_space<vmem>>
        %dma_start3A_1265 = tpu.memref_slice %arg2[%dma_start3A_1260, %mul3A_1259] : memref<2x3200000xi32, #tpu.memory_space<hbm>> -> memref<1x512xi32, #tpu.memory_space<hbm>>
        %dma_start3A_1266 = tpu.memref_squeeze %dma_start3A_1265 : memref<1x512xi32, #tpu.memory_space<hbm>> -> memref<512xi32, #tpu.memory_space<hbm>>
        %dma_start3A_1267 = arith.constant 0 : i32
        %dma_start3A_1268 = tpu.memref_slice %arg6[%dma_start3A_1261, %dma_start3A_1267] : memref<2x512xi32, #tpu.memory_space<vmem>> -> memref<1x512xi32, #tpu.memory_space<vmem>>
        %dma_start3A_1269 = tpu.memref_squeeze %dma_start3A_1268 : memref<1x512xi32, #tpu.memory_space<vmem>> -> memref<512xi32, #tpu.memory_space<vmem>>
        %dma_start3A_1270 = tpu.memref_slice %arg2[%dma_start3A_1260, %mul3A_1259] : memref<2x3200000xi32, #tpu.memory_space<hbm>> -> memref<1x512xi32, #tpu.memory_space<hbm>>
        %dma_start3A_1271 = tpu.memref_squeeze %dma_start3A_1270 : memref<1x512xi32, #tpu.memory_space<hbm>> -> memref<512xi32, #tpu.memory_space<hbm>>
        tpu.enqueue_dma source(%dma_start3A_1271 : memref<512xi32, #tpu.memory_space<hbm>>) target(%dma_start3A_1269 : memref<512xi32, #tpu.memory_space<vmem>>) target_semaphore(%arg10 : memref<!tpu.dma_semaphore, #tpu.memory_space<semaphore_mem>>)
      } else {
      }
      %mul3A_129 = arith.constant 4 : i32
      %mul3A_130 = arith.muli %add3A_122, %mul3A_129 : i32
      %add3A_131 = arith.addi %mul3A_53, %mul3A_130 : i32
      %mul3A_132 = arith.constant 128 : i32
      %mul3A_133 = arith.muli %add3A_131, %mul3A_132 : i32
      %dma_wait3A = arith.constant 0 : i32
      %dma_wait3A_134 = arith.constant 0 : i32
      %dma_wait3A_135 = arith.constant 0 : i32
      %dma_wait3A_136 = tpu.memref_slice %arg7[%dma_wait3A, %dma_wait3A_134, %dma_wait3A_135] : memref<2x512x16xf32, #tpu.memory_space<vmem>> -> memref<1x512x16xf32, #tpu.memory_space<vmem>>
      %dma_wait3A_137 = tpu.memref_squeeze %dma_wait3A_136 : memref<1x512x16xf32, #tpu.memory_space<vmem>> -> memref<512x16xf32, #tpu.memory_space<vmem>>
      %dma_wait3A_138 = arith.constant 0 : i32
      %dma_wait3A_139 = tpu.memref_slice %arg3[%mul3A_133, %dma_wait3A_138] : memref<3200000x16xf32, #tpu.memory_space<hbm>> -> memref<512x16xf32, #tpu.memory_space<hbm>>
      %dma_wait3A_140 = arith.constant 0 : i32
      %dma_wait3A_141 = arith.constant 0 : i32
      %dma_wait3A_142 = tpu.memref_slice %arg7[%dma_wait3A, %dma_wait3A_140, %dma_wait3A_141] : memref<2x512x16xf32, #tpu.memory_space<vmem>> -> memref<1x512x16xf32, #tpu.memory_space<vmem>>
      %dma_wait3A_143 = tpu.memref_squeeze %dma_wait3A_142 : memref<1x512x16xf32, #tpu.memory_space<vmem>> -> memref<512x16xf32, #tpu.memory_space<vmem>>
      %dma_wait3A_144 = arith.constant 0 : i32
      %dma_wait3A_145 = tpu.memref_slice %arg3[%mul3A_133, %dma_wait3A_144] : memref<3200000x16xf32, #tpu.memory_space<hbm>> -> memref<512x16xf32, #tpu.memory_space<hbm>>
      tpu.wait_dma2 semaphore(%arg9 : memref<!tpu.dma_semaphore, #tpu.memory_space<semaphore_mem>>) src(%dma_wait3A_145 : memref<512x16xf32, #tpu.memory_space<hbm>>) dst(%dma_wait3A_143 : memref<512x16xf32, #tpu.memory_space<vmem>>)
      %mul3A_146 = arith.constant 128 : i32
      %mul3A_147 = arith.muli %add3A_131, %mul3A_146 : i32
      %dma_wait3A_148 = arith.constant 1 : i32
      %dma_wait3A_149 = arith.constant 0 : i32
      %dma_wait3A_150 = arith.constant 0 : i32
      %dma_wait3A_151 = tpu.memref_slice %arg6[%dma_wait3A_149, %dma_wait3A_150] : memref<2x512xi32, #tpu.memory_space<vmem>> -> memref<1x512xi32, #tpu.memory_space<vmem>>
      %dma_wait3A_152 = tpu.memref_squeeze %dma_wait3A_151 : memref<1x512xi32, #tpu.memory_space<vmem>> -> memref<512xi32, #tpu.memory_space<vmem>>
      %dma_wait3A_153 = tpu.memref_slice %arg2[%dma_wait3A_148, %mul3A_147] : memref<2x3200000xi32, #tpu.memory_space<hbm>> -> memref<1x512xi32, #tpu.memory_space<hbm>>
      %dma_wait3A_154 = tpu.memref_squeeze %dma_wait3A_153 : memref<1x512xi32, #tpu.memory_space<hbm>> -> memref<512xi32, #tpu.memory_space<hbm>>
      %dma_wait3A_155 = arith.constant 0 : i32
      %dma_wait3A_156 = tpu.memref_slice %arg6[%dma_wait3A_149, %dma_wait3A_155] : memref<2x512xi32, #tpu.memory_space<vmem>> -> memref<1x512xi32, #tpu.memory_space<vmem>>
      %dma_wait3A_157 = tpu.memref_squeeze %dma_wait3A_156 : memref<1x512xi32, #tpu.memory_space<vmem>> -> memref<512xi32, #tpu.memory_space<vmem>>
      %dma_wait3A_158 = tpu.memref_slice %arg2[%dma_wait3A_148, %mul3A_147] : memref<2x3200000xi32, #tpu.memory_space<hbm>> -> memref<1x512xi32, #tpu.memory_space<hbm>>
      %dma_wait3A_159 = tpu.memref_squeeze %dma_wait3A_158 : memref<1x512xi32, #tpu.memory_space<hbm>> -> memref<512xi32, #tpu.memory_space<hbm>>
      tpu.wait_dma2 semaphore(%arg9 : memref<!tpu.dma_semaphore, #tpu.memory_space<semaphore_mem>>) src(%dma_wait3A_159 : memref<512xi32, #tpu.memory_space<hbm>>) dst(%dma_wait3A_157 : memref<512xi32, #tpu.memory_space<vmem>>)
      %get3A = arith.constant 0 : i32
      %get3A_160 = arith.index_cast %get3A : i32 to index
      %get3A_161 = arith.constant 0 : index
      %get3A_162 = tpu.vector_load %arg6[%get3A_160, %get3A_161] {strides = array<i32>} : memref<2x512xi32, #tpu.memory_space<vmem>>, vector<1x16xi32>,
      %get3A_163 = vector.shape_cast %get3A_162 : vector<1x16xi32> to vector<16xi32>
      %swap3A = arith.constant 0 : i32
      %swap3A_164 = arith.constant 0 : i32
      %swap3A_165 = arith.index_cast %swap3A : i32 to index
      %swap3A_166 = arith.index_cast %swap3A_164 : i32 to index
      %swap3A_167 = arith.constant 0 : index
      %swap3A_168 = tpu.vector_load %arg5[%swap3A_165, %swap3A_166, %swap3A_167] {strides = array<i32>} : memref<2x4x128xi32, #tpu.memory_space<vmem>>, vector<1x1x16xi32>,
      %swap3A_169 = vector.shape_cast %swap3A_168 : vector<1x1x16xi32> to vector<16xi32>
      %swap3A_170 = vector.shape_cast %get3A_163 : vector<16xi32> to vector<1x1x16xi32>
      tpu.vector_store %arg5[%swap3A_165, %swap3A_166, %swap3A_167], %swap3A_170 {strides = array<i32>} : memref<2x4x128xi32, #tpu.memory_space<vmem>>, vector<1x1x16xi32>,
      %get3A_171 = arith.constant 0 : i32
      %get3A_172 = arith.index_cast %get3A_171 : i32 to index
      %get3A_173 = arith.constant 16 : index
      %get3A_174 = tpu.vector_load %arg6[%get3A_172, %get3A_173] {strides = array<i32>} : memref<2x512xi32, #tpu.memory_space<vmem>>, vector<1x16xi32>,
      %get3A_175 = vector.shape_cast %get3A_174 : vector<1x16xi32> to vector<16xi32>
      %swap3A_176 = arith.constant 0 : i32
      %swap3A_177 = arith.constant 0 : i32
      %swap3A_178 = arith.index_cast %swap3A_176 : i32 to index
      %swap3A_179 = arith.index_cast %swap3A_177 : i32 to index
      %swap3A_180 = arith.constant 16 : index
      %swap3A_181 = tpu.vector_load %arg5[%swap3A_178, %swap3A_179, %swap3A_180] {strides = array<i32>} : memref<2x4x128xi32, #tpu.memory_space<vmem>>, vector<1x1x16xi32>,
      %swap3A_182 = vector.shape_cast %swap3A_181 : vector<1x1x16xi32> to vector<16xi32>
      %swap3A_183 = vector.shape_cast %get3A_175 : vector<16xi32> to vector<1x1x16xi32>
      tpu.vector_store %arg5[%swap3A_178, %swap3A_179, %swap3A_180], %swap3A_183 {strides = array<i32>} : memref<2x4x128xi32, #tpu.memory_space<vmem>>, vector<1x1x16xi32>,
      %get3A_184 = arith.constant 0 : i32
      %get3A_185 = arith.index_cast %get3A_184 : i32 to index
      %get3A_186 = arith.constant 32 : index
      %get3A_187 = tpu.vector_load %arg6[%get3A_185, %get3A_186] {strides = array<i32>} : memref<2x512xi32, #tpu.memory_space<vmem>>, vector<1x16xi32>,
      %get3A_188 = vector.shape_cast %get3A_187 : vector<1x16xi32> to vector<16xi32>
      %swap3A_189 = arith.constant 0 : i32
      %swap3A_190 = arith.constant 0 : i32
      %swap3A_191 = arith.index_cast %swap3A_189 : i32 to index
      %swap3A_192 = arith.index_cast %swap3A_190 : i32 to index
      %swap3A_193 = arith.constant 32 : index
      %swap3A_194 = tpu.vector_load %arg5[%swap3A_191, %swap3A_192, %swap3A_193] {strides = array<i32>} : memref<2x4x128xi32, #tpu.memory_space<vmem>>, vector<1x1x16xi32>,
      %swap3A_195 = vector.shape_cast %swap3A_194 : vector<1x1x16xi32> to vector<16xi32>
      %swap3A_196 = vector.shape_cast %get3A_188 : vector<16xi32> to vector<1x1x16xi32>
      tpu.vector_store %arg5[%swap3A_191, %swap3A_192, %swap3A_193], %swap3A_196 {strides = array<i32>} : memref<2x4x128xi32, #tpu.memory_space<vmem>>, vector<1x1x16xi32>,
      %get3A_197 = arith.constant 0 : i32
      %get3A_198 = arith.index_cast %get3A_197 : i32 to index
      %get3A_199 = arith.constant 48 : index
      %get3A_200 = tpu.vector_load %arg6[%get3A_198, %get3A_199] {strides = array<i32>} : memref<2x512xi32, #tpu.memory_space<vmem>>, vector<1x16xi32>,
      %get3A_201 = vector.shape_cast %get3A_200 : vector<1x16xi32> to vector<16xi32>
      %swap3A_202 = arith.constant 0 : i32
      %swap3A_203 = arith.constant 0 : i32
      %swap3A_204 = arith.index_cast %swap3A_202 : i32 to index
      %swap3A_205 = arith.index_cast %swap3A_203 : i32 to index
      %swap3A_206 = arith.constant 48 : index
      %swap3A_207 = tpu.vector_load %arg5[%swap3A_204, %swap3A_205, %swap3A_206] {strides = array<i32>} : memref<2x4x128xi32, #tpu.memory_space<vmem>>, vector<1x1x16xi32>,
      %swap3A_208 = vector.shape_cast %swap3A_207 : vector<1x1x16xi32> to vector<16xi32>
      %swap3A_209 = vector.shape_cast %get3A_201 : vector<16xi32> to vector<1x1x16xi32>
      tpu.vector_store %arg5[%swap3A_204, %swap3A_205, %swap3A_206], %swap3A_209 {strides = array<i32>} : memref<2x4x128xi32, #tpu.memory_space<vmem>>, vector<1x1x16xi32>,
      %get3A_210 = arith.constant 0 : i32
      %get3A_211 = arith.index_cast %get3A_210 : i32 to index
      %get3A_212 = arith.constant 64 : index
      %get3A_213 = tpu.vector_load %arg6[%get3A_211, %get3A_212] {strides = array<i32>} : memref<2x512xi32, #tpu.memory_space<vmem>>, vector<1x16xi32>,
      %get3A_214 = vector.shape_cast %get3A_213 : vector<1x16xi32> to vector<16xi32>
      %swap3A_215 = arith.constant 0 : i32
      %swap3A_216 = arith.constant 0 : i32
      %swap3A_217 = arith.index_cast %swap3A_215 : i32 to index
      %swap3A_218 = arith.index_cast %swap3A_216 : i32 to index
      %swap3A_219 = arith.constant 64 : index
      %swap3A_220 = tpu.vector_load %arg5[%swap3A_217, %swap3A_218, %swap3A_219] {strides = array<i32>} : memref<2x4x128xi32, #tpu.memory_space<vmem>>, vector<1x1x16xi32>,
      %swap3A_221 = vector.shape_cast %swap3A_220 : vector<1x1x16xi32> to vector<16xi32>
      %swap3A_222 = vector.shape_cast %get3A_214 : vector<16xi32> to vector<1x1x16xi32>
      tpu.vector_store %arg5[%swap3A_217, %swap3A_218, %swap3A_219], %swap3A_222 {strides = array<i32>} : memref<2x4x128xi32, #tpu.memory_space<vmem>>, vector<1x1x16xi32>,
      %get3A_223 = arith.constant 0 : i32
      %get3A_224 = arith.index_cast %get3A_223 : i32 to index
      %get3A_225 = arith.constant 80 : index
      %get3A_226 = tpu.vector_load %arg6[%get3A_224, %get3A_225] {strides = array<i32>} : memref<2x512xi32, #tpu.memory_space<vmem>>, vector<1x16xi32>,
      %get3A_227 = vector.shape_cast %get3A_226 : vector<1x16xi32> to vector<16xi32>
      %swap3A_228 = arith.constant 0 : i32
      %swap3A_229 = arith.constant 0 : i32
      %swap3A_230 = arith.index_cast %swap3A_228 : i32 to index
      %swap3A_231 = arith.index_cast %swap3A_229 : i32 to index
      %swap3A_232 = arith.constant 80 : index
      %swap3A_233 = tpu.vector_load %arg5[%swap3A_230, %swap3A_231, %swap3A_232] {strides = array<i32>} : memref<2x4x128xi32, #tpu.memory_space<vmem>>, vector<1x1x16xi32>,
      %swap3A_234 = vector.shape_cast %swap3A_233 : vector<1x1x16xi32> to vector<16xi32>
      %swap3A_235 = vector.shape_cast %get3A_227 : vector<16xi32> to vector<1x1x16xi32>
      tpu.vector_store %arg5[%swap3A_230, %swap3A_231, %swap3A_232], %swap3A_235 {strides = array<i32>} : memref<2x4x128xi32, #tpu.memory_space<vmem>>, vector<1x1x16xi32>,
      %get3A_236 = arith.constant 0 : i32
      %get3A_237 = arith.index_cast %get3A_236 : i32 to index
      %get3A_238 = arith.constant 96 : index
      %get3A_239 = tpu.vector_load %arg6[%get3A_237, %get3A_238] {strides = array<i32>} : memref<2x512xi32, #tpu.memory_space<vmem>>, vector<1x16xi32>,
      %get3A_240 = vector.shape_cast %get3A_239 : vector<1x16xi32> to vector<16xi32>
      %swap3A_241 = arith.constant 0 : i32
      %swap3A_242 = arith.constant 0 : i32
      %swap3A_243 = arith.index_cast %swap3A_241 : i32 to index
      %swap3A_244 = arith.index_cast %swap3A_242 : i32 to index
      %swap3A_245 = arith.constant 96 : index
      %swap3A_246 = tpu.vector_load %arg5[%swap3A_243, %swap3A_244, %swap3A_245] {strides = array<i32>} : memref<2x4x128xi32, #tpu.memory_space<vmem>>, vector<1x1x16xi32>,
      %swap3A_247 = vector.shape_cast %swap3A_246 : vector<1x1x16xi32> to vector<16xi32>
      %swap3A_248 = vector.shape_cast %get3A_240 : vector<16xi32> to vector<1x1x16xi32>
      tpu.vector_store %arg5[%swap3A_243, %swap3A_244, %swap3A_245], %swap3A_248 {strides = array<i32>} : memref<2x4x128xi32, #tpu.memory_space<vmem>>, vector<1x1x16xi32>,
      %get3A_249 = arith.constant 0 : i32
      %get3A_250 = arith.index_cast %get3A_249 : i32 to index
      %get3A_251 = arith.constant 112 : index
      %get3A_252 = tpu.vector_load %arg6[%get3A_250, %get3A_251] {strides = array<i32>} : memref<2x512xi32, #tpu.memory_space<vmem>>, vector<1x16xi32>,
      %get3A_253 = vector.shape_cast %get3A_252 : vector<1x16xi32> to vector<16xi32>
      %swap3A_254 = arith.constant 0 : i32
      %swap3A_255 = arith.constant 0 : i32
      %swap3A_256 = arith.index_cast %swap3A_254 : i32 to index
      %swap3A_257 = arith.index_cast %swap3A_255 : i32 to index
      %swap3A_258 = arith.constant 112 : index
      %swap3A_259 = tpu.vector_load %arg5[%swap3A_256, %swap3A_257, %swap3A_258] {strides = array<i32>} : memref<2x4x128xi32, #tpu.memory_space<vmem>>, vector<1x1x16xi32>,
      %swap3A_260 = vector.shape_cast %swap3A_259 : vector<1x1x16xi32> to vector<16xi32>
      %swap3A_261 = vector.shape_cast %get3A_253 : vector<16xi32> to vector<1x1x16xi32>
      tpu.vector_store %arg5[%swap3A_256, %swap3A_257, %swap3A_258], %swap3A_261 {strides = array<i32>} : memref<2x4x128xi32, #tpu.memory_space<vmem>>, vector<1x1x16xi32>,
      %get3A_262 = arith.constant 0 : i32
      %get3A_263 = arith.index_cast %get3A_262 : i32 to index
      %get3A_264 = arith.constant 128 : index
      %get3A_265 = tpu.vector_load %arg6[%get3A_263, %get3A_264] {strides = array<i32>} : memref<2x512xi32, #tpu.memory_space<vmem>>, vector<1x16xi32>,
      %get3A_266 = vector.shape_cast %get3A_265 : vector<1x16xi32> to vector<16xi32>
      %swap3A_267 = arith.constant 0 : i32
      %swap3A_268 = arith.constant 1 : i32
      %swap3A_269 = arith.index_cast %swap3A_267 : i32 to index
      %swap3A_270 = arith.index_cast %swap3A_268 : i32 to index
      %swap3A_271 = arith.constant 0 : index
      %swap3A_272 = tpu.vector_load %arg5[%swap3A_269, %swap3A_270, %swap3A_271] {strides = array<i32>} : memref<2x4x128xi32, #tpu.memory_space<vmem>>, vector<1x1x16xi32>,
      %swap3A_273 = vector.shape_cast %swap3A_272 : vector<1x1x16xi32> to vector<16xi32>
      %swap3A_274 = vector.shape_cast %get3A_266 : vector<16xi32> to vector<1x1x16xi32>
      tpu.vector_store %arg5[%swap3A_269, %swap3A_270, %swap3A_271], %swap3A_274 {strides = array<i32>} : memref<2x4x128xi32, #tpu.memory_space<vmem>>, vector<1x1x16xi32>,
      %get3A_275 = arith.constant 0 : i32
      %get3A_276 = arith.index_cast %get3A_275 : i32 to index
      %get3A_277 = arith.constant 144 : index
      %get3A_278 = tpu.vector_load %arg6[%get3A_276, %get3A_277] {strides = array<i32>} : memref<2x512xi32, #tpu.memory_space<vmem>>, vector<1x16xi32>,
      %get3A_279 = vector.shape_cast %get3A_278 : vector<1x16xi32> to vector<16xi32>
      %swap3A_280 = arith.constant 0 : i32
      %swap3A_281 = arith.constant 1 : i32
      %swap3A_282 = arith.index_cast %swap3A_280 : i32 to index
      %swap3A_283 = arith.index_cast %swap3A_281 : i32 to index
      %swap3A_284 = arith.constant 16 : index
      %swap3A_285 = tpu.vector_load %arg5[%swap3A_282, %swap3A_283, %swap3A_284] {strides = array<i32>} : memref<2x4x128xi32, #tpu.memory_space<vmem>>, vector<1x1x16xi32>,
      %swap3A_286 = vector.shape_cast %swap3A_285 : vector<1x1x16xi32> to vector<16xi32>
      %swap3A_287 = vector.shape_cast %get3A_279 : vector<16xi32> to vector<1x1x16xi32>
      tpu.vector_store %arg5[%swap3A_282, %swap3A_283, %swap3A_284], %swap3A_287 {strides = array<i32>} : memref<2x4x128xi32, #tpu.memory_space<vmem>>, vector<1x1x16xi32>,
      %get3A_288 = arith.constant 0 : i32
      %get3A_289 = arith.index_cast %get3A_288 : i32 to index
      %get3A_290 = arith.constant 160 : index
      %get3A_291 = tpu.vector_load %arg6[%get3A_289, %get3A_290] {strides = array<i32>} : memref<2x512xi32, #tpu.memory_space<vmem>>, vector<1x16xi32>,
      %get3A_292 = vector.shape_cast %get3A_291 : vector<1x16xi32> to vector<16xi32>
      %swap3A_293 = arith.constant 0 : i32
      %swap3A_294 = arith.constant 1 : i32
      %swap3A_295 = arith.index_cast %swap3A_293 : i32 to index
      %swap3A_296 = arith.index_cast %swap3A_294 : i32 to index
      %swap3A_297 = arith.constant 32 : index
      %swap3A_298 = tpu.vector_load %arg5[%swap3A_295, %swap3A_296, %swap3A_297] {strides = array<i32>} : memref<2x4x128xi32, #tpu.memory_space<vmem>>, vector<1x1x16xi32>,
      %swap3A_299 = vector.shape_cast %swap3A_298 : vector<1x1x16xi32> to vector<16xi32>
      %swap3A_300 = vector.shape_cast %get3A_292 : vector<16xi32> to vector<1x1x16xi32>
      tpu.vector_store %arg5[%swap3A_295, %swap3A_296, %swap3A_297], %swap3A_300 {strides = array<i32>} : memref<2x4x128xi32, #tpu.memory_space<vmem>>, vector<1x1x16xi32>,
      %get3A_301 = arith.constant 0 : i32
      %get3A_302 = arith.index_cast %get3A_301 : i32 to index
      %get3A_303 = arith.constant 176 : index
      %get3A_304 = tpu.vector_load %arg6[%get3A_302, %get3A_303] {strides = array<i32>} : memref<2x512xi32, #tpu.memory_space<vmem>>, vector<1x16xi32>,
      %get3A_305 = vector.shape_cast %get3A_304 : vector<1x16xi32> to vector<16xi32>
      %swap3A_306 = arith.constant 0 : i32
      %swap3A_307 = arith.constant 1 : i32
      %swap3A_308 = arith.index_cast %swap3A_306 : i32 to index
      %swap3A_309 = arith.index_cast %swap3A_307 : i32 to index
      %swap3A_310 = arith.constant 48 : index
      %swap3A_311 = tpu.vector_load %arg5[%swap3A_308, %swap3A_309, %swap3A_310] {strides = array<i32>} : memref<2x4x128xi32, #tpu.memory_space<vmem>>, vector<1x1x16xi32>,
      %swap3A_312 = vector.shape_cast %swap3A_311 : vector<1x1x16xi32> to vector<16xi32>
      %swap3A_313 = vector.shape_cast %get3A_305 : vector<16xi32> to vector<1x1x16xi32>
      tpu.vector_store %arg5[%swap3A_308, %swap3A_309, %swap3A_310], %swap3A_313 {strides = array<i32>} : memref<2x4x128xi32, #tpu.memory_space<vmem>>, vector<1x1x16xi32>,
      %get3A_314 = arith.constant 0 : i32
      %get3A_315 = arith.index_cast %get3A_314 : i32 to index
      %get3A_316 = arith.constant 192 : index
      %get3A_317 = tpu.vector_load %arg6[%get3A_315, %get3A_316] {strides = array<i32>} : memref<2x512xi32, #tpu.memory_space<vmem>>, vector<1x16xi32>,
      %get3A_318 = vector.shape_cast %get3A_317 : vector<1x16xi32> to vector<16xi32>
      %swap3A_319 = arith.constant 0 : i32
      %swap3A_320 = arith.constant 1 : i32
      %swap3A_321 = arith.index_cast %swap3A_319 : i32 to index
      %swap3A_322 = arith.index_cast %swap3A_320 : i32 to index
      %swap3A_323 = arith.constant 64 : index
      %swap3A_324 = tpu.vector_load %arg5[%swap3A_321, %swap3A_322, %swap3A_323] {strides = array<i32>} : memref<2x4x128xi32, #tpu.memory_space<vmem>>, vector<1x1x16xi32>,
      %swap3A_325 = vector.shape_cast %swap3A_324 : vector<1x1x16xi32> to vector<16xi32>
      %swap3A_326 = vector.shape_cast %get3A_318 : vector<16xi32> to vector<1x1x16xi32>
      tpu.vector_store %arg5[%swap3A_321, %swap3A_322, %swap3A_323], %swap3A_326 {strides = array<i32>} : memref<2x4x128xi32, #tpu.memory_space<vmem>>, vector<1x1x16xi32>,
      %get3A_327 = arith.constant 0 : i32
      %get3A_328 = arith.index_cast %get3A_327 : i32 to index
      %get3A_329 = arith.constant 208 : index
      %get3A_330 = tpu.vector_load %arg6[%get3A_328, %get3A_329] {strides = array<i32>} : memref<2x512xi32, #tpu.memory_space<vmem>>, vector<1x16xi32>,
      %get3A_331 = vector.shape_cast %get3A_330 : vector<1x16xi32> to vector<16xi32>
      %swap3A_332 = arith.constant 0 : i32
      %swap3A_333 = arith.constant 1 : i32
      %swap3A_334 = arith.index_cast %swap3A_332 : i32 to index
      %swap3A_335 = arith.index_cast %swap3A_333 : i32 to index
      %swap3A_336 = arith.constant 80 : index
      %swap3A_337 = tpu.vector_load %arg5[%swap3A_334, %swap3A_335, %swap3A_336] {strides = array<i32>} : memref<2x4x128xi32, #tpu.memory_space<vmem>>, vector<1x1x16xi32>,
      %swap3A_338 = vector.shape_cast %swap3A_337 : vector<1x1x16xi32> to vector<16xi32>
      %swap3A_339 = vector.shape_cast %get3A_331 : vector<16xi32> to vector<1x1x16xi32>
      tpu.vector_store %arg5[%swap3A_334, %swap3A_335, %swap3A_336], %swap3A_339 {strides = array<i32>} : memref<2x4x128xi32, #tpu.memory_space<vmem>>, vector<1x1x16xi32>,
      %get3A_340 = arith.constant 0 : i32
      %get3A_341 = arith.index_cast %get3A_340 : i32 to index
      %get3A_342 = arith.constant 224 : index
      %get3A_343 = tpu.vector_load %arg6[%get3A_341, %get3A_342] {strides = array<i32>} : memref<2x512xi32, #tpu.memory_space<vmem>>, vector<1x16xi32>,
      %get3A_344 = vector.shape_cast %get3A_343 : vector<1x16xi32> to vector<16xi32>
      %swap3A_345 = arith.constant 0 : i32
      %swap3A_346 = arith.constant 1 : i32
      %swap3A_347 = arith.index_cast %swap3A_345 : i32 to index
      %swap3A_348 = arith.index_cast %swap3A_346 : i32 to index
      %swap3A_349 = arith.constant 96 : index
      %swap3A_350 = tpu.vector_load %arg5[%swap3A_347, %swap3A_348, %swap3A_349] {strides = array<i32>} : memref<2x4x128xi32, #tpu.memory_space<vmem>>, vector<1x1x16xi32>,
      %swap3A_351 = vector.shape_cast %swap3A_350 : vector<1x1x16xi32> to vector<16xi32>
      %swap3A_352 = vector.shape_cast %get3A_344 : vector<16xi32> to vector<1x1x16xi32>
      tpu.vector_store %arg5[%swap3A_347, %swap3A_348, %swap3A_349], %swap3A_352 {strides = array<i32>} : memref<2x4x128xi32, #tpu.memory_space<vmem>>, vector<1x1x16xi32>,
      %get3A_353 = arith.constant 0 : i32
      %get3A_354 = arith.index_cast %get3A_353 : i32 to index
      %get3A_355 = arith.constant 240 : index
      %get3A_356 = tpu.vector_load %arg6[%get3A_354, %get3A_355] {strides = array<i32>} : memref<2x512xi32, #tpu.memory_space<vmem>>, vector<1x16xi32>,
      %get3A_357 = vector.shape_cast %get3A_356 : vector<1x16xi32> to vector<16xi32>
      %swap3A_358 = arith.constant 0 : i32
      %swap3A_359 = arith.constant 1 : i32
      %swap3A_360 = arith.index_cast %swap3A_358 : i32 to index
      %swap3A_361 = arith.index_cast %swap3A_359 : i32 to index
      %swap3A_362 = arith.constant 112 : index
      %swap3A_363 = tpu.vector_load %arg5[%swap3A_360, %swap3A_361, %swap3A_362] {strides = array<i32>} : memref<2x4x128xi32, #tpu.memory_space<vmem>>, vector<1x1x16xi32>,
      %swap3A_364 = vector.shape_cast %swap3A_363 : vector<1x1x16xi32> to vector<16xi32>
      %swap3A_365 = vector.shape_cast %get3A_357 : vector<16xi32> to vector<1x1x16xi32>
      tpu.vector_store %arg5[%swap3A_360, %swap3A_361, %swap3A_362], %swap3A_365 {strides = array<i32>} : memref<2x4x128xi32, #tpu.memory_space<vmem>>, vector<1x1x16xi32>,
      %get3A_366 = arith.constant 0 : i32
      %get3A_367 = arith.index_cast %get3A_366 : i32 to index
      %get3A_368 = arith.constant 256 : index
      %get3A_369 = tpu.vector_load %arg6[%get3A_367, %get3A_368] {strides = array<i32>} : memref<2x512xi32, #tpu.memory_space<vmem>>, vector<1x16xi32>,
      %get3A_370 = vector.shape_cast %get3A_369 : vector<1x16xi32> to vector<16xi32>
      %swap3A_371 = arith.constant 0 : i32
      %swap3A_372 = arith.constant 2 : i32
      %swap3A_373 = arith.index_cast %swap3A_371 : i32 to index
      %swap3A_374 = arith.index_cast %swap3A_372 : i32 to index
      %swap3A_375 = arith.constant 0 : index
      %swap3A_376 = tpu.vector_load %arg5[%swap3A_373, %swap3A_374, %swap3A_375] {strides = array<i32>} : memref<2x4x128xi32, #tpu.memory_space<vmem>>, vector<1x1x16xi32>,
      %swap3A_377 = vector.shape_cast %swap3A_376 : vector<1x1x16xi32> to vector<16xi32>
      %swap3A_378 = vector.shape_cast %get3A_370 : vector<16xi32> to vector<1x1x16xi32>
      tpu.vector_store %arg5[%swap3A_373, %swap3A_374, %swap3A_375], %swap3A_378 {strides = array<i32>} : memref<2x4x128xi32, #tpu.memory_space<vmem>>, vector<1x1x16xi32>,
      %get3A_379 = arith.constant 0 : i32
      %get3A_380 = arith.index_cast %get3A_379 : i32 to index
      %get3A_381 = arith.constant 272 : index
      %get3A_382 = tpu.vector_load %arg6[%get3A_380, %get3A_381] {strides = array<i32>} : memref<2x512xi32, #tpu.memory_space<vmem>>, vector<1x16xi32>,
      %get3A_383 = vector.shape_cast %get3A_382 : vector<1x16xi32> to vector<16xi32>
      %swap3A_384 = arith.constant 0 : i32
      %swap3A_385 = arith.constant 2 : i32
      %swap3A_386 = arith.index_cast %swap3A_384 : i32 to index
      %swap3A_387 = arith.index_cast %swap3A_385 : i32 to index
      %swap3A_388 = arith.constant 16 : index
      %swap3A_389 = tpu.vector_load %arg5[%swap3A_386, %swap3A_387, %swap3A_388] {strides = array<i32>} : memref<2x4x128xi32, #tpu.memory_space<vmem>>, vector<1x1x16xi32>,
      %swap3A_390 = vector.shape_cast %swap3A_389 : vector<1x1x16xi32> to vector<16xi32>
      %swap3A_391 = vector.shape_cast %get3A_383 : vector<16xi32> to vector<1x1x16xi32>
      tpu.vector_store %arg5[%swap3A_386, %swap3A_387, %swap3A_388], %swap3A_391 {strides = array<i32>} : memref<2x4x128xi32, #tpu.memory_space<vmem>>, vector<1x1x16xi32>,
      %get3A_392 = arith.constant 0 : i32
      %get3A_393 = arith.index_cast %get3A_392 : i32 to index
      %get3A_394 = arith.constant 288 : index
      %get3A_395 = tpu.vector_load %arg6[%get3A_393, %get3A_394] {strides = array<i32>} : memref<2x512xi32, #tpu.memory_space<vmem>>, vector<1x16xi32>,
      %get3A_396 = vector.shape_cast %get3A_395 : vector<1x16xi32> to vector<16xi32>
      %swap3A_397 = arith.constant 0 : i32
      %swap3A_398 = arith.constant 2 : i32
      %swap3A_399 = arith.index_cast %swap3A_397 : i32 to index
      %swap3A_400 = arith.index_cast %swap3A_398 : i32 to index
      %swap3A_401 = arith.constant 32 : index
      %swap3A_402 = tpu.vector_load %arg5[%swap3A_399, %swap3A_400, %swap3A_401] {strides = array<i32>} : memref<2x4x128xi32, #tpu.memory_space<vmem>>, vector<1x1x16xi32>,
      %swap3A_403 = vector.shape_cast %swap3A_402 : vector<1x1x16xi32> to vector<16xi32>
      %swap3A_404 = vector.shape_cast %get3A_396 : vector<16xi32> to vector<1x1x16xi32>
      tpu.vector_store %arg5[%swap3A_399, %swap3A_400, %swap3A_401], %swap3A_404 {strides = array<i32>} : memref<2x4x128xi32, #tpu.memory_space<vmem>>, vector<1x1x16xi32>,
      %get3A_405 = arith.constant 0 : i32
      %get3A_406 = arith.index_cast %get3A_405 : i32 to index
      %get3A_407 = arith.constant 304 : index
      %get3A_408 = tpu.vector_load %arg6[%get3A_406, %get3A_407] {strides = array<i32>} : memref<2x512xi32, #tpu.memory_space<vmem>>, vector<1x16xi32>,
      %get3A_409 = vector.shape_cast %get3A_408 : vector<1x16xi32> to vector<16xi32>
      %swap3A_410 = arith.constant 0 : i32
      %swap3A_411 = arith.constant 2 : i32
      %swap3A_412 = arith.index_cast %swap3A_410 : i32 to index
      %swap3A_413 = arith.index_cast %swap3A_411 : i32 to index
      %swap3A_414 = arith.constant 48 : index
      %swap3A_415 = tpu.vector_load %arg5[%swap3A_412, %swap3A_413, %swap3A_414] {strides = array<i32>} : memref<2x4x128xi32, #tpu.memory_space<vmem>>, vector<1x1x16xi32>,
      %swap3A_416 = vector.shape_cast %swap3A_415 : vector<1x1x16xi32> to vector<16xi32>
      %swap3A_417 = vector.shape_cast %get3A_409 : vector<16xi32> to vector<1x1x16xi32>
      tpu.vector_store %arg5[%swap3A_412, %swap3A_413, %swap3A_414], %swap3A_417 {strides = array<i32>} : memref<2x4x128xi32, #tpu.memory_space<vmem>>, vector<1x1x16xi32>,
      %get3A_418 = arith.constant 0 : i32
      %get3A_419 = arith.index_cast %get3A_418 : i32 to index
      %get3A_420 = arith.constant 320 : index
      %get3A_421 = tpu.vector_load %arg6[%get3A_419, %get3A_420] {strides = array<i32>} : memref<2x512xi32, #tpu.memory_space<vmem>>, vector<1x16xi32>,
      %get3A_422 = vector.shape_cast %get3A_421 : vector<1x16xi32> to vector<16xi32>
      %swap3A_423 = arith.constant 0 : i32
      %swap3A_424 = arith.constant 2 : i32
      %swap3A_425 = arith.index_cast %swap3A_423 : i32 to index
      %swap3A_426 = arith.index_cast %swap3A_424 : i32 to index
      %swap3A_427 = arith.constant 64 : index
      %swap3A_428 = tpu.vector_load %arg5[%swap3A_425, %swap3A_426, %swap3A_427] {strides = array<i32>} : memref<2x4x128xi32, #tpu.memory_space<vmem>>, vector<1x1x16xi32>,
      %swap3A_429 = vector.shape_cast %swap3A_428 : vector<1x1x16xi32> to vector<16xi32>
      %swap3A_430 = vector.shape_cast %get3A_422 : vector<16xi32> to vector<1x1x16xi32>
      tpu.vector_store %arg5[%swap3A_425, %swap3A_426, %swap3A_427], %swap3A_430 {strides = array<i32>} : memref<2x4x128xi32, #tpu.memory_space<vmem>>, vector<1x1x16xi32>,
      %get3A_431 = arith.constant 0 : i32
      %get3A_432 = arith.index_cast %get3A_431 : i32 to index
      %get3A_433 = arith.constant 336 : index
      %get3A_434 = tpu.vector_load %arg6[%get3A_432, %get3A_433] {strides = array<i32>} : memref<2x512xi32, #tpu.memory_space<vmem>>, vector<1x16xi32>,
      %get3A_435 = vector.shape_cast %get3A_434 : vector<1x16xi32> to vector<16xi32>
      %swap3A_436 = arith.constant 0 : i32
      %swap3A_437 = arith.constant 2 : i32
      %swap3A_438 = arith.index_cast %swap3A_436 : i32 to index
      %swap3A_439 = arith.index_cast %swap3A_437 : i32 to index
      %swap3A_440 = arith.constant 80 : index
      %swap3A_441 = tpu.vector_load %arg5[%swap3A_438, %swap3A_439, %swap3A_440] {strides = array<i32>} : memref<2x4x128xi32, #tpu.memory_space<vmem>>, vector<1x1x16xi32>,
      %swap3A_442 = vector.shape_cast %swap3A_441 : vector<1x1x16xi32> to vector<16xi32>
      %swap3A_443 = vector.shape_cast %get3A_435 : vector<16xi32> to vector<1x1x16xi32>
      tpu.vector_store %arg5[%swap3A_438, %swap3A_439, %swap3A_440], %swap3A_443 {strides = array<i32>} : memref<2x4x128xi32, #tpu.memory_space<vmem>>, vector<1x1x16xi32>,
      %get3A_444 = arith.constant 0 : i32
      %get3A_445 = arith.index_cast %get3A_444 : i32 to index
      %get3A_446 = arith.constant 352 : index
      %get3A_447 = tpu.vector_load %arg6[%get3A_445, %get3A_446] {strides = array<i32>} : memref<2x512xi32, #tpu.memory_space<vmem>>, vector<1x16xi32>,
      %get3A_448 = vector.shape_cast %get3A_447 : vector<1x16xi32> to vector<16xi32>
      %swap3A_449 = arith.constant 0 : i32
      %swap3A_450 = arith.constant 2 : i32
      %swap3A_451 = arith.index_cast %swap3A_449 : i32 to index
      %swap3A_452 = arith.index_cast %swap3A_450 : i32 to index
      %swap3A_453 = arith.constant 96 : index
      %swap3A_454 = tpu.vector_load %arg5[%swap3A_451, %swap3A_452, %swap3A_453] {strides = array<i32>} : memref<2x4x128xi32, #tpu.memory_space<vmem>>, vector<1x1x16xi32>,
      %swap3A_455 = vector.shape_cast %swap3A_454 : vector<1x1x16xi32> to vector<16xi32>
      %swap3A_456 = vector.shape_cast %get3A_448 : vector<16xi32> to vector<1x1x16xi32>
      tpu.vector_store %arg5[%swap3A_451, %swap3A_452, %swap3A_453], %swap3A_456 {strides = array<i32>} : memref<2x4x128xi32, #tpu.memory_space<vmem>>, vector<1x1x16xi32>,
      %get3A_457 = arith.constant 0 : i32
      %get3A_458 = arith.index_cast %get3A_457 : i32 to index
      %get3A_459 = arith.constant 368 : index
      %get3A_460 = tpu.vector_load %arg6[%get3A_458, %get3A_459] {strides = array<i32>} : memref<2x512xi32, #tpu.memory_space<vmem>>, vector<1x16xi32>,
      %get3A_461 = vector.shape_cast %get3A_460 : vector<1x16xi32> to vector<16xi32>
      %swap3A_462 = arith.constant 0 : i32
      %swap3A_463 = arith.constant 2 : i32
      %swap3A_464 = arith.index_cast %swap3A_462 : i32 to index
      %swap3A_465 = arith.index_cast %swap3A_463 : i32 to index
      %swap3A_466 = arith.constant 112 : index
      %swap3A_467 = tpu.vector_load %arg5[%swap3A_464, %swap3A_465, %swap3A_466] {strides = array<i32>} : memref<2x4x128xi32, #tpu.memory_space<vmem>>, vector<1x1x16xi32>,
      %swap3A_468 = vector.shape_cast %swap3A_467 : vector<1x1x16xi32> to vector<16xi32>
      %swap3A_469 = vector.shape_cast %get3A_461 : vector<16xi32> to vector<1x1x16xi32>
      tpu.vector_store %arg5[%swap3A_464, %swap3A_465, %swap3A_466], %swap3A_469 {strides = array<i32>} : memref<2x4x128xi32, #tpu.memory_space<vmem>>, vector<1x1x16xi32>,
      %get3A_470 = arith.constant 0 : i32
      %get3A_471 = arith.index_cast %get3A_470 : i32 to index
      %get3A_472 = arith.constant 384 : index
      %get3A_473 = tpu.vector_load %arg6[%get3A_471, %get3A_472] {strides = array<i32>} : memref<2x512xi32, #tpu.memory_space<vmem>>, vector<1x16xi32>,
      %get3A_474 = vector.shape_cast %get3A_473 : vector<1x16xi32> to vector<16xi32>
      %swap3A_475 = arith.constant 0 : i32
      %swap3A_476 = arith.constant 3 : i32
      %swap3A_477 = arith.index_cast %swap3A_475 : i32 to index
      %swap3A_478 = arith.index_cast %swap3A_476 : i32 to index
      %swap3A_479 = arith.constant 0 : index
      %swap3A_480 = tpu.vector_load %arg5[%swap3A_477, %swap3A_478, %swap3A_479] {strides = array<i32>} : memref<2x4x128xi32, #tpu.memory_space<vmem>>, vector<1x1x16xi32>,
      %swap3A_481 = vector.shape_cast %swap3A_480 : vector<1x1x16xi32> to vector<16xi32>
      %swap3A_482 = vector.shape_cast %get3A_474 : vector<16xi32> to vector<1x1x16xi32>
      tpu.vector_store %arg5[%swap3A_477, %swap3A_478, %swap3A_479], %swap3A_482 {strides = array<i32>} : memref<2x4x128xi32, #tpu.memory_space<vmem>>, vector<1x1x16xi32>,
      %get3A_483 = arith.constant 0 : i32
      %get3A_484 = arith.index_cast %get3A_483 : i32 to index
      %get3A_485 = arith.constant 400 : index
      %get3A_486 = tpu.vector_load %arg6[%get3A_484, %get3A_485] {strides = array<i32>} : memref<2x512xi32, #tpu.memory_space<vmem>>, vector<1x16xi32>,
      %get3A_487 = vector.shape_cast %get3A_486 : vector<1x16xi32> to vector<16xi32>
      %swap3A_488 = arith.constant 0 : i32
      %swap3A_489 = arith.constant 3 : i32
      %swap3A_490 = arith.index_cast %swap3A_488 : i32 to index
      %swap3A_491 = arith.index_cast %swap3A_489 : i32 to index
      %swap3A_492 = arith.constant 16 : index
      %swap3A_493 = tpu.vector_load %arg5[%swap3A_490, %swap3A_491, %swap3A_492] {strides = array<i32>} : memref<2x4x128xi32, #tpu.memory_space<vmem>>, vector<1x1x16xi32>,
      %swap3A_494 = vector.shape_cast %swap3A_493 : vector<1x1x16xi32> to vector<16xi32>
      %swap3A_495 = vector.shape_cast %get3A_487 : vector<16xi32> to vector<1x1x16xi32>
      tpu.vector_store %arg5[%swap3A_490, %swap3A_491, %swap3A_492], %swap3A_495 {strides = array<i32>} : memref<2x4x128xi32, #tpu.memory_space<vmem>>, vector<1x1x16xi32>,
      %get3A_496 = arith.constant 0 : i32
      %get3A_497 = arith.index_cast %get3A_496 : i32 to index
      %get3A_498 = arith.constant 416 : index
      %get3A_499 = tpu.vector_load %arg6[%get3A_497, %get3A_498] {strides = array<i32>} : memref<2x512xi32, #tpu.memory_space<vmem>>, vector<1x16xi32>,
      %get3A_500 = vector.shape_cast %get3A_499 : vector<1x16xi32> to vector<16xi32>
      %swap3A_501 = arith.constant 0 : i32
      %swap3A_502 = arith.constant 3 : i32
      %swap3A_503 = arith.index_cast %swap3A_501 : i32 to index
      %swap3A_504 = arith.index_cast %swap3A_502 : i32 to index
      %swap3A_505 = arith.constant 32 : index
      %swap3A_506 = tpu.vector_load %arg5[%swap3A_503, %swap3A_504, %swap3A_505] {strides = array<i32>} : memref<2x4x128xi32, #tpu.memory_space<vmem>>, vector<1x1x16xi32>,
      %swap3A_507 = vector.shape_cast %swap3A_506 : vector<1x1x16xi32> to vector<16xi32>
      %swap3A_508 = vector.shape_cast %get3A_500 : vector<16xi32> to vector<1x1x16xi32>
      tpu.vector_store %arg5[%swap3A_503, %swap3A_504, %swap3A_505], %swap3A_508 {strides = array<i32>} : memref<2x4x128xi32, #tpu.memory_space<vmem>>, vector<1x1x16xi32>,
      %get3A_509 = arith.constant 0 : i32
      %get3A_510 = arith.index_cast %get3A_509 : i32 to index
      %get3A_511 = arith.constant 432 : index
      %get3A_512 = tpu.vector_load %arg6[%get3A_510, %get3A_511] {strides = array<i32>} : memref<2x512xi32, #tpu.memory_space<vmem>>, vector<1x16xi32>,
      %get3A_513 = vector.shape_cast %get3A_512 : vector<1x16xi32> to vector<16xi32>
      %swap3A_514 = arith.constant 0 : i32
      %swap3A_515 = arith.constant 3 : i32
      %swap3A_516 = arith.index_cast %swap3A_514 : i32 to index
      %swap3A_517 = arith.index_cast %swap3A_515 : i32 to index
      %swap3A_518 = arith.constant 48 : index
      %swap3A_519 = tpu.vector_load %arg5[%swap3A_516, %swap3A_517, %swap3A_518] {strides = array<i32>} : memref<2x4x128xi32, #tpu.memory_space<vmem>>, vector<1x1x16xi32>,
      %swap3A_520 = vector.shape_cast %swap3A_519 : vector<1x1x16xi32> to vector<16xi32>
      %swap3A_521 = vector.shape_cast %get3A_513 : vector<16xi32> to vector<1x1x16xi32>
      tpu.vector_store %arg5[%swap3A_516, %swap3A_517, %swap3A_518], %swap3A_521 {strides = array<i32>} : memref<2x4x128xi32, #tpu.memory_space<vmem>>, vector<1x1x16xi32>,
      %get3A_522 = arith.constant 0 : i32
      %get3A_523 = arith.index_cast %get3A_522 : i32 to index
      %get3A_524 = arith.constant 448 : index
      %get3A_525 = tpu.vector_load %arg6[%get3A_523, %get3A_524] {strides = array<i32>} : memref<2x512xi32, #tpu.memory_space<vmem>>, vector<1x16xi32>,
      %get3A_526 = vector.shape_cast %get3A_525 : vector<1x16xi32> to vector<16xi32>
      %swap3A_527 = arith.constant 0 : i32
      %swap3A_528 = arith.constant 3 : i32
      %swap3A_529 = arith.index_cast %swap3A_527 : i32 to index
      %swap3A_530 = arith.index_cast %swap3A_528 : i32 to index
      %swap3A_531 = arith.constant 64 : index
      %swap3A_532 = tpu.vector_load %arg5[%swap3A_529, %swap3A_530, %swap3A_531] {strides = array<i32>} : memref<2x4x128xi32, #tpu.memory_space<vmem>>, vector<1x1x16xi32>,
      %swap3A_533 = vector.shape_cast %swap3A_532 : vector<1x1x16xi32> to vector<16xi32>
      %swap3A_534 = vector.shape_cast %get3A_526 : vector<16xi32> to vector<1x1x16xi32>
      tpu.vector_store %arg5[%swap3A_529, %swap3A_530, %swap3A_531], %swap3A_534 {strides = array<i32>} : memref<2x4x128xi32, #tpu.memory_space<vmem>>, vector<1x1x16xi32>,
      %get3A_535 = arith.constant 0 : i32
      %get3A_536 = arith.index_cast %get3A_535 : i32 to index
      %get3A_537 = arith.constant 464 : index
      %get3A_538 = tpu.vector_load %arg6[%get3A_536, %get3A_537] {strides = array<i32>} : memref<2x512xi32, #tpu.memory_space<vmem>>, vector<1x16xi32>,
      %get3A_539 = vector.shape_cast %get3A_538 : vector<1x16xi32> to vector<16xi32>
      %swap3A_540 = arith.constant 0 : i32
      %swap3A_541 = arith.constant 3 : i32
      %swap3A_542 = arith.index_cast %swap3A_540 : i32 to index
      %swap3A_543 = arith.index_cast %swap3A_541 : i32 to index
      %swap3A_544 = arith.constant 80 : index
      %swap3A_545 = tpu.vector_load %arg5[%swap3A_542, %swap3A_543, %swap3A_544] {strides = array<i32>} : memref<2x4x128xi32, #tpu.memory_space<vmem>>, vector<1x1x16xi32>,
      %swap3A_546 = vector.shape_cast %swap3A_545 : vector<1x1x16xi32> to vector<16xi32>
      %swap3A_547 = vector.shape_cast %get3A_539 : vector<16xi32> to vector<1x1x16xi32>
      tpu.vector_store %arg5[%swap3A_542, %swap3A_543, %swap3A_544], %swap3A_547 {strides = array<i32>} : memref<2x4x128xi32, #tpu.memory_space<vmem>>, vector<1x1x16xi32>,
      %get3A_548 = arith.constant 0 : i32
      %get3A_549 = arith.index_cast %get3A_548 : i32 to index
      %get3A_550 = arith.constant 480 : index
      %get3A_551 = tpu.vector_load %arg6[%get3A_549, %get3A_550] {strides = array<i32>} : memref<2x512xi32, #tpu.memory_space<vmem>>, vector<1x16xi32>,
      %get3A_552 = vector.shape_cast %get3A_551 : vector<1x16xi32> to vector<16xi32>
      %swap3A_553 = arith.constant 0 : i32
      %swap3A_554 = arith.constant 3 : i32
      %swap3A_555 = arith.index_cast %swap3A_553 : i32 to index
      %swap3A_556 = arith.index_cast %swap3A_554 : i32 to index
      %swap3A_557 = arith.constant 96 : index
      %swap3A_558 = tpu.vector_load %arg5[%swap3A_555, %swap3A_556, %swap3A_557] {strides = array<i32>} : memref<2x4x128xi32, #tpu.memory_space<vmem>>, vector<1x1x16xi32>,
      %swap3A_559 = vector.shape_cast %swap3A_558 : vector<1x1x16xi32> to vector<16xi32>
      %swap3A_560 = vector.shape_cast %get3A_552 : vector<16xi32> to vector<1x1x16xi32>
      tpu.vector_store %arg5[%swap3A_555, %swap3A_556, %swap3A_557], %swap3A_560 {strides = array<i32>} : memref<2x4x128xi32, #tpu.memory_space<vmem>>, vector<1x1x16xi32>,
      %get3A_561 = arith.constant 0 : i32
      %get3A_562 = arith.index_cast %get3A_561 : i32 to index
      %get3A_563 = arith.constant 496 : index
      %get3A_564 = tpu.vector_load %arg6[%get3A_562, %get3A_563] {strides = array<i32>} : memref<2x512xi32, #tpu.memory_space<vmem>>, vector<1x16xi32>,
      %get3A_565 = vector.shape_cast %get3A_564 : vector<1x16xi32> to vector<16xi32>
      %swap3A_566 = arith.constant 0 : i32
      %swap3A_567 = arith.constant 3 : i32
      %swap3A_568 = arith.index_cast %swap3A_566 : i32 to index
      %swap3A_569 = arith.index_cast %swap3A_567 : i32 to index
      %swap3A_570 = arith.constant 112 : index
      %swap3A_571 = tpu.vector_load %arg5[%swap3A_568, %swap3A_569, %swap3A_570] {strides = array<i32>} : memref<2x4x128xi32, #tpu.memory_space<vmem>>, vector<1x1x16xi32>,
      %swap3A_572 = vector.shape_cast %swap3A_571 : vector<1x1x16xi32> to vector<16xi32>
      %swap3A_573 = vector.shape_cast %get3A_565 : vector<16xi32> to vector<1x1x16xi32>
      tpu.vector_store %arg5[%swap3A_568, %swap3A_569, %swap3A_570], %swap3A_573 {strides = array<i32>} : memref<2x4x128xi32, #tpu.memory_space<vmem>>, vector<1x1x16xi32>,
      %dma_start3A_574 = arith.constant 0 : i32
      %dma_start3A_575 = arith.constant 0 : i32
      %dma_start3A_576 = arith.constant 0 : i32
      %dma_start3A_577 = arith.constant 0 : i32
      %dma_start3A_578 = arith.constant 0 : i32
      %dma_start3A_579 = tpu.memref_slice %arg7[%dma_start3A_574, %dma_start3A_577, %dma_start3A_578] : memref<2x512x16xf32, #tpu.memory_space<vmem>> -> memref<1x128x16xf32, #tpu.memory_space<vmem>>
      %dma_start3A_580 = tpu.memref_squeeze %dma_start3A_579 : memref<1x128x16xf32, #tpu.memory_space<vmem>> -> memref<128x16xf32, #tpu.memory_space<vmem>>
      %dma_start3A_581 = arith.constant 0 : i32
      %dma_start3A_582 = tpu.memref_slice %arg5[%dma_start3A_575, %dma_start3A_576, %dma_start3A_581] : memref<2x4x128xi32, #tpu.memory_space<vmem>> -> memref<1x1x128xi32, #tpu.memory_space<vmem>>
      %dma_start3A_583 = tpu.memref_squeeze %dma_start3A_582 : memref<1x1x128xi32, #tpu.memory_space<vmem>> -> memref<128xi32, #tpu.memory_space<vmem>>
      %dma_start3A_584 = arith.constant 0 : i32
      %dma_start3A_585 = arith.constant 0 : i32
      %dma_start3A_586 = tpu.memref_slice %arg8[%dma_start3A_584, %dma_start3A_585] : memref<100000x16xf32, #tpu.memory_space<vmem_shared>> -> memref<100000x16xf32, #tpu.memory_space<vmem_shared>>
      tpu.enqueue_indirect_dma source(%dma_start3A_580 : memref<128x16xf32, #tpu.memory_space<vmem>>) target(%dma_start3A_586 : memref<100000x16xf32, #tpu.memory_space<vmem_shared>>) offsets(%dma_start3A_583 : memref<128xi32, #tpu.memory_space<vmem>>) semaphore(%arg11 : memref<!tpu.dma_semaphore, #tpu.memory_space<semaphore_mem>>) {add = true}
      %dma_start3A_587 = arith.constant 0 : i32
      %dma_start3A_588 = arith.constant 0 : i32
      %dma_start3A_589 = arith.constant 1 : i32
      %dma_start3A_590 = arith.constant 128 : i32
      %dma_start3A_591 = arith.constant 0 : i32
      %dma_start3A_592 = tpu.memref_slice %arg7[%dma_start3A_587, %dma_start3A_590, %dma_start3A_591] : memref<2x512x16xf32, #tpu.memory_space<vmem>> -> memref<1x128x16xf32, #tpu.memory_space<vmem>>
      %dma_start3A_593 = tpu.memref_squeeze %dma_start3A_592 : memref<1x128x16xf32, #tpu.memory_space<vmem>> -> memref<128x16xf32, #tpu.memory_space<vmem>>
      %dma_start3A_594 = arith.constant 0 : i32
      %dma_start3A_595 = tpu.memref_slice %arg5[%dma_start3A_588, %dma_start3A_589, %dma_start3A_594] : memref<2x4x128xi32, #tpu.memory_space<vmem>> -> memref<1x1x128xi32, #tpu.memory_space<vmem>>
      %dma_start3A_596 = tpu.memref_squeeze %dma_start3A_595 : memref<1x1x128xi32, #tpu.memory_space<vmem>> -> memref<128xi32, #tpu.memory_space<vmem>>
      %dma_start3A_597 = arith.constant 0 : i32
      %dma_start3A_598 = arith.constant 0 : i32
      %dma_start3A_599 = tpu.memref_slice %arg8[%dma_start3A_597, %dma_start3A_598] : memref<100000x16xf32, #tpu.memory_space<vmem_shared>> -> memref<100000x16xf32, #tpu.memory_space<vmem_shared>>
      tpu.enqueue_indirect_dma source(%dma_start3A_593 : memref<128x16xf32, #tpu.memory_space<vmem>>) target(%dma_start3A_599 : memref<100000x16xf32, #tpu.memory_space<vmem_shared>>) offsets(%dma_start3A_596 : memref<128xi32, #tpu.memory_space<vmem>>) semaphore(%arg11 : memref<!tpu.dma_semaphore, #tpu.memory_space<semaphore_mem>>) {add = true}
      %dma_start3A_600 = arith.constant 0 : i32
      %dma_start3A_601 = arith.constant 0 : i32
      %dma_start3A_602 = arith.constant 2 : i32
      %dma_start3A_603 = arith.constant 256 : i32
      %dma_start3A_604 = arith.constant 0 : i32
      %dma_start3A_605 = tpu.memref_slice %arg7[%dma_start3A_600, %dma_start3A_603, %dma_start3A_604] : memref<2x512x16xf32, #tpu.memory_space<vmem>> -> memref<1x128x16xf32, #tpu.memory_space<vmem>>
      %dma_start3A_606 = tpu.memref_squeeze %dma_start3A_605 : memref<1x128x16xf32, #tpu.memory_space<vmem>> -> memref<128x16xf32, #tpu.memory_space<vmem>>
      %dma_start3A_607 = arith.constant 0 : i32
      %dma_start3A_608 = tpu.memref_slice %arg5[%dma_start3A_601, %dma_start3A_602, %dma_start3A_607] : memref<2x4x128xi32, #tpu.memory_space<vmem>> -> memref<1x1x128xi32, #tpu.memory_space<vmem>>
      %dma_start3A_609 = tpu.memref_squeeze %dma_start3A_608 : memref<1x1x128xi32, #tpu.memory_space<vmem>> -> memref<128xi32, #tpu.memory_space<vmem>>
      %dma_start3A_610 = arith.constant 0 : i32
      %dma_start3A_611 = arith.constant 0 : i32
      %dma_start3A_612 = tpu.memref_slice %arg8[%dma_start3A_610, %dma_start3A_611] : memref<100000x16xf32, #tpu.memory_space<vmem_shared>> -> memref<100000x16xf32, #tpu.memory_space<vmem_shared>>
      tpu.enqueue_indirect_dma source(%dma_start3A_606 : memref<128x16xf32, #tpu.memory_space<vmem>>) target(%dma_start3A_612 : memref<100000x16xf32, #tpu.memory_space<vmem_shared>>) offsets(%dma_start3A_609 : memref<128xi32, #tpu.memory_space<vmem>>) semaphore(%arg11 : memref<!tpu.dma_semaphore, #tpu.memory_space<semaphore_mem>>) {add = true}
      %dma_start3A_613 = arith.constant 0 : i32
      %dma_start3A_614 = arith.constant 0 : i32
      %dma_start3A_615 = arith.constant 3 : i32
      %dma_start3A_616 = arith.constant 384 : i32
      %dma_start3A_617 = arith.constant 0 : i32
      %dma_start3A_618 = tpu.memref_slice %arg7[%dma_start3A_613, %dma_start3A_616, %dma_start3A_617] : memref<2x512x16xf32, #tpu.memory_space<vmem>> -> memref<1x128x16xf32, #tpu.memory_space<vmem>>
      %dma_start3A_619 = tpu.memref_squeeze %dma_start3A_618 : memref<1x128x16xf32, #tpu.memory_space<vmem>> -> memref<128x16xf32, #tpu.memory_space<vmem>>
      %dma_start3A_620 = arith.constant 0 : i32
      %dma_start3A_621 = tpu.memref_slice %arg5[%dma_start3A_614, %dma_start3A_615, %dma_start3A_620] : memref<2x4x128xi32, #tpu.memory_space<vmem>> -> memref<1x1x128xi32, #tpu.memory_space<vmem>>
      %dma_start3A_622 = tpu.memref_squeeze %dma_start3A_621 : memref<1x1x128xi32, #tpu.memory_space<vmem>> -> memref<128xi32, #tpu.memory_space<vmem>>
      %dma_start3A_623 = arith.constant 0 : i32
      %dma_start3A_624 = arith.constant 0 : i32
      %dma_start3A_625 = tpu.memref_slice %arg8[%dma_start3A_623, %dma_start3A_624] : memref<100000x16xf32, #tpu.memory_space<vmem_shared>> -> memref<100000x16xf32, #tpu.memory_space<vmem_shared>>
      tpu.enqueue_indirect_dma source(%dma_start3A_619 : memref<128x16xf32, #tpu.memory_space<vmem>>) target(%dma_start3A_625 : memref<100000x16xf32, #tpu.memory_space<vmem_shared>>) offsets(%dma_start3A_622 : memref<128xi32, #tpu.memory_space<vmem>>) semaphore(%arg11 : memref<!tpu.dma_semaphore, #tpu.memory_space<semaphore_mem>>) {add = true}
      %dma_wait3A_626 = arith.constant 0 : i32
      %dma_wait3A_627 = arith.constant 0 : i32
      %dma_wait3A_628 = arith.constant 0 : i32
      %dma_wait3A_629 = arith.constant 0 : i32
      %dma_wait3A_630 = arith.constant 0 : i32
      %dma_wait3A_631 = tpu.memref_slice %arg7[%dma_wait3A_626, %dma_wait3A_629, %dma_wait3A_630] : memref<2x512x16xf32, #tpu.memory_space<vmem>> -> memref<1x128x16xf32, #tpu.memory_space<vmem>>
      %dma_wait3A_632 = tpu.memref_squeeze %dma_wait3A_631 : memref<1x128x16xf32, #tpu.memory_space<vmem>> -> memref<128x16xf32, #tpu.memory_space<vmem>>
      %dma_wait3A_633 = arith.constant 0 : i32
      %dma_wait3A_634 = tpu.memref_slice %arg5[%dma_wait3A_627, %dma_wait3A_628, %dma_wait3A_633] : memref<2x4x128xi32, #tpu.memory_space<vmem>> -> memref<1x1x128xi32, #tpu.memory_space<vmem>>
      %dma_wait3A_635 = tpu.memref_squeeze %dma_wait3A_634 : memref<1x1x128xi32, #tpu.memory_space<vmem>> -> memref<128xi32, #tpu.memory_space<vmem>>
      %dma_wait3A_636 = arith.constant 0 : i32
      %dma_wait3A_637 = arith.constant 0 : i32
      %dma_wait3A_638 = tpu.memref_slice %arg8[%dma_wait3A_636, %dma_wait3A_637] : memref<100000x16xf32, #tpu.memory_space<vmem_shared>> -> memref<100000x16xf32, #tpu.memory_space<vmem_shared>>
      tpu.wait_indirect_dma semaphore(%arg11 : memref<!tpu.dma_semaphore, #tpu.memory_space<semaphore_mem>>) src(%dma_wait3A_632 : memref<128x16xf32, #tpu.memory_space<vmem>>) dst(%dma_wait3A_638 : memref<100000x16xf32, #tpu.memory_space<vmem_shared>>)
      %dma_wait3A_639 = arith.constant 0 : i32
      %dma_wait3A_640 = arith.constant 0 : i32
      %dma_wait3A_641 = arith.constant 1 : i32
      %dma_wait3A_642 = arith.constant 128 : i32
      %dma_wait3A_643 = arith.constant 0 : i32
      %dma_wait3A_644 = tpu.memref_slice %arg7[%dma_wait3A_639, %dma_wait3A_642, %dma_wait3A_643] : memref<2x512x16xf32, #tpu.memory_space<vmem>> -> memref<1x128x16xf32, #tpu.memory_space<vmem>>
      %dma_wait3A_645 = tpu.memref_squeeze %dma_wait3A_644 : memref<1x128x16xf32, #tpu.memory_space<vmem>> -> memref<128x16xf32, #tpu.memory_space<vmem>>
      %dma_wait3A_646 = arith.constant 0 : i32
      %dma_wait3A_647 = tpu.memref_slice %arg5[%dma_wait3A_640, %dma_wait3A_641, %dma_wait3A_646] : memref<2x4x128xi32, #tpu.memory_space<vmem>> -> memref<1x1x128xi32, #tpu.memory_space<vmem>>
      %dma_wait3A_648 = tpu.memref_squeeze %dma_wait3A_647 : memref<1x1x128xi32, #tpu.memory_space<vmem>> -> memref<128xi32, #tpu.memory_space<vmem>>
      %dma_wait3A_649 = arith.constant 0 : i32
      %dma_wait3A_650 = arith.constant 0 : i32
      %dma_wait3A_651 = tpu.memref_slice %arg8[%dma_wait3A_649, %dma_wait3A_650] : memref<100000x16xf32, #tpu.memory_space<vmem_shared>> -> memref<100000x16xf32, #tpu.memory_space<vmem_shared>>
      tpu.wait_indirect_dma semaphore(%arg11 : memref<!tpu.dma_semaphore, #tpu.memory_space<semaphore_mem>>) src(%dma_wait3A_645 : memref<128x16xf32, #tpu.memory_space<vmem>>) dst(%dma_wait3A_651 : memref<100000x16xf32, #tpu.memory_space<vmem_shared>>)
      %dma_wait3A_652 = arith.constant 0 : i32
      %dma_wait3A_653 = arith.constant 0 : i32
      %dma_wait3A_654 = arith.constant 2 : i32
      %dma_wait3A_655 = arith.constant 256 : i32
      %dma_wait3A_656 = arith.constant 0 : i32
      %dma_wait3A_657 = tpu.memref_slice %arg7[%dma_wait3A_652, %dma_wait3A_655, %dma_wait3A_656] : memref<2x512x16xf32, #tpu.memory_space<vmem>> -> memref<1x128x16xf32, #tpu.memory_space<vmem>>
      %dma_wait3A_658 = tpu.memref_squeeze %dma_wait3A_657 : memref<1x128x16xf32, #tpu.memory_space<vmem>> -> memref<128x16xf32, #tpu.memory_space<vmem>>
      %dma_wait3A_659 = arith.constant 0 : i32
      %dma_wait3A_660 = tpu.memref_slice %arg5[%dma_wait3A_653, %dma_wait3A_654, %dma_wait3A_659] : memref<2x4x128xi32, #tpu.memory_space<vmem>> -> memref<1x1x128xi32, #tpu.memory_space<vmem>>
      %dma_wait3A_661 = tpu.memref_squeeze %dma_wait3A_660 : memref<1x1x128xi32, #tpu.memory_space<vmem>> -> memref<128xi32, #tpu.memory_space<vmem>>
      %dma_wait3A_662 = arith.constant 0 : i32
      %dma_wait3A_663 = arith.constant 0 : i32
      %dma_wait3A_664 = tpu.memref_slice %arg8[%dma_wait3A_662, %dma_wait3A_663] : memref<100000x16xf32, #tpu.memory_space<vmem_shared>> -> memref<100000x16xf32, #tpu.memory_space<vmem_shared>>
      tpu.wait_indirect_dma semaphore(%arg11 : memref<!tpu.dma_semaphore, #tpu.memory_space<semaphore_mem>>) src(%dma_wait3A_658 : memref<128x16xf32, #tpu.memory_space<vmem>>) dst(%dma_wait3A_664 : memref<100000x16xf32, #tpu.memory_space<vmem_shared>>)
      %dma_wait3A_665 = arith.constant 0 : i32
      %dma_wait3A_666 = arith.constant 0 : i32
      %dma_wait3A_667 = arith.constant 3 : i32
      %dma_wait3A_668 = arith.constant 384 : i32
      %dma_wait3A_669 = arith.constant 0 : i32
      %dma_wait3A_670 = tpu.memref_slice %arg7[%dma_wait3A_665, %dma_wait3A_668, %dma_wait3A_669] : memref<2x512x16xf32, #tpu.memory_space<vmem>> -> memref<1x128x16xf32, #tpu.memory_space<vmem>>
      %dma_wait3A_671 = tpu.memref_squeeze %dma_wait3A_670 : memref<1x128x16xf32, #tpu.memory_space<vmem>> -> memref<128x16xf32, #tpu.memory_space<vmem>>
      %dma_wait3A_672 = arith.constant 0 : i32
      %dma_wait3A_673 = tpu.memref_slice %arg5[%dma_wait3A_666, %dma_wait3A_667, %dma_wait3A_672] : memref<2x4x128xi32, #tpu.memory_space<vmem>> -> memref<1x1x128xi32, #tpu.memory_space<vmem>>
      %dma_wait3A_674 = tpu.memref_squeeze %dma_wait3A_673 : memref<1x1x128xi32, #tpu.memory_space<vmem>> -> memref<128xi32, #tpu.memory_space<vmem>>
      %dma_wait3A_675 = arith.constant 0 : i32
      %dma_wait3A_676 = arith.constant 0 : i32
      %dma_wait3A_677 = tpu.memref_slice %arg8[%dma_wait3A_675, %dma_wait3A_676] : memref<100000x16xf32, #tpu.memory_space<vmem_shared>> -> memref<100000x16xf32, #tpu.memory_space<vmem_shared>>
      tpu.wait_indirect_dma semaphore(%arg11 : memref<!tpu.dma_semaphore, #tpu.memory_space<semaphore_mem>>) src(%dma_wait3A_671 : memref<128x16xf32, #tpu.memory_space<vmem>>) dst(%dma_wait3A_677 : memref<100000x16xf32, #tpu.memory_space<vmem_shared>>)
      %add3A_678 = arith.constant 1 : i32
      %add3A_679 = arith.addi %add3A_120, %add3A_678 : i32
      %add3A_680 = arith.constant 1 : i32
      %add3A_681 = arith.addi %add3A_679, %add3A_680 : i32
      %lt3A_682 = arith.cmpi slt, %add3A_681, %mul3A_60 : i32
      %convert_element_type3A_683 = arith.extui %lt3A_682 : i1 to i32
      %cond3A_684 = arith.constant 0 : i32
      %cond3A_685 = arith.cmpi ne, %convert_element_type3A_683, %cond3A_684 : i32
      scf.if %cond3A_685 {
        %add3A_1238 = arith.constant 1 : i32
        %add3A_1239 = arith.addi %add3A_679, %add3A_1238 : i32
        %mul3A_1240 = arith.constant 4 : i32
        %mul3A_1241 = arith.muli %add3A_1239, %mul3A_1240 : i32
        %add3A_1242 = arith.addi %mul3A_53, %mul3A_1241 : i32
        %mul3A_1243 = arith.constant 128 : i32
        %mul3A_1244 = arith.muli %add3A_1242, %mul3A_1243 : i32
        %dma_start3A_1245 = arith.constant 0 : i32
        %dma_start3A_1246 = arith.constant 0 : i32
        %dma_start3A_1247 = arith.constant 0 : i32
        %dma_start3A_1248 = tpu.memref_slice %arg7[%dma_start3A_1245, %dma_start3A_1246, %dma_start3A_1247] : memref<2x512x16xf32, #tpu.memory_space<vmem>> -> memref<1x512x16xf32, #tpu.memory_space<vmem>>
        %dma_start3A_1249 = tpu.memref_squeeze %dma_start3A_1248 : memref<1x512x16xf32, #tpu.memory_space<vmem>> -> memref<512x16xf32, #tpu.memory_space<vmem>>
        %dma_start3A_1250 = arith.constant 0 : i32
        %dma_start3A_1251 = tpu.memref_slice %arg3[%mul3A_1244, %dma_start3A_1250] : memref<3200000x16xf32, #tpu.memory_space<hbm>> -> memref<512x16xf32, #tpu.memory_space<hbm>>
        %dma_start3A_1252 = arith.constant 0 : i32
        %dma_start3A_1253 = arith.constant 0 : i32
        %dma_start3A_1254 = tpu.memref_slice %arg7[%dma_start3A_1245, %dma_start3A_1252, %dma_start3A_1253] : memref<2x512x16xf32, #tpu.memory_space<vmem>> -> memref<1x512x16xf32, #tpu.memory_space<vmem>>
        %dma_start3A_1255 = tpu.memref_squeeze %dma_start3A_1254 : memref<1x512x16xf32, #tpu.memory_space<vmem>> -> memref<512x16xf32, #tpu.memory_space<vmem>>
        %dma_start3A_1256 = arith.constant 0 : i32
        %dma_start3A_1257 = tpu.memref_slice %arg3[%mul3A_1244, %dma_start3A_1256] : memref<3200000x16xf32, #tpu.memory_space<hbm>> -> memref<512x16xf32, #tpu.memory_space<hbm>>
        tpu.enqueue_dma source(%dma_start3A_1257 : memref<512x16xf32, #tpu.memory_space<hbm>>) target(%dma_start3A_1255 : memref<512x16xf32, #tpu.memory_space<vmem>>) target_semaphore(%arg9 : memref<!tpu.dma_semaphore, #tpu.memory_space<semaphore_mem>>)
        %mul3A_1258 = arith.constant 128 : i32
        %mul3A_1259 = arith.muli %add3A_1242, %mul3A_1258 : i32
        %dma_start3A_1260 = arith.constant 1 : i32
        %dma_start3A_1261 = arith.constant 0 : i32
        %dma_start3A_1262 = arith.constant 0 : i32
        %dma_start3A_1263 = tpu.memref_slice %arg6[%dma_start3A_1261, %dma_start3A_1262] : memref<2x512xi32, #tpu.memory_space<vmem>> -> memref<1x512xi32, #tpu.memory_space<vmem>>
        %dma_start3A_1264 = tpu.memref_squeeze %dma_start3A_1263 : memref<1x512xi32, #tpu.memory_space<vmem>> -> memref<512xi32, #tpu.memory_space<vmem>>
        %dma_start3A_1265 = tpu.memref_slice %arg2[%dma_start3A_1260, %mul3A_1259] : memref<2x3200000xi32, #tpu.memory_space<hbm>> -> memref<1x512xi32, #tpu.memory_space<hbm>>
        %dma_start3A_1266 = tpu.memref_squeeze %dma_start3A_1265 : memref<1x512xi32, #tpu.memory_space<hbm>> -> memref<512xi32, #tpu.memory_space<hbm>>
        %dma_start3A_1267 = arith.constant 0 : i32
        %dma_start3A_1268 = tpu.memref_slice %arg6[%dma_start3A_1261, %dma_start3A_1267] : memref<2x512xi32, #tpu.memory_space<vmem>> -> memref<1x512xi32, #tpu.memory_space<vmem>>
        %dma_start3A_1269 = tpu.memref_squeeze %dma_start3A_1268 : memref<1x512xi32, #tpu.memory_space<vmem>> -> memref<512xi32, #tpu.memory_space<vmem>>
        %dma_start3A_1270 = tpu.memref_slice %arg2[%dma_start3A_1260, %mul3A_1259] : memref<2x3200000xi32, #tpu.memory_space<hbm>> -> memref<1x512xi32, #tpu.memory_space<hbm>>
        %dma_start3A_1271 = tpu.memref_squeeze %dma_start3A_1270 : memref<1x512xi32, #tpu.memory_space<hbm>> -> memref<512xi32, #tpu.memory_space<hbm>>
        tpu.enqueue_dma source(%dma_start3A_1271 : memref<512xi32, #tpu.memory_space<hbm>>) target(%dma_start3A_1269 : memref<512xi32, #tpu.memory_space<vmem>>) target_semaphore(%arg9 : memref<!tpu.dma_semaphore, #tpu.memory_space<semaphore_mem>>)
      } else {
      }
      %mul3A_686 = arith.constant 4 : i32
      %mul3A_687 = arith.muli %add3A_679, %mul3A_686 : i32
      %add3A_688 = arith.addi %mul3A_53, %mul3A_687 : i32
      %mul3A_689 = arith.constant 128 : i32
      %mul3A_690 = arith.muli %add3A_688, %mul3A_689 : i32
      %dma_wait3A_691 = arith.constant 1 : i32
      %dma_wait3A_692 = arith.constant 0 : i32
      %dma_wait3A_693 = arith.constant 0 : i32
      %dma_wait3A_694 = tpu.memref_slice %arg7[%dma_wait3A_691, %dma_wait3A_692, %dma_wait3A_693] : memref<2x512x16xf32, #tpu.memory_space<vmem>> -> memref<1x512x16xf32, #tpu.memory_space<vmem>>
      %dma_wait3A_695 = tpu.memref_squeeze %dma_wait3A_694 : memref<1x512x16xf32, #tpu.memory_space<vmem>> -> memref<512x16xf32, #tpu.memory_space<vmem>>
      %dma_wait3A_696 = arith.constant 0 : i32
      %dma_wait3A_697 = tpu.memref_slice %arg3[%mul3A_690, %dma_wait3A_696] : memref<3200000x16xf32, #tpu.memory_space<hbm>> -> memref<512x16xf32, #tpu.memory_space<hbm>>
      %dma_wait3A_698 = arith.constant 0 : i32
      %dma_wait3A_699 = arith.constant 0 : i32
      %dma_wait3A_700 = tpu.memref_slice %arg7[%dma_wait3A_691, %dma_wait3A_698, %dma_wait3A_699] : memref<2x512x16xf32, #tpu.memory_space<vmem>> -> memref<1x512x16xf32, #tpu.memory_space<vmem>>
      %dma_wait3A_701 = tpu.memref_squeeze %dma_wait3A_700 : memref<1x512x16xf32, #tpu.memory_space<vmem>> -> memref<512x16xf32, #tpu.memory_space<vmem>>
      %dma_wait3A_702 = arith.constant 0 : i32
      %dma_wait3A_703 = tpu.memref_slice %arg3[%mul3A_690, %dma_wait3A_702] : memref<3200000x16xf32, #tpu.memory_space<hbm>> -> memref<512x16xf32, #tpu.memory_space<hbm>>
      tpu.wait_dma2 semaphore(%arg10 : memref<!tpu.dma_semaphore, #tpu.memory_space<semaphore_mem>>) src(%dma_wait3A_703 : memref<512x16xf32, #tpu.memory_space<hbm>>) dst(%dma_wait3A_701 : memref<512x16xf32, #tpu.memory_space<vmem>>)
      %mul3A_704 = arith.constant 128 : i32
      %mul3A_705 = arith.muli %add3A_688, %mul3A_704 : i32
      %dma_wait3A_706 = arith.constant 1 : i32
      %dma_wait3A_707 = arith.constant 1 : i32
      %dma_wait3A_708 = arith.constant 0 : i32
      %dma_wait3A_709 = tpu.memref_slice %arg6[%dma_wait3A_707, %dma_wait3A_708] : memref<2x512xi32, #tpu.memory_space<vmem>> -> memref<1x512xi32, #tpu.memory_space<vmem>>
      %dma_wait3A_710 = tpu.memref_squeeze %dma_wait3A_709 : memref<1x512xi32, #tpu.memory_space<vmem>> -> memref<512xi32, #tpu.memory_space<vmem>>
      %dma_wait3A_711 = tpu.memref_slice %arg2[%dma_wait3A_706, %mul3A_705] : memref<2x3200000xi32, #tpu.memory_space<hbm>> -> memref<1x512xi32, #tpu.memory_space<hbm>>
      %dma_wait3A_712 = tpu.memref_squeeze %dma_wait3A_711 : memref<1x512xi32, #tpu.memory_space<hbm>> -> memref<512xi32, #tpu.memory_space<hbm>>
      %dma_wait3A_713 = arith.constant 0 : i32
      %dma_wait3A_714 = tpu.memref_slice %arg6[%dma_wait3A_707, %dma_wait3A_713] : memref<2x512xi32, #tpu.memory_space<vmem>> -> memref<1x512xi32, #tpu.memory_space<vmem>>
      %dma_wait3A_715 = tpu.memref_squeeze %dma_wait3A_714 : memref<1x512xi32, #tpu.memory_space<vmem>> -> memref<512xi32, #tpu.memory_space<vmem>>
      %dma_wait3A_716 = tpu.memref_slice %arg2[%dma_wait3A_706, %mul3A_705] : memref<2x3200000xi32, #tpu.memory_space<hbm>> -> memref<1x512xi32, #tpu.memory_space<hbm>>
      %dma_wait3A_717 = tpu.memref_squeeze %dma_wait3A_716 : memref<1x512xi32, #tpu.memory_space<hbm>> -> memref<512xi32, #tpu.memory_space<hbm>>
      tpu.wait_dma2 semaphore(%arg10 : memref<!tpu.dma_semaphore, #tpu.memory_space<semaphore_mem>>) src(%dma_wait3A_717 : memref<512xi32, #tpu.memory_space<hbm>>) dst(%dma_wait3A_715 : memref<512xi32, #tpu.memory_space<vmem>>)
      %get3A_718 = arith.constant 1 : i32
      %get3A_719 = arith.index_cast %get3A_718 : i32 to index
      %get3A_720 = arith.constant 0 : index
      %get3A_721 = tpu.vector_load %arg6[%get3A_719, %get3A_720] {strides = array<i32>} : memref<2x512xi32, #tpu.memory_space<vmem>>, vector<1x16xi32>,
      %get3A_722 = vector.shape_cast %get3A_721 : vector<1x16xi32> to vector<16xi32>
      %swap3A_723 = arith.constant 1 : i32
      %swap3A_724 = arith.constant 0 : i32
      %swap3A_725 = arith.index_cast %swap3A_723 : i32 to index
      %swap3A_726 = arith.index_cast %swap3A_724 : i32 to index
      %swap3A_727 = arith.constant 0 : index
      %swap3A_728 = tpu.vector_load %arg5[%swap3A_725, %swap3A_726, %swap3A_727] {strides = array<i32>} : memref<2x4x128xi32, #tpu.memory_space<vmem>>, vector<1x1x16xi32>,
      %swap3A_729 = vector.shape_cast %swap3A_728 : vector<1x1x16xi32> to vector<16xi32>
      %swap3A_730 = vector.shape_cast %get3A_722 : vector<16xi32> to vector<1x1x16xi32>
      tpu.vector_store %arg5[%swap3A_725, %swap3A_726, %swap3A_727], %swap3A_730 {strides = array<i32>} : memref<2x4x128xi32, #tpu.memory_space<vmem>>, vector<1x1x16xi32>,
      %get3A_731 = arith.constant 1 : i32
      %get3A_732 = arith.index_cast %get3A_731 : i32 to index
      %get3A_733 = arith.constant 16 : index
      %get3A_734 = tpu.vector_load %arg6[%get3A_732, %get3A_733] {strides = array<i32>} : memref<2x512xi32, #tpu.memory_space<vmem>>, vector<1x16xi32>,
      %get3A_735 = vector.shape_cast %get3A_734 : vector<1x16xi32> to vector<16xi32>
      %swap3A_736 = arith.constant 1 : i32
      %swap3A_737 = arith.constant 0 : i32
      %swap3A_738 = arith.index_cast %swap3A_736 : i32 to index
      %swap3A_739 = arith.index_cast %swap3A_737 : i32 to index
      %swap3A_740 = arith.constant 16 : index
      %swap3A_741 = tpu.vector_load %arg5[%swap3A_738, %swap3A_739, %swap3A_740] {strides = array<i32>} : memref<2x4x128xi32, #tpu.memory_space<vmem>>, vector<1x1x16xi32>,
      %swap3A_742 = vector.shape_cast %swap3A_741 : vector<1x1x16xi32> to vector<16xi32>
      %swap3A_743 = vector.shape_cast %get3A_735 : vector<16xi32> to vector<1x1x16xi32>
      tpu.vector_store %arg5[%swap3A_738, %swap3A_739, %swap3A_740], %swap3A_743 {strides = array<i32>} : memref<2x4x128xi32, #tpu.memory_space<vmem>>, vector<1x1x16xi32>,
      %get3A_744 = arith.constant 1 : i32
      %get3A_745 = arith.index_cast %get3A_744 : i32 to index
      %get3A_746 = arith.constant 32 : index
      %get3A_747 = tpu.vector_load %arg6[%get3A_745, %get3A_746] {strides = array<i32>} : memref<2x512xi32, #tpu.memory_space<vmem>>, vector<1x16xi32>,
      %get3A_748 = vector.shape_cast %get3A_747 : vector<1x16xi32> to vector<16xi32>
      %swap3A_749 = arith.constant 1 : i32
      %swap3A_750 = arith.constant 0 : i32
      %swap3A_751 = arith.index_cast %swap3A_749 : i32 to index
      %swap3A_752 = arith.index_cast %swap3A_750 : i32 to index
      %swap3A_753 = arith.constant 32 : index
      %swap3A_754 = tpu.vector_load %arg5[%swap3A_751, %swap3A_752, %swap3A_753] {strides = array<i32>} : memref<2x4x128xi32, #tpu.memory_space<vmem>>, vector<1x1x16xi32>,
      %swap3A_755 = vector.shape_cast %swap3A_754 : vector<1x1x16xi32> to vector<16xi32>
      %swap3A_756 = vector.shape_cast %get3A_748 : vector<16xi32> to vector<1x1x16xi32>
      tpu.vector_store %arg5[%swap3A_751, %swap3A_752, %swap3A_753], %swap3A_756 {strides = array<i32>} : memref<2x4x128xi32, #tpu.memory_space<vmem>>, vector<1x1x16xi32>,
      %get3A_757 = arith.constant 1 : i32
      %get3A_758 = arith.index_cast %get3A_757 : i32 to index
      %get3A_759 = arith.constant 48 : index
      %get3A_760 = tpu.vector_load %arg6[%get3A_758, %get3A_759] {strides = array<i32>} : memref<2x512xi32, #tpu.memory_space<vmem>>, vector<1x16xi32>,
      %get3A_761 = vector.shape_cast %get3A_760 : vector<1x16xi32> to vector<16xi32>
      %swap3A_762 = arith.constant 1 : i32
      %swap3A_763 = arith.constant 0 : i32
      %swap3A_764 = arith.index_cast %swap3A_762 : i32 to index
      %swap3A_765 = arith.index_cast %swap3A_763 : i32 to index
      %swap3A_766 = arith.constant 48 : index
      %swap3A_767 = tpu.vector_load %arg5[%swap3A_764, %swap3A_765, %swap3A_766] {strides = array<i32>} : memref<2x4x128xi32, #tpu.memory_space<vmem>>, vector<1x1x16xi32>,
      %swap3A_768 = vector.shape_cast %swap3A_767 : vector<1x1x16xi32> to vector<16xi32>
      %swap3A_769 = vector.shape_cast %get3A_761 : vector<16xi32> to vector<1x1x16xi32>
      tpu.vector_store %arg5[%swap3A_764, %swap3A_765, %swap3A_766], %swap3A_769 {strides = array<i32>} : memref<2x4x128xi32, #tpu.memory_space<vmem>>, vector<1x1x16xi32>,
      %get3A_770 = arith.constant 1 : i32
      %get3A_771 = arith.index_cast %get3A_770 : i32 to index
      %get3A_772 = arith.constant 64 : index
      %get3A_773 = tpu.vector_load %arg6[%get3A_771, %get3A_772] {strides = array<i32>} : memref<2x512xi32, #tpu.memory_space<vmem>>, vector<1x16xi32>,
      %get3A_774 = vector.shape_cast %get3A_773 : vector<1x16xi32> to vector<16xi32>
      %swap3A_775 = arith.constant 1 : i32
      %swap3A_776 = arith.constant 0 : i32
      %swap3A_777 = arith.index_cast %swap3A_775 : i32 to index
      %swap3A_778 = arith.index_cast %swap3A_776 : i32 to index
      %swap3A_779 = arith.constant 64 : index
      %swap3A_780 = tpu.vector_load %arg5[%swap3A_777, %swap3A_778, %swap3A_779] {strides = array<i32>} : memref<2x4x128xi32, #tpu.memory_space<vmem>>, vector<1x1x16xi32>,
      %swap3A_781 = vector.shape_cast %swap3A_780 : vector<1x1x16xi32> to vector<16xi32>
      %swap3A_782 = vector.shape_cast %get3A_774 : vector<16xi32> to vector<1x1x16xi32>
      tpu.vector_store %arg5[%swap3A_777, %swap3A_778, %swap3A_779], %swap3A_782 {strides = array<i32>} : memref<2x4x128xi32, #tpu.memory_space<vmem>>, vector<1x1x16xi32>,
      %get3A_783 = arith.constant 1 : i32
      %get3A_784 = arith.index_cast %get3A_783 : i32 to index
      %get3A_785 = arith.constant 80 : index
      %get3A_786 = tpu.vector_load %arg6[%get3A_784, %get3A_785] {strides = array<i32>} : memref<2x512xi32, #tpu.memory_space<vmem>>, vector<1x16xi32>,
      %get3A_787 = vector.shape_cast %get3A_786 : vector<1x16xi32> to vector<16xi32>
      %swap3A_788 = arith.constant 1 : i32
      %swap3A_789 = arith.constant 0 : i32
      %swap3A_790 = arith.index_cast %swap3A_788 : i32 to index
      %swap3A_791 = arith.index_cast %swap3A_789 : i32 to index
      %swap3A_792 = arith.constant 80 : index
      %swap3A_793 = tpu.vector_load %arg5[%swap3A_790, %swap3A_791, %swap3A_792] {strides = array<i32>} : memref<2x4x128xi32, #tpu.memory_space<vmem>>, vector<1x1x16xi32>,
      %swap3A_794 = vector.shape_cast %swap3A_793 : vector<1x1x16xi32> to vector<16xi32>
      %swap3A_795 = vector.shape_cast %get3A_787 : vector<16xi32> to vector<1x1x16xi32>
      tpu.vector_store %arg5[%swap3A_790, %swap3A_791, %swap3A_792], %swap3A_795 {strides = array<i32>} : memref<2x4x128xi32, #tpu.memory_space<vmem>>, vector<1x1x16xi32>,
      %get3A_796 = arith.constant 1 : i32
      %get3A_797 = arith.index_cast %get3A_796 : i32 to index
      %get3A_798 = arith.constant 96 : index
      %get3A_799 = tpu.vector_load %arg6[%get3A_797, %get3A_798] {strides = array<i32>} : memref<2x512xi32, #tpu.memory_space<vmem>>, vector<1x16xi32>,
      %get3A_800 = vector.shape_cast %get3A_799 : vector<1x16xi32> to vector<16xi32>
      %swap3A_801 = arith.constant 1 : i32
      %swap3A_802 = arith.constant 0 : i32
      %swap3A_803 = arith.index_cast %swap3A_801 : i32 to index
      %swap3A_804 = arith.index_cast %swap3A_802 : i32 to index
      %swap3A_805 = arith.constant 96 : index
      %swap3A_806 = tpu.vector_load %arg5[%swap3A_803, %swap3A_804, %swap3A_805] {strides = array<i32>} : memref<2x4x128xi32, #tpu.memory_space<vmem>>, vector<1x1x16xi32>,
      %swap3A_807 = vector.shape_cast %swap3A_806 : vector<1x1x16xi32> to vector<16xi32>
      %swap3A_808 = vector.shape_cast %get3A_800 : vector<16xi32> to vector<1x1x16xi32>
      tpu.vector_store %arg5[%swap3A_803, %swap3A_804, %swap3A_805], %swap3A_808 {strides = array<i32>} : memref<2x4x128xi32, #tpu.memory_space<vmem>>, vector<1x1x16xi32>,
      %get3A_809 = arith.constant 1 : i32
      %get3A_810 = arith.index_cast %get3A_809 : i32 to index
      %get3A_811 = arith.constant 112 : index
      %get3A_812 = tpu.vector_load %arg6[%get3A_810, %get3A_811] {strides = array<i32>} : memref<2x512xi32, #tpu.memory_space<vmem>>, vector<1x16xi32>,
      %get3A_813 = vector.shape_cast %get3A_812 : vector<1x16xi32> to vector<16xi32>
      %swap3A_814 = arith.constant 1 : i32
      %swap3A_815 = arith.constant 0 : i32
      %swap3A_816 = arith.index_cast %swap3A_814 : i32 to index
      %swap3A_817 = arith.index_cast %swap3A_815 : i32 to index
      %swap3A_818 = arith.constant 112 : index
      %swap3A_819 = tpu.vector_load %arg5[%swap3A_816, %swap3A_817, %swap3A_818] {strides = array<i32>} : memref<2x4x128xi32, #tpu.memory_space<vmem>>, vector<1x1x16xi32>,
      %swap3A_820 = vector.shape_cast %swap3A_819 : vector<1x1x16xi32> to vector<16xi32>
      %swap3A_821 = vector.shape_cast %get3A_813 : vector<16xi32> to vector<1x1x16xi32>
      tpu.vector_store %arg5[%swap3A_816, %swap3A_817, %swap3A_818], %swap3A_821 {strides = array<i32>} : memref<2x4x128xi32, #tpu.memory_space<vmem>>, vector<1x1x16xi32>,
      %get3A_822 = arith.constant 1 : i32
      %get3A_823 = arith.index_cast %get3A_822 : i32 to index
      %get3A_824 = arith.constant 128 : index
      %get3A_825 = tpu.vector_load %arg6[%get3A_823, %get3A_824] {strides = array<i32>} : memref<2x512xi32, #tpu.memory_space<vmem>>, vector<1x16xi32>,
      %get3A_826 = vector.shape_cast %get3A_825 : vector<1x16xi32> to vector<16xi32>
      %swap3A_827 = arith.constant 1 : i32
      %swap3A_828 = arith.constant 1 : i32
      %swap3A_829 = arith.index_cast %swap3A_827 : i32 to index
      %swap3A_830 = arith.index_cast %swap3A_828 : i32 to index
      %swap3A_831 = arith.constant 0 : index
      %swap3A_832 = tpu.vector_load %arg5[%swap3A_829, %swap3A_830, %swap3A_831] {strides = array<i32>} : memref<2x4x128xi32, #tpu.memory_space<vmem>>, vector<1x1x16xi32>,
      %swap3A_833 = vector.shape_cast %swap3A_832 : vector<1x1x16xi32> to vector<16xi32>
      %swap3A_834 = vector.shape_cast %get3A_826 : vector<16xi32> to vector<1x1x16xi32>
      tpu.vector_store %arg5[%swap3A_829, %swap3A_830, %swap3A_831], %swap3A_834 {strides = array<i32>} : memref<2x4x128xi32, #tpu.memory_space<vmem>>, vector<1x1x16xi32>,
      %get3A_835 = arith.constant 1 : i32
      %get3A_836 = arith.index_cast %get3A_835 : i32 to index
      %get3A_837 = arith.constant 144 : index
      %get3A_838 = tpu.vector_load %arg6[%get3A_836, %get3A_837] {strides = array<i32>} : memref<2x512xi32, #tpu.memory_space<vmem>>, vector<1x16xi32>,
      %get3A_839 = vector.shape_cast %get3A_838 : vector<1x16xi32> to vector<16xi32>
      %swap3A_840 = arith.constant 1 : i32
      %swap3A_841 = arith.constant 1 : i32
      %swap3A_842 = arith.index_cast %swap3A_840 : i32 to index
      %swap3A_843 = arith.index_cast %swap3A_841 : i32 to index
      %swap3A_844 = arith.constant 16 : index
      %swap3A_845 = tpu.vector_load %arg5[%swap3A_842, %swap3A_843, %swap3A_844] {strides = array<i32>} : memref<2x4x128xi32, #tpu.memory_space<vmem>>, vector<1x1x16xi32>,
      %swap3A_846 = vector.shape_cast %swap3A_845 : vector<1x1x16xi32> to vector<16xi32>
      %swap3A_847 = vector.shape_cast %get3A_839 : vector<16xi32> to vector<1x1x16xi32>
      tpu.vector_store %arg5[%swap3A_842, %swap3A_843, %swap3A_844], %swap3A_847 {strides = array<i32>} : memref<2x4x128xi32, #tpu.memory_space<vmem>>, vector<1x1x16xi32>,
      %get3A_848 = arith.constant 1 : i32
      %get3A_849 = arith.index_cast %get3A_848 : i32 to index
      %get3A_850 = arith.constant 160 : index
      %get3A_851 = tpu.vector_load %arg6[%get3A_849, %get3A_850] {strides = array<i32>} : memref<2x512xi32, #tpu.memory_space<vmem>>, vector<1x16xi32>,
      %get3A_852 = vector.shape_cast %get3A_851 : vector<1x16xi32> to vector<16xi32>
      %swap3A_853 = arith.constant 1 : i32
      %swap3A_854 = arith.constant 1 : i32
      %swap3A_855 = arith.index_cast %swap3A_853 : i32 to index
      %swap3A_856 = arith.index_cast %swap3A_854 : i32 to index
      %swap3A_857 = arith.constant 32 : index
      %swap3A_858 = tpu.vector_load %arg5[%swap3A_855, %swap3A_856, %swap3A_857] {strides = array<i32>} : memref<2x4x128xi32, #tpu.memory_space<vmem>>, vector<1x1x16xi32>,
      %swap3A_859 = vector.shape_cast %swap3A_858 : vector<1x1x16xi32> to vector<16xi32>
      %swap3A_860 = vector.shape_cast %get3A_852 : vector<16xi32> to vector<1x1x16xi32>
      tpu.vector_store %arg5[%swap3A_855, %swap3A_856, %swap3A_857], %swap3A_860 {strides = array<i32>} : memref<2x4x128xi32, #tpu.memory_space<vmem>>, vector<1x1x16xi32>,
      %get3A_861 = arith.constant 1 : i32
      %get3A_862 = arith.index_cast %get3A_861 : i32 to index
      %get3A_863 = arith.constant 176 : index
      %get3A_864 = tpu.vector_load %arg6[%get3A_862, %get3A_863] {strides = array<i32>} : memref<2x512xi32, #tpu.memory_space<vmem>>, vector<1x16xi32>,
      %get3A_865 = vector.shape_cast %get3A_864 : vector<1x16xi32> to vector<16xi32>
      %swap3A_866 = arith.constant 1 : i32
      %swap3A_867 = arith.constant 1 : i32
      %swap3A_868 = arith.index_cast %swap3A_866 : i32 to index
      %swap3A_869 = arith.index_cast %swap3A_867 : i32 to index
      %swap3A_870 = arith.constant 48 : index
      %swap3A_871 = tpu.vector_load %arg5[%swap3A_868, %swap3A_869, %swap3A_870] {strides = array<i32>} : memref<2x4x128xi32, #tpu.memory_space<vmem>>, vector<1x1x16xi32>,
      %swap3A_872 = vector.shape_cast %swap3A_871 : vector<1x1x16xi32> to vector<16xi32>
      %swap3A_873 = vector.shape_cast %get3A_865 : vector<16xi32> to vector<1x1x16xi32>
      tpu.vector_store %arg5[%swap3A_868, %swap3A_869, %swap3A_870], %swap3A_873 {strides = array<i32>} : memref<2x4x128xi32, #tpu.memory_space<vmem>>, vector<1x1x16xi32>,
      %get3A_874 = arith.constant 1 : i32
      %get3A_875 = arith.index_cast %get3A_874 : i32 to index
      %get3A_876 = arith.constant 192 : index
      %get3A_877 = tpu.vector_load %arg6[%get3A_875, %get3A_876] {strides = array<i32>} : memref<2x512xi32, #tpu.memory_space<vmem>>, vector<1x16xi32>,
      %get3A_878 = vector.shape_cast %get3A_877 : vector<1x16xi32> to vector<16xi32>
      %swap3A_879 = arith.constant 1 : i32
      %swap3A_880 = arith.constant 1 : i32
      %swap3A_881 = arith.index_cast %swap3A_879 : i32 to index
      %swap3A_882 = arith.index_cast %swap3A_880 : i32 to index
      %swap3A_883 = arith.constant 64 : index
      %swap3A_884 = tpu.vector_load %arg5[%swap3A_881, %swap3A_882, %swap3A_883] {strides = array<i32>} : memref<2x4x128xi32, #tpu.memory_space<vmem>>, vector<1x1x16xi32>,
      %swap3A_885 = vector.shape_cast %swap3A_884 : vector<1x1x16xi32> to vector<16xi32>
      %swap3A_886 = vector.shape_cast %get3A_878 : vector<16xi32> to vector<1x1x16xi32>
      tpu.vector_store %arg5[%swap3A_881, %swap3A_882, %swap3A_883], %swap3A_886 {strides = array<i32>} : memref<2x4x128xi32, #tpu.memory_space<vmem>>, vector<1x1x16xi32>,
      %get3A_887 = arith.constant 1 : i32
      %get3A_888 = arith.index_cast %get3A_887 : i32 to index
      %get3A_889 = arith.constant 208 : index
      %get3A_890 = tpu.vector_load %arg6[%get3A_888, %get3A_889] {strides = array<i32>} : memref<2x512xi32, #tpu.memory_space<vmem>>, vector<1x16xi32>,
      %get3A_891 = vector.shape_cast %get3A_890 : vector<1x16xi32> to vector<16xi32>
      %swap3A_892 = arith.constant 1 : i32
      %swap3A_893 = arith.constant 1 : i32
      %swap3A_894 = arith.index_cast %swap3A_892 : i32 to index
      %swap3A_895 = arith.index_cast %swap3A_893 : i32 to index
      %swap3A_896 = arith.constant 80 : index
      %swap3A_897 = tpu.vector_load %arg5[%swap3A_894, %swap3A_895, %swap3A_896] {strides = array<i32>} : memref<2x4x128xi32, #tpu.memory_space<vmem>>, vector<1x1x16xi32>,
      %swap3A_898 = vector.shape_cast %swap3A_897 : vector<1x1x16xi32> to vector<16xi32>
      %swap3A_899 = vector.shape_cast %get3A_891 : vector<16xi32> to vector<1x1x16xi32>
      tpu.vector_store %arg5[%swap3A_894, %swap3A_895, %swap3A_896], %swap3A_899 {strides = array<i32>} : memref<2x4x128xi32, #tpu.memory_space<vmem>>, vector<1x1x16xi32>,
      %get3A_900 = arith.constant 1 : i32
      %get3A_901 = arith.index_cast %get3A_900 : i32 to index
      %get3A_902 = arith.constant 224 : index
      %get3A_903 = tpu.vector_load %arg6[%get3A_901, %get3A_902] {strides = array<i32>} : memref<2x512xi32, #tpu.memory_space<vmem>>, vector<1x16xi32>,
      %get3A_904 = vector.shape_cast %get3A_903 : vector<1x16xi32> to vector<16xi32>
      %swap3A_905 = arith.constant 1 : i32
      %swap3A_906 = arith.constant 1 : i32
      %swap3A_907 = arith.index_cast %swap3A_905 : i32 to index
      %swap3A_908 = arith.index_cast %swap3A_906 : i32 to index
      %swap3A_909 = arith.constant 96 : index
      %swap3A_910 = tpu.vector_load %arg5[%swap3A_907, %swap3A_908, %swap3A_909] {strides = array<i32>} : memref<2x4x128xi32, #tpu.memory_space<vmem>>, vector<1x1x16xi32>,
      %swap3A_911 = vector.shape_cast %swap3A_910 : vector<1x1x16xi32> to vector<16xi32>
      %swap3A_912 = vector.shape_cast %get3A_904 : vector<16xi32> to vector<1x1x16xi32>
      tpu.vector_store %arg5[%swap3A_907, %swap3A_908, %swap3A_909], %swap3A_912 {strides = array<i32>} : memref<2x4x128xi32, #tpu.memory_space<vmem>>, vector<1x1x16xi32>,
      %get3A_913 = arith.constant 1 : i32
      %get3A_914 = arith.index_cast %get3A_913 : i32 to index
      %get3A_915 = arith.constant 240 : index
      %get3A_916 = tpu.vector_load %arg6[%get3A_914, %get3A_915] {strides = array<i32>} : memref<2x512xi32, #tpu.memory_space<vmem>>, vector<1x16xi32>,
      %get3A_917 = vector.shape_cast %get3A_916 : vector<1x16xi32> to vector<16xi32>
      %swap3A_918 = arith.constant 1 : i32
      %swap3A_919 = arith.constant 1 : i32
      %swap3A_920 = arith.index_cast %swap3A_918 : i32 to index
      %swap3A_921 = arith.index_cast %swap3A_919 : i32 to index
      %swap3A_922 = arith.constant 112 : index
      %swap3A_923 = tpu.vector_load %arg5[%swap3A_920, %swap3A_921, %swap3A_922] {strides = array<i32>} : memref<2x4x128xi32, #tpu.memory_space<vmem>>, vector<1x1x16xi32>,
      %swap3A_924 = vector.shape_cast %swap3A_923 : vector<1x1x16xi32> to vector<16xi32>
      %swap3A_925 = vector.shape_cast %get3A_917 : vector<16xi32> to vector<1x1x16xi32>
      tpu.vector_store %arg5[%swap3A_920, %swap3A_921, %swap3A_922], %swap3A_925 {strides = array<i32>} : memref<2x4x128xi32, #tpu.memory_space<vmem>>, vector<1x1x16xi32>,
      %get3A_926 = arith.constant 1 : i32
      %get3A_927 = arith.index_cast %get3A_926 : i32 to index
      %get3A_928 = arith.constant 256 : index
      %get3A_929 = tpu.vector_load %arg6[%get3A_927, %get3A_928] {strides = array<i32>} : memref<2x512xi32, #tpu.memory_space<vmem>>, vector<1x16xi32>,
      %get3A_930 = vector.shape_cast %get3A_929 : vector<1x16xi32> to vector<16xi32>
      %swap3A_931 = arith.constant 1 : i32
      %swap3A_932 = arith.constant 2 : i32
      %swap3A_933 = arith.index_cast %swap3A_931 : i32 to index
      %swap3A_934 = arith.index_cast %swap3A_932 : i32 to index
      %swap3A_935 = arith.constant 0 : index
      %swap3A_936 = tpu.vector_load %arg5[%swap3A_933, %swap3A_934, %swap3A_935] {strides = array<i32>} : memref<2x4x128xi32, #tpu.memory_space<vmem>>, vector<1x1x16xi32>,
      %swap3A_937 = vector.shape_cast %swap3A_936 : vector<1x1x16xi32> to vector<16xi32>
      %swap3A_938 = vector.shape_cast %get3A_930 : vector<16xi32> to vector<1x1x16xi32>
      tpu.vector_store %arg5[%swap3A_933, %swap3A_934, %swap3A_935], %swap3A_938 {strides = array<i32>} : memref<2x4x128xi32, #tpu.memory_space<vmem>>, vector<1x1x16xi32>,
      %get3A_939 = arith.constant 1 : i32
      %get3A_940 = arith.index_cast %get3A_939 : i32 to index
      %get3A_941 = arith.constant 272 : index
      %get3A_942 = tpu.vector_load %arg6[%get3A_940, %get3A_941] {strides = array<i32>} : memref<2x512xi32, #tpu.memory_space<vmem>>, vector<1x16xi32>,
      %get3A_943 = vector.shape_cast %get3A_942 : vector<1x16xi32> to vector<16xi32>
      %swap3A_944 = arith.constant 1 : i32
      %swap3A_945 = arith.constant 2 : i32
      %swap3A_946 = arith.index_cast %swap3A_944 : i32 to index
      %swap3A_947 = arith.index_cast %swap3A_945 : i32 to index
      %swap3A_948 = arith.constant 16 : index
      %swap3A_949 = tpu.vector_load %arg5[%swap3A_946, %swap3A_947, %swap3A_948] {strides = array<i32>} : memref<2x4x128xi32, #tpu.memory_space<vmem>>, vector<1x1x16xi32>,
      %swap3A_950 = vector.shape_cast %swap3A_949 : vector<1x1x16xi32> to vector<16xi32>
      %swap3A_951 = vector.shape_cast %get3A_943 : vector<16xi32> to vector<1x1x16xi32>
      tpu.vector_store %arg5[%swap3A_946, %swap3A_947, %swap3A_948], %swap3A_951 {strides = array<i32>} : memref<2x4x128xi32, #tpu.memory_space<vmem>>, vector<1x1x16xi32>,
      %get3A_952 = arith.constant 1 : i32
      %get3A_953 = arith.index_cast %get3A_952 : i32 to index
      %get3A_954 = arith.constant 288 : index
      %get3A_955 = tpu.vector_load %arg6[%get3A_953, %get3A_954] {strides = array<i32>} : memref<2x512xi32, #tpu.memory_space<vmem>>, vector<1x16xi32>,
      %get3A_956 = vector.shape_cast %get3A_955 : vector<1x16xi32> to vector<16xi32>
      %swap3A_957 = arith.constant 1 : i32
      %swap3A_958 = arith.constant 2 : i32
      %swap3A_959 = arith.index_cast %swap3A_957 : i32 to index
      %swap3A_960 = arith.index_cast %swap3A_958 : i32 to index
      %swap3A_961 = arith.constant 32 : index
      %swap3A_962 = tpu.vector_load %arg5[%swap3A_959, %swap3A_960, %swap3A_961] {strides = array<i32>} : memref<2x4x128xi32, #tpu.memory_space<vmem>>, vector<1x1x16xi32>,
      %swap3A_963 = vector.shape_cast %swap3A_962 : vector<1x1x16xi32> to vector<16xi32>
      %swap3A_964 = vector.shape_cast %get3A_956 : vector<16xi32> to vector<1x1x16xi32>
      tpu.vector_store %arg5[%swap3A_959, %swap3A_960, %swap3A_961], %swap3A_964 {strides = array<i32>} : memref<2x4x128xi32, #tpu.memory_space<vmem>>, vector<1x1x16xi32>,
      %get3A_965 = arith.constant 1 : i32
      %get3A_966 = arith.index_cast %get3A_965 : i32 to index
      %get3A_967 = arith.constant 304 : index
      %get3A_968 = tpu.vector_load %arg6[%get3A_966, %get3A_967] {strides = array<i32>} : memref<2x512xi32, #tpu.memory_space<vmem>>, vector<1x16xi32>,
      %get3A_969 = vector.shape_cast %get3A_968 : vector<1x16xi32> to vector<16xi32>
      %swap3A_970 = arith.constant 1 : i32
      %swap3A_971 = arith.constant 2 : i32
      %swap3A_972 = arith.index_cast %swap3A_970 : i32 to index
      %swap3A_973 = arith.index_cast %swap3A_971 : i32 to index
      %swap3A_974 = arith.constant 48 : index
      %swap3A_975 = tpu.vector_load %arg5[%swap3A_972, %swap3A_973, %swap3A_974] {strides = array<i32>} : memref<2x4x128xi32, #tpu.memory_space<vmem>>, vector<1x1x16xi32>,
      %swap3A_976 = vector.shape_cast %swap3A_975 : vector<1x1x16xi32> to vector<16xi32>
      %swap3A_977 = vector.shape_cast %get3A_969 : vector<16xi32> to vector<1x1x16xi32>
      tpu.vector_store %arg5[%swap3A_972, %swap3A_973, %swap3A_974], %swap3A_977 {strides = array<i32>} : memref<2x4x128xi32, #tpu.memory_space<vmem>>, vector<1x1x16xi32>,
      %get3A_978 = arith.constant 1 : i32
      %get3A_979 = arith.index_cast %get3A_978 : i32 to index
      %get3A_980 = arith.constant 320 : index
      %get3A_981 = tpu.vector_load %arg6[%get3A_979, %get3A_980] {strides = array<i32>} : memref<2x512xi32, #tpu.memory_space<vmem>>, vector<1x16xi32>,
      %get3A_982 = vector.shape_cast %get3A_981 : vector<1x16xi32> to vector<16xi32>
      %swap3A_983 = arith.constant 1 : i32
      %swap3A_984 = arith.constant 2 : i32
      %swap3A_985 = arith.index_cast %swap3A_983 : i32 to index
      %swap3A_986 = arith.index_cast %swap3A_984 : i32 to index
      %swap3A_987 = arith.constant 64 : index
      %swap3A_988 = tpu.vector_load %arg5[%swap3A_985, %swap3A_986, %swap3A_987] {strides = array<i32>} : memref<2x4x128xi32, #tpu.memory_space<vmem>>, vector<1x1x16xi32>,
      %swap3A_989 = vector.shape_cast %swap3A_988 : vector<1x1x16xi32> to vector<16xi32>
      %swap3A_990 = vector.shape_cast %get3A_982 : vector<16xi32> to vector<1x1x16xi32>
      tpu.vector_store %arg5[%swap3A_985, %swap3A_986, %swap3A_987], %swap3A_990 {strides = array<i32>} : memref<2x4x128xi32, #tpu.memory_space<vmem>>, vector<1x1x16xi32>,
      %get3A_991 = arith.constant 1 : i32
      %get3A_992 = arith.index_cast %get3A_991 : i32 to index
      %get3A_993 = arith.constant 336 : index
      %get3A_994 = tpu.vector_load %arg6[%get3A_992, %get3A_993] {strides = array<i32>} : memref<2x512xi32, #tpu.memory_space<vmem>>, vector<1x16xi32>,
      %get3A_995 = vector.shape_cast %get3A_994 : vector<1x16xi32> to vector<16xi32>
      %swap3A_996 = arith.constant 1 : i32
      %swap3A_997 = arith.constant 2 : i32
      %swap3A_998 = arith.index_cast %swap3A_996 : i32 to index
      %swap3A_999 = arith.index_cast %swap3A_997 : i32 to index
      %swap3A_1000 = arith.constant 80 : index
      %swap3A_1001 = tpu.vector_load %arg5[%swap3A_998, %swap3A_999, %swap3A_1000] {strides = array<i32>} : memref<2x4x128xi32, #tpu.memory_space<vmem>>, vector<1x1x16xi32>,
      %swap3A_1002 = vector.shape_cast %swap3A_1001 : vector<1x1x16xi32> to vector<16xi32>
      %swap3A_1003 = vector.shape_cast %get3A_995 : vector<16xi32> to vector<1x1x16xi32>
      tpu.vector_store %arg5[%swap3A_998, %swap3A_999, %swap3A_1000], %swap3A_1003 {strides = array<i32>} : memref<2x4x128xi32, #tpu.memory_space<vmem>>, vector<1x1x16xi32>,
      %get3A_1004 = arith.constant 1 : i32
      %get3A_1005 = arith.index_cast %get3A_1004 : i32 to index
      %get3A_1006 = arith.constant 352 : index
      %get3A_1007 = tpu.vector_load %arg6[%get3A_1005, %get3A_1006] {strides = array<i32>} : memref<2x512xi32, #tpu.memory_space<vmem>>, vector<1x16xi32>,
      %get3A_1008 = vector.shape_cast %get3A_1007 : vector<1x16xi32> to vector<16xi32>
      %swap3A_1009 = arith.constant 1 : i32
      %swap3A_1010 = arith.constant 2 : i32
      %swap3A_1011 = arith.index_cast %swap3A_1009 : i32 to index
      %swap3A_1012 = arith.index_cast %swap3A_1010 : i32 to index
      %swap3A_1013 = arith.constant 96 : index
      %swap3A_1014 = tpu.vector_load %arg5[%swap3A_1011, %swap3A_1012, %swap3A_1013] {strides = array<i32>} : memref<2x4x128xi32, #tpu.memory_space<vmem>>, vector<1x1x16xi32>,
      %swap3A_1015 = vector.shape_cast %swap3A_1014 : vector<1x1x16xi32> to vector<16xi32>
      %swap3A_1016 = vector.shape_cast %get3A_1008 : vector<16xi32> to vector<1x1x16xi32>
      tpu.vector_store %arg5[%swap3A_1011, %swap3A_1012, %swap3A_1013], %swap3A_1016 {strides = array<i32>} : memref<2x4x128xi32, #tpu.memory_space<vmem>>, vector<1x1x16xi32>,
      %get3A_1017 = arith.constant 1 : i32
      %get3A_1018 = arith.index_cast %get3A_1017 : i32 to index
      %get3A_1019 = arith.constant 368 : index
      %get3A_1020 = tpu.vector_load %arg6[%get3A_1018, %get3A_1019] {strides = array<i32>} : memref<2x512xi32, #tpu.memory_space<vmem>>, vector<1x16xi32>,
      %get3A_1021 = vector.shape_cast %get3A_1020 : vector<1x16xi32> to vector<16xi32>
      %swap3A_1022 = arith.constant 1 : i32
      %swap3A_1023 = arith.constant 2 : i32
      %swap3A_1024 = arith.index_cast %swap3A_1022 : i32 to index
      %swap3A_1025 = arith.index_cast %swap3A_1023 : i32 to index
      %swap3A_1026 = arith.constant 112 : index
      %swap3A_1027 = tpu.vector_load %arg5[%swap3A_1024, %swap3A_1025, %swap3A_1026] {strides = array<i32>} : memref<2x4x128xi32, #tpu.memory_space<vmem>>, vector<1x1x16xi32>,
      %swap3A_1028 = vector.shape_cast %swap3A_1027 : vector<1x1x16xi32> to vector<16xi32>
      %swap3A_1029 = vector.shape_cast %get3A_1021 : vector<16xi32> to vector<1x1x16xi32>
      tpu.vector_store %arg5[%swap3A_1024, %swap3A_1025, %swap3A_1026], %swap3A_1029 {strides = array<i32>} : memref<2x4x128xi32, #tpu.memory_space<vmem>>, vector<1x1x16xi32>,
      %get3A_1030 = arith.constant 1 : i32
      %get3A_1031 = arith.index_cast %get3A_1030 : i32 to index
      %get3A_1032 = arith.constant 384 : index
      %get3A_1033 = tpu.vector_load %arg6[%get3A_1031, %get3A_1032] {strides = array<i32>} : memref<2x512xi32, #tpu.memory_space<vmem>>, vector<1x16xi32>,
      %get3A_1034 = vector.shape_cast %get3A_1033 : vector<1x16xi32> to vector<16xi32>
      %swap3A_1035 = arith.constant 1 : i32
      %swap3A_1036 = arith.constant 3 : i32
      %swap3A_1037 = arith.index_cast %swap3A_1035 : i32 to index
      %swap3A_1038 = arith.index_cast %swap3A_1036 : i32 to index
      %swap3A_1039 = arith.constant 0 : index
      %swap3A_1040 = tpu.vector_load %arg5[%swap3A_1037, %swap3A_1038, %swap3A_1039] {strides = array<i32>} : memref<2x4x128xi32, #tpu.memory_space<vmem>>, vector<1x1x16xi32>,
      %swap3A_1041 = vector.shape_cast %swap3A_1040 : vector<1x1x16xi32> to vector<16xi32>
      %swap3A_1042 = vector.shape_cast %get3A_1034 : vector<16xi32> to vector<1x1x16xi32>
      tpu.vector_store %arg5[%swap3A_1037, %swap3A_1038, %swap3A_1039], %swap3A_1042 {strides = array<i32>} : memref<2x4x128xi32, #tpu.memory_space<vmem>>, vector<1x1x16xi32>,
      %get3A_1043 = arith.constant 1 : i32
      %get3A_1044 = arith.index_cast %get3A_1043 : i32 to index
      %get3A_1045 = arith.constant 400 : index
      %get3A_1046 = tpu.vector_load %arg6[%get3A_1044, %get3A_1045] {strides = array<i32>} : memref<2x512xi32, #tpu.memory_space<vmem>>, vector<1x16xi32>,
      %get3A_1047 = vector.shape_cast %get3A_1046 : vector<1x16xi32> to vector<16xi32>
      %swap3A_1048 = arith.constant 1 : i32
      %swap3A_1049 = arith.constant 3 : i32
      %swap3A_1050 = arith.index_cast %swap3A_1048 : i32 to index
      %swap3A_1051 = arith.index_cast %swap3A_1049 : i32 to index
      %swap3A_1052 = arith.constant 16 : index
      %swap3A_1053 = tpu.vector_load %arg5[%swap3A_1050, %swap3A_1051, %swap3A_1052] {strides = array<i32>} : memref<2x4x128xi32, #tpu.memory_space<vmem>>, vector<1x1x16xi32>,
      %swap3A_1054 = vector.shape_cast %swap3A_1053 : vector<1x1x16xi32> to vector<16xi32>
      %swap3A_1055 = vector.shape_cast %get3A_1047 : vector<16xi32> to vector<1x1x16xi32>
      tpu.vector_store %arg5[%swap3A_1050, %swap3A_1051, %swap3A_1052], %swap3A_1055 {strides = array<i32>} : memref<2x4x128xi32, #tpu.memory_space<vmem>>, vector<1x1x16xi32>,
      %get3A_1056 = arith.constant 1 : i32
      %get3A_1057 = arith.index_cast %get3A_1056 : i32 to index
      %get3A_1058 = arith.constant 416 : index
      %get3A_1059 = tpu.vector_load %arg6[%get3A_1057, %get3A_1058] {strides = array<i32>} : memref<2x512xi32, #tpu.memory_space<vmem>>, vector<1x16xi32>,
      %get3A_1060 = vector.shape_cast %get3A_1059 : vector<1x16xi32> to vector<16xi32>
      %swap3A_1061 = arith.constant 1 : i32
      %swap3A_1062 = arith.constant 3 : i32
      %swap3A_1063 = arith.index_cast %swap3A_1061 : i32 to index
      %swap3A_1064 = arith.index_cast %swap3A_1062 : i32 to index
      %swap3A_1065 = arith.constant 32 : index
      %swap3A_1066 = tpu.vector_load %arg5[%swap3A_1063, %swap3A_1064, %swap3A_1065] {strides = array<i32>} : memref<2x4x128xi32, #tpu.memory_space<vmem>>, vector<1x1x16xi32>,
      %swap3A_1067 = vector.shape_cast %swap3A_1066 : vector<1x1x16xi32> to vector<16xi32>
      %swap3A_1068 = vector.shape_cast %get3A_1060 : vector<16xi32> to vector<1x1x16xi32>
      tpu.vector_store %arg5[%swap3A_1063, %swap3A_1064, %swap3A_1065], %swap3A_1068 {strides = array<i32>} : memref<2x4x128xi32, #tpu.memory_space<vmem>>, vector<1x1x16xi32>,
      %get3A_1069 = arith.constant 1 : i32
      %get3A_1070 = arith.index_cast %get3A_1069 : i32 to index
      %get3A_1071 = arith.constant 432 : index
      %get3A_1072 = tpu.vector_load %arg6[%get3A_1070, %get3A_1071] {strides = array<i32>} : memref<2x512xi32, #tpu.memory_space<vmem>>, vector<1x16xi32>,
      %get3A_1073 = vector.shape_cast %get3A_1072 : vector<1x16xi32> to vector<16xi32>
      %swap3A_1074 = arith.constant 1 : i32
      %swap3A_1075 = arith.constant 3 : i32
      %swap3A_1076 = arith.index_cast %swap3A_1074 : i32 to index
      %swap3A_1077 = arith.index_cast %swap3A_1075 : i32 to index
      %swap3A_1078 = arith.constant 48 : index
      %swap3A_1079 = tpu.vector_load %arg5[%swap3A_1076, %swap3A_1077, %swap3A_1078] {strides = array<i32>} : memref<2x4x128xi32, #tpu.memory_space<vmem>>, vector<1x1x16xi32>,
      %swap3A_1080 = vector.shape_cast %swap3A_1079 : vector<1x1x16xi32> to vector<16xi32>
      %swap3A_1081 = vector.shape_cast %get3A_1073 : vector<16xi32> to vector<1x1x16xi32>
      tpu.vector_store %arg5[%swap3A_1076, %swap3A_1077, %swap3A_1078], %swap3A_1081 {strides = array<i32>} : memref<2x4x128xi32, #tpu.memory_space<vmem>>, vector<1x1x16xi32>,
      %get3A_1082 = arith.constant 1 : i32
      %get3A_1083 = arith.index_cast %get3A_1082 : i32 to index
      %get3A_1084 = arith.constant 448 : index
      %get3A_1085 = tpu.vector_load %arg6[%get3A_1083, %get3A_1084] {strides = array<i32>} : memref<2x512xi32, #tpu.memory_space<vmem>>, vector<1x16xi32>,
      %get3A_1086 = vector.shape_cast %get3A_1085 : vector<1x16xi32> to vector<16xi32>
      %swap3A_1087 = arith.constant 1 : i32
      %swap3A_1088 = arith.constant 3 : i32
      %swap3A_1089 = arith.index_cast %swap3A_1087 : i32 to index
      %swap3A_1090 = arith.index_cast %swap3A_1088 : i32 to index
      %swap3A_1091 = arith.constant 64 : index
      %swap3A_1092 = tpu.vector_load %arg5[%swap3A_1089, %swap3A_1090, %swap3A_1091] {strides = array<i32>} : memref<2x4x128xi32, #tpu.memory_space<vmem>>, vector<1x1x16xi32>,
      %swap3A_1093 = vector.shape_cast %swap3A_1092 : vector<1x1x16xi32> to vector<16xi32>
      %swap3A_1094 = vector.shape_cast %get3A_1086 : vector<16xi32> to vector<1x1x16xi32>
      tpu.vector_store %arg5[%swap3A_1089, %swap3A_1090, %swap3A_1091], %swap3A_1094 {strides = array<i32>} : memref<2x4x128xi32, #tpu.memory_space<vmem>>, vector<1x1x16xi32>,
      %get3A_1095 = arith.constant 1 : i32
      %get3A_1096 = arith.index_cast %get3A_1095 : i32 to index
      %get3A_1097 = arith.constant 464 : index
      %get3A_1098 = tpu.vector_load %arg6[%get3A_1096, %get3A_1097] {strides = array<i32>} : memref<2x512xi32, #tpu.memory_space<vmem>>, vector<1x16xi32>,
      %get3A_1099 = vector.shape_cast %get3A_1098 : vector<1x16xi32> to vector<16xi32>
      %swap3A_1100 = arith.constant 1 : i32
      %swap3A_1101 = arith.constant 3 : i32
      %swap3A_1102 = arith.index_cast %swap3A_1100 : i32 to index
      %swap3A_1103 = arith.index_cast %swap3A_1101 : i32 to index
      %swap3A_1104 = arith.constant 80 : index
      %swap3A_1105 = tpu.vector_load %arg5[%swap3A_1102, %swap3A_1103, %swap3A_1104] {strides = array<i32>} : memref<2x4x128xi32, #tpu.memory_space<vmem>>, vector<1x1x16xi32>,
      %swap3A_1106 = vector.shape_cast %swap3A_1105 : vector<1x1x16xi32> to vector<16xi32>
      %swap3A_1107 = vector.shape_cast %get3A_1099 : vector<16xi32> to vector<1x1x16xi32>
      tpu.vector_store %arg5[%swap3A_1102, %swap3A_1103, %swap3A_1104], %swap3A_1107 {strides = array<i32>} : memref<2x4x128xi32, #tpu.memory_space<vmem>>, vector<1x1x16xi32>,
      %get3A_1108 = arith.constant 1 : i32
      %get3A_1109 = arith.index_cast %get3A_1108 : i32 to index
      %get3A_1110 = arith.constant 480 : index
      %get3A_1111 = tpu.vector_load %arg6[%get3A_1109, %get3A_1110] {strides = array<i32>} : memref<2x512xi32, #tpu.memory_space<vmem>>, vector<1x16xi32>,
      %get3A_1112 = vector.shape_cast %get3A_1111 : vector<1x16xi32> to vector<16xi32>
      %swap3A_1113 = arith.constant 1 : i32
      %swap3A_1114 = arith.constant 3 : i32
      %swap3A_1115 = arith.index_cast %swap3A_1113 : i32 to index
      %swap3A_1116 = arith.index_cast %swap3A_1114 : i32 to index
      %swap3A_1117 = arith.constant 96 : index
      %swap3A_1118 = tpu.vector_load %arg5[%swap3A_1115, %swap3A_1116, %swap3A_1117] {strides = array<i32>} : memref<2x4x128xi32, #tpu.memory_space<vmem>>, vector<1x1x16xi32>,
      %swap3A_1119 = vector.shape_cast %swap3A_1118 : vector<1x1x16xi32> to vector<16xi32>
      %swap3A_1120 = vector.shape_cast %get3A_1112 : vector<16xi32> to vector<1x1x16xi32>
      tpu.vector_store %arg5[%swap3A_1115, %swap3A_1116, %swap3A_1117], %swap3A_1120 {strides = array<i32>} : memref<2x4x128xi32, #tpu.memory_space<vmem>>, vector<1x1x16xi32>,
      %get3A_1121 = arith.constant 1 : i32
      %get3A_1122 = arith.index_cast %get3A_1121 : i32 to index
      %get3A_1123 = arith.constant 496 : index
      %get3A_1124 = tpu.vector_load %arg6[%get3A_1122, %get3A_1123] {strides = array<i32>} : memref<2x512xi32, #tpu.memory_space<vmem>>, vector<1x16xi32>,
      %get3A_1125 = vector.shape_cast %get3A_1124 : vector<1x16xi32> to vector<16xi32>
      %swap3A_1126 = arith.constant 1 : i32
      %swap3A_1127 = arith.constant 3 : i32
      %swap3A_1128 = arith.index_cast %swap3A_1126 : i32 to index
      %swap3A_1129 = arith.index_cast %swap3A_1127 : i32 to index
      %swap3A_1130 = arith.constant 112 : index
      %swap3A_1131 = tpu.vector_load %arg5[%swap3A_1128, %swap3A_1129, %swap3A_1130] {strides = array<i32>} : memref<2x4x128xi32, #tpu.memory_space<vmem>>, vector<1x1x16xi32>,
      %swap3A_1132 = vector.shape_cast %swap3A_1131 : vector<1x1x16xi32> to vector<16xi32>
      %swap3A_1133 = vector.shape_cast %get3A_1125 : vector<16xi32> to vector<1x1x16xi32>
      tpu.vector_store %arg5[%swap3A_1128, %swap3A_1129, %swap3A_1130], %swap3A_1133 {strides = array<i32>} : memref<2x4x128xi32, #tpu.memory_space<vmem>>, vector<1x1x16xi32>,
      %dma_start3A_1134 = arith.constant 1 : i32
      %dma_start3A_1135 = arith.constant 1 : i32
      %dma_start3A_1136 = arith.constant 0 : i32
      %dma_start3A_1137 = arith.constant 0 : i32
      %dma_start3A_1138 = arith.constant 0 : i32
      %dma_start3A_1139 = tpu.memref_slice %arg7[%dma_start3A_1134, %dma_start3A_1137, %dma_start3A_1138] : memref<2x512x16xf32, #tpu.memory_space<vmem>> -> memref<1x128x16xf32, #tpu.memory_space<vmem>>
      %dma_start3A_1140 = tpu.memref_squeeze %dma_start3A_1139 : memref<1x128x16xf32, #tpu.memory_space<vmem>> -> memref<128x16xf32, #tpu.memory_space<vmem>>
      %dma_start3A_1141 = arith.constant 0 : i32
      %dma_start3A_1142 = tpu.memref_slice %arg5[%dma_start3A_1135, %dma_start3A_1136, %dma_start3A_1141] : memref<2x4x128xi32, #tpu.memory_space<vmem>> -> memref<1x1x128xi32, #tpu.memory_space<vmem>>
      %dma_start3A_1143 = tpu.memref_squeeze %dma_start3A_1142 : memref<1x1x128xi32, #tpu.memory_space<vmem>> -> memref<128xi32, #tpu.memory_space<vmem>>
      %dma_start3A_1144 = arith.constant 0 : i32
      %dma_start3A_1145 = arith.constant 0 : i32
      %dma_start3A_1146 = tpu.memref_slice %arg8[%dma_start3A_1144, %dma_start3A_1145] : memref<100000x16xf32, #tpu.memory_space<vmem_shared>> -> memref<100000x16xf32, #tpu.memory_space<vmem_shared>>
      tpu.enqueue_indirect_dma source(%dma_start3A_1140 : memref<128x16xf32, #tpu.memory_space<vmem>>) target(%dma_start3A_1146 : memref<100000x16xf32, #tpu.memory_space<vmem_shared>>) offsets(%dma_start3A_1143 : memref<128xi32, #tpu.memory_space<vmem>>) semaphore(%arg11 : memref<!tpu.dma_semaphore, #tpu.memory_space<semaphore_mem>>) {add = true}
      %dma_start3A_1147 = arith.constant 1 : i32
      %dma_start3A_1148 = arith.constant 1 : i32
      %dma_start3A_1149 = arith.constant 1 : i32
      %dma_start3A_1150 = arith.constant 128 : i32
      %dma_start3A_1151 = arith.constant 0 : i32
      %dma_start3A_1152 = tpu.memref_slice %arg7[%dma_start3A_1147, %dma_start3A_1150, %dma_start3A_1151] : memref<2x512x16xf32, #tpu.memory_space<vmem>> -> memref<1x128x16xf32, #tpu.memory_space<vmem>>
      %dma_start3A_1153 = tpu.memref_squeeze %dma_start3A_1152 : memref<1x128x16xf32, #tpu.memory_space<vmem>> -> memref<128x16xf32, #tpu.memory_space<vmem>>
      %dma_start3A_1154 = arith.constant 0 : i32
      %dma_start3A_1155 = tpu.memref_slice %arg5[%dma_start3A_1148, %dma_start3A_1149, %dma_start3A_1154] : memref<2x4x128xi32, #tpu.memory_space<vmem>> -> memref<1x1x128xi32, #tpu.memory_space<vmem>>
      %dma_start3A_1156 = tpu.memref_squeeze %dma_start3A_1155 : memref<1x1x128xi32, #tpu.memory_space<vmem>> -> memref<128xi32, #tpu.memory_space<vmem>>
      %dma_start3A_1157 = arith.constant 0 : i32
      %dma_start3A_1158 = arith.constant 0 : i32
      %dma_start3A_1159 = tpu.memref_slice %arg8[%dma_start3A_1157, %dma_start3A_1158] : memref<100000x16xf32, #tpu.memory_space<vmem_shared>> -> memref<100000x16xf32, #tpu.memory_space<vmem_shared>>
      tpu.enqueue_indirect_dma source(%dma_start3A_1153 : memref<128x16xf32, #tpu.memory_space<vmem>>) target(%dma_start3A_1159 : memref<100000x16xf32, #tpu.memory_space<vmem_shared>>) offsets(%dma_start3A_1156 : memref<128xi32, #tpu.memory_space<vmem>>) semaphore(%arg11 : memref<!tpu.dma_semaphore, #tpu.memory_space<semaphore_mem>>) {add = true}
      %dma_start3A_1160 = arith.constant 1 : i32
      %dma_start3A_1161 = arith.constant 1 : i32
      %dma_start3A_1162 = arith.constant 2 : i32
      %dma_start3A_1163 = arith.constant 256 : i32
      %dma_start3A_1164 = arith.constant 0 : i32
      %dma_start3A_1165 = tpu.memref_slice %arg7[%dma_start3A_1160, %dma_start3A_1163, %dma_start3A_1164] : memref<2x512x16xf32, #tpu.memory_space<vmem>> -> memref<1x128x16xf32, #tpu.memory_space<vmem>>
      %dma_start3A_1166 = tpu.memref_squeeze %dma_start3A_1165 : memref<1x128x16xf32, #tpu.memory_space<vmem>> -> memref<128x16xf32, #tpu.memory_space<vmem>>
      %dma_start3A_1167 = arith.constant 0 : i32
      %dma_start3A_1168 = tpu.memref_slice %arg5[%dma_start3A_1161, %dma_start3A_1162, %dma_start3A_1167] : memref<2x4x128xi32, #tpu.memory_space<vmem>> -> memref<1x1x128xi32, #tpu.memory_space<vmem>>
      %dma_start3A_1169 = tpu.memref_squeeze %dma_start3A_1168 : memref<1x1x128xi32, #tpu.memory_space<vmem>> -> memref<128xi32, #tpu.memory_space<vmem>>
      %dma_start3A_1170 = arith.constant 0 : i32
      %dma_start3A_1171 = arith.constant 0 : i32
      %dma_start3A_1172 = tpu.memref_slice %arg8[%dma_start3A_1170, %dma_start3A_1171] : memref<100000x16xf32, #tpu.memory_space<vmem_shared>> -> memref<100000x16xf32, #tpu.memory_space<vmem_shared>>
      tpu.enqueue_indirect_dma source(%dma_start3A_1166 : memref<128x16xf32, #tpu.memory_space<vmem>>) target(%dma_start3A_1172 : memref<100000x16xf32, #tpu.memory_space<vmem_shared>>) offsets(%dma_start3A_1169 : memref<128xi32, #tpu.memory_space<vmem>>) semaphore(%arg11 : memref<!tpu.dma_semaphore, #tpu.memory_space<semaphore_mem>>) {add = true}
      %dma_start3A_1173 = arith.constant 1 : i32
      %dma_start3A_1174 = arith.constant 1 : i32
      %dma_start3A_1175 = arith.constant 3 : i32
      %dma_start3A_1176 = arith.constant 384 : i32
      %dma_start3A_1177 = arith.constant 0 : i32
      %dma_start3A_1178 = tpu.memref_slice %arg7[%dma_start3A_1173, %dma_start3A_1176, %dma_start3A_1177] : memref<2x512x16xf32, #tpu.memory_space<vmem>> -> memref<1x128x16xf32, #tpu.memory_space<vmem>>
      %dma_start3A_1179 = tpu.memref_squeeze %dma_start3A_1178 : memref<1x128x16xf32, #tpu.memory_space<vmem>> -> memref<128x16xf32, #tpu.memory_space<vmem>>
      %dma_start3A_1180 = arith.constant 0 : i32
      %dma_start3A_1181 = tpu.memref_slice %arg5[%dma_start3A_1174, %dma_start3A_1175, %dma_start3A_1180] : memref<2x4x128xi32, #tpu.memory_space<vmem>> -> memref<1x1x128xi32, #tpu.memory_space<vmem>>
      %dma_start3A_1182 = tpu.memref_squeeze %dma_start3A_1181 : memref<1x1x128xi32, #tpu.memory_space<vmem>> -> memref<128xi32, #tpu.memory_space<vmem>>
      %dma_start3A_1183 = arith.constant 0 : i32
      %dma_start3A_1184 = arith.constant 0 : i32
      %dma_start3A_1185 = tpu.memref_slice %arg8[%dma_start3A_1183, %dma_start3A_1184] : memref<100000x16xf32, #tpu.memory_space<vmem_shared>> -> memref<100000x16xf32, #tpu.memory_space<vmem_shared>>
      tpu.enqueue_indirect_dma source(%dma_start3A_1179 : memref<128x16xf32, #tpu.memory_space<vmem>>) target(%dma_start3A_1185 : memref<100000x16xf32, #tpu.memory_space<vmem_shared>>) offsets(%dma_start3A_1182 : memref<128xi32, #tpu.memory_space<vmem>>) semaphore(%arg11 : memref<!tpu.dma_semaphore, #tpu.memory_space<semaphore_mem>>) {add = true}
      %dma_wait3A_1186 = arith.constant 1 : i32
      %dma_wait3A_1187 = arith.constant 1 : i32
      %dma_wait3A_1188 = arith.constant 0 : i32
      %dma_wait3A_1189 = arith.constant 0 : i32
      %dma_wait3A_1190 = arith.constant 0 : i32
      %dma_wait3A_1191 = tpu.memref_slice %arg7[%dma_wait3A_1186, %dma_wait3A_1189, %dma_wait3A_1190] : memref<2x512x16xf32, #tpu.memory_space<vmem>> -> memref<1x128x16xf32, #tpu.memory_space<vmem>>
      %dma_wait3A_1192 = tpu.memref_squeeze %dma_wait3A_1191 : memref<1x128x16xf32, #tpu.memory_space<vmem>> -> memref<128x16xf32, #tpu.memory_space<vmem>>
      %dma_wait3A_1193 = arith.constant 0 : i32
      %dma_wait3A_1194 = tpu.memref_slice %arg5[%dma_wait3A_1187, %dma_wait3A_1188, %dma_wait3A_1193] : memref<2x4x128xi32, #tpu.memory_space<vmem>> -> memref<1x1x128xi32, #tpu.memory_space<vmem>>
      %dma_wait3A_1195 = tpu.memref_squeeze %dma_wait3A_1194 : memref<1x1x128xi32, #tpu.memory_space<vmem>> -> memref<128xi32, #tpu.memory_space<vmem>>
      %dma_wait3A_1196 = arith.constant 0 : i32
      %dma_wait3A_1197 = arith.constant 0 : i32
      %dma_wait3A_1198 = tpu.memref_slice %arg8[%dma_wait3A_1196, %dma_wait3A_1197] : memref<100000x16xf32, #tpu.memory_space<vmem_shared>> -> memref<100000x16xf32, #tpu.memory_space<vmem_shared>>
      tpu.wait_indirect_dma semaphore(%arg11 : memref<!tpu.dma_semaphore, #tpu.memory_space<semaphore_mem>>) src(%dma_wait3A_1192 : memref<128x16xf32, #tpu.memory_space<vmem>>) dst(%dma_wait3A_1198 : memref<100000x16xf32, #tpu.memory_space<vmem_shared>>)
      %dma_wait3A_1199 = arith.constant 1 : i32
      %dma_wait3A_1200 = arith.constant 1 : i32
      %dma_wait3A_1201 = arith.constant 1 : i32
      %dma_wait3A_1202 = arith.constant 128 : i32
      %dma_wait3A_1203 = arith.constant 0 : i32
      %dma_wait3A_1204 = tpu.memref_slice %arg7[%dma_wait3A_1199, %dma_wait3A_1202, %dma_wait3A_1203] : memref<2x512x16xf32, #tpu.memory_space<vmem>> -> memref<1x128x16xf32, #tpu.memory_space<vmem>>
      %dma_wait3A_1205 = tpu.memref_squeeze %dma_wait3A_1204 : memref<1x128x16xf32, #tpu.memory_space<vmem>> -> memref<128x16xf32, #tpu.memory_space<vmem>>
      %dma_wait3A_1206 = arith.constant 0 : i32
      %dma_wait3A_1207 = tpu.memref_slice %arg5[%dma_wait3A_1200, %dma_wait3A_1201, %dma_wait3A_1206] : memref<2x4x128xi32, #tpu.memory_space<vmem>> -> memref<1x1x128xi32, #tpu.memory_space<vmem>>
      %dma_wait3A_1208 = tpu.memref_squeeze %dma_wait3A_1207 : memref<1x1x128xi32, #tpu.memory_space<vmem>> -> memref<128xi32, #tpu.memory_space<vmem>>
      %dma_wait3A_1209 = arith.constant 0 : i32
      %dma_wait3A_1210 = arith.constant 0 : i32
      %dma_wait3A_1211 = tpu.memref_slice %arg8[%dma_wait3A_1209, %dma_wait3A_1210] : memref<100000x16xf32, #tpu.memory_space<vmem_shared>> -> memref<100000x16xf32, #tpu.memory_space<vmem_shared>>
      tpu.wait_indirect_dma semaphore(%arg11 : memref<!tpu.dma_semaphore, #tpu.memory_space<semaphore_mem>>) src(%dma_wait3A_1205 : memref<128x16xf32, #tpu.memory_space<vmem>>) dst(%dma_wait3A_1211 : memref<100000x16xf32, #tpu.memory_space<vmem_shared>>)
      %dma_wait3A_1212 = arith.constant 1 : i32
      %dma_wait3A_1213 = arith.constant 1 : i32
      %dma_wait3A_1214 = arith.constant 2 : i32
      %dma_wait3A_1215 = arith.constant 256 : i32
      %dma_wait3A_1216 = arith.constant 0 : i32
      %dma_wait3A_1217 = tpu.memref_slice %arg7[%dma_wait3A_1212, %dma_wait3A_1215, %dma_wait3A_1216] : memref<2x512x16xf32, #tpu.memory_space<vmem>> -> memref<1x128x16xf32, #tpu.memory_space<vmem>>
      %dma_wait3A_1218 = tpu.memref_squeeze %dma_wait3A_1217 : memref<1x128x16xf32, #tpu.memory_space<vmem>> -> memref<128x16xf32, #tpu.memory_space<vmem>>
      %dma_wait3A_1219 = arith.constant 0 : i32
      %dma_wait3A_1220 = tpu.memref_slice %arg5[%dma_wait3A_1213, %dma_wait3A_1214, %dma_wait3A_1219] : memref<2x4x128xi32, #tpu.memory_space<vmem>> -> memref<1x1x128xi32, #tpu.memory_space<vmem>>
      %dma_wait3A_1221 = tpu.memref_squeeze %dma_wait3A_1220 : memref<1x1x128xi32, #tpu.memory_space<vmem>> -> memref<128xi32, #tpu.memory_space<vmem>>
      %dma_wait3A_1222 = arith.constant 0 : i32
      %dma_wait3A_1223 = arith.constant 0 : i32
      %dma_wait3A_1224 = tpu.memref_slice %arg8[%dma_wait3A_1222, %dma_wait3A_1223] : memref<100000x16xf32, #tpu.memory_space<vmem_shared>> -> memref<100000x16xf32, #tpu.memory_space<vmem_shared>>
      tpu.wait_indirect_dma semaphore(%arg11 : memref<!tpu.dma_semaphore, #tpu.memory_space<semaphore_mem>>) src(%dma_wait3A_1218 : memref<128x16xf32, #tpu.memory_space<vmem>>) dst(%dma_wait3A_1224 : memref<100000x16xf32, #tpu.memory_space<vmem_shared>>)
      %dma_wait3A_1225 = arith.constant 1 : i32
      %dma_wait3A_1226 = arith.constant 1 : i32
      %dma_wait3A_1227 = arith.constant 3 : i32
      %dma_wait3A_1228 = arith.constant 384 : i32
      %dma_wait3A_1229 = arith.constant 0 : i32
      %dma_wait3A_1230 = tpu.memref_slice %arg7[%dma_wait3A_1225, %dma_wait3A_1228, %dma_wait3A_1229] : memref<2x512x16xf32, #tpu.memory_space<vmem>> -> memref<1x128x16xf32, #tpu.memory_space<vmem>>
      %dma_wait3A_1231 = tpu.memref_squeeze %dma_wait3A_1230 : memref<1x128x16xf32, #tpu.memory_space<vmem>> -> memref<128x16xf32, #tpu.memory_space<vmem>>
      %dma_wait3A_1232 = arith.constant 0 : i32
      %dma_wait3A_1233 = tpu.memref_slice %arg5[%dma_wait3A_1226, %dma_wait3A_1227, %dma_wait3A_1232] : memref<2x4x128xi32, #tpu.memory_space<vmem>> -> memref<1x1x128xi32, #tpu.memory_space<vmem>>
      %dma_wait3A_1234 = tpu.memref_squeeze %dma_wait3A_1233 : memref<1x1x128xi32, #tpu.memory_space<vmem>> -> memref<128xi32, #tpu.memory_space<vmem>>
      %dma_wait3A_1235 = arith.constant 0 : i32
      %dma_wait3A_1236 = arith.constant 0 : i32
      %dma_wait3A_1237 = tpu.memref_slice %arg8[%dma_wait3A_1235, %dma_wait3A_1236] : memref<100000x16xf32, #tpu.memory_space<vmem_shared>> -> memref<100000x16xf32, #tpu.memory_space<vmem_shared>>
      tpu.wait_indirect_dma semaphore(%arg11 : memref<!tpu.dma_semaphore, #tpu.memory_space<semaphore_mem>>) src(%dma_wait3A_1231 : memref<128x16xf32, #tpu.memory_space<vmem>>) dst(%dma_wait3A_1237 : memref<100000x16xf32, #tpu.memory_space<vmem_shared>>)
    }
    %while3A_106 = arith.constant 1 : i32
    scf.for %while3A_118 = %while3A_104 to %while3A_100 step %while3A_106  : i32 {
      %mul3A_119 = arith.muli %while3A_118, %while3A : i32
      %add3A_120 = arith.addi %while3A_97, %mul3A_119 : i32
      %add3A_121 = arith.constant 0 : i32
      %add3A_122 = arith.addi %add3A_120, %add3A_121 : i32
      %add3A_123 = arith.constant 1 : i32
      %add3A_124 = arith.addi %add3A_122, %add3A_123 : i32
      %lt3A_125 = arith.cmpi slt, %add3A_124, %mul3A_60 : i32
      %convert_element_type3A_126 = arith.extui %lt3A_125 : i1 to i32
      %cond3A_127 = arith.constant 0 : i32
      %cond3A_128 = arith.cmpi ne, %convert_element_type3A_126, %cond3A_127 : i32
      scf.if %cond3A_128 {
        %add3A_1238 = arith.constant 1 : i32
        %add3A_1239 = arith.addi %add3A_122, %add3A_1238 : i32
        %mul3A_1240 = arith.constant 4 : i32
        %mul3A_1241 = arith.muli %add3A_1239, %mul3A_1240 : i32
        %add3A_1242 = arith.addi %mul3A_53, %mul3A_1241 : i32
        %mul3A_1243 = arith.constant 128 : i32
        %mul3A_1244 = arith.muli %add3A_1242, %mul3A_1243 : i32
        %dma_start3A_1245 = arith.constant 1 : i32
        %dma_start3A_1246 = arith.constant 0 : i32
        %dma_start3A_1247 = arith.constant 0 : i32
        %dma_start3A_1248 = tpu.memref_slice %arg7[%dma_start3A_1245, %dma_start3A_1246, %dma_start3A_1247] : memref<2x512x16xf32, #tpu.memory_space<vmem>> -> memref<1x512x16xf32, #tpu.memory_space<vmem>>
        %dma_start3A_1249 = tpu.memref_squeeze %dma_start3A_1248 : memref<1x512x16xf32, #tpu.memory_space<vmem>> -> memref<512x16xf32, #tpu.memory_space<vmem>>
        %dma_start3A_1250 = arith.constant 0 : i32
        %dma_start3A_1251 = tpu.memref_slice %arg3[%mul3A_1244, %dma_start3A_1250] : memref<3200000x16xf32, #tpu.memory_space<hbm>> -> memref<512x16xf32, #tpu.memory_space<hbm>>
        %dma_start3A_1252 = arith.constant 0 : i32
        %dma_start3A_1253 = arith.constant 0 : i32
        %dma_start3A_1254 = tpu.memref_slice %arg7[%dma_start3A_1245, %dma_start3A_1252, %dma_start3A_1253] : memref<2x512x16xf32, #tpu.memory_space<vmem>> -> memref<1x512x16xf32, #tpu.memory_space<vmem>>
        %dma_start3A_1255 = tpu.memref_squeeze %dma_start3A_1254 : memref<1x512x16xf32, #tpu.memory_space<vmem>> -> memref<512x16xf32, #tpu.memory_space<vmem>>
        %dma_start3A_1256 = arith.constant 0 : i32
        %dma_start3A_1257 = tpu.memref_slice %arg3[%mul3A_1244, %dma_start3A_1256] : memref<3200000x16xf32, #tpu.memory_space<hbm>> -> memref<512x16xf32, #tpu.memory_space<hbm>>
        tpu.enqueue_dma source(%dma_start3A_1257 : memref<512x16xf32, #tpu.memory_space<hbm>>) target(%dma_start3A_1255 : memref<512x16xf32, #tpu.memory_space<vmem>>) target_semaphore(%arg10 : memref<!tpu.dma_semaphore, #tpu.memory_space<semaphore_mem>>)
        %mul3A_1258 = arith.constant 128 : i32
        %mul3A_1259 = arith.muli %add3A_1242, %mul3A_1258 : i32
        %dma_start3A_1260 = arith.constant 1 : i32
        %dma_start3A_1261 = arith.constant 1 : i32
        %dma_start3A_1262 = arith.constant 0 : i32
        %dma_start3A_1263 = tpu.memref_slice %arg6[%dma_start3A_1261, %dma_start3A_1262] : memref<2x512xi32, #tpu.memory_space<vmem>> -> memref<1x512xi32, #tpu.memory_space<vmem>>
        %dma_start3A_1264 = tpu.memref_squeeze %dma_start3A_1263 : memref<1x512xi32, #tpu.memory_space<vmem>> -> memref<512xi32, #tpu.memory_space<vmem>>
        %dma_start3A_1265 = tpu.memref_slice %arg2[%dma_start3A_1260, %mul3A_1259] : memref<2x3200000xi32, #tpu.memory_space<hbm>> -> memref<1x512xi32, #tpu.memory_space<hbm>>
        %dma_start3A_1266 = tpu.memref_squeeze %dma_start3A_1265 : memref<1x512xi32, #tpu.memory_space<hbm>> -> memref<512xi32, #tpu.memory_space<hbm>>
        %dma_start3A_1267 = arith.constant 0 : i32
        %dma_start3A_1268 = tpu.memref_slice %arg6[%dma_start3A_1261, %dma_start3A_1267] : memref<2x512xi32, #tpu.memory_space<vmem>> -> memref<1x512xi32, #tpu.memory_space<vmem>>
        %dma_start3A_1269 = tpu.memref_squeeze %dma_start3A_1268 : memref<1x512xi32, #tpu.memory_space<vmem>> -> memref<512xi32, #tpu.memory_space<vmem>>
        %dma_start3A_1270 = tpu.memref_slice %arg2[%dma_start3A_1260, %mul3A_1259] : memref<2x3200000xi32, #tpu.memory_space<hbm>> -> memref<1x512xi32, #tpu.memory_space<hbm>>
        %dma_start3A_1271 = tpu.memref_squeeze %dma_start3A_1270 : memref<1x512xi32, #tpu.memory_space<hbm>> -> memref<512xi32, #tpu.memory_space<hbm>>
        tpu.enqueue_dma source(%dma_start3A_1271 : memref<512xi32, #tpu.memory_space<hbm>>) target(%dma_start3A_1269 : memref<512xi32, #tpu.memory_space<vmem>>) target_semaphore(%arg10 : memref<!tpu.dma_semaphore, #tpu.memory_space<semaphore_mem>>)
      } else {
      }
      %mul3A_129 = arith.constant 4 : i32
      %mul3A_130 = arith.muli %add3A_122, %mul3A_129 : i32
      %add3A_131 = arith.addi %mul3A_53, %mul3A_130 : i32
      %mul3A_132 = arith.constant 128 : i32
      %mul3A_133 = arith.muli %add3A_131, %mul3A_132 : i32
      %dma_wait3A = arith.constant 0 : i32
      %dma_wait3A_134 = arith.constant 0 : i32
      %dma_wait3A_135 = arith.constant 0 : i32
      %dma_wait3A_136 = tpu.memref_slice %arg7[%dma_wait3A, %dma_wait3A_134, %dma_wait3A_135] : memref<2x512x16xf32, #tpu.memory_space<vmem>> -> memref<1x512x16xf32, #tpu.memory_space<vmem>>
      %dma_wait3A_137 = tpu.memref_squeeze %dma_wait3A_136 : memref<1x512x16xf32, #tpu.memory_space<vmem>> -> memref<512x16xf32, #tpu.memory_space<vmem>>
      %dma_wait3A_138 = arith.constant 0 : i32
      %dma_wait3A_139 = tpu.memref_slice %arg3[%mul3A_133, %dma_wait3A_138] : memref<3200000x16xf32, #tpu.memory_space<hbm>> -> memref<512x16xf32, #tpu.memory_space<hbm>>
      %dma_wait3A_140 = arith.constant 0 : i32
      %dma_wait3A_141 = arith.constant 0 : i32
      %dma_wait3A_142 = tpu.memref_slice %arg7[%dma_wait3A, %dma_wait3A_140, %dma_wait3A_141] : memref<2x512x16xf32, #tpu.memory_space<vmem>> -> memref<1x512x16xf32, #tpu.memory_space<vmem>>
      %dma_wait3A_143 = tpu.memref_squeeze %dma_wait3A_142 : memref<1x512x16xf32, #tpu.memory_space<vmem>> -> memref<512x16xf32, #tpu.memory_space<vmem>>
      %dma_wait3A_144 = arith.constant 0 : i32
      %dma_wait3A_145 = tpu.memref_slice %arg3[%mul3A_133, %dma_wait3A_144] : memref<3200000x16xf32, #tpu.memory_space<hbm>> -> memref<512x16xf32, #tpu.memory_space<hbm>>
      tpu.wait_dma2 semaphore(%arg9 : memref<!tpu.dma_semaphore, #tpu.memory_space<semaphore_mem>>) src(%dma_wait3A_145 : memref<512x16xf32, #tpu.memory_space<hbm>>) dst(%dma_wait3A_143 : memref<512x16xf32, #tpu.memory_space<vmem>>)
      %mul3A_146 = arith.constant 128 : i32
      %mul3A_147 = arith.muli %add3A_131, %mul3A_146 : i32
      %dma_wait3A_148 = arith.constant 1 : i32
      %dma_wait3A_149 = arith.constant 0 : i32
      %dma_wait3A_150 = arith.constant 0 : i32
      %dma_wait3A_151 = tpu.memref_slice %arg6[%dma_wait3A_149, %dma_wait3A_150] : memref<2x512xi32, #tpu.memory_space<vmem>> -> memref<1x512xi32, #tpu.memory_space<vmem>>
      %dma_wait3A_152 = tpu.memref_squeeze %dma_wait3A_151 : memref<1x512xi32, #tpu.memory_space<vmem>> -> memref<512xi32, #tpu.memory_space<vmem>>
      %dma_wait3A_153 = tpu.memref_slice %arg2[%dma_wait3A_148, %mul3A_147] : memref<2x3200000xi32, #tpu.memory_space<hbm>> -> memref<1x512xi32, #tpu.memory_space<hbm>>
      %dma_wait3A_154 = tpu.memref_squeeze %dma_wait3A_153 : memref<1x512xi32, #tpu.memory_space<hbm>> -> memref<512xi32, #tpu.memory_space<hbm>>
      %dma_wait3A_155 = arith.constant 0 : i32
      %dma_wait3A_156 = tpu.memref_slice %arg6[%dma_wait3A_149, %dma_wait3A_155] : memref<2x512xi32, #tpu.memory_space<vmem>> -> memref<1x512xi32, #tpu.memory_space<vmem>>
      %dma_wait3A_157 = tpu.memref_squeeze %dma_wait3A_156 : memref<1x512xi32, #tpu.memory_space<vmem>> -> memref<512xi32, #tpu.memory_space<vmem>>
      %dma_wait3A_158 = tpu.memref_slice %arg2[%dma_wait3A_148, %mul3A_147] : memref<2x3200000xi32, #tpu.memory_space<hbm>> -> memref<1x512xi32, #tpu.memory_space<hbm>>
      %dma_wait3A_159 = tpu.memref_squeeze %dma_wait3A_158 : memref<1x512xi32, #tpu.memory_space<hbm>> -> memref<512xi32, #tpu.memory_space<hbm>>
      tpu.wait_dma2 semaphore(%arg9 : memref<!tpu.dma_semaphore, #tpu.memory_space<semaphore_mem>>) src(%dma_wait3A_159 : memref<512xi32, #tpu.memory_space<hbm>>) dst(%dma_wait3A_157 : memref<512xi32, #tpu.memory_space<vmem>>)
      %get3A = arith.constant 0 : i32
      %get3A_160 = arith.index_cast %get3A : i32 to index
      %get3A_161 = arith.constant 0 : index
      %get3A_162 = tpu.vector_load %arg6[%get3A_160, %get3A_161] {strides = array<i32>} : memref<2x512xi32, #tpu.memory_space<vmem>>, vector<1x16xi32>,
      %get3A_163 = vector.shape_cast %get3A_162 : vector<1x16xi32> to vector<16xi32>
      %swap3A = arith.constant 0 : i32
      %swap3A_164 = arith.constant 0 : i32
      %swap3A_165 = arith.index_cast %swap3A : i32 to index
      %swap3A_166 = arith.index_cast %swap3A_164 : i32 to index
      %swap3A_167 = arith.constant 0 : index
      %swap3A_168 = tpu.vector_load %arg5[%swap3A_165, %swap3A_166, %swap3A_167] {strides = array<i32>} : memref<2x4x128xi32, #tpu.memory_space<vmem>>, vector<1x1x16xi32>,
      %swap3A_169 = vector.shape_cast %swap3A_168 : vector<1x1x16xi32> to vector<16xi32>
      %swap3A_170 = vector.shape_cast %get3A_163 : vector<16xi32> to vector<1x1x16xi32>
      tpu.vector_store %arg5[%swap3A_165, %swap3A_166, %swap3A_167], %swap3A_170 {strides = array<i32>} : memref<2x4x128xi32, #tpu.memory_space<vmem>>, vector<1x1x16xi32>,
      %get3A_171 = arith.constant 0 : i32
      %get3A_172 = arith.index_cast %get3A_171 : i32 to index
      %get3A_173 = arith.constant 16 : index
      %get3A_174 = tpu.vector_load %arg6[%get3A_172, %get3A_173] {strides = array<i32>} : memref<2x512xi32, #tpu.memory_space<vmem>>, vector<1x16xi32>,
      %get3A_175 = vector.shape_cast %get3A_174 : vector<1x16xi32> to vector<16xi32>
      %swap3A_176 = arith.constant 0 : i32
      %swap3A_177 = arith.constant 0 : i32
      %swap3A_178 = arith.index_cast %swap3A_176 : i32 to index
      %swap3A_179 = arith.index_cast %swap3A_177 : i32 to index
      %swap3A_180 = arith.constant 16 : index
      %swap3A_181 = tpu.vector_load %arg5[%swap3A_178, %swap3A_179, %swap3A_180] {strides = array<i32>} : memref<2x4x128xi32, #tpu.memory_space<vmem>>, vector<1x1x16xi32>,
      %swap3A_182 = vector.shape_cast %swap3A_181 : vector<1x1x16xi32> to vector<16xi32>
      %swap3A_183 = vector.shape_cast %get3A_175 : vector<16xi32> to vector<1x1x16xi32>
      tpu.vector_store %arg5[%swap3A_178, %swap3A_179, %swap3A_180], %swap3A_183 {strides = array<i32>} : memref<2x4x128xi32, #tpu.memory_space<vmem>>, vector<1x1x16xi32>,
      %get3A_184 = arith.constant 0 : i32
      %get3A_185 = arith.index_cast %get3A_184 : i32 to index
      %get3A_186 = arith.constant 32 : index
      %get3A_187 = tpu.vector_load %arg6[%get3A_185, %get3A_186] {strides = array<i32>} : memref<2x512xi32, #tpu.memory_space<vmem>>, vector<1x16xi32>,
      %get3A_188 = vector.shape_cast %get3A_187 : vector<1x16xi32> to vector<16xi32>
      %swap3A_189 = arith.constant 0 : i32
      %swap3A_190 = arith.constant 0 : i32
      %swap3A_191 = arith.index_cast %swap3A_189 : i32 to index
      %swap3A_192 = arith.index_cast %swap3A_190 : i32 to index
      %swap3A_193 = arith.constant 32 : index
      %swap3A_194 = tpu.vector_load %arg5[%swap3A_191, %swap3A_192, %swap3A_193] {strides = array<i32>} : memref<2x4x128xi32, #tpu.memory_space<vmem>>, vector<1x1x16xi32>,
      %swap3A_195 = vector.shape_cast %swap3A_194 : vector<1x1x16xi32> to vector<16xi32>
      %swap3A_196 = vector.shape_cast %get3A_188 : vector<16xi32> to vector<1x1x16xi32>
      tpu.vector_store %arg5[%swap3A_191, %swap3A_192, %swap3A_193], %swap3A_196 {strides = array<i32>} : memref<2x4x128xi32, #tpu.memory_space<vmem>>, vector<1x1x16xi32>,
      %get3A_197 = arith.constant 0 : i32
      %get3A_198 = arith.index_cast %get3A_197 : i32 to index
      %get3A_199 = arith.constant 48 : index
      %get3A_200 = tpu.vector_load %arg6[%get3A_198, %get3A_199] {strides = array<i32>} : memref<2x512xi32, #tpu.memory_space<vmem>>, vector<1x16xi32>,
      %get3A_201 = vector.shape_cast %get3A_200 : vector<1x16xi32> to vector<16xi32>
      %swap3A_202 = arith.constant 0 : i32
      %swap3A_203 = arith.constant 0 : i32
      %swap3A_204 = arith.index_cast %swap3A_202 : i32 to index
      %swap3A_205 = arith.index_cast %swap3A_203 : i32 to index
      %swap3A_206 = arith.constant 48 : index
      %swap3A_207 = tpu.vector_load %arg5[%swap3A_204, %swap3A_205, %swap3A_206] {strides = array<i32>} : memref<2x4x128xi32, #tpu.memory_space<vmem>>, vector<1x1x16xi32>,
      %swap3A_208 = vector.shape_cast %swap3A_207 : vector<1x1x16xi32> to vector<16xi32>
      %swap3A_209 = vector.shape_cast %get3A_201 : vector<16xi32> to vector<1x1x16xi32>
      tpu.vector_store %arg5[%swap3A_204, %swap3A_205, %swap3A_206], %swap3A_209 {strides = array<i32>} : memref<2x4x128xi32, #tpu.memory_space<vmem>>, vector<1x1x16xi32>,
      %get3A_210 = arith.constant 0 : i32
      %get3A_211 = arith.index_cast %get3A_210 : i32 to index
      %get3A_212 = arith.constant 64 : index
      %get3A_213 = tpu.vector_load %arg6[%get3A_211, %get3A_212] {strides = array<i32>} : memref<2x512xi32, #tpu.memory_space<vmem>>, vector<1x16xi32>,
      %get3A_214 = vector.shape_cast %get3A_213 : vector<1x16xi32> to vector<16xi32>
      %swap3A_215 = arith.constant 0 : i32
      %swap3A_216 = arith.constant 0 : i32
      %swap3A_217 = arith.index_cast %swap3A_215 : i32 to index
      %swap3A_218 = arith.index_cast %swap3A_216 : i32 to index
      %swap3A_219 = arith.constant 64 : index
      %swap3A_220 = tpu.vector_load %arg5[%swap3A_217, %swap3A_218, %swap3A_219] {strides = array<i32>} : memref<2x4x128xi32, #tpu.memory_space<vmem>>, vector<1x1x16xi32>,
      %swap3A_221 = vector.shape_cast %swap3A_220 : vector<1x1x16xi32> to vector<16xi32>
      %swap3A_222 = vector.shape_cast %get3A_214 : vector<16xi32> to vector<1x1x16xi32>
      tpu.vector_store %arg5[%swap3A_217, %swap3A_218, %swap3A_219], %swap3A_222 {strides = array<i32>} : memref<2x4x128xi32, #tpu.memory_space<vmem>>, vector<1x1x16xi32>,
      %get3A_223 = arith.constant 0 : i32
      %get3A_224 = arith.index_cast %get3A_223 : i32 to index
      %get3A_225 = arith.constant 80 : index
      %get3A_226 = tpu.vector_load %arg6[%get3A_224, %get3A_225] {strides = array<i32>} : memref<2x512xi32, #tpu.memory_space<vmem>>, vector<1x16xi32>,
      %get3A_227 = vector.shape_cast %get3A_226 : vector<1x16xi32> to vector<16xi32>
      %swap3A_228 = arith.constant 0 : i32
      %swap3A_229 = arith.constant 0 : i32
      %swap3A_230 = arith.index_cast %swap3A_228 : i32 to index
      %swap3A_231 = arith.index_cast %swap3A_229 : i32 to index
      %swap3A_232 = arith.constant 80 : index
      %swap3A_233 = tpu.vector_load %arg5[%swap3A_230, %swap3A_231, %swap3A_232] {strides = array<i32>} : memref<2x4x128xi32, #tpu.memory_space<vmem>>, vector<1x1x16xi32>,
      %swap3A_234 = vector.shape_cast %swap3A_233 : vector<1x1x16xi32> to vector<16xi32>
      %swap3A_235 = vector.shape_cast %get3A_227 : vector<16xi32> to vector<1x1x16xi32>
      tpu.vector_store %arg5[%swap3A_230, %swap3A_231, %swap3A_232], %swap3A_235 {strides = array<i32>} : memref<2x4x128xi32, #tpu.memory_space<vmem>>, vector<1x1x16xi32>,
      %get3A_236 = arith.constant 0 : i32
      %get3A_237 = arith.index_cast %get3A_236 : i32 to index
      %get3A_238 = arith.constant 96 : index
      %get3A_239 = tpu.vector_load %arg6[%get3A_237, %get3A_238] {strides = array<i32>} : memref<2x512xi32, #tpu.memory_space<vmem>>, vector<1x16xi32>,
      %get3A_240 = vector.shape_cast %get3A_239 : vector<1x16xi32> to vector<16xi32>
      %swap3A_241 = arith.constant 0 : i32
      %swap3A_242 = arith.constant 0 : i32
      %swap3A_243 = arith.index_cast %swap3A_241 : i32 to index
      %swap3A_244 = arith.index_cast %swap3A_242 : i32 to index
      %swap3A_245 = arith.constant 96 : index
      %swap3A_246 = tpu.vector_load %arg5[%swap3A_243, %swap3A_244, %swap3A_245] {strides = array<i32>} : memref<2x4x128xi32, #tpu.memory_space<vmem>>, vector<1x1x16xi32>,
      %swap3A_247 = vector.shape_cast %swap3A_246 : vector<1x1x16xi32> to vector<16xi32>
      %swap3A_248 = vector.shape_cast %get3A_240 : vector<16xi32> to vector<1x1x16xi32>
      tpu.vector_store %arg5[%swap3A_243, %swap3A_244, %swap3A_245], %swap3A_248 {strides = array<i32>} : memref<2x4x128xi32, #tpu.memory_space<vmem>>, vector<1x1x16xi32>,
      %get3A_249 = arith.constant 0 : i32
      %get3A_250 = arith.index_cast %get3A_249 : i32 to index
      %get3A_251 = arith.constant 112 : index
      %get3A_252 = tpu.vector_load %arg6[%get3A_250, %get3A_251] {strides = array<i32>} : memref<2x512xi32, #tpu.memory_space<vmem>>, vector<1x16xi32>,
      %get3A_253 = vector.shape_cast %get3A_252 : vector<1x16xi32> to vector<16xi32>
      %swap3A_254 = arith.constant 0 : i32
      %swap3A_255 = arith.constant 0 : i32
      %swap3A_256 = arith.index_cast %swap3A_254 : i32 to index
      %swap3A_257 = arith.index_cast %swap3A_255 : i32 to index
      %swap3A_258 = arith.constant 112 : index
      %swap3A_259 = tpu.vector_load %arg5[%swap3A_256, %swap3A_257, %swap3A_258] {strides = array<i32>} : memref<2x4x128xi32, #tpu.memory_space<vmem>>, vector<1x1x16xi32>,
      %swap3A_260 = vector.shape_cast %swap3A_259 : vector<1x1x16xi32> to vector<16xi32>
      %swap3A_261 = vector.shape_cast %get3A_253 : vector<16xi32> to vector<1x1x16xi32>
      tpu.vector_store %arg5[%swap3A_256, %swap3A_257, %swap3A_258], %swap3A_261 {strides = array<i32>} : memref<2x4x128xi32, #tpu.memory_space<vmem>>, vector<1x1x16xi32>,
      %get3A_262 = arith.constant 0 : i32
      %get3A_263 = arith.index_cast %get3A_262 : i32 to index
      %get3A_264 = arith.constant 128 : index
      %get3A_265 = tpu.vector_load %arg6[%get3A_263, %get3A_264] {strides = array<i32>} : memref<2x512xi32, #tpu.memory_space<vmem>>, vector<1x16xi32>,
      %get3A_266 = vector.shape_cast %get3A_265 : vector<1x16xi32> to vector<16xi32>
      %swap3A_267 = arith.constant 0 : i32
      %swap3A_268 = arith.constant 1 : i32
      %swap3A_269 = arith.index_cast %swap3A_267 : i32 to index
      %swap3A_270 = arith.index_cast %swap3A_268 : i32 to index
      %swap3A_271 = arith.constant 0 : index
      %swap3A_272 = tpu.vector_load %arg5[%swap3A_269, %swap3A_270, %swap3A_271] {strides = array<i32>} : memref<2x4x128xi32, #tpu.memory_space<vmem>>, vector<1x1x16xi32>,
      %swap3A_273 = vector.shape_cast %swap3A_272 : vector<1x1x16xi32> to vector<16xi32>
      %swap3A_274 = vector.shape_cast %get3A_266 : vector<16xi32> to vector<1x1x16xi32>
      tpu.vector_store %arg5[%swap3A_269, %swap3A_270, %swap3A_271], %swap3A_274 {strides = array<i32>} : memref<2x4x128xi32, #tpu.memory_space<vmem>>, vector<1x1x16xi32>,
      %get3A_275 = arith.constant 0 : i32
      %get3A_276 = arith.index_cast %get3A_275 : i32 to index
      %get3A_277 = arith.constant 144 : index
      %get3A_278 = tpu.vector_load %arg6[%get3A_276, %get3A_277] {strides = array<i32>} : memref<2x512xi32, #tpu.memory_space<vmem>>, vector<1x16xi32>,
      %get3A_279 = vector.shape_cast %get3A_278 : vector<1x16xi32> to vector<16xi32>
      %swap3A_280 = arith.constant 0 : i32
      %swap3A_281 = arith.constant 1 : i32
      %swap3A_282 = arith.index_cast %swap3A_280 : i32 to index
      %swap3A_283 = arith.index_cast %swap3A_281 : i32 to index
      %swap3A_284 = arith.constant 16 : index
      %swap3A_285 = tpu.vector_load %arg5[%swap3A_282, %swap3A_283, %swap3A_284] {strides = array<i32>} : memref<2x4x128xi32, #tpu.memory_space<vmem>>, vector<1x1x16xi32>,
      %swap3A_286 = vector.shape_cast %swap3A_285 : vector<1x1x16xi32> to vector<16xi32>
      %swap3A_287 = vector.shape_cast %get3A_279 : vector<16xi32> to vector<1x1x16xi32>
      tpu.vector_store %arg5[%swap3A_282, %swap3A_283, %swap3A_284], %swap3A_287 {strides = array<i32>} : memref<2x4x128xi32, #tpu.memory_space<vmem>>, vector<1x1x16xi32>,
      %get3A_288 = arith.constant 0 : i32
      %get3A_289 = arith.index_cast %get3A_288 : i32 to index
      %get3A_290 = arith.constant 160 : index
      %get3A_291 = tpu.vector_load %arg6[%get3A_289, %get3A_290] {strides = array<i32>} : memref<2x512xi32, #tpu.memory_space<vmem>>, vector<1x16xi32>,
      %get3A_292 = vector.shape_cast %get3A_291 : vector<1x16xi32> to vector<16xi32>
      %swap3A_293 = arith.constant 0 : i32
      %swap3A_294 = arith.constant 1 : i32
      %swap3A_295 = arith.index_cast %swap3A_293 : i32 to index
      %swap3A_296 = arith.index_cast %swap3A_294 : i32 to index
      %swap3A_297 = arith.constant 32 : index
      %swap3A_298 = tpu.vector_load %arg5[%swap3A_295, %swap3A_296, %swap3A_297] {strides = array<i32>} : memref<2x4x128xi32, #tpu.memory_space<vmem>>, vector<1x1x16xi32>,
      %swap3A_299 = vector.shape_cast %swap3A_298 : vector<1x1x16xi32> to vector<16xi32>
      %swap3A_300 = vector.shape_cast %get3A_292 : vector<16xi32> to vector<1x1x16xi32>
      tpu.vector_store %arg5[%swap3A_295, %swap3A_296, %swap3A_297], %swap3A_300 {strides = array<i32>} : memref<2x4x128xi32, #tpu.memory_space<vmem>>, vector<1x1x16xi32>,
      %get3A_301 = arith.constant 0 : i32
      %get3A_302 = arith.index_cast %get3A_301 : i32 to index
      %get3A_303 = arith.constant 176 : index
      %get3A_304 = tpu.vector_load %arg6[%get3A_302, %get3A_303] {strides = array<i32>} : memref<2x512xi32, #tpu.memory_space<vmem>>, vector<1x16xi32>,
      %get3A_305 = vector.shape_cast %get3A_304 : vector<1x16xi32> to vector<16xi32>
      %swap3A_306 = arith.constant 0 : i32
      %swap3A_307 = arith.constant 1 : i32
      %swap3A_308 = arith.index_cast %swap3A_306 : i32 to index
      %swap3A_309 = arith.index_cast %swap3A_307 : i32 to index
      %swap3A_310 = arith.constant 48 : index
      %swap3A_311 = tpu.vector_load %arg5[%swap3A_308, %swap3A_309, %swap3A_310] {strides = array<i32>} : memref<2x4x128xi32, #tpu.memory_space<vmem>>, vector<1x1x16xi32>,
      %swap3A_312 = vector.shape_cast %swap3A_311 : vector<1x1x16xi32> to vector<16xi32>
      %swap3A_313 = vector.shape_cast %get3A_305 : vector<16xi32> to vector<1x1x16xi32>
      tpu.vector_store %arg5[%swap3A_308, %swap3A_309, %swap3A_310], %swap3A_313 {strides = array<i32>} : memref<2x4x128xi32, #tpu.memory_space<vmem>>, vector<1x1x16xi32>,
      %get3A_314 = arith.constant 0 : i32
      %get3A_315 = arith.index_cast %get3A_314 : i32 to index
      %get3A_316 = arith.constant 192 : index
      %get3A_317 = tpu.vector_load %arg6[%get3A_315, %get3A_316] {strides = array<i32>} : memref<2x512xi32, #tpu.memory_space<vmem>>, vector<1x16xi32>,
      %get3A_318 = vector.shape_cast %get3A_317 : vector<1x16xi32> to vector<16xi32>
      %swap3A_319 = arith.constant 0 : i32
      %swap3A_320 = arith.constant 1 : i32
      %swap3A_321 = arith.index_cast %swap3A_319 : i32 to index
      %swap3A_322 = arith.index_cast %swap3A_320 : i32 to index
      %swap3A_323 = arith.constant 64 : index
      %swap3A_324 = tpu.vector_load %arg5[%swap3A_321, %swap3A_322, %swap3A_323] {strides = array<i32>} : memref<2x4x128xi32, #tpu.memory_space<vmem>>, vector<1x1x16xi32>,
      %swap3A_325 = vector.shape_cast %swap3A_324 : vector<1x1x16xi32> to vector<16xi32>
      %swap3A_326 = vector.shape_cast %get3A_318 : vector<16xi32> to vector<1x1x16xi32>
      tpu.vector_store %arg5[%swap3A_321, %swap3A_322, %swap3A_323], %swap3A_326 {strides = array<i32>} : memref<2x4x128xi32, #tpu.memory_space<vmem>>, vector<1x1x16xi32>,
      %get3A_327 = arith.constant 0 : i32
      %get3A_328 = arith.index_cast %get3A_327 : i32 to index
      %get3A_329 = arith.constant 208 : index
      %get3A_330 = tpu.vector_load %arg6[%get3A_328, %get3A_329] {strides = array<i32>} : memref<2x512xi32, #tpu.memory_space<vmem>>, vector<1x16xi32>,
      %get3A_331 = vector.shape_cast %get3A_330 : vector<1x16xi32> to vector<16xi32>
      %swap3A_332 = arith.constant 0 : i32
      %swap3A_333 = arith.constant 1 : i32
      %swap3A_334 = arith.index_cast %swap3A_332 : i32 to index
      %swap3A_335 = arith.index_cast %swap3A_333 : i32 to index
      %swap3A_336 = arith.constant 80 : index
      %swap3A_337 = tpu.vector_load %arg5[%swap3A_334, %swap3A_335, %swap3A_336] {strides = array<i32>} : memref<2x4x128xi32, #tpu.memory_space<vmem>>, vector<1x1x16xi32>,
      %swap3A_338 = vector.shape_cast %swap3A_337 : vector<1x1x16xi32> to vector<16xi32>
      %swap3A_339 = vector.shape_cast %get3A_331 : vector<16xi32> to vector<1x1x16xi32>
      tpu.vector_store %arg5[%swap3A_334, %swap3A_335, %swap3A_336], %swap3A_339 {strides = array<i32>} : memref<2x4x128xi32, #tpu.memory_space<vmem>>, vector<1x1x16xi32>,
      %get3A_340 = arith.constant 0 : i32
      %get3A_341 = arith.index_cast %get3A_340 : i32 to index
      %get3A_342 = arith.constant 224 : index
      %get3A_343 = tpu.vector_load %arg6[%get3A_341, %get3A_342] {strides = array<i32>} : memref<2x512xi32, #tpu.memory_space<vmem>>, vector<1x16xi32>,
      %get3A_344 = vector.shape_cast %get3A_343 : vector<1x16xi32> to vector<16xi32>
      %swap3A_345 = arith.constant 0 : i32
      %swap3A_346 = arith.constant 1 : i32
      %swap3A_347 = arith.index_cast %swap3A_345 : i32 to index
      %swap3A_348 = arith.index_cast %swap3A_346 : i32 to index
      %swap3A_349 = arith.constant 96 : index
      %swap3A_350 = tpu.vector_load %arg5[%swap3A_347, %swap3A_348, %swap3A_349] {strides = array<i32>} : memref<2x4x128xi32, #tpu.memory_space<vmem>>, vector<1x1x16xi32>,
      %swap3A_351 = vector.shape_cast %swap3A_350 : vector<1x1x16xi32> to vector<16xi32>
      %swap3A_352 = vector.shape_cast %get3A_344 : vector<16xi32> to vector<1x1x16xi32>
      tpu.vector_store %arg5[%swap3A_347, %swap3A_348, %swap3A_349], %swap3A_352 {strides = array<i32>} : memref<2x4x128xi32, #tpu.memory_space<vmem>>, vector<1x1x16xi32>,
      %get3A_353 = arith.constant 0 : i32
      %get3A_354 = arith.index_cast %get3A_353 : i32 to index
      %get3A_355 = arith.constant 240 : index
      %get3A_356 = tpu.vector_load %arg6[%get3A_354, %get3A_355] {strides = array<i32>} : memref<2x512xi32, #tpu.memory_space<vmem>>, vector<1x16xi32>,
      %get3A_357 = vector.shape_cast %get3A_356 : vector<1x16xi32> to vector<16xi32>
      %swap3A_358 = arith.constant 0 : i32
      %swap3A_359 = arith.constant 1 : i32
      %swap3A_360 = arith.index_cast %swap3A_358 : i32 to index
      %swap3A_361 = arith.index_cast %swap3A_359 : i32 to index
      %swap3A_362 = arith.constant 112 : index
      %swap3A_363 = tpu.vector_load %arg5[%swap3A_360, %swap3A_361, %swap3A_362] {strides = array<i32>} : memref<2x4x128xi32, #tpu.memory_space<vmem>>, vector<1x1x16xi32>,
      %swap3A_364 = vector.shape_cast %swap3A_363 : vector<1x1x16xi32> to vector<16xi32>
      %swap3A_365 = vector.shape_cast %get3A_357 : vector<16xi32> to vector<1x1x16xi32>
      tpu.vector_store %arg5[%swap3A_360, %swap3A_361, %swap3A_362], %swap3A_365 {strides = array<i32>} : memref<2x4x128xi32, #tpu.memory_space<vmem>>, vector<1x1x16xi32>,
      %get3A_366 = arith.constant 0 : i32
      %get3A_367 = arith.index_cast %get3A_366 : i32 to index
      %get3A_368 = arith.constant 256 : index
      %get3A_369 = tpu.vector_load %arg6[%get3A_367, %get3A_368] {strides = array<i32>} : memref<2x512xi32, #tpu.memory_space<vmem>>, vector<1x16xi32>,
      %get3A_370 = vector.shape_cast %get3A_369 : vector<1x16xi32> to vector<16xi32>
      %swap3A_371 = arith.constant 0 : i32
      %swap3A_372 = arith.constant 2 : i32
      %swap3A_373 = arith.index_cast %swap3A_371 : i32 to index
      %swap3A_374 = arith.index_cast %swap3A_372 : i32 to index
      %swap3A_375 = arith.constant 0 : index
      %swap3A_376 = tpu.vector_load %arg5[%swap3A_373, %swap3A_374, %swap3A_375] {strides = array<i32>} : memref<2x4x128xi32, #tpu.memory_space<vmem>>, vector<1x1x16xi32>,
      %swap3A_377 = vector.shape_cast %swap3A_376 : vector<1x1x16xi32> to vector<16xi32>
      %swap3A_378 = vector.shape_cast %get3A_370 : vector<16xi32> to vector<1x1x16xi32>
      tpu.vector_store %arg5[%swap3A_373, %swap3A_374, %swap3A_375], %swap3A_378 {strides = array<i32>} : memref<2x4x128xi32, #tpu.memory_space<vmem>>, vector<1x1x16xi32>,
      %get3A_379 = arith.constant 0 : i32
      %get3A_380 = arith.index_cast %get3A_379 : i32 to index
      %get3A_381 = arith.constant 272 : index
      %get3A_382 = tpu.vector_load %arg6[%get3A_380, %get3A_381] {strides = array<i32>} : memref<2x512xi32, #tpu.memory_space<vmem>>, vector<1x16xi32>,
      %get3A_383 = vector.shape_cast %get3A_382 : vector<1x16xi32> to vector<16xi32>
      %swap3A_384 = arith.constant 0 : i32
      %swap3A_385 = arith.constant 2 : i32
      %swap3A_386 = arith.index_cast %swap3A_384 : i32 to index
      %swap3A_387 = arith.index_cast %swap3A_385 : i32 to index
      %swap3A_388 = arith.constant 16 : index
      %swap3A_389 = tpu.vector_load %arg5[%swap3A_386, %swap3A_387, %swap3A_388] {strides = array<i32>} : memref<2x4x128xi32, #tpu.memory_space<vmem>>, vector<1x1x16xi32>,
      %swap3A_390 = vector.shape_cast %swap3A_389 : vector<1x1x16xi32> to vector<16xi32>
      %swap3A_391 = vector.shape_cast %get3A_383 : vector<16xi32> to vector<1x1x16xi32>
      tpu.vector_store %arg5[%swap3A_386, %swap3A_387, %swap3A_388], %swap3A_391 {strides = array<i32>} : memref<2x4x128xi32, #tpu.memory_space<vmem>>, vector<1x1x16xi32>,
      %get3A_392 = arith.constant 0 : i32
      %get3A_393 = arith.index_cast %get3A_392 : i32 to index
      %get3A_394 = arith.constant 288 : index
      %get3A_395 = tpu.vector_load %arg6[%get3A_393, %get3A_394] {strides = array<i32>} : memref<2x512xi32, #tpu.memory_space<vmem>>, vector<1x16xi32>,
      %get3A_396 = vector.shape_cast %get3A_395 : vector<1x16xi32> to vector<16xi32>
      %swap3A_397 = arith.constant 0 : i32
      %swap3A_398 = arith.constant 2 : i32
      %swap3A_399 = arith.index_cast %swap3A_397 : i32 to index
      %swap3A_400 = arith.index_cast %swap3A_398 : i32 to index
      %swap3A_401 = arith.constant 32 : index
      %swap3A_402 = tpu.vector_load %arg5[%swap3A_399, %swap3A_400, %swap3A_401] {strides = array<i32>} : memref<2x4x128xi32, #tpu.memory_space<vmem>>, vector<1x1x16xi32>,
      %swap3A_403 = vector.shape_cast %swap3A_402 : vector<1x1x16xi32> to vector<16xi32>
      %swap3A_404 = vector.shape_cast %get3A_396 : vector<16xi32> to vector<1x1x16xi32>
      tpu.vector_store %arg5[%swap3A_399, %swap3A_400, %swap3A_401], %swap3A_404 {strides = array<i32>} : memref<2x4x128xi32, #tpu.memory_space<vmem>>, vector<1x1x16xi32>,
      %get3A_405 = arith.constant 0 : i32
      %get3A_406 = arith.index_cast %get3A_405 : i32 to index
      %get3A_407 = arith.constant 304 : index
      %get3A_408 = tpu.vector_load %arg6[%get3A_406, %get3A_407] {strides = array<i32>} : memref<2x512xi32, #tpu.memory_space<vmem>>, vector<1x16xi32>,
      %get3A_409 = vector.shape_cast %get3A_408 : vector<1x16xi32> to vector<16xi32>
      %swap3A_410 = arith.constant 0 : i32
      %swap3A_411 = arith.constant 2 : i32
      %swap3A_412 = arith.index_cast %swap3A_410 : i32 to index
      %swap3A_413 = arith.index_cast %swap3A_411 : i32 to index
      %swap3A_414 = arith.constant 48 : index
      %swap3A_415 = tpu.vector_load %arg5[%swap3A_412, %swap3A_413, %swap3A_414] {strides = array<i32>} : memref<2x4x128xi32, #tpu.memory_space<vmem>>, vector<1x1x16xi32>,
      %swap3A_416 = vector.shape_cast %swap3A_415 : vector<1x1x16xi32> to vector<16xi32>
      %swap3A_417 = vector.shape_cast %get3A_409 : vector<16xi32> to vector<1x1x16xi32>
      tpu.vector_store %arg5[%swap3A_412, %swap3A_413, %swap3A_414], %swap3A_417 {strides = array<i32>} : memref<2x4x128xi32, #tpu.memory_space<vmem>>, vector<1x1x16xi32>,
      %get3A_418 = arith.constant 0 : i32
      %get3A_419 = arith.index_cast %get3A_418 : i32 to index
      %get3A_420 = arith.constant 320 : index
      %get3A_421 = tpu.vector_load %arg6[%get3A_419, %get3A_420] {strides = array<i32>} : memref<2x512xi32, #tpu.memory_space<vmem>>, vector<1x16xi32>,
      %get3A_422 = vector.shape_cast %get3A_421 : vector<1x16xi32> to vector<16xi32>
      %swap3A_423 = arith.constant 0 : i32
      %swap3A_424 = arith.constant 2 : i32
      %swap3A_425 = arith.index_cast %swap3A_423 : i32 to index
      %swap3A_426 = arith.index_cast %swap3A_424 : i32 to index
      %swap3A_427 = arith.constant 64 : index
      %swap3A_428 = tpu.vector_load %arg5[%swap3A_425, %swap3A_426, %swap3A_427] {strides = array<i32>} : memref<2x4x128xi32, #tpu.memory_space<vmem>>, vector<1x1x16xi32>,
      %swap3A_429 = vector.shape_cast %swap3A_428 : vector<1x1x16xi32> to vector<16xi32>
      %swap3A_430 = vector.shape_cast %get3A_422 : vector<16xi32> to vector<1x1x16xi32>
      tpu.vector_store %arg5[%swap3A_425, %swap3A_426, %swap3A_427], %swap3A_430 {strides = array<i32>} : memref<2x4x128xi32, #tpu.memory_space<vmem>>, vector<1x1x16xi32>,
      %get3A_431 = arith.constant 0 : i32
      %get3A_432 = arith.index_cast %get3A_431 : i32 to index
      %get3A_433 = arith.constant 336 : index
      %get3A_434 = tpu.vector_load %arg6[%get3A_432, %get3A_433] {strides = array<i32>} : memref<2x512xi32, #tpu.memory_space<vmem>>, vector<1x16xi32>,
      %get3A_435 = vector.shape_cast %get3A_434 : vector<1x16xi32> to vector<16xi32>
      %swap3A_436 = arith.constant 0 : i32
      %swap3A_437 = arith.constant 2 : i32
      %swap3A_438 = arith.index_cast %swap3A_436 : i32 to index
      %swap3A_439 = arith.index_cast %swap3A_437 : i32 to index
      %swap3A_440 = arith.constant 80 : index
      %swap3A_441 = tpu.vector_load %arg5[%swap3A_438, %swap3A_439, %swap3A_440] {strides = array<i32>} : memref<2x4x128xi32, #tpu.memory_space<vmem>>, vector<1x1x16xi32>,
      %swap3A_442 = vector.shape_cast %swap3A_441 : vector<1x1x16xi32> to vector<16xi32>
      %swap3A_443 = vector.shape_cast %get3A_435 : vector<16xi32> to vector<1x1x16xi32>
      tpu.vector_store %arg5[%swap3A_438, %swap3A_439, %swap3A_440], %swap3A_443 {strides = array<i32>} : memref<2x4x128xi32, #tpu.memory_space<vmem>>, vector<1x1x16xi32>,
      %get3A_444 = arith.constant 0 : i32
      %get3A_445 = arith.index_cast %get3A_444 : i32 to index
      %get3A_446 = arith.constant 352 : index
      %get3A_447 = tpu.vector_load %arg6[%get3A_445, %get3A_446] {strides = array<i32>} : memref<2x512xi32, #tpu.memory_space<vmem>>, vector<1x16xi32>,
      %get3A_448 = vector.shape_cast %get3A_447 : vector<1x16xi32> to vector<16xi32>
      %swap3A_449 = arith.constant 0 : i32
      %swap3A_450 = arith.constant 2 : i32
      %swap3A_451 = arith.index_cast %swap3A_449 : i32 to index
      %swap3A_452 = arith.index_cast %swap3A_450 : i32 to index
      %swap3A_453 = arith.constant 96 : index
      %swap3A_454 = tpu.vector_load %arg5[%swap3A_451, %swap3A_452, %swap3A_453] {strides = array<i32>} : memref<2x4x128xi32, #tpu.memory_space<vmem>>, vector<1x1x16xi32>,
      %swap3A_455 = vector.shape_cast %swap3A_454 : vector<1x1x16xi32> to vector<16xi32>
      %swap3A_456 = vector.shape_cast %get3A_448 : vector<16xi32> to vector<1x1x16xi32>
      tpu.vector_store %arg5[%swap3A_451, %swap3A_452, %swap3A_453], %swap3A_456 {strides = array<i32>} : memref<2x4x128xi32, #tpu.memory_space<vmem>>, vector<1x1x16xi32>,
      %get3A_457 = arith.constant 0 : i32
      %get3A_458 = arith.index_cast %get3A_457 : i32 to index
      %get3A_459 = arith.constant 368 : index
      %get3A_460 = tpu.vector_load %arg6[%get3A_458, %get3A_459] {strides = array<i32>} : memref<2x512xi32, #tpu.memory_space<vmem>>, vector<1x16xi32>,
      %get3A_461 = vector.shape_cast %get3A_460 : vector<1x16xi32> to vector<16xi32>
      %swap3A_462 = arith.constant 0 : i32
      %swap3A_463 = arith.constant 2 : i32
      %swap3A_464 = arith.index_cast %swap3A_462 : i32 to index
      %swap3A_465 = arith.index_cast %swap3A_463 : i32 to index
      %swap3A_466 = arith.constant 112 : index
      %swap3A_467 = tpu.vector_load %arg5[%swap3A_464, %swap3A_465, %swap3A_466] {strides = array<i32>} : memref<2x4x128xi32, #tpu.memory_space<vmem>>, vector<1x1x16xi32>,
      %swap3A_468 = vector.shape_cast %swap3A_467 : vector<1x1x16xi32> to vector<16xi32>
      %swap3A_469 = vector.shape_cast %get3A_461 : vector<16xi32> to vector<1x1x16xi32>
      tpu.vector_store %arg5[%swap3A_464, %swap3A_465, %swap3A_466], %swap3A_469 {strides = array<i32>} : memref<2x4x128xi32, #tpu.memory_space<vmem>>, vector<1x1x16xi32>,
      %get3A_470 = arith.constant 0 : i32
      %get3A_471 = arith.index_cast %get3A_470 : i32 to index
      %get3A_472 = arith.constant 384 : index
      %get3A_473 = tpu.vector_load %arg6[%get3A_471, %get3A_472] {strides = array<i32>} : memref<2x512xi32, #tpu.memory_space<vmem>>, vector<1x16xi32>,
      %get3A_474 = vector.shape_cast %get3A_473 : vector<1x16xi32> to vector<16xi32>
      %swap3A_475 = arith.constant 0 : i32
      %swap3A_476 = arith.constant 3 : i32
      %swap3A_477 = arith.index_cast %swap3A_475 : i32 to index
      %swap3A_478 = arith.index_cast %swap3A_476 : i32 to index
      %swap3A_479 = arith.constant 0 : index
      %swap3A_480 = tpu.vector_load %arg5[%swap3A_477, %swap3A_478, %swap3A_479] {strides = array<i32>} : memref<2x4x128xi32, #tpu.memory_space<vmem>>, vector<1x1x16xi32>,
      %swap3A_481 = vector.shape_cast %swap3A_480 : vector<1x1x16xi32> to vector<16xi32>
      %swap3A_482 = vector.shape_cast %get3A_474 : vector<16xi32> to vector<1x1x16xi32>
      tpu.vector_store %arg5[%swap3A_477, %swap3A_478, %swap3A_479], %swap3A_482 {strides = array<i32>} : memref<2x4x128xi32, #tpu.memory_space<vmem>>, vector<1x1x16xi32>,
      %get3A_483 = arith.constant 0 : i32
      %get3A_484 = arith.index_cast %get3A_483 : i32 to index
      %get3A_485 = arith.constant 400 : index
      %get3A_486 = tpu.vector_load %arg6[%get3A_484, %get3A_485] {strides = array<i32>} : memref<2x512xi32, #tpu.memory_space<vmem>>, vector<1x16xi32>,
      %get3A_487 = vector.shape_cast %get3A_486 : vector<1x16xi32> to vector<16xi32>
      %swap3A_488 = arith.constant 0 : i32
      %swap3A_489 = arith.constant 3 : i32
      %swap3A_490 = arith.index_cast %swap3A_488 : i32 to index
      %swap3A_491 = arith.index_cast %swap3A_489 : i32 to index
      %swap3A_492 = arith.constant 16 : index
      %swap3A_493 = tpu.vector_load %arg5[%swap3A_490, %swap3A_491, %swap3A_492] {strides = array<i32>} : memref<2x4x128xi32, #tpu.memory_space<vmem>>, vector<1x1x16xi32>,
      %swap3A_494 = vector.shape_cast %swap3A_493 : vector<1x1x16xi32> to vector<16xi32>
      %swap3A_495 = vector.shape_cast %get3A_487 : vector<16xi32> to vector<1x1x16xi32>
      tpu.vector_store %arg5[%swap3A_490, %swap3A_491, %swap3A_492], %swap3A_495 {strides = array<i32>} : memref<2x4x128xi32, #tpu.memory_space<vmem>>, vector<1x1x16xi32>,
      %get3A_496 = arith.constant 0 : i32
      %get3A_497 = arith.index_cast %get3A_496 : i32 to index
      %get3A_498 = arith.constant 416 : index
      %get3A_499 = tpu.vector_load %arg6[%get3A_497, %get3A_498] {strides = array<i32>} : memref<2x512xi32, #tpu.memory_space<vmem>>, vector<1x16xi32>,
      %get3A_500 = vector.shape_cast %get3A_499 : vector<1x16xi32> to vector<16xi32>
      %swap3A_501 = arith.constant 0 : i32
      %swap3A_502 = arith.constant 3 : i32
      %swap3A_503 = arith.index_cast %swap3A_501 : i32 to index
      %swap3A_504 = arith.index_cast %swap3A_502 : i32 to index
      %swap3A_505 = arith.constant 32 : index
      %swap3A_506 = tpu.vector_load %arg5[%swap3A_503, %swap3A_504, %swap3A_505] {strides = array<i32>} : memref<2x4x128xi32, #tpu.memory_space<vmem>>, vector<1x1x16xi32>,
      %swap3A_507 = vector.shape_cast %swap3A_506 : vector<1x1x16xi32> to vector<16xi32>
      %swap3A_508 = vector.shape_cast %get3A_500 : vector<16xi32> to vector<1x1x16xi32>
      tpu.vector_store %arg5[%swap3A_503, %swap3A_504, %swap3A_505], %swap3A_508 {strides = array<i32>} : memref<2x4x128xi32, #tpu.memory_space<vmem>>, vector<1x1x16xi32>,
      %get3A_509 = arith.constant 0 : i32
      %get3A_510 = arith.index_cast %get3A_509 : i32 to index
      %get3A_511 = arith.constant 432 : index
      %get3A_512 = tpu.vector_load %arg6[%get3A_510, %get3A_511] {strides = array<i32>} : memref<2x512xi32, #tpu.memory_space<vmem>>, vector<1x16xi32>,
      %get3A_513 = vector.shape_cast %get3A_512 : vector<1x16xi32> to vector<16xi32>
      %swap3A_514 = arith.constant 0 : i32
      %swap3A_515 = arith.constant 3 : i32
      %swap3A_516 = arith.index_cast %swap3A_514 : i32 to index
      %swap3A_517 = arith.index_cast %swap3A_515 : i32 to index
      %swap3A_518 = arith.constant 48 : index
      %swap3A_519 = tpu.vector_load %arg5[%swap3A_516, %swap3A_517, %swap3A_518] {strides = array<i32>} : memref<2x4x128xi32, #tpu.memory_space<vmem>>, vector<1x1x16xi32>,
      %swap3A_520 = vector.shape_cast %swap3A_519 : vector<1x1x16xi32> to vector<16xi32>
      %swap3A_521 = vector.shape_cast %get3A_513 : vector<16xi32> to vector<1x1x16xi32>
      tpu.vector_store %arg5[%swap3A_516, %swap3A_517, %swap3A_518], %swap3A_521 {strides = array<i32>} : memref<2x4x128xi32, #tpu.memory_space<vmem>>, vector<1x1x16xi32>,
      %get3A_522 = arith.constant 0 : i32
      %get3A_523 = arith.index_cast %get3A_522 : i32 to index
      %get3A_524 = arith.constant 448 : index
      %get3A_525 = tpu.vector_load %arg6[%get3A_523, %get3A_524] {strides = array<i32>} : memref<2x512xi32, #tpu.memory_space<vmem>>, vector<1x16xi32>,
      %get3A_526 = vector.shape_cast %get3A_525 : vector<1x16xi32> to vector<16xi32>
      %swap3A_527 = arith.constant 0 : i32
      %swap3A_528 = arith.constant 3 : i32
      %swap3A_529 = arith.index_cast %swap3A_527 : i32 to index
      %swap3A_530 = arith.index_cast %swap3A_528 : i32 to index
      %swap3A_531 = arith.constant 64 : index
      %swap3A_532 = tpu.vector_load %arg5[%swap3A_529, %swap3A_530, %swap3A_531] {strides = array<i32>} : memref<2x4x128xi32, #tpu.memory_space<vmem>>, vector<1x1x16xi32>,
      %swap3A_533 = vector.shape_cast %swap3A_532 : vector<1x1x16xi32> to vector<16xi32>
      %swap3A_534 = vector.shape_cast %get3A_526 : vector<16xi32> to vector<1x1x16xi32>
      tpu.vector_store %arg5[%swap3A_529, %swap3A_530, %swap3A_531], %swap3A_534 {strides = array<i32>} : memref<2x4x128xi32, #tpu.memory_space<vmem>>, vector<1x1x16xi32>,
      %get3A_535 = arith.constant 0 : i32
      %get3A_536 = arith.index_cast %get3A_535 : i32 to index
      %get3A_537 = arith.constant 464 : index
      %get3A_538 = tpu.vector_load %arg6[%get3A_536, %get3A_537] {strides = array<i32>} : memref<2x512xi32, #tpu.memory_space<vmem>>, vector<1x16xi32>,
      %get3A_539 = vector.shape_cast %get3A_538 : vector<1x16xi32> to vector<16xi32>
      %swap3A_540 = arith.constant 0 : i32
      %swap3A_541 = arith.constant 3 : i32
      %swap3A_542 = arith.index_cast %swap3A_540 : i32 to index
      %swap3A_543 = arith.index_cast %swap3A_541 : i32 to index
      %swap3A_544 = arith.constant 80 : index
      %swap3A_545 = tpu.vector_load %arg5[%swap3A_542, %swap3A_543, %swap3A_544] {strides = array<i32>} : memref<2x4x128xi32, #tpu.memory_space<vmem>>, vector<1x1x16xi32>,
      %swap3A_546 = vector.shape_cast %swap3A_545 : vector<1x1x16xi32> to vector<16xi32>
      %swap3A_547 = vector.shape_cast %get3A_539 : vector<16xi32> to vector<1x1x16xi32>
      tpu.vector_store %arg5[%swap3A_542, %swap3A_543, %swap3A_544], %swap3A_547 {strides = array<i32>} : memref<2x4x128xi32, #tpu.memory_space<vmem>>, vector<1x1x16xi32>,
      %get3A_548 = arith.constant 0 : i32
      %get3A_549 = arith.index_cast %get3A_548 : i32 to index
      %get3A_550 = arith.constant 480 : index
      %get3A_551 = tpu.vector_load %arg6[%get3A_549, %get3A_550] {strides = array<i32>} : memref<2x512xi32, #tpu.memory_space<vmem>>, vector<1x16xi32>,
      %get3A_552 = vector.shape_cast %get3A_551 : vector<1x16xi32> to vector<16xi32>
      %swap3A_553 = arith.constant 0 : i32
      %swap3A_554 = arith.constant 3 : i32
      %swap3A_555 = arith.index_cast %swap3A_553 : i32 to index
      %swap3A_556 = arith.index_cast %swap3A_554 : i32 to index
      %swap3A_557 = arith.constant 96 : index
      %swap3A_558 = tpu.vector_load %arg5[%swap3A_555, %swap3A_556, %swap3A_557] {strides = array<i32>} : memref<2x4x128xi32, #tpu.memory_space<vmem>>, vector<1x1x16xi32>,
      %swap3A_559 = vector.shape_cast %swap3A_558 : vector<1x1x16xi32> to vector<16xi32>
      %swap3A_560 = vector.shape_cast %get3A_552 : vector<16xi32> to vector<1x1x16xi32>
      tpu.vector_store %arg5[%swap3A_555, %swap3A_556, %swap3A_557], %swap3A_560 {strides = array<i32>} : memref<2x4x128xi32, #tpu.memory_space<vmem>>, vector<1x1x16xi32>,
      %get3A_561 = arith.constant 0 : i32
      %get3A_562 = arith.index_cast %get3A_561 : i32 to index
      %get3A_563 = arith.constant 496 : index
      %get3A_564 = tpu.vector_load %arg6[%get3A_562, %get3A_563] {strides = array<i32>} : memref<2x512xi32, #tpu.memory_space<vmem>>, vector<1x16xi32>,
      %get3A_565 = vector.shape_cast %get3A_564 : vector<1x16xi32> to vector<16xi32>
      %swap3A_566 = arith.constant 0 : i32
      %swap3A_567 = arith.constant 3 : i32
      %swap3A_568 = arith.index_cast %swap3A_566 : i32 to index
      %swap3A_569 = arith.index_cast %swap3A_567 : i32 to index
      %swap3A_570 = arith.constant 112 : index
      %swap3A_571 = tpu.vector_load %arg5[%swap3A_568, %swap3A_569, %swap3A_570] {strides = array<i32>} : memref<2x4x128xi32, #tpu.memory_space<vmem>>, vector<1x1x16xi32>,
      %swap3A_572 = vector.shape_cast %swap3A_571 : vector<1x1x16xi32> to vector<16xi32>
      %swap3A_573 = vector.shape_cast %get3A_565 : vector<16xi32> to vector<1x1x16xi32>
      tpu.vector_store %arg5[%swap3A_568, %swap3A_569, %swap3A_570], %swap3A_573 {strides = array<i32>} : memref<2x4x128xi32, #tpu.memory_space<vmem>>, vector<1x1x16xi32>,
      %dma_start3A_574 = arith.constant 0 : i32
      %dma_start3A_575 = arith.constant 0 : i32
      %dma_start3A_576 = arith.constant 0 : i32
      %dma_start3A_577 = arith.constant 0 : i32
      %dma_start3A_578 = arith.constant 0 : i32
      %dma_start3A_579 = tpu.memref_slice %arg7[%dma_start3A_574, %dma_start3A_577, %dma_start3A_578] : memref<2x512x16xf32, #tpu.memory_space<vmem>> -> memref<1x128x16xf32, #tpu.memory_space<vmem>>
      %dma_start3A_580 = tpu.memref_squeeze %dma_start3A_579 : memref<1x128x16xf32, #tpu.memory_space<vmem>> -> memref<128x16xf32, #tpu.memory_space<vmem>>
      %dma_start3A_581 = arith.constant 0 : i32
      %dma_start3A_582 = tpu.memref_slice %arg5[%dma_start3A_575, %dma_start3A_576, %dma_start3A_581] : memref<2x4x128xi32, #tpu.memory_space<vmem>> -> memref<1x1x128xi32, #tpu.memory_space<vmem>>
      %dma_start3A_583 = tpu.memref_squeeze %dma_start3A_582 : memref<1x1x128xi32, #tpu.memory_space<vmem>> -> memref<128xi32, #tpu.memory_space<vmem>>
      %dma_start3A_584 = arith.constant 0 : i32
      %dma_start3A_585 = arith.constant 0 : i32
      %dma_start3A_586 = tpu.memref_slice %arg8[%dma_start3A_584, %dma_start3A_585] : memref<100000x16xf32, #tpu.memory_space<vmem_shared>> -> memref<100000x16xf32, #tpu.memory_space<vmem_shared>>
      tpu.enqueue_indirect_dma source(%dma_start3A_580 : memref<128x16xf32, #tpu.memory_space<vmem>>) target(%dma_start3A_586 : memref<100000x16xf32, #tpu.memory_space<vmem_shared>>) offsets(%dma_start3A_583 : memref<128xi32, #tpu.memory_space<vmem>>) semaphore(%arg11 : memref<!tpu.dma_semaphore, #tpu.memory_space<semaphore_mem>>) {add = true}
      %dma_start3A_587 = arith.constant 0 : i32
      %dma_start3A_588 = arith.constant 0 : i32
      %dma_start3A_589 = arith.constant 1 : i32
      %dma_start3A_590 = arith.constant 128 : i32
      %dma_start3A_591 = arith.constant 0 : i32
      %dma_start3A_592 = tpu.memref_slice %arg7[%dma_start3A_587, %dma_start3A_590, %dma_start3A_591] : memref<2x512x16xf32, #tpu.memory_space<vmem>> -> memref<1x128x16xf32, #tpu.memory_space<vmem>>
      %dma_start3A_593 = tpu.memref_squeeze %dma_start3A_592 : memref<1x128x16xf32, #tpu.memory_space<vmem>> -> memref<128x16xf32, #tpu.memory_space<vmem>>
      %dma_start3A_594 = arith.constant 0 : i32
      %dma_start3A_595 = tpu.memref_slice %arg5[%dma_start3A_588, %dma_start3A_589, %dma_start3A_594] : memref<2x4x128xi32, #tpu.memory_space<vmem>> -> memref<1x1x128xi32, #tpu.memory_space<vmem>>
      %dma_start3A_596 = tpu.memref_squeeze %dma_start3A_595 : memref<1x1x128xi32, #tpu.memory_space<vmem>> -> memref<128xi32, #tpu.memory_space<vmem>>
      %dma_start3A_597 = arith.constant 0 : i32
      %dma_start3A_598 = arith.constant 0 : i32
      %dma_start3A_599 = tpu.memref_slice %arg8[%dma_start3A_597, %dma_start3A_598] : memref<100000x16xf32, #tpu.memory_space<vmem_shared>> -> memref<100000x16xf32, #tpu.memory_space<vmem_shared>>
      tpu.enqueue_indirect_dma source(%dma_start3A_593 : memref<128x16xf32, #tpu.memory_space<vmem>>) target(%dma_start3A_599 : memref<100000x16xf32, #tpu.memory_space<vmem_shared>>) offsets(%dma_start3A_596 : memref<128xi32, #tpu.memory_space<vmem>>) semaphore(%arg11 : memref<!tpu.dma_semaphore, #tpu.memory_space<semaphore_mem>>) {add = true}
      %dma_start3A_600 = arith.constant 0 : i32
      %dma_start3A_601 = arith.constant 0 : i32
      %dma_start3A_602 = arith.constant 2 : i32
      %dma_start3A_603 = arith.constant 256 : i32
      %dma_start3A_604 = arith.constant 0 : i32
      %dma_start3A_605 = tpu.memref_slice %arg7[%dma_start3A_600, %dma_start3A_603, %dma_start3A_604] : memref<2x512x16xf32, #tpu.memory_space<vmem>> -> memref<1x128x16xf32, #tpu.memory_space<vmem>>
      %dma_start3A_606 = tpu.memref_squeeze %dma_start3A_605 : memref<1x128x16xf32, #tpu.memory_space<vmem>> -> memref<128x16xf32, #tpu.memory_space<vmem>>
      %dma_start3A_607 = arith.constant 0 : i32
      %dma_start3A_608 = tpu.memref_slice %arg5[%dma_start3A_601, %dma_start3A_602, %dma_start3A_607] : memref<2x4x128xi32, #tpu.memory_space<vmem>> -> memref<1x1x128xi32, #tpu.memory_space<vmem>>
      %dma_start3A_609 = tpu.memref_squeeze %dma_start3A_608 : memref<1x1x128xi32, #tpu.memory_space<vmem>> -> memref<128xi32, #tpu.memory_space<vmem>>
      %dma_start3A_610 = arith.constant 0 : i32
      %dma_start3A_611 = arith.constant 0 : i32
      %dma_start3A_612 = tpu.memref_slice %arg8[%dma_start3A_610, %dma_start3A_611] : memref<100000x16xf32, #tpu.memory_space<vmem_shared>> -> memref<100000x16xf32, #tpu.memory_space<vmem_shared>>
      tpu.enqueue_indirect_dma source(%dma_start3A_606 : memref<128x16xf32, #tpu.memory_space<vmem>>) target(%dma_start3A_612 : memref<100000x16xf32, #tpu.memory_space<vmem_shared>>) offsets(%dma_start3A_609 : memref<128xi32, #tpu.memory_space<vmem>>) semaphore(%arg11 : memref<!tpu.dma_semaphore, #tpu.memory_space<semaphore_mem>>) {add = true}
      %dma_start3A_613 = arith.constant 0 : i32
      %dma_start3A_614 = arith.constant 0 : i32
      %dma_start3A_615 = arith.constant 3 : i32
      %dma_start3A_616 = arith.constant 384 : i32
      %dma_start3A_617 = arith.constant 0 : i32
      %dma_start3A_618 = tpu.memref_slice %arg7[%dma_start3A_613, %dma_start3A_616, %dma_start3A_617] : memref<2x512x16xf32, #tpu.memory_space<vmem>> -> memref<1x128x16xf32, #tpu.memory_space<vmem>>
      %dma_start3A_619 = tpu.memref_squeeze %dma_start3A_618 : memref<1x128x16xf32, #tpu.memory_space<vmem>> -> memref<128x16xf32, #tpu.memory_space<vmem>>
      %dma_start3A_620 = arith.constant 0 : i32
      %dma_start3A_621 = tpu.memref_slice %arg5[%dma_start3A_614, %dma_start3A_615, %dma_start3A_620] : memref<2x4x128xi32, #tpu.memory_space<vmem>> -> memref<1x1x128xi32, #tpu.memory_space<vmem>>
      %dma_start3A_622 = tpu.memref_squeeze %dma_start3A_621 : memref<1x1x128xi32, #tpu.memory_space<vmem>> -> memref<128xi32, #tpu.memory_space<vmem>>
      %dma_start3A_623 = arith.constant 0 : i32
      %dma_start3A_624 = arith.constant 0 : i32
      %dma_start3A_625 = tpu.memref_slice %arg8[%dma_start3A_623, %dma_start3A_624] : memref<100000x16xf32, #tpu.memory_space<vmem_shared>> -> memref<100000x16xf32, #tpu.memory_space<vmem_shared>>
      tpu.enqueue_indirect_dma source(%dma_start3A_619 : memref<128x16xf32, #tpu.memory_space<vmem>>) target(%dma_start3A_625 : memref<100000x16xf32, #tpu.memory_space<vmem_shared>>) offsets(%dma_start3A_622 : memref<128xi32, #tpu.memory_space<vmem>>) semaphore(%arg11 : memref<!tpu.dma_semaphore, #tpu.memory_space<semaphore_mem>>) {add = true}
      %dma_wait3A_626 = arith.constant 0 : i32
      %dma_wait3A_627 = arith.constant 0 : i32
      %dma_wait3A_628 = arith.constant 0 : i32
      %dma_wait3A_629 = arith.constant 0 : i32
      %dma_wait3A_630 = arith.constant 0 : i32
      %dma_wait3A_631 = tpu.memref_slice %arg7[%dma_wait3A_626, %dma_wait3A_629, %dma_wait3A_630] : memref<2x512x16xf32, #tpu.memory_space<vmem>> -> memref<1x128x16xf32, #tpu.memory_space<vmem>>
      %dma_wait3A_632 = tpu.memref_squeeze %dma_wait3A_631 : memref<1x128x16xf32, #tpu.memory_space<vmem>> -> memref<128x16xf32, #tpu.memory_space<vmem>>
      %dma_wait3A_633 = arith.constant 0 : i32
      %dma_wait3A_634 = tpu.memref_slice %arg5[%dma_wait3A_627, %dma_wait3A_628, %dma_wait3A_633] : memref<2x4x128xi32, #tpu.memory_space<vmem>> -> memref<1x1x128xi32, #tpu.memory_space<vmem>>
      %dma_wait3A_635 = tpu.memref_squeeze %dma_wait3A_634 : memref<1x1x128xi32, #tpu.memory_space<vmem>> -> memref<128xi32, #tpu.memory_space<vmem>>
      %dma_wait3A_636 = arith.constant 0 : i32
      %dma_wait3A_637 = arith.constant 0 : i32
      %dma_wait3A_638 = tpu.memref_slice %arg8[%dma_wait3A_636, %dma_wait3A_637] : memref<100000x16xf32, #tpu.memory_space<vmem_shared>> -> memref<100000x16xf32, #tpu.memory_space<vmem_shared>>
      tpu.wait_indirect_dma semaphore(%arg11 : memref<!tpu.dma_semaphore, #tpu.memory_space<semaphore_mem>>) src(%dma_wait3A_632 : memref<128x16xf32, #tpu.memory_space<vmem>>) dst(%dma_wait3A_638 : memref<100000x16xf32, #tpu.memory_space<vmem_shared>>)
      %dma_wait3A_639 = arith.constant 0 : i32
      %dma_wait3A_640 = arith.constant 0 : i32
      %dma_wait3A_641 = arith.constant 1 : i32
      %dma_wait3A_642 = arith.constant 128 : i32
      %dma_wait3A_643 = arith.constant 0 : i32
      %dma_wait3A_644 = tpu.memref_slice %arg7[%dma_wait3A_639, %dma_wait3A_642, %dma_wait3A_643] : memref<2x512x16xf32, #tpu.memory_space<vmem>> -> memref<1x128x16xf32, #tpu.memory_space<vmem>>
      %dma_wait3A_645 = tpu.memref_squeeze %dma_wait3A_644 : memref<1x128x16xf32, #tpu.memory_space<vmem>> -> memref<128x16xf32, #tpu.memory_space<vmem>>
      %dma_wait3A_646 = arith.constant 0 : i32
      %dma_wait3A_647 = tpu.memref_slice %arg5[%dma_wait3A_640, %dma_wait3A_641, %dma_wait3A_646] : memref<2x4x128xi32, #tpu.memory_space<vmem>> -> memref<1x1x128xi32, #tpu.memory_space<vmem>>
      %dma_wait3A_648 = tpu.memref_squeeze %dma_wait3A_647 : memref<1x1x128xi32, #tpu.memory_space<vmem>> -> memref<128xi32, #tpu.memory_space<vmem>>
      %dma_wait3A_649 = arith.constant 0 : i32
      %dma_wait3A_650 = arith.constant 0 : i32
      %dma_wait3A_651 = tpu.memref_slice %arg8[%dma_wait3A_649, %dma_wait3A_650] : memref<100000x16xf32, #tpu.memory_space<vmem_shared>> -> memref<100000x16xf32, #tpu.memory_space<vmem_shared>>
      tpu.wait_indirect_dma semaphore(%arg11 : memref<!tpu.dma_semaphore, #tpu.memory_space<semaphore_mem>>) src(%dma_wait3A_645 : memref<128x16xf32, #tpu.memory_space<vmem>>) dst(%dma_wait3A_651 : memref<100000x16xf32, #tpu.memory_space<vmem_shared>>)
      %dma_wait3A_652 = arith.constant 0 : i32
      %dma_wait3A_653 = arith.constant 0 : i32
      %dma_wait3A_654 = arith.constant 2 : i32
      %dma_wait3A_655 = arith.constant 256 : i32
      %dma_wait3A_656 = arith.constant 0 : i32
      %dma_wait3A_657 = tpu.memref_slice %arg7[%dma_wait3A_652, %dma_wait3A_655, %dma_wait3A_656] : memref<2x512x16xf32, #tpu.memory_space<vmem>> -> memref<1x128x16xf32, #tpu.memory_space<vmem>>
      %dma_wait3A_658 = tpu.memref_squeeze %dma_wait3A_657 : memref<1x128x16xf32, #tpu.memory_space<vmem>> -> memref<128x16xf32, #tpu.memory_space<vmem>>
      %dma_wait3A_659 = arith.constant 0 : i32
      %dma_wait3A_660 = tpu.memref_slice %arg5[%dma_wait3A_653, %dma_wait3A_654, %dma_wait3A_659] : memref<2x4x128xi32, #tpu.memory_space<vmem>> -> memref<1x1x128xi32, #tpu.memory_space<vmem>>
      %dma_wait3A_661 = tpu.memref_squeeze %dma_wait3A_660 : memref<1x1x128xi32, #tpu.memory_space<vmem>> -> memref<128xi32, #tpu.memory_space<vmem>>
      %dma_wait3A_662 = arith.constant 0 : i32
      %dma_wait3A_663 = arith.constant 0 : i32
      %dma_wait3A_664 = tpu.memref_slice %arg8[%dma_wait3A_662, %dma_wait3A_663] : memref<100000x16xf32, #tpu.memory_space<vmem_shared>> -> memref<100000x16xf32, #tpu.memory_space<vmem_shared>>
      tpu.wait_indirect_dma semaphore(%arg11 : memref<!tpu.dma_semaphore, #tpu.memory_space<semaphore_mem>>) src(%dma_wait3A_658 : memref<128x16xf32, #tpu.memory_space<vmem>>) dst(%dma_wait3A_664 : memref<100000x16xf32, #tpu.memory_space<vmem_shared>>)
      %dma_wait3A_665 = arith.constant 0 : i32
      %dma_wait3A_666 = arith.constant 0 : i32
      %dma_wait3A_667 = arith.constant 3 : i32
      %dma_wait3A_668 = arith.constant 384 : i32
      %dma_wait3A_669 = arith.constant 0 : i32
      %dma_wait3A_670 = tpu.memref_slice %arg7[%dma_wait3A_665, %dma_wait3A_668, %dma_wait3A_669] : memref<2x512x16xf32, #tpu.memory_space<vmem>> -> memref<1x128x16xf32, #tpu.memory_space<vmem>>
      %dma_wait3A_671 = tpu.memref_squeeze %dma_wait3A_670 : memref<1x128x16xf32, #tpu.memory_space<vmem>> -> memref<128x16xf32, #tpu.memory_space<vmem>>
      %dma_wait3A_672 = arith.constant 0 : i32
      %dma_wait3A_673 = tpu.memref_slice %arg5[%dma_wait3A_666, %dma_wait3A_667, %dma_wait3A_672] : memref<2x4x128xi32, #tpu.memory_space<vmem>> -> memref<1x1x128xi32, #tpu.memory_space<vmem>>
      %dma_wait3A_674 = tpu.memref_squeeze %dma_wait3A_673 : memref<1x1x128xi32, #tpu.memory_space<vmem>> -> memref<128xi32, #tpu.memory_space<vmem>>
      %dma_wait3A_675 = arith.constant 0 : i32
      %dma_wait3A_676 = arith.constant 0 : i32
      %dma_wait3A_677 = tpu.memref_slice %arg8[%dma_wait3A_675, %dma_wait3A_676] : memref<100000x16xf32, #tpu.memory_space<vmem_shared>> -> memref<100000x16xf32, #tpu.memory_space<vmem_shared>>
      tpu.wait_indirect_dma semaphore(%arg11 : memref<!tpu.dma_semaphore, #tpu.memory_space<semaphore_mem>>) src(%dma_wait3A_671 : memref<128x16xf32, #tpu.memory_space<vmem>>) dst(%dma_wait3A_677 : memref<100000x16xf32, #tpu.memory_space<vmem_shared>>)
      %add3A_678 = arith.constant 1 : i32
      %add3A_679 = arith.addi %add3A_120, %add3A_678 : i32
      %add3A_680 = arith.constant 1 : i32
      %add3A_681 = arith.addi %add3A_679, %add3A_680 : i32
      %lt3A_682 = arith.cmpi slt, %add3A_681, %mul3A_60 : i32
      %convert_element_type3A_683 = arith.extui %lt3A_682 : i1 to i32
      %cond3A_684 = arith.constant 0 : i32
      %cond3A_685 = arith.cmpi ne, %convert_element_type3A_683, %cond3A_684 : i32
      scf.if %cond3A_685 {
        %add3A_1238 = arith.constant 1 : i32
        %add3A_1239 = arith.addi %add3A_679, %add3A_1238 : i32
        %mul3A_1240 = arith.constant 4 : i32
        %mul3A_1241 = arith.muli %add3A_1239, %mul3A_1240 : i32
        %add3A_1242 = arith.addi %mul3A_53, %mul3A_1241 : i32
        %mul3A_1243 = arith.constant 128 : i32
        %mul3A_1244 = arith.muli %add3A_1242, %mul3A_1243 : i32
        %dma_start3A_1245 = arith.constant 0 : i32
        %dma_start3A_1246 = arith.constant 0 : i32
        %dma_start3A_1247 = arith.constant 0 : i32
        %dma_start3A_1248 = tpu.memref_slice %arg7[%dma_start3A_1245, %dma_start3A_1246, %dma_start3A_1247] : memref<2x512x16xf32, #tpu.memory_space<vmem>> -> memref<1x512x16xf32, #tpu.memory_space<vmem>>
        %dma_start3A_1249 = tpu.memref_squeeze %dma_start3A_1248 : memref<1x512x16xf32, #tpu.memory_space<vmem>> -> memref<512x16xf32, #tpu.memory_space<vmem>>
        %dma_start3A_1250 = arith.constant 0 : i32
        %dma_start3A_1251 = tpu.memref_slice %arg3[%mul3A_1244, %dma_start3A_1250] : memref<3200000x16xf32, #tpu.memory_space<hbm>> -> memref<512x16xf32, #tpu.memory_space<hbm>>
        %dma_start3A_1252 = arith.constant 0 : i32
        %dma_start3A_1253 = arith.constant 0 : i32
        %dma_start3A_1254 = tpu.memref_slice %arg7[%dma_start3A_1245, %dma_start3A_1252, %dma_start3A_1253] : memref<2x512x16xf32, #tpu.memory_space<vmem>> -> memref<1x512x16xf32, #tpu.memory_space<vmem>>
        %dma_start3A_1255 = tpu.memref_squeeze %dma_start3A_1254 : memref<1x512x16xf32, #tpu.memory_space<vmem>> -> memref<512x16xf32, #tpu.memory_space<vmem>>
        %dma_start3A_1256 = arith.constant 0 : i32
        %dma_start3A_1257 = tpu.memref_slice %arg3[%mul3A_1244, %dma_start3A_1256] : memref<3200000x16xf32, #tpu.memory_space<hbm>> -> memref<512x16xf32, #tpu.memory_space<hbm>>
        tpu.enqueue_dma source(%dma_start3A_1257 : memref<512x16xf32, #tpu.memory_space<hbm>>) target(%dma_start3A_1255 : memref<512x16xf32, #tpu.memory_space<vmem>>) target_semaphore(%arg9 : memref<!tpu.dma_semaphore, #tpu.memory_space<semaphore_mem>>)
        %mul3A_1258 = arith.constant 128 : i32
        %mul3A_1259 = arith.muli %add3A_1242, %mul3A_1258 : i32
        %dma_start3A_1260 = arith.constant 1 : i32
        %dma_start3A_1261 = arith.constant 0 : i32
        %dma_start3A_1262 = arith.constant 0 : i32
        %dma_start3A_1263 = tpu.memref_slice %arg6[%dma_start3A_1261, %dma_start3A_1262] : memref<2x512xi32, #tpu.memory_space<vmem>> -> memref<1x512xi32, #tpu.memory_space<vmem>>
        %dma_start3A_1264 = tpu.memref_squeeze %dma_start3A_1263 : memref<1x512xi32, #tpu.memory_space<vmem>> -> memref<512xi32, #tpu.memory_space<vmem>>
        %dma_start3A_1265 = tpu.memref_slice %arg2[%dma_start3A_1260, %mul3A_1259] : memref<2x3200000xi32, #tpu.memory_space<hbm>> -> memref<1x512xi32, #tpu.memory_space<hbm>>
        %dma_start3A_1266 = tpu.memref_squeeze %dma_start3A_1265 : memref<1x512xi32, #tpu.memory_space<hbm>> -> memref<512xi32, #tpu.memory_space<hbm>>
        %dma_start3A_1267 = arith.constant 0 : i32
        %dma_start3A_1268 = tpu.memref_slice %arg6[%dma_start3A_1261, %dma_start3A_1267] : memref<2x512xi32, #tpu.memory_space<vmem>> -> memref<1x512xi32, #tpu.memory_space<vmem>>
        %dma_start3A_1269 = tpu.memref_squeeze %dma_start3A_1268 : memref<1x512xi32, #tpu.memory_space<vmem>> -> memref<512xi32, #tpu.memory_space<vmem>>
        %dma_start3A_1270 = tpu.memref_slice %arg2[%dma_start3A_1260, %mul3A_1259] : memref<2x3200000xi32, #tpu.memory_space<hbm>> -> memref<1x512xi32, #tpu.memory_space<hbm>>
        %dma_start3A_1271 = tpu.memref_squeeze %dma_start3A_1270 : memref<1x512xi32, #tpu.memory_space<hbm>> -> memref<512xi32, #tpu.memory_space<hbm>>
        tpu.enqueue_dma source(%dma_start3A_1271 : memref<512xi32, #tpu.memory_space<hbm>>) target(%dma_start3A_1269 : memref<512xi32, #tpu.memory_space<vmem>>) target_semaphore(%arg9 : memref<!tpu.dma_semaphore, #tpu.memory_space<semaphore_mem>>)
      } else {
      }
      %mul3A_686 = arith.constant 4 : i32
      %mul3A_687 = arith.muli %add3A_679, %mul3A_686 : i32
      %add3A_688 = arith.addi %mul3A_53, %mul3A_687 : i32
      %mul3A_689 = arith.constant 128 : i32
      %mul3A_690 = arith.muli %add3A_688, %mul3A_689 : i32
      %dma_wait3A_691 = arith.constant 1 : i32
      %dma_wait3A_692 = arith.constant 0 : i32
      %dma_wait3A_693 = arith.constant 0 : i32
      %dma_wait3A_694 = tpu.memref_slice %arg7[%dma_wait3A_691, %dma_wait3A_692, %dma_wait3A_693] : memref<2x512x16xf32, #tpu.memory_space<vmem>> -> memref<1x512x16xf32, #tpu.memory_space<vmem>>
      %dma_wait3A_695 = tpu.memref_squeeze %dma_wait3A_694 : memref<1x512x16xf32, #tpu.memory_space<vmem>> -> memref<512x16xf32, #tpu.memory_space<vmem>>
      %dma_wait3A_696 = arith.constant 0 : i32
      %dma_wait3A_697 = tpu.memref_slice %arg3[%mul3A_690, %dma_wait3A_696] : memref<3200000x16xf32, #tpu.memory_space<hbm>> -> memref<512x16xf32, #tpu.memory_space<hbm>>
      %dma_wait3A_698 = arith.constant 0 : i32
      %dma_wait3A_699 = arith.constant 0 : i32
      %dma_wait3A_700 = tpu.memref_slice %arg7[%dma_wait3A_691, %dma_wait3A_698, %dma_wait3A_699] : memref<2x512x16xf32, #tpu.memory_space<vmem>> -> memref<1x512x16xf32, #tpu.memory_space<vmem>>
      %dma_wait3A_701 = tpu.memref_squeeze %dma_wait3A_700 : memref<1x512x16xf32, #tpu.memory_space<vmem>> -> memref<512x16xf32, #tpu.memory_space<vmem>>
      %dma_wait3A_702 = arith.constant 0 : i32
      %dma_wait3A_703 = tpu.memref_slice %arg3[%mul3A_690, %dma_wait3A_702] : memref<3200000x16xf32, #tpu.memory_space<hbm>> -> memref<512x16xf32, #tpu.memory_space<hbm>>
      tpu.wait_dma2 semaphore(%arg10 : memref<!tpu.dma_semaphore, #tpu.memory_space<semaphore_mem>>) src(%dma_wait3A_703 : memref<512x16xf32, #tpu.memory_space<hbm>>) dst(%dma_wait3A_701 : memref<512x16xf32, #tpu.memory_space<vmem>>)
      %mul3A_704 = arith.constant 128 : i32
      %mul3A_705 = arith.muli %add3A_688, %mul3A_704 : i32
      %dma_wait3A_706 = arith.constant 1 : i32
      %dma_wait3A_707 = arith.constant 1 : i32
      %dma_wait3A_708 = arith.constant 0 : i32
      %dma_wait3A_709 = tpu.memref_slice %arg6[%dma_wait3A_707, %dma_wait3A_708] : memref<2x512xi32, #tpu.memory_space<vmem>> -> memref<1x512xi32, #tpu.memory_space<vmem>>
      %dma_wait3A_710 = tpu.memref_squeeze %dma_wait3A_709 : memref<1x512xi32, #tpu.memory_space<vmem>> -> memref<512xi32, #tpu.memory_space<vmem>>
      %dma_wait3A_711 = tpu.memref_slice %arg2[%dma_wait3A_706, %mul3A_705] : memref<2x3200000xi32, #tpu.memory_space<hbm>> -> memref<1x512xi32, #tpu.memory_space<hbm>>
      %dma_wait3A_712 = tpu.memref_squeeze %dma_wait3A_711 : memref<1x512xi32, #tpu.memory_space<hbm>> -> memref<512xi32, #tpu.memory_space<hbm>>
      %dma_wait3A_713 = arith.constant 0 : i32
      %dma_wait3A_714 = tpu.memref_slice %arg6[%dma_wait3A_707, %dma_wait3A_713] : memref<2x512xi32, #tpu.memory_space<vmem>> -> memref<1x512xi32, #tpu.memory_space<vmem>>
      %dma_wait3A_715 = tpu.memref_squeeze %dma_wait3A_714 : memref<1x512xi32, #tpu.memory_space<vmem>> -> memref<512xi32, #tpu.memory_space<vmem>>
      %dma_wait3A_716 = tpu.memref_slice %arg2[%dma_wait3A_706, %mul3A_705] : memref<2x3200000xi32, #tpu.memory_space<hbm>> -> memref<1x512xi32, #tpu.memory_space<hbm>>
      %dma_wait3A_717 = tpu.memref_squeeze %dma_wait3A_716 : memref<1x512xi32, #tpu.memory_space<hbm>> -> memref<512xi32, #tpu.memory_space<hbm>>
      tpu.wait_dma2 semaphore(%arg10 : memref<!tpu.dma_semaphore, #tpu.memory_space<semaphore_mem>>) src(%dma_wait3A_717 : memref<512xi32, #tpu.memory_space<hbm>>) dst(%dma_wait3A_715 : memref<512xi32, #tpu.memory_space<vmem>>)
      %get3A_718 = arith.constant 1 : i32
      %get3A_719 = arith.index_cast %get3A_718 : i32 to index
      %get3A_720 = arith.constant 0 : index
      %get3A_721 = tpu.vector_load %arg6[%get3A_719, %get3A_720] {strides = array<i32>} : memref<2x512xi32, #tpu.memory_space<vmem>>, vector<1x16xi32>,
      %get3A_722 = vector.shape_cast %get3A_721 : vector<1x16xi32> to vector<16xi32>
      %swap3A_723 = arith.constant 1 : i32
      %swap3A_724 = arith.constant 0 : i32
      %swap3A_725 = arith.index_cast %swap3A_723 : i32 to index
      %swap3A_726 = arith.index_cast %swap3A_724 : i32 to index
      %swap3A_727 = arith.constant 0 : index
      %swap3A_728 = tpu.vector_load %arg5[%swap3A_725, %swap3A_726, %swap3A_727] {strides = array<i32>} : memref<2x4x128xi32, #tpu.memory_space<vmem>>, vector<1x1x16xi32>,
      %swap3A_729 = vector.shape_cast %swap3A_728 : vector<1x1x16xi32> to vector<16xi32>
      %swap3A_730 = vector.shape_cast %get3A_722 : vector<16xi32> to vector<1x1x16xi32>
      tpu.vector_store %arg5[%swap3A_725, %swap3A_726, %swap3A_727], %swap3A_730 {strides = array<i32>} : memref<2x4x128xi32, #tpu.memory_space<vmem>>, vector<1x1x16xi32>,
      %get3A_731 = arith.constant 1 : i32
      %get3A_732 = arith.index_cast %get3A_731 : i32 to index
      %get3A_733 = arith.constant 16 : index
      %get3A_734 = tpu.vector_load %arg6[%get3A_732, %get3A_733] {strides = array<i32>} : memref<2x512xi32, #tpu.memory_space<vmem>>, vector<1x16xi32>,
      %get3A_735 = vector.shape_cast %get3A_734 : vector<1x16xi32> to vector<16xi32>
      %swap3A_736 = arith.constant 1 : i32
      %swap3A_737 = arith.constant 0 : i32
      %swap3A_738 = arith.index_cast %swap3A_736 : i32 to index
      %swap3A_739 = arith.index_cast %swap3A_737 : i32 to index
      %swap3A_740 = arith.constant 16 : index
      %swap3A_741 = tpu.vector_load %arg5[%swap3A_738, %swap3A_739, %swap3A_740] {strides = array<i32>} : memref<2x4x128xi32, #tpu.memory_space<vmem>>, vector<1x1x16xi32>,
      %swap3A_742 = vector.shape_cast %swap3A_741 : vector<1x1x16xi32> to vector<16xi32>
      %swap3A_743 = vector.shape_cast %get3A_735 : vector<16xi32> to vector<1x1x16xi32>
      tpu.vector_store %arg5[%swap3A_738, %swap3A_739, %swap3A_740], %swap3A_743 {strides = array<i32>} : memref<2x4x128xi32, #tpu.memory_space<vmem>>, vector<1x1x16xi32>,
      %get3A_744 = arith.constant 1 : i32
      %get3A_745 = arith.index_cast %get3A_744 : i32 to index
      %get3A_746 = arith.constant 32 : index
      %get3A_747 = tpu.vector_load %arg6[%get3A_745, %get3A_746] {strides = array<i32>} : memref<2x512xi32, #tpu.memory_space<vmem>>, vector<1x16xi32>,
      %get3A_748 = vector.shape_cast %get3A_747 : vector<1x16xi32> to vector<16xi32>
      %swap3A_749 = arith.constant 1 : i32
      %swap3A_750 = arith.constant 0 : i32
      %swap3A_751 = arith.index_cast %swap3A_749 : i32 to index
      %swap3A_752 = arith.index_cast %swap3A_750 : i32 to index
      %swap3A_753 = arith.constant 32 : index
      %swap3A_754 = tpu.vector_load %arg5[%swap3A_751, %swap3A_752, %swap3A_753] {strides = array<i32>} : memref<2x4x128xi32, #tpu.memory_space<vmem>>, vector<1x1x16xi32>,
      %swap3A_755 = vector.shape_cast %swap3A_754 : vector<1x1x16xi32> to vector<16xi32>
      %swap3A_756 = vector.shape_cast %get3A_748 : vector<16xi32> to vector<1x1x16xi32>
      tpu.vector_store %arg5[%swap3A_751, %swap3A_752, %swap3A_753], %swap3A_756 {strides = array<i32>} : memref<2x4x128xi32, #tpu.memory_space<vmem>>, vector<1x1x16xi32>,
      %get3A_757 = arith.constant 1 : i32
      %get3A_758 = arith.index_cast %get3A_757 : i32 to index
      %get3A_759 = arith.constant 48 : index
      %get3A_760 = tpu.vector_load %arg6[%get3A_758, %get3A_759] {strides = array<i32>} : memref<2x512xi32, #tpu.memory_space<vmem>>, vector<1x16xi32>,
      %get3A_761 = vector.shape_cast %get3A_760 : vector<1x16xi32> to vector<16xi32>
      %swap3A_762 = arith.constant 1 : i32
      %swap3A_763 = arith.constant 0 : i32
      %swap3A_764 = arith.index_cast %swap3A_762 : i32 to index
      %swap3A_765 = arith.index_cast %swap3A_763 : i32 to index
      %swap3A_766 = arith.constant 48 : index
      %swap3A_767 = tpu.vector_load %arg5[%swap3A_764, %swap3A_765, %swap3A_766] {strides = array<i32>} : memref<2x4x128xi32, #tpu.memory_space<vmem>>, vector<1x1x16xi32>,
      %swap3A_768 = vector.shape_cast %swap3A_767 : vector<1x1x16xi32> to vector<16xi32>
      %swap3A_769 = vector.shape_cast %get3A_761 : vector<16xi32> to vector<1x1x16xi32>
      tpu.vector_store %arg5[%swap3A_764, %swap3A_765, %swap3A_766], %swap3A_769 {strides = array<i32>} : memref<2x4x128xi32, #tpu.memory_space<vmem>>, vector<1x1x16xi32>,
      %get3A_770 = arith.constant 1 : i32
      %get3A_771 = arith.index_cast %get3A_770 : i32 to index
      %get3A_772 = arith.constant 64 : index
      %get3A_773 = tpu.vector_load %arg6[%get3A_771, %get3A_772] {strides = array<i32>} : memref<2x512xi32, #tpu.memory_space<vmem>>, vector<1x16xi32>,
      %get3A_774 = vector.shape_cast %get3A_773 : vector<1x16xi32> to vector<16xi32>
      %swap3A_775 = arith.constant 1 : i32
      %swap3A_776 = arith.constant 0 : i32
      %swap3A_777 = arith.index_cast %swap3A_775 : i32 to index
      %swap3A_778 = arith.index_cast %swap3A_776 : i32 to index
      %swap3A_779 = arith.constant 64 : index
      %swap3A_780 = tpu.vector_load %arg5[%swap3A_777, %swap3A_778, %swap3A_779] {strides = array<i32>} : memref<2x4x128xi32, #tpu.memory_space<vmem>>, vector<1x1x16xi32>,
      %swap3A_781 = vector.shape_cast %swap3A_780 : vector<1x1x16xi32> to vector<16xi32>
      %swap3A_782 = vector.shape_cast %get3A_774 : vector<16xi32> to vector<1x1x16xi32>
      tpu.vector_store %arg5[%swap3A_777, %swap3A_778, %swap3A_779], %swap3A_782 {strides = array<i32>} : memref<2x4x128xi32, #tpu.memory_space<vmem>>, vector<1x1x16xi32>,
      %get3A_783 = arith.constant 1 : i32
      %get3A_784 = arith.index_cast %get3A_783 : i32 to index
      %get3A_785 = arith.constant 80 : index
      %get3A_786 = tpu.vector_load %arg6[%get3A_784, %get3A_785] {strides = array<i32>} : memref<2x512xi32, #tpu.memory_space<vmem>>, vector<1x16xi32>,
      %get3A_787 = vector.shape_cast %get3A_786 : vector<1x16xi32> to vector<16xi32>
      %swap3A_788 = arith.constant 1 : i32
      %swap3A_789 = arith.constant 0 : i32
      %swap3A_790 = arith.index_cast %swap3A_788 : i32 to index
      %swap3A_791 = arith.index_cast %swap3A_789 : i32 to index
      %swap3A_792 = arith.constant 80 : index
      %swap3A_793 = tpu.vector_load %arg5[%swap3A_790, %swap3A_791, %swap3A_792] {strides = array<i32>} : memref<2x4x128xi32, #tpu.memory_space<vmem>>, vector<1x1x16xi32>,
      %swap3A_794 = vector.shape_cast %swap3A_793 : vector<1x1x16xi32> to vector<16xi32>
      %swap3A_795 = vector.shape_cast %get3A_787 : vector<16xi32> to vector<1x1x16xi32>
      tpu.vector_store %arg5[%swap3A_790, %swap3A_791, %swap3A_792], %swap3A_795 {strides = array<i32>} : memref<2x4x128xi32, #tpu.memory_space<vmem>>, vector<1x1x16xi32>,
      %get3A_796 = arith.constant 1 : i32
      %get3A_797 = arith.index_cast %get3A_796 : i32 to index
      %get3A_798 = arith.constant 96 : index
      %get3A_799 = tpu.vector_load %arg6[%get3A_797, %get3A_798] {strides = array<i32>} : memref<2x512xi32, #tpu.memory_space<vmem>>, vector<1x16xi32>,
      %get3A_800 = vector.shape_cast %get3A_799 : vector<1x16xi32> to vector<16xi32>
      %swap3A_801 = arith.constant 1 : i32
      %swap3A_802 = arith.constant 0 : i32
      %swap3A_803 = arith.index_cast %swap3A_801 : i32 to index
      %swap3A_804 = arith.index_cast %swap3A_802 : i32 to index
      %swap3A_805 = arith.constant 96 : index
      %swap3A_806 = tpu.vector_load %arg5[%swap3A_803, %swap3A_804, %swap3A_805] {strides = array<i32>} : memref<2x4x128xi32, #tpu.memory_space<vmem>>, vector<1x1x16xi32>,
      %swap3A_807 = vector.shape_cast %swap3A_806 : vector<1x1x16xi32> to vector<16xi32>
      %swap3A_808 = vector.shape_cast %get3A_800 : vector<16xi32> to vector<1x1x16xi32>
      tpu.vector_store %arg5[%swap3A_803, %swap3A_804, %swap3A_805], %swap3A_808 {strides = array<i32>} : memref<2x4x128xi32, #tpu.memory_space<vmem>>, vector<1x1x16xi32>,
      %get3A_809 = arith.constant 1 : i32
      %get3A_810 = arith.index_cast %get3A_809 : i32 to index
      %get3A_811 = arith.constant 112 : index
      %get3A_812 = tpu.vector_load %arg6[%get3A_810, %get3A_811] {strides = array<i32>} : memref<2x512xi32, #tpu.memory_space<vmem>>, vector<1x16xi32>,
      %get3A_813 = vector.shape_cast %get3A_812 : vector<1x16xi32> to vector<16xi32>
      %swap3A_814 = arith.constant 1 : i32
      %swap3A_815 = arith.constant 0 : i32
      %swap3A_816 = arith.index_cast %swap3A_814 : i32 to index
      %swap3A_817 = arith.index_cast %swap3A_815 : i32 to index
      %swap3A_818 = arith.constant 112 : index
      %swap3A_819 = tpu.vector_load %arg5[%swap3A_816, %swap3A_817, %swap3A_818] {strides = array<i32>} : memref<2x4x128xi32, #tpu.memory_space<vmem>>, vector<1x1x16xi32>,
      %swap3A_820 = vector.shape_cast %swap3A_819 : vector<1x1x16xi32> to vector<16xi32>
      %swap3A_821 = vector.shape_cast %get3A_813 : vector<16xi32> to vector<1x1x16xi32>
      tpu.vector_store %arg5[%swap3A_816, %swap3A_817, %swap3A_818], %swap3A_821 {strides = array<i32>} : memref<2x4x128xi32, #tpu.memory_space<vmem>>, vector<1x1x16xi32>,
      %get3A_822 = arith.constant 1 : i32
      %get3A_823 = arith.index_cast %get3A_822 : i32 to index
      %get3A_824 = arith.constant 128 : index
      %get3A_825 = tpu.vector_load %arg6[%get3A_823, %get3A_824] {strides = array<i32>} : memref<2x512xi32, #tpu.memory_space<vmem>>, vector<1x16xi32>,
      %get3A_826 = vector.shape_cast %get3A_825 : vector<1x16xi32> to vector<16xi32>
      %swap3A_827 = arith.constant 1 : i32
      %swap3A_828 = arith.constant 1 : i32
      %swap3A_829 = arith.index_cast %swap3A_827 : i32 to index
      %swap3A_830 = arith.index_cast %swap3A_828 : i32 to index
      %swap3A_831 = arith.constant 0 : index
      %swap3A_832 = tpu.vector_load %arg5[%swap3A_829, %swap3A_830, %swap3A_831] {strides = array<i32>} : memref<2x4x128xi32, #tpu.memory_space<vmem>>, vector<1x1x16xi32>,
      %swap3A_833 = vector.shape_cast %swap3A_832 : vector<1x1x16xi32> to vector<16xi32>
      %swap3A_834 = vector.shape_cast %get3A_826 : vector<16xi32> to vector<1x1x16xi32>
      tpu.vector_store %arg5[%swap3A_829, %swap3A_830, %swap3A_831], %swap3A_834 {strides = array<i32>} : memref<2x4x128xi32, #tpu.memory_space<vmem>>, vector<1x1x16xi32>,
      %get3A_835 = arith.constant 1 : i32
      %get3A_836 = arith.index_cast %get3A_835 : i32 to index
      %get3A_837 = arith.constant 144 : index
      %get3A_838 = tpu.vector_load %arg6[%get3A_836, %get3A_837] {strides = array<i32>} : memref<2x512xi32, #tpu.memory_space<vmem>>, vector<1x16xi32>,
      %get3A_839 = vector.shape_cast %get3A_838 : vector<1x16xi32> to vector<16xi32>
      %swap3A_840 = arith.constant 1 : i32
      %swap3A_841 = arith.constant 1 : i32
      %swap3A_842 = arith.index_cast %swap3A_840 : i32 to index
      %swap3A_843 = arith.index_cast %swap3A_841 : i32 to index
      %swap3A_844 = arith.constant 16 : index
      %swap3A_845 = tpu.vector_load %arg5[%swap3A_842, %swap3A_843, %swap3A_844] {strides = array<i32>} : memref<2x4x128xi32, #tpu.memory_space<vmem>>, vector<1x1x16xi32>,
      %swap3A_846 = vector.shape_cast %swap3A_845 : vector<1x1x16xi32> to vector<16xi32>
      %swap3A_847 = vector.shape_cast %get3A_839 : vector<16xi32> to vector<1x1x16xi32>
      tpu.vector_store %arg5[%swap3A_842, %swap3A_843, %swap3A_844], %swap3A_847 {strides = array<i32>} : memref<2x4x128xi32, #tpu.memory_space<vmem>>, vector<1x1x16xi32>,
      %get3A_848 = arith.constant 1 : i32
      %get3A_849 = arith.index_cast %get3A_848 : i32 to index
      %get3A_850 = arith.constant 160 : index
      %get3A_851 = tpu.vector_load %arg6[%get3A_849, %get3A_850] {strides = array<i32>} : memref<2x512xi32, #tpu.memory_space<vmem>>, vector<1x16xi32>,
      %get3A_852 = vector.shape_cast %get3A_851 : vector<1x16xi32> to vector<16xi32>
      %swap3A_853 = arith.constant 1 : i32
      %swap3A_854 = arith.constant 1 : i32
      %swap3A_855 = arith.index_cast %swap3A_853 : i32 to index
      %swap3A_856 = arith.index_cast %swap3A_854 : i32 to index
      %swap3A_857 = arith.constant 32 : index
      %swap3A_858 = tpu.vector_load %arg5[%swap3A_855, %swap3A_856, %swap3A_857] {strides = array<i32>} : memref<2x4x128xi32, #tpu.memory_space<vmem>>, vector<1x1x16xi32>,
      %swap3A_859 = vector.shape_cast %swap3A_858 : vector<1x1x16xi32> to vector<16xi32>
      %swap3A_860 = vector.shape_cast %get3A_852 : vector<16xi32> to vector<1x1x16xi32>
      tpu.vector_store %arg5[%swap3A_855, %swap3A_856, %swap3A_857], %swap3A_860 {strides = array<i32>} : memref<2x4x128xi32, #tpu.memory_space<vmem>>, vector<1x1x16xi32>,
      %get3A_861 = arith.constant 1 : i32
      %get3A_862 = arith.index_cast %get3A_861 : i32 to index
      %get3A_863 = arith.constant 176 : index
      %get3A_864 = tpu.vector_load %arg6[%get3A_862, %get3A_863] {strides = array<i32>} : memref<2x512xi32, #tpu.memory_space<vmem>>, vector<1x16xi32>,
      %get3A_865 = vector.shape_cast %get3A_864 : vector<1x16xi32> to vector<16xi32>
      %swap3A_866 = arith.constant 1 : i32
      %swap3A_867 = arith.constant 1 : i32
      %swap3A_868 = arith.index_cast %swap3A_866 : i32 to index
      %swap3A_869 = arith.index_cast %swap3A_867 : i32 to index
      %swap3A_870 = arith.constant 48 : index
      %swap3A_871 = tpu.vector_load %arg5[%swap3A_868, %swap3A_869, %swap3A_870] {strides = array<i32>} : memref<2x4x128xi32, #tpu.memory_space<vmem>>, vector<1x1x16xi32>,
      %swap3A_872 = vector.shape_cast %swap3A_871 : vector<1x1x16xi32> to vector<16xi32>
      %swap3A_873 = vector.shape_cast %get3A_865 : vector<16xi32> to vector<1x1x16xi32>
      tpu.vector_store %arg5[%swap3A_868, %swap3A_869, %swap3A_870], %swap3A_873 {strides = array<i32>} : memref<2x4x128xi32, #tpu.memory_space<vmem>>, vector<1x1x16xi32>,
      %get3A_874 = arith.constant 1 : i32
      %get3A_875 = arith.index_cast %get3A_874 : i32 to index
      %get3A_876 = arith.constant 192 : index
      %get3A_877 = tpu.vector_load %arg6[%get3A_875, %get3A_876] {strides = array<i32>} : memref<2x512xi32, #tpu.memory_space<vmem>>, vector<1x16xi32>,
      %get3A_878 = vector.shape_cast %get3A_877 : vector<1x16xi32> to vector<16xi32>
      %swap3A_879 = arith.constant 1 : i32
      %swap3A_880 = arith.constant 1 : i32
      %swap3A_881 = arith.index_cast %swap3A_879 : i32 to index
      %swap3A_882 = arith.index_cast %swap3A_880 : i32 to index
      %swap3A_883 = arith.constant 64 : index
      %swap3A_884 = tpu.vector_load %arg5[%swap3A_881, %swap3A_882, %swap3A_883] {strides = array<i32>} : memref<2x4x128xi32, #tpu.memory_space<vmem>>, vector<1x1x16xi32>,
      %swap3A_885 = vector.shape_cast %swap3A_884 : vector<1x1x16xi32> to vector<16xi32>
      %swap3A_886 = vector.shape_cast %get3A_878 : vector<16xi32> to vector<1x1x16xi32>
      tpu.vector_store %arg5[%swap3A_881, %swap3A_882, %swap3A_883], %swap3A_886 {strides = array<i32>} : memref<2x4x128xi32, #tpu.memory_space<vmem>>, vector<1x1x16xi32>,
      %get3A_887 = arith.constant 1 : i32
      %get3A_888 = arith.index_cast %get3A_887 : i32 to index
      %get3A_889 = arith.constant 208 : index
      %get3A_890 = tpu.vector_load %arg6[%get3A_888, %get3A_889] {strides = array<i32>} : memref<2x512xi32, #tpu.memory_space<vmem>>, vector<1x16xi32>,
      %get3A_891 = vector.shape_cast %get3A_890 : vector<1x16xi32> to vector<16xi32>
      %swap3A_892 = arith.constant 1 : i32
      %swap3A_893 = arith.constant 1 : i32
      %swap3A_894 = arith.index_cast %swap3A_892 : i32 to index
      %swap3A_895 = arith.index_cast %swap3A_893 : i32 to index
      %swap3A_896 = arith.constant 80 : index
      %swap3A_897 = tpu.vector_load %arg5[%swap3A_894, %swap3A_895, %swap3A_896] {strides = array<i32>} : memref<2x4x128xi32, #tpu.memory_space<vmem>>, vector<1x1x16xi32>,
      %swap3A_898 = vector.shape_cast %swap3A_897 : vector<1x1x16xi32> to vector<16xi32>
      %swap3A_899 = vector.shape_cast %get3A_891 : vector<16xi32> to vector<1x1x16xi32>
      tpu.vector_store %arg5[%swap3A_894, %swap3A_895, %swap3A_896], %swap3A_899 {strides = array<i32>} : memref<2x4x128xi32, #tpu.memory_space<vmem>>, vector<1x1x16xi32>,
      %get3A_900 = arith.constant 1 : i32
      %get3A_901 = arith.index_cast %get3A_900 : i32 to index
      %get3A_902 = arith.constant 224 : index
      %get3A_903 = tpu.vector_load %arg6[%get3A_901, %get3A_902] {strides = array<i32>} : memref<2x512xi32, #tpu.memory_space<vmem>>, vector<1x16xi32>,
      %get3A_904 = vector.shape_cast %get3A_903 : vector<1x16xi32> to vector<16xi32>
      %swap3A_905 = arith.constant 1 : i32
      %swap3A_906 = arith.constant 1 : i32
      %swap3A_907 = arith.index_cast %swap3A_905 : i32 to index
      %swap3A_908 = arith.index_cast %swap3A_906 : i32 to index
      %swap3A_909 = arith.constant 96 : index
      %swap3A_910 = tpu.vector_load %arg5[%swap3A_907, %swap3A_908, %swap3A_909] {strides = array<i32>} : memref<2x4x128xi32, #tpu.memory_space<vmem>>, vector<1x1x16xi32>,
      %swap3A_911 = vector.shape_cast %swap3A_910 : vector<1x1x16xi32> to vector<16xi32>
      %swap3A_912 = vector.shape_cast %get3A_904 : vector<16xi32> to vector<1x1x16xi32>
      tpu.vector_store %arg5[%swap3A_907, %swap3A_908, %swap3A_909], %swap3A_912 {strides = array<i32>} : memref<2x4x128xi32, #tpu.memory_space<vmem>>, vector<1x1x16xi32>,
      %get3A_913 = arith.constant 1 : i32
      %get3A_914 = arith.index_cast %get3A_913 : i32 to index
      %get3A_915 = arith.constant 240 : index
      %get3A_916 = tpu.vector_load %arg6[%get3A_914, %get3A_915] {strides = array<i32>} : memref<2x512xi32, #tpu.memory_space<vmem>>, vector<1x16xi32>,
      %get3A_917 = vector.shape_cast %get3A_916 : vector<1x16xi32> to vector<16xi32>
      %swap3A_918 = arith.constant 1 : i32
      %swap3A_919 = arith.constant 1 : i32
      %swap3A_920 = arith.index_cast %swap3A_918 : i32 to index
      %swap3A_921 = arith.index_cast %swap3A_919 : i32 to index
      %swap3A_922 = arith.constant 112 : index
      %swap3A_923 = tpu.vector_load %arg5[%swap3A_920, %swap3A_921, %swap3A_922] {strides = array<i32>} : memref<2x4x128xi32, #tpu.memory_space<vmem>>, vector<1x1x16xi32>,
      %swap3A_924 = vector.shape_cast %swap3A_923 : vector<1x1x16xi32> to vector<16xi32>
      %swap3A_925 = vector.shape_cast %get3A_917 : vector<16xi32> to vector<1x1x16xi32>
      tpu.vector_store %arg5[%swap3A_920, %swap3A_921, %swap3A_922], %swap3A_925 {strides = array<i32>} : memref<2x4x128xi32, #tpu.memory_space<vmem>>, vector<1x1x16xi32>,
      %get3A_926 = arith.constant 1 : i32
      %get3A_927 = arith.index_cast %get3A_926 : i32 to index
      %get3A_928 = arith.constant 256 : index
      %get3A_929 = tpu.vector_load %arg6[%get3A_927, %get3A_928] {strides = array<i32>} : memref<2x512xi32, #tpu.memory_space<vmem>>, vector<1x16xi32>,
      %get3A_930 = vector.shape_cast %get3A_929 : vector<1x16xi32> to vector<16xi32>
      %swap3A_931 = arith.constant 1 : i32
      %swap3A_932 = arith.constant 2 : i32
      %swap3A_933 = arith.index_cast %swap3A_931 : i32 to index
      %swap3A_934 = arith.index_cast %swap3A_932 : i32 to index
      %swap3A_935 = arith.constant 0 : index
      %swap3A_936 = tpu.vector_load %arg5[%swap3A_933, %swap3A_934, %swap3A_935] {strides = array<i32>} : memref<2x4x128xi32, #tpu.memory_space<vmem>>, vector<1x1x16xi32>,
      %swap3A_937 = vector.shape_cast %swap3A_936 : vector<1x1x16xi32> to vector<16xi32>
      %swap3A_938 = vector.shape_cast %get3A_930 : vector<16xi32> to vector<1x1x16xi32>
      tpu.vector_store %arg5[%swap3A_933, %swap3A_934, %swap3A_935], %swap3A_938 {strides = array<i32>} : memref<2x4x128xi32, #tpu.memory_space<vmem>>, vector<1x1x16xi32>,
      %get3A_939 = arith.constant 1 : i32
      %get3A_940 = arith.index_cast %get3A_939 : i32 to index
      %get3A_941 = arith.constant 272 : index
      %get3A_942 = tpu.vector_load %arg6[%get3A_940, %get3A_941] {strides = array<i32>} : memref<2x512xi32, #tpu.memory_space<vmem>>, vector<1x16xi32>,
      %get3A_943 = vector.shape_cast %get3A_942 : vector<1x16xi32> to vector<16xi32>
      %swap3A_944 = arith.constant 1 : i32
      %swap3A_945 = arith.constant 2 : i32
      %swap3A_946 = arith.index_cast %swap3A_944 : i32 to index
      %swap3A_947 = arith.index_cast %swap3A_945 : i32 to index
      %swap3A_948 = arith.constant 16 : index
      %swap3A_949 = tpu.vector_load %arg5[%swap3A_946, %swap3A_947, %swap3A_948] {strides = array<i32>} : memref<2x4x128xi32, #tpu.memory_space<vmem>>, vector<1x1x16xi32>,
      %swap3A_950 = vector.shape_cast %swap3A_949 : vector<1x1x16xi32> to vector<16xi32>
      %swap3A_951 = vector.shape_cast %get3A_943 : vector<16xi32> to vector<1x1x16xi32>
      tpu.vector_store %arg5[%swap3A_946, %swap3A_947, %swap3A_948], %swap3A_951 {strides = array<i32>} : memref<2x4x128xi32, #tpu.memory_space<vmem>>, vector<1x1x16xi32>,
      %get3A_952 = arith.constant 1 : i32
      %get3A_953 = arith.index_cast %get3A_952 : i32 to index
      %get3A_954 = arith.constant 288 : index
      %get3A_955 = tpu.vector_load %arg6[%get3A_953, %get3A_954] {strides = array<i32>} : memref<2x512xi32, #tpu.memory_space<vmem>>, vector<1x16xi32>,
      %get3A_956 = vector.shape_cast %get3A_955 : vector<1x16xi32> to vector<16xi32>
      %swap3A_957 = arith.constant 1 : i32
      %swap3A_958 = arith.constant 2 : i32
      %swap3A_959 = arith.index_cast %swap3A_957 : i32 to index
      %swap3A_960 = arith.index_cast %swap3A_958 : i32 to index
      %swap3A_961 = arith.constant 32 : index
      %swap3A_962 = tpu.vector_load %arg5[%swap3A_959, %swap3A_960, %swap3A_961] {strides = array<i32>} : memref<2x4x128xi32, #tpu.memory_space<vmem>>, vector<1x1x16xi32>,
      %swap3A_963 = vector.shape_cast %swap3A_962 : vector<1x1x16xi32> to vector<16xi32>
      %swap3A_964 = vector.shape_cast %get3A_956 : vector<16xi32> to vector<1x1x16xi32>
      tpu.vector_store %arg5[%swap3A_959, %swap3A_960, %swap3A_961], %swap3A_964 {strides = array<i32>} : memref<2x4x128xi32, #tpu.memory_space<vmem>>, vector<1x1x16xi32>,
      %get3A_965 = arith.constant 1 : i32
      %get3A_966 = arith.index_cast %get3A_965 : i32 to index
      %get3A_967 = arith.constant 304 : index
      %get3A_968 = tpu.vector_load %arg6[%get3A_966, %get3A_967] {strides = array<i32>} : memref<2x512xi32, #tpu.memory_space<vmem>>, vector<1x16xi32>,
      %get3A_969 = vector.shape_cast %get3A_968 : vector<1x16xi32> to vector<16xi32>
      %swap3A_970 = arith.constant 1 : i32
      %swap3A_971 = arith.constant 2 : i32
      %swap3A_972 = arith.index_cast %swap3A_970 : i32 to index
      %swap3A_973 = arith.index_cast %swap3A_971 : i32 to index
      %swap3A_974 = arith.constant 48 : index
      %swap3A_975 = tpu.vector_load %arg5[%swap3A_972, %swap3A_973, %swap3A_974] {strides = array<i32>} : memref<2x4x128xi32, #tpu.memory_space<vmem>>, vector<1x1x16xi32>,
      %swap3A_976 = vector.shape_cast %swap3A_975 : vector<1x1x16xi32> to vector<16xi32>
      %swap3A_977 = vector.shape_cast %get3A_969 : vector<16xi32> to vector<1x1x16xi32>
      tpu.vector_store %arg5[%swap3A_972, %swap3A_973, %swap3A_974], %swap3A_977 {strides = array<i32>} : memref<2x4x128xi32, #tpu.memory_space<vmem>>, vector<1x1x16xi32>,
      %get3A_978 = arith.constant 1 : i32
      %get3A_979 = arith.index_cast %get3A_978 : i32 to index
      %get3A_980 = arith.constant 320 : index
      %get3A_981 = tpu.vector_load %arg6[%get3A_979, %get3A_980] {strides = array<i32>} : memref<2x512xi32, #tpu.memory_space<vmem>>, vector<1x16xi32>,
      %get3A_982 = vector.shape_cast %get3A_981 : vector<1x16xi32> to vector<16xi32>
      %swap3A_983 = arith.constant 1 : i32
      %swap3A_984 = arith.constant 2 : i32
      %swap3A_985 = arith.index_cast %swap3A_983 : i32 to index
      %swap3A_986 = arith.index_cast %swap3A_984 : i32 to index
      %swap3A_987 = arith.constant 64 : index
      %swap3A_988 = tpu.vector_load %arg5[%swap3A_985, %swap3A_986, %swap3A_987] {strides = array<i32>} : memref<2x4x128xi32, #tpu.memory_space<vmem>>, vector<1x1x16xi32>,
      %swap3A_989 = vector.shape_cast %swap3A_988 : vector<1x1x16xi32> to vector<16xi32>
      %swap3A_990 = vector.shape_cast %get3A_982 : vector<16xi32> to vector<1x1x16xi32>
      tpu.vector_store %arg5[%swap3A_985, %swap3A_986, %swap3A_987], %swap3A_990 {strides = array<i32>} : memref<2x4x128xi32, #tpu.memory_space<vmem>>, vector<1x1x16xi32>,
      %get3A_991 = arith.constant 1 : i32
      %get3A_992 = arith.index_cast %get3A_991 : i32 to index
      %get3A_993 = arith.constant 336 : index
      %get3A_994 = tpu.vector_load %arg6[%get3A_992, %get3A_993] {strides = array<i32>} : memref<2x512xi32, #tpu.memory_space<vmem>>, vector<1x16xi32>,
      %get3A_995 = vector.shape_cast %get3A_994 : vector<1x16xi32> to vector<16xi32>
      %swap3A_996 = arith.constant 1 : i32
      %swap3A_997 = arith.constant 2 : i32
      %swap3A_998 = arith.index_cast %swap3A_996 : i32 to index
      %swap3A_999 = arith.index_cast %swap3A_997 : i32 to index
      %swap3A_1000 = arith.constant 80 : index
      %swap3A_1001 = tpu.vector_load %arg5[%swap3A_998, %swap3A_999, %swap3A_1000] {strides = array<i32>} : memref<2x4x128xi32, #tpu.memory_space<vmem>>, vector<1x1x16xi32>,
      %swap3A_1002 = vector.shape_cast %swap3A_1001 : vector<1x1x16xi32> to vector<16xi32>
      %swap3A_1003 = vector.shape_cast %get3A_995 : vector<16xi32> to vector<1x1x16xi32>
      tpu.vector_store %arg5[%swap3A_998, %swap3A_999, %swap3A_1000], %swap3A_1003 {strides = array<i32>} : memref<2x4x128xi32, #tpu.memory_space<vmem>>, vector<1x1x16xi32>,
      %get3A_1004 = arith.constant 1 : i32
      %get3A_1005 = arith.index_cast %get3A_1004 : i32 to index
      %get3A_1006 = arith.constant 352 : index
      %get3A_1007 = tpu.vector_load %arg6[%get3A_1005, %get3A_1006] {strides = array<i32>} : memref<2x512xi32, #tpu.memory_space<vmem>>, vector<1x16xi32>,
      %get3A_1008 = vector.shape_cast %get3A_1007 : vector<1x16xi32> to vector<16xi32>
      %swap3A_1009 = arith.constant 1 : i32
      %swap3A_1010 = arith.constant 2 : i32
      %swap3A_1011 = arith.index_cast %swap3A_1009 : i32 to index
      %swap3A_1012 = arith.index_cast %swap3A_1010 : i32 to index
      %swap3A_1013 = arith.constant 96 : index
      %swap3A_1014 = tpu.vector_load %arg5[%swap3A_1011, %swap3A_1012, %swap3A_1013] {strides = array<i32>} : memref<2x4x128xi32, #tpu.memory_space<vmem>>, vector<1x1x16xi32>,
      %swap3A_1015 = vector.shape_cast %swap3A_1014 : vector<1x1x16xi32> to vector<16xi32>
      %swap3A_1016 = vector.shape_cast %get3A_1008 : vector<16xi32> to vector<1x1x16xi32>
      tpu.vector_store %arg5[%swap3A_1011, %swap3A_1012, %swap3A_1013], %swap3A_1016 {strides = array<i32>} : memref<2x4x128xi32, #tpu.memory_space<vmem>>, vector<1x1x16xi32>,
      %get3A_1017 = arith.constant 1 : i32
      %get3A_1018 = arith.index_cast %get3A_1017 : i32 to index
      %get3A_1019 = arith.constant 368 : index
      %get3A_1020 = tpu.vector_load %arg6[%get3A_1018, %get3A_1019] {strides = array<i32>} : memref<2x512xi32, #tpu.memory_space<vmem>>, vector<1x16xi32>,
      %get3A_1021 = vector.shape_cast %get3A_1020 : vector<1x16xi32> to vector<16xi32>
      %swap3A_1022 = arith.constant 1 : i32
      %swap3A_1023 = arith.constant 2 : i32
      %swap3A_1024 = arith.index_cast %swap3A_1022 : i32 to index
      %swap3A_1025 = arith.index_cast %swap3A_1023 : i32 to index
      %swap3A_1026 = arith.constant 112 : index
      %swap3A_1027 = tpu.vector_load %arg5[%swap3A_1024, %swap3A_1025, %swap3A_1026] {strides = array<i32>} : memref<2x4x128xi32, #tpu.memory_space<vmem>>, vector<1x1x16xi32>,
      %swap3A_1028 = vector.shape_cast %swap3A_1027 : vector<1x1x16xi32> to vector<16xi32>
      %swap3A_1029 = vector.shape_cast %get3A_1021 : vector<16xi32> to vector<1x1x16xi32>
      tpu.vector_store %arg5[%swap3A_1024, %swap3A_1025, %swap3A_1026], %swap3A_1029 {strides = array<i32>} : memref<2x4x128xi32, #tpu.memory_space<vmem>>, vector<1x1x16xi32>,
      %get3A_1030 = arith.constant 1 : i32
      %get3A_1031 = arith.index_cast %get3A_1030 : i32 to index
      %get3A_1032 = arith.constant 384 : index
      %get3A_1033 = tpu.vector_load %arg6[%get3A_1031, %get3A_1032] {strides = array<i32>} : memref<2x512xi32, #tpu.memory_space<vmem>>, vector<1x16xi32>,
      %get3A_1034 = vector.shape_cast %get3A_1033 : vector<1x16xi32> to vector<16xi32>
      %swap3A_1035 = arith.constant 1 : i32
      %swap3A_1036 = arith.constant 3 : i32
      %swap3A_1037 = arith.index_cast %swap3A_1035 : i32 to index
      %swap3A_1038 = arith.index_cast %swap3A_1036 : i32 to index
      %swap3A_1039 = arith.constant 0 : index
      %swap3A_1040 = tpu.vector_load %arg5[%swap3A_1037, %swap3A_1038, %swap3A_1039] {strides = array<i32>} : memref<2x4x128xi32, #tpu.memory_space<vmem>>, vector<1x1x16xi32>,
      %swap3A_1041 = vector.shape_cast %swap3A_1040 : vector<1x1x16xi32> to vector<16xi32>
      %swap3A_1042 = vector.shape_cast %get3A_1034 : vector<16xi32> to vector<1x1x16xi32>
      tpu.vector_store %arg5[%swap3A_1037, %swap3A_1038, %swap3A_1039], %swap3A_1042 {strides = array<i32>} : memref<2x4x128xi32, #tpu.memory_space<vmem>>, vector<1x1x16xi32>,
      %get3A_1043 = arith.constant 1 : i32
      %get3A_1044 = arith.index_cast %get3A_1043 : i32 to index
      %get3A_1045 = arith.constant 400 : index
      %get3A_1046 = tpu.vector_load %arg6[%get3A_1044, %get3A_1045] {strides = array<i32>} : memref<2x512xi32, #tpu.memory_space<vmem>>, vector<1x16xi32>,
      %get3A_1047 = vector.shape_cast %get3A_1046 : vector<1x16xi32> to vector<16xi32>
      %swap3A_1048 = arith.constant 1 : i32
      %swap3A_1049 = arith.constant 3 : i32
      %swap3A_1050 = arith.index_cast %swap3A_1048 : i32 to index
      %swap3A_1051 = arith.index_cast %swap3A_1049 : i32 to index
      %swap3A_1052 = arith.constant 16 : index
      %swap3A_1053 = tpu.vector_load %arg5[%swap3A_1050, %swap3A_1051, %swap3A_1052] {strides = array<i32>} : memref<2x4x128xi32, #tpu.memory_space<vmem>>, vector<1x1x16xi32>,
      %swap3A_1054 = vector.shape_cast %swap3A_1053 : vector<1x1x16xi32> to vector<16xi32>
      %swap3A_1055 = vector.shape_cast %get3A_1047 : vector<16xi32> to vector<1x1x16xi32>
      tpu.vector_store %arg5[%swap3A_1050, %swap3A_1051, %swap3A_1052], %swap3A_1055 {strides = array<i32>} : memref<2x4x128xi32, #tpu.memory_space<vmem>>, vector<1x1x16xi32>,
      %get3A_1056 = arith.constant 1 : i32
      %get3A_1057 = arith.index_cast %get3A_1056 : i32 to index
      %get3A_1058 = arith.constant 416 : index
      %get3A_1059 = tpu.vector_load %arg6[%get3A_1057, %get3A_1058] {strides = array<i32>} : memref<2x512xi32, #tpu.memory_space<vmem>>, vector<1x16xi32>,
      %get3A_1060 = vector.shape_cast %get3A_1059 : vector<1x16xi32> to vector<16xi32>
      %swap3A_1061 = arith.constant 1 : i32
      %swap3A_1062 = arith.constant 3 : i32
      %swap3A_1063 = arith.index_cast %swap3A_1061 : i32 to index
      %swap3A_1064 = arith.index_cast %swap3A_1062 : i32 to index
      %swap3A_1065 = arith.constant 32 : index
      %swap3A_1066 = tpu.vector_load %arg5[%swap3A_1063, %swap3A_1064, %swap3A_1065] {strides = array<i32>} : memref<2x4x128xi32, #tpu.memory_space<vmem>>, vector<1x1x16xi32>,
      %swap3A_1067 = vector.shape_cast %swap3A_1066 : vector<1x1x16xi32> to vector<16xi32>
      %swap3A_1068 = vector.shape_cast %get3A_1060 : vector<16xi32> to vector<1x1x16xi32>
      tpu.vector_store %arg5[%swap3A_1063, %swap3A_1064, %swap3A_1065], %swap3A_1068 {strides = array<i32>} : memref<2x4x128xi32, #tpu.memory_space<vmem>>, vector<1x1x16xi32>,
      %get3A_1069 = arith.constant 1 : i32
      %get3A_1070 = arith.index_cast %get3A_1069 : i32 to index
      %get3A_1071 = arith.constant 432 : index
      %get3A_1072 = tpu.vector_load %arg6[%get3A_1070, %get3A_1071] {strides = array<i32>} : memref<2x512xi32, #tpu.memory_space<vmem>>, vector<1x16xi32>,
      %get3A_1073 = vector.shape_cast %get3A_1072 : vector<1x16xi32> to vector<16xi32>
      %swap3A_1074 = arith.constant 1 : i32
      %swap3A_1075 = arith.constant 3 : i32
      %swap3A_1076 = arith.index_cast %swap3A_1074 : i32 to index
      %swap3A_1077 = arith.index_cast %swap3A_1075 : i32 to index
      %swap3A_1078 = arith.constant 48 : index
      %swap3A_1079 = tpu.vector_load %arg5[%swap3A_1076, %swap3A_1077, %swap3A_1078] {strides = array<i32>} : memref<2x4x128xi32, #tpu.memory_space<vmem>>, vector<1x1x16xi32>,
      %swap3A_1080 = vector.shape_cast %swap3A_1079 : vector<1x1x16xi32> to vector<16xi32>
      %swap3A_1081 = vector.shape_cast %get3A_1073 : vector<16xi32> to vector<1x1x16xi32>
      tpu.vector_store %arg5[%swap3A_1076, %swap3A_1077, %swap3A_1078], %swap3A_1081 {strides = array<i32>} : memref<2x4x128xi32, #tpu.memory_space<vmem>>, vector<1x1x16xi32>,
      %get3A_1082 = arith.constant 1 : i32
      %get3A_1083 = arith.index_cast %get3A_1082 : i32 to index
      %get3A_1084 = arith.constant 448 : index
      %get3A_1085 = tpu.vector_load %arg6[%get3A_1083, %get3A_1084] {strides = array<i32>} : memref<2x512xi32, #tpu.memory_space<vmem>>, vector<1x16xi32>,
      %get3A_1086 = vector.shape_cast %get3A_1085 : vector<1x16xi32> to vector<16xi32>
      %swap3A_1087 = arith.constant 1 : i32
      %swap3A_1088 = arith.constant 3 : i32
      %swap3A_1089 = arith.index_cast %swap3A_1087 : i32 to index
      %swap3A_1090 = arith.index_cast %swap3A_1088 : i32 to index
      %swap3A_1091 = arith.constant 64 : index
      %swap3A_1092 = tpu.vector_load %arg5[%swap3A_1089, %swap3A_1090, %swap3A_1091] {strides = array<i32>} : memref<2x4x128xi32, #tpu.memory_space<vmem>>, vector<1x1x16xi32>,
      %swap3A_1093 = vector.shape_cast %swap3A_1092 : vector<1x1x16xi32> to vector<16xi32>
      %swap3A_1094 = vector.shape_cast %get3A_1086 : vector<16xi32> to vector<1x1x16xi32>
      tpu.vector_store %arg5[%swap3A_1089, %swap3A_1090, %swap3A_1091], %swap3A_1094 {strides = array<i32>} : memref<2x4x128xi32, #tpu.memory_space<vmem>>, vector<1x1x16xi32>,
      %get3A_1095 = arith.constant 1 : i32
      %get3A_1096 = arith.index_cast %get3A_1095 : i32 to index
      %get3A_1097 = arith.constant 464 : index
      %get3A_1098 = tpu.vector_load %arg6[%get3A_1096, %get3A_1097] {strides = array<i32>} : memref<2x512xi32, #tpu.memory_space<vmem>>, vector<1x16xi32>,
      %get3A_1099 = vector.shape_cast %get3A_1098 : vector<1x16xi32> to vector<16xi32>
      %swap3A_1100 = arith.constant 1 : i32
      %swap3A_1101 = arith.constant 3 : i32
      %swap3A_1102 = arith.index_cast %swap3A_1100 : i32 to index
      %swap3A_1103 = arith.index_cast %swap3A_1101 : i32 to index
      %swap3A_1104 = arith.constant 80 : index
      %swap3A_1105 = tpu.vector_load %arg5[%swap3A_1102, %swap3A_1103, %swap3A_1104] {strides = array<i32>} : memref<2x4x128xi32, #tpu.memory_space<vmem>>, vector<1x1x16xi32>,
      %swap3A_1106 = vector.shape_cast %swap3A_1105 : vector<1x1x16xi32> to vector<16xi32>
      %swap3A_1107 = vector.shape_cast %get3A_1099 : vector<16xi32> to vector<1x1x16xi32>
      tpu.vector_store %arg5[%swap3A_1102, %swap3A_1103, %swap3A_1104], %swap3A_1107 {strides = array<i32>} : memref<2x4x128xi32, #tpu.memory_space<vmem>>, vector<1x1x16xi32>,
      %get3A_1108 = arith.constant 1 : i32
      %get3A_1109 = arith.index_cast %get3A_1108 : i32 to index
      %get3A_1110 = arith.constant 480 : index
      %get3A_1111 = tpu.vector_load %arg6[%get3A_1109, %get3A_1110] {strides = array<i32>} : memref<2x512xi32, #tpu.memory_space<vmem>>, vector<1x16xi32>,
      %get3A_1112 = vector.shape_cast %get3A_1111 : vector<1x16xi32> to vector<16xi32>
      %swap3A_1113 = arith.constant 1 : i32
      %swap3A_1114 = arith.constant 3 : i32
      %swap3A_1115 = arith.index_cast %swap3A_1113 : i32 to index
      %swap3A_1116 = arith.index_cast %swap3A_1114 : i32 to index
      %swap3A_1117 = arith.constant 96 : index
      %swap3A_1118 = tpu.vector_load %arg5[%swap3A_1115, %swap3A_1116, %swap3A_1117] {strides = array<i32>} : memref<2x4x128xi32, #tpu.memory_space<vmem>>, vector<1x1x16xi32>,
      %swap3A_1119 = vector.shape_cast %swap3A_1118 : vector<1x1x16xi32> to vector<16xi32>
      %swap3A_1120 = vector.shape_cast %get3A_1112 : vector<16xi32> to vector<1x1x16xi32>
      tpu.vector_store %arg5[%swap3A_1115, %swap3A_1116, %swap3A_1117], %swap3A_1120 {strides = array<i32>} : memref<2x4x128xi32, #tpu.memory_space<vmem>>, vector<1x1x16xi32>,
      %get3A_1121 = arith.constant 1 : i32
      %get3A_1122 = arith.index_cast %get3A_1121 : i32 to index
      %get3A_1123 = arith.constant 496 : index
      %get3A_1124 = tpu.vector_load %arg6[%get3A_1122, %get3A_1123] {strides = array<i32>} : memref<2x512xi32, #tpu.memory_space<vmem>>, vector<1x16xi32>,
      %get3A_1125 = vector.shape_cast %get3A_1124 : vector<1x16xi32> to vector<16xi32>
      %swap3A_1126 = arith.constant 1 : i32
      %swap3A_1127 = arith.constant 3 : i32
      %swap3A_1128 = arith.index_cast %swap3A_1126 : i32 to index
      %swap3A_1129 = arith.index_cast %swap3A_1127 : i32 to index
      %swap3A_1130 = arith.constant 112 : index
      %swap3A_1131 = tpu.vector_load %arg5[%swap3A_1128, %swap3A_1129, %swap3A_1130] {strides = array<i32>} : memref<2x4x128xi32, #tpu.memory_space<vmem>>, vector<1x1x16xi32>,
      %swap3A_1132 = vector.shape_cast %swap3A_1131 : vector<1x1x16xi32> to vector<16xi32>
      %swap3A_1133 = vector.shape_cast %get3A_1125 : vector<16xi32> to vector<1x1x16xi32>
      tpu.vector_store %arg5[%swap3A_1128, %swap3A_1129, %swap3A_1130], %swap3A_1133 {strides = array<i32>} : memref<2x4x128xi32, #tpu.memory_space<vmem>>, vector<1x1x16xi32>,
      %dma_start3A_1134 = arith.constant 1 : i32
      %dma_start3A_1135 = arith.constant 1 : i32
      %dma_start3A_1136 = arith.constant 0 : i32
      %dma_start3A_1137 = arith.constant 0 : i32
      %dma_start3A_1138 = arith.constant 0 : i32
      %dma_start3A_1139 = tpu.memref_slice %arg7[%dma_start3A_1134, %dma_start3A_1137, %dma_start3A_1138] : memref<2x512x16xf32, #tpu.memory_space<vmem>> -> memref<1x128x16xf32, #tpu.memory_space<vmem>>
      %dma_start3A_1140 = tpu.memref_squeeze %dma_start3A_1139 : memref<1x128x16xf32, #tpu.memory_space<vmem>> -> memref<128x16xf32, #tpu.memory_space<vmem>>
      %dma_start3A_1141 = arith.constant 0 : i32
      %dma_start3A_1142 = tpu.memref_slice %arg5[%dma_start3A_1135, %dma_start3A_1136, %dma_start3A_1141] : memref<2x4x128xi32, #tpu.memory_space<vmem>> -> memref<1x1x128xi32, #tpu.memory_space<vmem>>
      %dma_start3A_1143 = tpu.memref_squeeze %dma_start3A_1142 : memref<1x1x128xi32, #tpu.memory_space<vmem>> -> memref<128xi32, #tpu.memory_space<vmem>>
      %dma_start3A_1144 = arith.constant 0 : i32
      %dma_start3A_1145 = arith.constant 0 : i32
      %dma_start3A_1146 = tpu.memref_slice %arg8[%dma_start3A_1144, %dma_start3A_1145] : memref<100000x16xf32, #tpu.memory_space<vmem_shared>> -> memref<100000x16xf32, #tpu.memory_space<vmem_shared>>
      tpu.enqueue_indirect_dma source(%dma_start3A_1140 : memref<128x16xf32, #tpu.memory_space<vmem>>) target(%dma_start3A_1146 : memref<100000x16xf32, #tpu.memory_space<vmem_shared>>) offsets(%dma_start3A_1143 : memref<128xi32, #tpu.memory_space<vmem>>) semaphore(%arg11 : memref<!tpu.dma_semaphore, #tpu.memory_space<semaphore_mem>>) {add = true}
      %dma_start3A_1147 = arith.constant 1 : i32
      %dma_start3A_1148 = arith.constant 1 : i32
      %dma_start3A_1149 = arith.constant 1 : i32
      %dma_start3A_1150 = arith.constant 128 : i32
      %dma_start3A_1151 = arith.constant 0 : i32
      %dma_start3A_1152 = tpu.memref_slice %arg7[%dma_start3A_1147, %dma_start3A_1150, %dma_start3A_1151] : memref<2x512x16xf32, #tpu.memory_space<vmem>> -> memref<1x128x16xf32, #tpu.memory_space<vmem>>
      %dma_start3A_1153 = tpu.memref_squeeze %dma_start3A_1152 : memref<1x128x16xf32, #tpu.memory_space<vmem>> -> memref<128x16xf32, #tpu.memory_space<vmem>>
      %dma_start3A_1154 = arith.constant 0 : i32
      %dma_start3A_1155 = tpu.memref_slice %arg5[%dma_start3A_1148, %dma_start3A_1149, %dma_start3A_1154] : memref<2x4x128xi32, #tpu.memory_space<vmem>> -> memref<1x1x128xi32, #tpu.memory_space<vmem>>
      %dma_start3A_1156 = tpu.memref_squeeze %dma_start3A_1155 : memref<1x1x128xi32, #tpu.memory_space<vmem>> -> memref<128xi32, #tpu.memory_space<vmem>>
      %dma_start3A_1157 = arith.constant 0 : i32
      %dma_start3A_1158 = arith.constant 0 : i32
      %dma_start3A_1159 = tpu.memref_slice %arg8[%dma_start3A_1157, %dma_start3A_1158] : memref<100000x16xf32, #tpu.memory_space<vmem_shared>> -> memref<100000x16xf32, #tpu.memory_space<vmem_shared>>
      tpu.enqueue_indirect_dma source(%dma_start3A_1153 : memref<128x16xf32, #tpu.memory_space<vmem>>) target(%dma_start3A_1159 : memref<100000x16xf32, #tpu.memory_space<vmem_shared>>) offsets(%dma_start3A_1156 : memref<128xi32, #tpu.memory_space<vmem>>) semaphore(%arg11 : memref<!tpu.dma_semaphore, #tpu.memory_space<semaphore_mem>>) {add = true}
      %dma_start3A_1160 = arith.constant 1 : i32
      %dma_start3A_1161 = arith.constant 1 : i32
      %dma_start3A_1162 = arith.constant 2 : i32
      %dma_start3A_1163 = arith.constant 256 : i32
      %dma_start3A_1164 = arith.constant 0 : i32
      %dma_start3A_1165 = tpu.memref_slice %arg7[%dma_start3A_1160, %dma_start3A_1163, %dma_start3A_1164] : memref<2x512x16xf32, #tpu.memory_space<vmem>> -> memref<1x128x16xf32, #tpu.memory_space<vmem>>
      %dma_start3A_1166 = tpu.memref_squeeze %dma_start3A_1165 : memref<1x128x16xf32, #tpu.memory_space<vmem>> -> memref<128x16xf32, #tpu.memory_space<vmem>>
      %dma_start3A_1167 = arith.constant 0 : i32
      %dma_start3A_1168 = tpu.memref_slice %arg5[%dma_start3A_1161, %dma_start3A_1162, %dma_start3A_1167] : memref<2x4x128xi32, #tpu.memory_space<vmem>> -> memref<1x1x128xi32, #tpu.memory_space<vmem>>
      %dma_start3A_1169 = tpu.memref_squeeze %dma_start3A_1168 : memref<1x1x128xi32, #tpu.memory_space<vmem>> -> memref<128xi32, #tpu.memory_space<vmem>>
      %dma_start3A_1170 = arith.constant 0 : i32
      %dma_start3A_1171 = arith.constant 0 : i32
      %dma_start3A_1172 = tpu.memref_slice %arg8[%dma_start3A_1170, %dma_start3A_1171] : memref<100000x16xf32, #tpu.memory_space<vmem_shared>> -> memref<100000x16xf32, #tpu.memory_space<vmem_shared>>
      tpu.enqueue_indirect_dma source(%dma_start3A_1166 : memref<128x16xf32, #tpu.memory_space<vmem>>) target(%dma_start3A_1172 : memref<100000x16xf32, #tpu.memory_space<vmem_shared>>) offsets(%dma_start3A_1169 : memref<128xi32, #tpu.memory_space<vmem>>) semaphore(%arg11 : memref<!tpu.dma_semaphore, #tpu.memory_space<semaphore_mem>>) {add = true}
      %dma_start3A_1173 = arith.constant 1 : i32
      %dma_start3A_1174 = arith.constant 1 : i32
      %dma_start3A_1175 = arith.constant 3 : i32
      %dma_start3A_1176 = arith.constant 384 : i32
      %dma_start3A_1177 = arith.constant 0 : i32
      %dma_start3A_1178 = tpu.memref_slice %arg7[%dma_start3A_1173, %dma_start3A_1176, %dma_start3A_1177] : memref<2x512x16xf32, #tpu.memory_space<vmem>> -> memref<1x128x16xf32, #tpu.memory_space<vmem>>
      %dma_start3A_1179 = tpu.memref_squeeze %dma_start3A_1178 : memref<1x128x16xf32, #tpu.memory_space<vmem>> -> memref<128x16xf32, #tpu.memory_space<vmem>>
      %dma_start3A_1180 = arith.constant 0 : i32
      %dma_start3A_1181 = tpu.memref_slice %arg5[%dma_start3A_1174, %dma_start3A_1175, %dma_start3A_1180] : memref<2x4x128xi32, #tpu.memory_space<vmem>> -> memref<1x1x128xi32, #tpu.memory_space<vmem>>
      %dma_start3A_1182 = tpu.memref_squeeze %dma_start3A_1181 : memref<1x1x128xi32, #tpu.memory_space<vmem>> -> memref<128xi32, #tpu.memory_space<vmem>>
      %dma_start3A_1183 = arith.constant 0 : i32
      %dma_start3A_1184 = arith.constant 0 : i32
      %dma_start3A_1185 = tpu.memref_slice %arg8[%dma_start3A_1183, %dma_start3A_1184] : memref<100000x16xf32, #tpu.memory_space<vmem_shared>> -> memref<100000x16xf32, #tpu.memory_space<vmem_shared>>
      tpu.enqueue_indirect_dma source(%dma_start3A_1179 : memref<128x16xf32, #tpu.memory_space<vmem>>) target(%dma_start3A_1185 : memref<100000x16xf32, #tpu.memory_space<vmem_shared>>) offsets(%dma_start3A_1182 : memref<128xi32, #tpu.memory_space<vmem>>) semaphore(%arg11 : memref<!tpu.dma_semaphore, #tpu.memory_space<semaphore_mem>>) {add = true}
      %dma_wait3A_1186 = arith.constant 1 : i32
      %dma_wait3A_1187 = arith.constant 1 : i32
      %dma_wait3A_1188 = arith.constant 0 : i32
      %dma_wait3A_1189 = arith.constant 0 : i32
      %dma_wait3A_1190 = arith.constant 0 : i32
      %dma_wait3A_1191 = tpu.memref_slice %arg7[%dma_wait3A_1186, %dma_wait3A_1189, %dma_wait3A_1190] : memref<2x512x16xf32, #tpu.memory_space<vmem>> -> memref<1x128x16xf32, #tpu.memory_space<vmem>>
      %dma_wait3A_1192 = tpu.memref_squeeze %dma_wait3A_1191 : memref<1x128x16xf32, #tpu.memory_space<vmem>> -> memref<128x16xf32, #tpu.memory_space<vmem>>
      %dma_wait3A_1193 = arith.constant 0 : i32
      %dma_wait3A_1194 = tpu.memref_slice %arg5[%dma_wait3A_1187, %dma_wait3A_1188, %dma_wait3A_1193] : memref<2x4x128xi32, #tpu.memory_space<vmem>> -> memref<1x1x128xi32, #tpu.memory_space<vmem>>
      %dma_wait3A_1195 = tpu.memref_squeeze %dma_wait3A_1194 : memref<1x1x128xi32, #tpu.memory_space<vmem>> -> memref<128xi32, #tpu.memory_space<vmem>>
      %dma_wait3A_1196 = arith.constant 0 : i32
      %dma_wait3A_1197 = arith.constant 0 : i32
      %dma_wait3A_1198 = tpu.memref_slice %arg8[%dma_wait3A_1196, %dma_wait3A_1197] : memref<100000x16xf32, #tpu.memory_space<vmem_shared>> -> memref<100000x16xf32, #tpu.memory_space<vmem_shared>>
      tpu.wait_indirect_dma semaphore(%arg11 : memref<!tpu.dma_semaphore, #tpu.memory_space<semaphore_mem>>) src(%dma_wait3A_1192 : memref<128x16xf32, #tpu.memory_space<vmem>>) dst(%dma_wait3A_1198 : memref<100000x16xf32, #tpu.memory_space<vmem_shared>>)
      %dma_wait3A_1199 = arith.constant 1 : i32
      %dma_wait3A_1200 = arith.constant 1 : i32
      %dma_wait3A_1201 = arith.constant 1 : i32
      %dma_wait3A_1202 = arith.constant 128 : i32
      %dma_wait3A_1203 = arith.constant 0 : i32
      %dma_wait3A_1204 = tpu.memref_slice %arg7[%dma_wait3A_1199, %dma_wait3A_1202, %dma_wait3A_1203] : memref<2x512x16xf32, #tpu.memory_space<vmem>> -> memref<1x128x16xf32, #tpu.memory_space<vmem>>
      %dma_wait3A_1205 = tpu.memref_squeeze %dma_wait3A_1204 : memref<1x128x16xf32, #tpu.memory_space<vmem>> -> memref<128x16xf32, #tpu.memory_space<vmem>>
      %dma_wait3A_1206 = arith.constant 0 : i32
      %dma_wait3A_1207 = tpu.memref_slice %arg5[%dma_wait3A_1200, %dma_wait3A_1201, %dma_wait3A_1206] : memref<2x4x128xi32, #tpu.memory_space<vmem>> -> memref<1x1x128xi32, #tpu.memory_space<vmem>>
      %dma_wait3A_1208 = tpu.memref_squeeze %dma_wait3A_1207 : memref<1x1x128xi32, #tpu.memory_space<vmem>> -> memref<128xi32, #tpu.memory_space<vmem>>
      %dma_wait3A_1209 = arith.constant 0 : i32
      %dma_wait3A_1210 = arith.constant 0 : i32
      %dma_wait3A_1211 = tpu.memref_slice %arg8[%dma_wait3A_1209, %dma_wait3A_1210] : memref<100000x16xf32, #tpu.memory_space<vmem_shared>> -> memref<100000x16xf32, #tpu.memory_space<vmem_shared>>
      tpu.wait_indirect_dma semaphore(%arg11 : memref<!tpu.dma_semaphore, #tpu.memory_space<semaphore_mem>>) src(%dma_wait3A_1205 : memref<128x16xf32, #tpu.memory_space<vmem>>) dst(%dma_wait3A_1211 : memref<100000x16xf32, #tpu.memory_space<vmem_shared>>)
      %dma_wait3A_1212 = arith.constant 1 : i32
      %dma_wait3A_1213 = arith.constant 1 : i32
      %dma_wait3A_1214 = arith.constant 2 : i32
      %dma_wait3A_1215 = arith.constant 256 : i32
      %dma_wait3A_1216 = arith.constant 0 : i32
      %dma_wait3A_1217 = tpu.memref_slice %arg7[%dma_wait3A_1212, %dma_wait3A_1215, %dma_wait3A_1216] : memref<2x512x16xf32, #tpu.memory_space<vmem>> -> memref<1x128x16xf32, #tpu.memory_space<vmem>>
      %dma_wait3A_1218 = tpu.memref_squeeze %dma_wait3A_1217 : memref<1x128x16xf32, #tpu.memory_space<vmem>> -> memref<128x16xf32, #tpu.memory_space<vmem>>
      %dma_wait3A_1219 = arith.constant 0 : i32
      %dma_wait3A_1220 = tpu.memref_slice %arg5[%dma_wait3A_1213, %dma_wait3A_1214, %dma_wait3A_1219] : memref<2x4x128xi32, #tpu.memory_space<vmem>> -> memref<1x1x128xi32, #tpu.memory_space<vmem>>
      %dma_wait3A_1221 = tpu.memref_squeeze %dma_wait3A_1220 : memref<1x1x128xi32, #tpu.memory_space<vmem>> -> memref<128xi32, #tpu.memory_space<vmem>>
      %dma_wait3A_1222 = arith.constant 0 : i32
      %dma_wait3A_1223 = arith.constant 0 : i32
      %dma_wait3A_1224 = tpu.memref_slice %arg8[%dma_wait3A_1222, %dma_wait3A_1223] : memref<100000x16xf32, #tpu.memory_space<vmem_shared>> -> memref<100000x16xf32, #tpu.memory_space<vmem_shared>>
      tpu.wait_indirect_dma semaphore(%arg11 : memref<!tpu.dma_semaphore, #tpu.memory_space<semaphore_mem>>) src(%dma_wait3A_1218 : memref<128x16xf32, #tpu.memory_space<vmem>>) dst(%dma_wait3A_1224 : memref<100000x16xf32, #tpu.memory_space<vmem_shared>>)
      %dma_wait3A_1225 = arith.constant 1 : i32
      %dma_wait3A_1226 = arith.constant 1 : i32
      %dma_wait3A_1227 = arith.constant 3 : i32
      %dma_wait3A_1228 = arith.constant 384 : i32
      %dma_wait3A_1229 = arith.constant 0 : i32
      %dma_wait3A_1230 = tpu.memref_slice %arg7[%dma_wait3A_1225, %dma_wait3A_1228, %dma_wait3A_1229] : memref<2x512x16xf32, #tpu.memory_space<vmem>> -> memref<1x128x16xf32, #tpu.memory_space<vmem>>
      %dma_wait3A_1231 = tpu.memref_squeeze %dma_wait3A_1230 : memref<1x128x16xf32, #tpu.memory_space<vmem>> -> memref<128x16xf32, #tpu.memory_space<vmem>>
      %dma_wait3A_1232 = arith.constant 0 : i32
      %dma_wait3A_1233 = tpu.memref_slice %arg5[%dma_wait3A_1226, %dma_wait3A_1227, %dma_wait3A_1232] : memref<2x4x128xi32, #tpu.memory_space<vmem>> -> memref<1x1x128xi32, #tpu.memory_space<vmem>>
      %dma_wait3A_1234 = tpu.memref_squeeze %dma_wait3A_1233 : memref<1x1x128xi32, #tpu.memory_space<vmem>> -> memref<128xi32, #tpu.memory_space<vmem>>
      %dma_wait3A_1235 = arith.constant 0 : i32
      %dma_wait3A_1236 = arith.constant 0 : i32
      %dma_wait3A_1237 = tpu.memref_slice %arg8[%dma_wait3A_1235, %dma_wait3A_1236] : memref<100000x16xf32, #tpu.memory_space<vmem_shared>> -> memref<100000x16xf32, #tpu.memory_space<vmem_shared>>
      tpu.wait_indirect_dma semaphore(%arg11 : memref<!tpu.dma_semaphore, #tpu.memory_space<semaphore_mem>>) src(%dma_wait3A_1231 : memref<128x16xf32, #tpu.memory_space<vmem>>) dst(%dma_wait3A_1237 : memref<100000x16xf32, #tpu.memory_space<vmem_shared>>)
    }
    %barrier3A_107 = arith.constant 0 : index
    tpu.barrier barrier_id(%barrier3A_107)
    %lt3A_108 = arith.constant 15 : i32
    %lt3A_109 = arith.cmpi slt, %arg1, %lt3A_108 : i32
    %convert_element_type3A_110 = arith.extui %lt3A_109 : i1 to i32
    %cond3A_111 = arith.constant 0 : i32
    %cond3A_112 = arith.cmpi ne, %convert_element_type3A_110, %cond3A_111 : i32
    scf.if %cond3A_112 {
      "tpu.region"() ({
        %run_scoped3A_118 = tpu.sem_alloc : memref<!tpu.dma_semaphore, #tpu.memory_space<semaphore_mem>>
        %dma_start3A_119 = arith.constant 0 : i32
        %dma_start3A_120 = tpu.memref_slice %arg4[%arg0, %mul3A_6, %dma_start3A_119] : memref<2x100000x16xf32, #tpu.memory_space<hbm>> -> memref<1x6256x16xf32, #tpu.memory_space<hbm>>
        %dma_start3A_121 = tpu.memref_squeeze %dma_start3A_120 : memref<1x6256x16xf32, #tpu.memory_space<hbm>> -> memref<6256x16xf32, #tpu.memory_space<hbm>>
        %dma_start3A_122 = arith.constant 0 : i32
        %dma_start3A_123 = tpu.memref_slice %arg8[%mul3A_6, %dma_start3A_122] : memref<100000x16xf32, #tpu.memory_space<vmem_shared>> -> memref<6256x16xf32, #tpu.memory_space<vmem_shared>>
        tpu.enqueue_dma source(%dma_start3A_123 : memref<6256x16xf32, #tpu.memory_space<vmem_shared>>) target(%dma_start3A_121 : memref<6256x16xf32, #tpu.memory_space<hbm>>) target_semaphore(%run_scoped3A_118 : memref<!tpu.dma_semaphore, #tpu.memory_space<semaphore_mem>>)
        %dma_wait3A = arith.constant 0 : i32
        %dma_wait3A_124 = tpu.memref_slice %arg4[%arg0, %mul3A_6, %dma_wait3A] : memref<2x100000x16xf32, #tpu.memory_space<hbm>> -> memref<1x6256x16xf32, #tpu.memory_space<hbm>>
        %dma_wait3A_125 = tpu.memref_squeeze %dma_wait3A_124 : memref<1x6256x16xf32, #tpu.memory_space<hbm>> -> memref<6256x16xf32, #tpu.memory_space<hbm>>
        %dma_wait3A_126 = arith.constant 0 : i32
        %dma_wait3A_127 = tpu.memref_slice %arg8[%mul3A_6, %dma_wait3A_126] : memref<100000x16xf32, #tpu.memory_space<vmem_shared>> -> memref<6256x16xf32, #tpu.memory_space<vmem_shared>>
        tpu.wait_dma2 semaphore(%run_scoped3A_118 : memref<!tpu.dma_semaphore, #tpu.memory_space<semaphore_mem>>) src(%dma_wait3A_127 : memref<6256x16xf32, #tpu.memory_space<vmem_shared>>) dst(%dma_wait3A_125 : memref<6256x16xf32, #tpu.memory_space<hbm>>)
        tpu.yield
      }) : () -> ()
    } else {
    }
    %eq3A_113 = arith.constant 15 : i32
    %eq3A_114 = arith.cmpi eq, %arg1, %eq3A_113 : i32
    %convert_element_type3A_115 = arith.extui %eq3A_114 : i1 to i32
    %cond3A_116 = arith.constant 0 : i32
    %cond3A_117 = arith.cmpi ne, %convert_element_type3A_115, %cond3A_116 : i32
    scf.if %cond3A_117 {
      "tpu.region"() ({
        %run_scoped3A_118 = tpu.sem_alloc : memref<!tpu.dma_semaphore, #tpu.memory_space<semaphore_mem>>
        %dma_start3A_119 = arith.constant 0 : i32
        %dma_start3A_120 = tpu.memref_slice %arg4[%arg0, %mul3A_6, %dma_start3A_119] : memref<2x100000x16xf32, #tpu.memory_space<hbm>> -> memref<1x6160x16xf32, #tpu.memory_space<hbm>>
        %dma_start3A_121 = tpu.memref_squeeze %dma_start3A_120 : memref<1x6160x16xf32, #tpu.memory_space<hbm>> -> memref<6160x16xf32, #tpu.memory_space<hbm>>
        %dma_start3A_122 = arith.constant 0 : i32
        %dma_start3A_123 = tpu.memref_slice %arg8[%mul3A_6, %dma_start3A_122] : memref<100000x16xf32, #tpu.memory_space<vmem_shared>> -> memref<6160x16xf32, #tpu.memory_space<vmem_shared>>
        tpu.enqueue_dma source(%dma_start3A_123 : memref<6160x16xf32, #tpu.memory_space<vmem_shared>>) target(%dma_start3A_121 : memref<6160x16xf32, #tpu.memory_space<hbm>>) target_semaphore(%run_scoped3A_118 : memref<!tpu.dma_semaphore, #tpu.memory_space<semaphore_mem>>)
        %dma_wait3A = arith.constant 0 : i32
        %dma_wait3A_124 = tpu.memref_slice %arg4[%arg0, %mul3A_6, %dma_wait3A] : memref<2x100000x16xf32, #tpu.memory_space<hbm>> -> memref<1x6160x16xf32, #tpu.memory_space<hbm>>
        %dma_wait3A_125 = tpu.memref_squeeze %dma_wait3A_124 : memref<1x6160x16xf32, #tpu.memory_space<hbm>> -> memref<6160x16xf32, #tpu.memory_space<hbm>>
        %dma_wait3A_126 = arith.constant 0 : i32
        %dma_wait3A_127 = tpu.memref_slice %arg8[%mul3A_6, %dma_wait3A_126] : memref<100000x16xf32, #tpu.memory_space<vmem_shared>> -> memref<6160x16xf32, #tpu.memory_space<vmem_shared>>
        tpu.wait_dma2 semaphore(%run_scoped3A_118 : memref<!tpu.dma_semaphore, #tpu.memory_space<semaphore_mem>>) src(%dma_wait3A_127 : memref<6160x16xf32, #tpu.memory_space<vmem_shared>>) dst(%dma_wait3A_125 : memref<6160x16xf32, #tpu.memory_space<hbm>>)
        tpu.yield
      }) : () -> ()
    } else {
    }
    return
  }
}

module attributes {stable_mosaic.version = 14 : i64} {
  func.func @_mlp_body(%arg0: i32, %arg1: memref<2000x128xf32, #tpu.memory_space<vmem>>, %arg2: memref<2x2000x16xf32, #tpu.memory_space<vmem>>, %arg3: memref<128x128xf32, #tpu.memory_space<vmem>>, %arg4: memref<16x128xf32, #tpu.memory_space<vmem>>, %arg5: memref<1x128xf32, #tpu.memory_space<vmem>>, %arg6: memref<128x128xf32, #tpu.memory_space<vmem>>, %arg7: memref<1x128xf32, #tpu.memory_space<vmem>>, %arg8: memref<128x128xf32, #tpu.memory_space<vmem>>, %arg9: memref<1x128xf32, #tpu.memory_space<vmem>>, %arg10: memref<1x128xf32, #tpu.memory_space<vmem>>, %arg11: memref<1x128xf32, #tpu.memory_space<vmem>>, %arg12: memref<2000x128xf32, #tpu.memory_space<vmem>>) attributes {dimension_semantics = [#tpu.dimension_semantics<arbitrary>], iteration_bounds = array<i64: 50>, scalar_prefetch = 0 : i64, scratch_operands = 0 : i64, tpu.core_type = #tpu.core_type<tc>, window_params = [{transform_indices = @transform_0, window_bounds = array<i64: 2000, 128>}, {transform_indices = @transform_1, window_bounds = array<i64: 2, 2000, 16>}, {pipeline_mode = #tpu.pipeline_mode<synchronous>, transform_indices = @transform_2, window_bounds = array<i64: 128, 128>}, {pipeline_mode = #tpu.pipeline_mode<synchronous>, transform_indices = @transform_3, window_bounds = array<i64: 16, 128>}, {pipeline_mode = #tpu.pipeline_mode<synchronous>, transform_indices = @transform_4, window_bounds = array<i64: 1, 128>}, {pipeline_mode = #tpu.pipeline_mode<synchronous>, transform_indices = @transform_5, window_bounds = array<i64: 128, 128>}, {pipeline_mode = #tpu.pipeline_mode<synchronous>, transform_indices = @transform_6, window_bounds = array<i64: 1, 128>}, {pipeline_mode = #tpu.pipeline_mode<synchronous>, transform_indices = @transform_7, window_bounds = array<i64: 128, 128>}, {pipeline_mode = #tpu.pipeline_mode<synchronous>, transform_indices = @transform_8, window_bounds = array<i64: 1, 128>}, {pipeline_mode = #tpu.pipeline_mode<synchronous>, transform_indices = @transform_9, window_bounds = array<i64: 1, 128>}, {pipeline_mode = #tpu.pipeline_mode<synchronous>, transform_indices = @transform_10, window_bounds = array<i64: 1, 128>}, {transform_indices = @transform_11, window_bounds = array<i64: 2000, 128>}]} {
    %get3A = arith.constant 0 : index
    %get3A_0 = arith.constant 0 : index
    %get3A_1 = vector.load %arg1[%get3A, %get3A_0] : memref<2000x128xf32, #tpu.memory_space<vmem>>, vector<2000x128xf32>
    %get3A_2 = arith.constant 0 : index
    %get3A_3 = arith.constant 0 : index
    %get3A_4 = arith.constant 0 : index
    %get3A_5 = vector.load %arg2[%get3A_2, %get3A_3, %get3A_4] : memref<2x2000x16xf32, #tpu.memory_space<vmem>>, vector<1x2000x16xf32>
    %get3A_6 = vector.shape_cast %get3A_5 : vector<1x2000x16xf32> to vector<2000x16xf32>
    %get3A_7 = arith.constant 1 : index
    %get3A_8 = arith.constant 0 : index
    %get3A_9 = arith.constant 0 : index
    %get3A_10 = vector.load %arg2[%get3A_7, %get3A_8, %get3A_9] : memref<2x2000x16xf32, #tpu.memory_space<vmem>>, vector<1x2000x16xf32>
    %get3A_11 = vector.shape_cast %get3A_10 : vector<1x2000x16xf32> to vector<2000x16xf32>
    %add3A = arith.addf %get3A_6, %get3A_11 : vector<2000x16xf32>
    %get3A_12 = arith.constant 0 : index
    %get3A_13 = arith.constant 0 : index
    %get3A_14 = vector.load %arg3[%get3A_12, %get3A_13] : memref<128x128xf32, #tpu.memory_space<vmem>>, vector<128x128xf32>
    %dot_general3A = arith.constant dense<0.000000e+00> : vector<2000x128xf32>
    %dot_general3A_15 = tpu.matmul %get3A_1, %get3A_14, %dot_general3A {dimension_numbers = #tpu.dot_dimension_numbers<[1], [0], [0], [1], [0, 0, 1, 1], [], []>, transpose_lhs_hint = false} : vector<2000x128xf32>, vector<128x128xf32>, vector<2000x128xf32> -> vector<2000x128xf32>
    %get3A_16 = arith.constant 0 : index
    %get3A_17 = arith.constant 0 : index
    %get3A_18 = vector.load %arg4[%get3A_16, %get3A_17] : memref<16x128xf32, #tpu.memory_space<vmem>>, vector<16x128xf32>
    %dot_general3A_19 = arith.constant dense<0.000000e+00> : vector<2000x128xf32>
    %dot_general3A_20 = tpu.matmul %add3A, %get3A_18, %dot_general3A_19 {dimension_numbers = #tpu.dot_dimension_numbers<[1], [0], [0], [1], [0, 0, 1, 1], [], []>, transpose_lhs_hint = false} : vector<2000x16xf32>, vector<16x128xf32>, vector<2000x128xf32> -> vector<2000x128xf32>
    %add3A_21 = arith.addf %dot_general3A_15, %dot_general3A_20 : vector<2000x128xf32>
    %get3A_22 = arith.constant 0 : index
    %get3A_23 = arith.constant 0 : index
    %get3A_24 = vector.load %arg5[%get3A_22, %get3A_23] : memref<1x128xf32, #tpu.memory_space<vmem>>, vector<1x128xf32>
    %add3A_25 = vector.broadcast %get3A_24 : vector<1x128xf32> to vector<2000x128xf32>
    %add3A_26 = arith.addf %add3A_21, %add3A_25 : vector<2000x128xf32>
    %max3A = arith.constant 0.000000e+00 : f32
    %max3A_27 = vector.broadcast %max3A : f32 to vector<2000x128xf32>
    %max3A_28 = arith.maximumf %add3A_26, %max3A_27 : vector<2000x128xf32>
    %get3A_29 = arith.constant 0 : index
    %get3A_30 = arith.constant 0 : index
    %get3A_31 = vector.load %arg6[%get3A_29, %get3A_30] : memref<128x128xf32, #tpu.memory_space<vmem>>, vector<128x128xf32>
    %dot_general3A_32 = arith.constant dense<0.000000e+00> : vector<2000x128xf32>
    %dot_general3A_33 = tpu.matmul %max3A_28, %get3A_31, %dot_general3A_32 {dimension_numbers = #tpu.dot_dimension_numbers<[1], [0], [0], [1], [0, 0, 1, 1], [], []>, transpose_lhs_hint = false} : vector<2000x128xf32>, vector<128x128xf32>, vector<2000x128xf32> -> vector<2000x128xf32>
    %get3A_34 = arith.constant 0 : index
    %get3A_35 = arith.constant 0 : index
    %get3A_36 = vector.load %arg7[%get3A_34, %get3A_35] : memref<1x128xf32, #tpu.memory_space<vmem>>, vector<1x128xf32>
    %add3A_37 = vector.broadcast %get3A_36 : vector<1x128xf32> to vector<2000x128xf32>
    %add3A_38 = arith.addf %dot_general3A_33, %add3A_37 : vector<2000x128xf32>
    %max3A_39 = arith.constant 0.000000e+00 : f32
    %max3A_40 = vector.broadcast %max3A_39 : f32 to vector<2000x128xf32>
    %max3A_41 = arith.maximumf %add3A_38, %max3A_40 : vector<2000x128xf32>
    %get3A_42 = arith.constant 0 : index
    %get3A_43 = arith.constant 0 : index
    %get3A_44 = vector.load %arg8[%get3A_42, %get3A_43] : memref<128x128xf32, #tpu.memory_space<vmem>>, vector<128x128xf32>
    %dot_general3A_45 = arith.constant dense<0.000000e+00> : vector<2000x128xf32>
    %dot_general3A_46 = tpu.matmul %max3A_41, %get3A_44, %dot_general3A_45 {dimension_numbers = #tpu.dot_dimension_numbers<[1], [0], [0], [1], [0, 0, 1, 1], [], []>, transpose_lhs_hint = false} : vector<2000x128xf32>, vector<128x128xf32>, vector<2000x128xf32> -> vector<2000x128xf32>
    %get3A_47 = arith.constant 0 : index
    %get3A_48 = arith.constant 0 : index
    %get3A_49 = vector.load %arg9[%get3A_47, %get3A_48] : memref<1x128xf32, #tpu.memory_space<vmem>>, vector<1x128xf32>
    %add3A_50 = vector.broadcast %get3A_49 : vector<1x128xf32> to vector<2000x128xf32>
    %add3A_51 = arith.addf %dot_general3A_46, %add3A_50 : vector<2000x128xf32>
    %reduce_sum3A = arith.constant dense<0.000000e+00> : vector<2000xf32>
    %reduce_sum3A_52 = vector.multi_reduction <add>, %add3A_51, %reduce_sum3A [1] : vector<2000x128xf32> to vector<2000xf32>
    %broadcast_in_dim3A = vector.shape_cast %reduce_sum3A_52 : vector<2000xf32> to vector<2000x1xf32>
    %div3A = arith.constant 1.280000e+02 : f32
    %div3A_53 = vector.broadcast %div3A : f32 to vector<2000x1xf32>
    %div3A_54 = arith.divf %broadcast_in_dim3A, %div3A_53 : vector<2000x1xf32>
    %sub3A = vector.broadcast %div3A_54 : vector<2000x1xf32> to vector<2000x128xf32>
    %sub3A_55 = arith.subf %add3A_51, %sub3A : vector<2000x128xf32>
    %sub3A_56 = vector.broadcast %div3A_54 : vector<2000x1xf32> to vector<2000x128xf32>
    %sub3A_57 = arith.subf %add3A_51, %sub3A_56 : vector<2000x128xf32>
    %mul3A = arith.mulf %sub3A_55, %sub3A_57 : vector<2000x128xf32>
    %reduce_sum3A_58 = arith.constant dense<0.000000e+00> : vector<2000xf32>
    %reduce_sum3A_59 = vector.multi_reduction <add>, %mul3A, %reduce_sum3A_58 [1] : vector<2000x128xf32> to vector<2000xf32>
    %broadcast_in_dim3A_60 = vector.shape_cast %reduce_sum3A_59 : vector<2000xf32> to vector<2000x1xf32>
    %div3A_61 = arith.constant 1.280000e+02 : f32
    %div3A_62 = vector.broadcast %div3A_61 : f32 to vector<2000x1xf32>
    %div3A_63 = arith.divf %broadcast_in_dim3A_60, %div3A_62 : vector<2000x1xf32>
    %sub3A_64 = vector.broadcast %div3A_54 : vector<2000x1xf32> to vector<2000x128xf32>
    %sub3A_65 = arith.subf %add3A_51, %sub3A_64 : vector<2000x128xf32>
    %add3A_66 = arith.constant 9.99999974E-6 : f32
    %add3A_67 = vector.broadcast %add3A_66 : f32 to vector<2000x1xf32>
    %add3A_68 = arith.addf %div3A_63, %add3A_67 : vector<2000x1xf32>
    %rsqrt3A = math.rsqrt %add3A_68 : vector<2000x1xf32>
    %mul3A_69 = vector.broadcast %rsqrt3A : vector<2000x1xf32> to vector<2000x128xf32>
    %mul3A_70 = arith.mulf %sub3A_65, %mul3A_69 : vector<2000x128xf32>
    %get3A_71 = arith.constant 0 : index
    %get3A_72 = arith.constant 0 : index
    %get3A_73 = vector.load %arg10[%get3A_71, %get3A_72] : memref<1x128xf32, #tpu.memory_space<vmem>>, vector<1x128xf32>
    %mul3A_74 = vector.broadcast %get3A_73 : vector<1x128xf32> to vector<2000x128xf32>
    %mul3A_75 = arith.mulf %mul3A_70, %mul3A_74 : vector<2000x128xf32>
    %get3A_76 = arith.constant 0 : index
    %get3A_77 = arith.constant 0 : index
    %get3A_78 = vector.load %arg11[%get3A_76, %get3A_77] : memref<1x128xf32, #tpu.memory_space<vmem>>, vector<1x128xf32>
    %add3A_79 = vector.broadcast %get3A_78 : vector<1x128xf32> to vector<2000x128xf32>
    %add3A_80 = arith.addf %mul3A_75, %add3A_79 : vector<2000x128xf32>
    %swap3A = arith.constant 0 : index
    %swap3A_81 = arith.constant 0 : index
    %swap3A_82 = vector.load %arg12[%swap3A, %swap3A_81] : memref<2000x128xf32, #tpu.memory_space<vmem>>, vector<2000x128xf32>
    tpu.vector_store %arg12[%swap3A, %swap3A_81], %add3A_80 {strides = array<i32>} : memref<2000x128xf32, #tpu.memory_space<vmem>>, vector<2000x128xf32>,
    return
  }
  func.func @transform_0(%arg0: i32) -> (i32, i32) {
    %c0_i32 = arith.constant 0 : i32
    %c0_i32_0 = arith.constant 0 : i32
    return %arg0, %c0_i32 : i32, i32
  }
  func.func @transform_1(%arg0: i32) -> (i32, i32, i32) {
    %c0_i32 = arith.constant 0 : i32
    %c0_i32_0 = arith.constant 0 : i32
    %c0_i32_1 = arith.constant 0 : i32
    return %c0_i32, %arg0, %c0_i32_0 : i32, i32, i32
  }
  func.func @transform_2(%arg0: i32) -> (i32, i32) {
    %c0_i32 = arith.constant 0 : i32
    %c0_i32_0 = arith.constant 0 : i32
    %c0_i32_1 = arith.constant 0 : i32
    return %c0_i32, %c0_i32_0 : i32, i32
  }
  func.func @transform_3(%arg0: i32) -> (i32, i32) {
    %c0_i32 = arith.constant 0 : i32
    %c0_i32_0 = arith.constant 0 : i32
    %c0_i32_1 = arith.constant 0 : i32
    return %c0_i32, %c0_i32_0 : i32, i32
  }
  func.func @transform_4(%arg0: i32) -> (i32, i32) {
    %c0_i32 = arith.constant 0 : i32
    %c0_i32_0 = arith.constant 0 : i32
    %c0_i32_1 = arith.constant 0 : i32
    return %c0_i32, %c0_i32_0 : i32, i32
  }
  func.func @transform_5(%arg0: i32) -> (i32, i32) {
    %c0_i32 = arith.constant 0 : i32
    %c0_i32_0 = arith.constant 0 : i32
    %c0_i32_1 = arith.constant 0 : i32
    return %c0_i32, %c0_i32_0 : i32, i32
  }
  func.func @transform_6(%arg0: i32) -> (i32, i32) {
    %c0_i32 = arith.constant 0 : i32
    %c0_i32_0 = arith.constant 0 : i32
    %c0_i32_1 = arith.constant 0 : i32
    return %c0_i32, %c0_i32_0 : i32, i32
  }
  func.func @transform_7(%arg0: i32) -> (i32, i32) {
    %c0_i32 = arith.constant 0 : i32
    %c0_i32_0 = arith.constant 0 : i32
    %c0_i32_1 = arith.constant 0 : i32
    return %c0_i32, %c0_i32_0 : i32, i32
  }
  func.func @transform_8(%arg0: i32) -> (i32, i32) {
    %c0_i32 = arith.constant 0 : i32
    %c0_i32_0 = arith.constant 0 : i32
    %c0_i32_1 = arith.constant 0 : i32
    return %c0_i32, %c0_i32_0 : i32, i32
  }
  func.func @transform_9(%arg0: i32) -> (i32, i32) {
    %c0_i32 = arith.constant 0 : i32
    %c0_i32_0 = arith.constant 0 : i32
    %c0_i32_1 = arith.constant 0 : i32
    return %c0_i32, %c0_i32_0 : i32, i32
  }
  func.func @transform_10(%arg0: i32) -> (i32, i32) {
    %c0_i32 = arith.constant 0 : i32
    %c0_i32_0 = arith.constant 0 : i32
    %c0_i32_1 = arith.constant 0 : i32
    return %c0_i32, %c0_i32_0 : i32, i32
  }
  func.func @transform_11(%arg0: i32) -> (i32, i32) {
    %c0_i32 = arith.constant 0 : i32
    %c0_i32_0 = arith.constant 0 : i32
    return %arg0, %c0_i32 : i32, i32
  }
}

</mosaic_0001>

<sc_bundles>
// kernel: kernel.4.cloned.1.call-start
scs
__scs_entry_jumppad:
0x0: {  	(pc) =	sbr.rel $0x88, $3  }
0x1: {  	(tag) =	ssettag $0x0;
	lr =	simm.s32 $0x1  }
0x2: {  	[smem:$0x3F96] =	sst lr;
	_ =	strace $0xD0000000  }
0x3: {  	_ = 	snop  }
0x4: {  	_ = 	snop  }
0x5: {  	_ = 	snop  }
0x6: {  	_ = 	snop  }
0x7: {  	_ = 	snop  }
__scs_overlays_trampoline_lowered:
0x8: {  	[smem:$0x3FA5] =	sst s0  }
0x9: {  	[smem:$0x3FA6] =	sst s1  }
0xa: {  	[smem:$0x3FA7] =	sst s2  }
0xb: {  	[smem:$0x3FA8] =	sst s3  }
0xc: {  	[smem:$0x3FA9] =	sst s4  }
0xd: {  	[smem:$0x3FAA] =	sst s5  }
0xe: {  	[smem:$0x3FAB] =	sst s6  }
0xf: {  	[smem:$0x3FAC] =	sst s7  }
0x10: {  	[smem:$0x3FAD] =	sst s8  }
0x11: {  	[smem:$0x3FAE] =	sst s9;
	s0 =	simm.s32 @!p0 $0x0  }
0x12: {  	s1 =	sld [smem:$0x3F94];
	s0 =	simm.s32 @p0 $0x1  }
0x13: {  	[smem:$0x3FAF] =	sst s0;
	s0 =	simm.s32 @!p1 $0x0  }
0x14: {  	s2 =	sld [smem:$0x3F93];
	s0 =	simm.s32 @p1 $0x1  }
0x15: {  	[smem:$0x3FB0] =	sst s0;
	s0 =	simm.s32 @!p2 $0x0  }
0x16: {  	s3 =	sld [smem:$0x3FDB];
	s0 =	simm.s32 @p2 $0x1  }
0x17: {  	s4 =	simm.s32 $0x1BF5;
	[smem:$0x3FB2] =	sst s0  }
0x18: {  	s0 =	sld [smem:$0x3F95];
	_ =	swait.ge [sflag:s4], $0x0  }
0x19: {  	s7 =	sld [smem:$0x3F96]  }
0x1a: {  	s8 =	sadd.s32 $0xFFFFE003, lr  }
0x1b: {  	s9 =	sadd.s32 $0xFFFFFEF7, lr;
	s5 =	simm.s32 $0xFFFFFFFF;
	p2 =	slt.u32 s8, $0xFFFFF086  }
0x1c: {  	p1 =	slt.u32 s9, $0xF7A;
	s5 =	simm.s32 @!p2 $0x0  }
0x1d: {  	s5 =	simm.s32 @p1 $0x1;
	p0 =	seq.s32 s7, s2  }
0x1e: {  	s7 =	smul.u32 @!p0 $0xF7A, s2;
	p2 =	seq.s32 @!p0 s5, $0x0  }
0x1f: {  	s9 =	smul.u32 $0xF7A, s1;
	s8 =	simm.s32 @!p0 $0x1BF5;
	p2 =	por !p2, p0  }
0x20: {  	[sflag:s8] =	ssyncset.s32 @!p0 $0xFFFFF086;
	s6 =	sadd.s32 @!p0 s3, s7;
	s7 =	simm.s32 @!p0 $0x108  }
0x21: {  	s3 =	sadd.s32 s3, s9;
	s6 =	sadd.s32 @!p0 $0x88, s6;
	s7 =	simm.s32 @p2 $0x1082  }
0x22: {  	[simem:s7], [sflag:s8] =	dma.local @!p0 [hbm:s6], $0xF7A  }
0x23: {  	s9 =	sor.u32 $0xD0000000, s2;
	s6 =	simm.s32 $0x108;
	_ =	swait.ge @!p0 [sflag:s8], $0x0  }
0x24: {  	s3 =	sadd.s32 $0x88, s3;
	s6 =	simm.s32 @!p1 $0x1082;
	[sflag:s4] =	ssyncset.s32 $0xFFFFF086  }
0x25: {  	[simem:s6], [sflag:s4] =	dma.local [hbm:s3], $0xF7A  }
0x26: {  	[smem:$0x3F96] =	sst s1;
	(tag) =	ssettag s2;
	_ =	strace s9  }
0x27: {  	s1 =	sld [smem:$0x3FA6]  }
0x28: {  	s2 =	sld [smem:$0x3FA7]  }
0x29: {  	s4 =	sld [smem:$0x3FA9]  }
0x2a: {  	p0 =	seq.s32 s5, $0x0;
	s5 =	sld [smem:$0x3FAA]  }
0x2b: {  	s6 =	sld [smem:$0x3FAB]  }
0x2c: {  	s7 =	sld [smem:$0x3FAC]  }
0x2d: {  	s3 =	simm.s32 $0x108;
	s8 =	sld [smem:$0x3FAD]  }
0x2e: {  	s3 =	simm.s32 @!p0 $0x1082;
	s9 =	sld [smem:$0x3FAE]  }
0x2f: {  	lr =	sadd.s32 s0, s3;
	s0 =	sld [smem:$0x3FA5]  }
0x30: {  	s3 =	sld [smem:$0x3FA8]  }
0x31: {  	[smem:$0x3FB1] =	sst s10  }
0x32: {  	s10 =	sld [smem:$0x3FAF];
	_ =	sdelay $0x3  }
0x33: {  	p0 =	seq.s32 s10, $0x1;
	s10 =	sld [smem:$0x3FB1];
	_ =	sdelay $0x3  }
0x34: {  	[smem:$0x3FB1] =	sst s10  }
0x35: {  	s10 =	sld [smem:$0x3FB0];
	_ =	sdelay $0x3  }
0x36: {  	p1 =	seq.s32 s10, $0x1;
	s10 =	sld [smem:$0x3FB1];
	_ =	sdelay $0x3  }
0x37: {  	[smem:$0x3FB1] =	sst s10  }
0x38: {  	s10 =	sld [smem:$0x3FB2]  }
0x39: {  	_ = 	snop;
	(pc) =	sbr.ind lr, $3  }
0x3a: {  	_ = 	snop  }
0x3b: {  	_ = 	snop  }
0x3c: {  	p2 =	seq.s32 s10, $0x1;
	s10 =	sld [smem:$0x3FB1]  }
0x3d: {  	_ =	shalt  }
0x3e: {  	_ =	shalt  }
0x3f: {  	_ =	shalt  }
0x40: {  	_ =	shalt  }
0x41: {  	_ =	shalt  }
0x42: {  	_ =	shalt  }
0x43: {  	_ =	shalt  }
0x44: {  	_ =	shalt  }
0x45: {  	_ =	shalt  }
0x46: {  	_ =	shalt  }
0x47: {  	_ =	shalt  }
0x48: {  	_ =	shalt  }
0x49: {  	_ =	shalt  }
0x4a: {  	_ =	shalt  }
0x4b: {  	_ =	shalt  }
0x4c: {  	_ =	shalt  }
0x4d: {  	_ =	shalt  }
0x4e: {  	_ =	shalt  }
0x4f: {  	_ =	shalt  }
0x50: {  	_ =	shalt  }
0x51: {  	_ =	shalt  }
0x52: {  	_ =	shalt  }
0x53: {  	_ =	shalt  }
0x54: {  	_ =	shalt  }
0x55: {  	_ =	shalt  }
0x56: {  	_ =	shalt  }
0x57: {  	_ =	shalt  }
0x58: {  	_ =	shalt  }
0x59: {  	_ =	shalt  }
0x5a: {  	_ =	shalt  }
0x5b: {  	_ =	shalt  }
0x5c: {  	_ =	shalt  }
0x5d: {  	_ =	shalt  }
0x5e: {  	_ =	shalt  }
0x5f: {  	_ =	shalt  }
0x60: {  	_ =	shalt  }
0x61: {  	_ =	shalt  }
0x62: {  	_ =	shalt  }
0x63: {  	_ =	shalt  }
0x64: {  	_ =	shalt  }
0x65: {  	_ =	shalt  }
0x66: {  	_ =	shalt  }
0x67: {  	_ =	shalt  }
0x68: {  	_ =	shalt  }
0x69: {  	_ =	shalt  }
0x6a: {  	_ =	shalt  }
0x6b: {  	_ =	shalt  }
0x6c: {  	_ =	shalt  }
0x6d: {  	_ =	shalt  }
0x6e: {  	_ =	shalt  }
0x6f: {  	_ =	shalt  }
0x70: {  	_ =	shalt  }
0x71: {  	_ =	shalt  }
0x72: {  	_ =	shalt  }
0x73: {  	_ =	shalt  }
0x74: {  	_ =	shalt  }
0x75: {  	_ =	shalt  }
0x76: {  	_ =	shalt  }
0x77: {  	_ =	shalt  }
0x78: {  	_ =	shalt  }
0x79: {  	_ =	shalt  }
0x7a: {  	_ =	shalt  }
0x7b: {  	_ =	shalt  }
0x7c: {  	_ =	shalt  }
0x7d: {  	_ =	shalt  }
0x7e: {  	_ =	shalt  }
0x7f: {  	_ =	shalt  }
0x80: {  	_ =	shalt  }
0x81: {  	_ =	shalt  }
0x82: {  	_ =	shalt  }
0x83: {  	_ =	shalt  }
0x84: {  	_ =	shalt  }
0x85: {  	_ =	shalt  }
0x86: {  	_ =	shalt  }
0x87: {  	_ =	shalt  }
.Lfunc_end0:
.L_simem_size_0:
called_computation_lowered:
.L_overlay_start_0:
0x88: {  	s2 =	sld [smem:$0x3FD9]  }
0x89: {  	s3 =	sld [smem:$0x3FFE];
	_ =	sdelay $0x1  }
0x8a: {  	s1 =	srdreg.scid  }
0x8b: {  	s0 =	sand.u32 $0x1, s1  }
0x8c: {  	s17 =	sshll.u32 s0, $0xA;
	s2 =	sadd.s32 s3, s2  }
0x8d: {  	s2 =	sadd.s32 s2, s17  }
0x8e: {  	[smem:$0x3FBD] =	sst s2  }
0x8f: {  	_ = 	snop  }
0x90: {  	s2 =	sld [smem:$0x3FD0];
	(tm) =	ssettm $0x1  }
0x91: {  	s18 =	sld [smem:$0x3FFB];
	_ =	sdelay $0x3  }
0x92: {  	_ =	strace s18  }
0x93: {  	s3 =	sld [smem:$0x3FFC];
	_ =	sdelay $0x3  }
0x94: {  	_ =	strace s3  }
0x95: {  	s3 =	sld [smem:$0x3FFD];
	_ =	sdelay $0x3  }
0x96: {  	_ =	strace s3  }
0x97: {  	_ =	strace $0x8FFFFFFF  }
0x98: {  	s19 =	sld [smem:$0x3FDB];
	_ =	sdelay $0x1  }
0x99: {  	s4 =	simm.s32 $_scs_section_size  }
0x9a: {  	s5 =	simm.s32 $_size__tile_overlayer_lowered;
	s6 =	simm.s32 $_tile_overlayer_lowered  }
0x9b: {  	s22 =	simm.s32 $0x1BFF;
	s21 =	sshll.u32 s6, $0x1;
	s3 =	sadd.s32 s4, s19  }
0x9c: {  	s7 =	simm.s32 $0x0;
	s20 =	sshll.u32 s5, $0x1;
	s5 =	sadd.s32 s21, s3  }
0x9d: {  	[timem:s7], [sflag:s22] =	dma.local [hbm:s5], s20  }
0x9e: {  	_ =	swait.ge [sflag:s22], s20  }
0x9f: {  	s4 =	ssub.s32 $0x0, s20;
	[sflag:s22] =	ssyncset.done $0x0  }
0xa0: {  	[sflag:s22] =	ssyncadd.s32 s4;
	_ =	sdelay $0x1  }
0xa1: {  	s23 =	simm.s32 $0x1B8B  }
0xa2: {  	_ =	swait.ge [sflag:s23], $0x1  }
0xa3: {  	[sflag:s23] =	ssyncset.done $0x0  }
0xa4: {  	s25 =	simm.s32 $0x1B8E;
	s24 =	sld [smem:$0x3FFE];
	[sflag:s23] =	ssyncadd.s32 $0xFFFFFFFF  }
0xa5: {  	s26 =	simm.s32 $execute0_lowered;
	[smem:$0x3FD2] =	sst s25  }
0xa6: {  	s5 =	sshll.u32 s26, $0x1;
	_ =	strace $0x80000046;
	[dreg:$0x1] =	wrdreg $0xFFFFFFFF  }
0xa7: {  	s28 =	simm.s32 $_size_execute0_lowered;
	s3 =	sadd.s32 s3, s5;
	[dreg:$0x0] =	wrdreg $0x0  }
0xa8: {  	s5 =	sshll.u32 s28, $0x1;
	[dreg:$0x2] =	wrdreg s3  }
0xa9: {  	[dreg:$0x3] =	wrdreg s5  }
0xaa: {  	[dreg:$0x4] =	wrdreg $0xC0  }
0xab: {  	_ =	task [dreg:s7], $0x5FFFF  }
0xac: {  	[dreg:$0x1] =	wrdreg $0xFFFFFFFF  }
0xad: {  	[dreg:$0x0] =	wrdreg $0x60  }
0xae: {  	[dreg:$0x2] =	wrdreg s2  }
0xaf: {  	[dreg:$0x3] =	wrdreg s24  }
0xb0: {  	[dreg:$0x4] =	wrdreg $0x48000  }
0xb1: {  	[dreg:$0x5] =	wrdreg $0x9  }
0xb2: {  	_ =	task.clear_ibuf [dreg:s7], $0x6FFFF;
	_ =	strace $0x90000046  }
0xb3: {  	s29 =	simm.s32 $0x9;
	_ =	strace $0x80000048  }
0xb4: {  	_ =	swait.ge [sflag:s29], $0x1  }
0xb5: {  	[sflag:s29] =	ssyncadd.s32 $0xFFFFFFFF  }
0xb6: {  	_ =	strace $0x90000048  }
0xb7: {  	_ =	sfence  }
0xb8: {  	s30 =	sld [smem:$0x0];
	_ =	sdelay $0x2  }
0xb9: {  	s31 =	sshll.u32 s1, $0xD;
	s1 =	sshrl.u32 s1, $0x2  }
0xba: {  	s3 =	sand.u32 $0x4000, s31;
	s1 =	sadd.s32 s1, s30  }
0xbb: {  	s0 =	sor.u32 s3, s0;
	s1 =	sshll.u32 s1, $0x11  }
0xbc: {  	s0 =	sor.u32 s1, s0  }
0xbd: {  	s0 =	sadd.s32 $0x8F2B, s0  }
0xbe: {  	[sflag:s0] =	ssyncadd.remote.s32 $0x1  }
0xbf: {  	_ =	sfence.sel $0xFFFF  }
0xc0: {  	[dreg:$0x0] =	wrdreg $0xFFFFFFFF;
	(pc) =	sbr.abs _section_cstart, $3  }
0xc1: {  	[dreg:$0x1] =	wrdreg $0xFFFFFFFF  }
0xc2: {  	_ =	task.clear_ibuf [dreg:s7], $0x2FFFF;
	_ =	strace $0x9FFFFFFF  }
0xc3: {  	(tm) =	ssettm $0x7FFFFFFF  }
tec
execute0_lowered:
.L_overlay_start_1:
0x0: {  	(tag) =	ssettag $0x1  }
0x1: {  	s0 =	rddreg [dreg:$0x0]  }
0x2: {  	s2 =	rddreg [dreg:$0x1]  }
0x3: {  	s1 =	rddreg [dreg:$0x2];
	s3 =	simm.s32 $0x0;
	s4 =	srdreg.scid  }
0x4: {  	s17 =	stileid.u32;
	s28 =	simm.s32 $0x800;
	s29 =	simm.s32 $0x4  }
0x5: {  	s31 =	simm.s32 $0x1;
	s30 =	simm.s32 $0x2;
	s24 =	smul.u32 $0x61C00, s17  }
0x6: {  	[smem:$0x7FF] =	sst s3;
	s5 =	sand.u32 $0x1, s4;
	s6 =	sadd.s32 $0x30D5600, s2  }
0x7: {  	s2 =	sadd.s32 $0x1600, s2;
	s9 =	smul.u32 $0x18700, s17;
	s4 =	sshrl.u32 s24, $0x2  }
0x8: {  	s20 =	smul.u32 $0x61, s17;
	_ =	strace $0x80000047;
	s10 =	sadd.s32 s4, s1  }
0x9: {  	s7 =	ssub.s32 $0x2, s5;
	s25 =	sshll.u32 s5, $0x4;
	s11 =	sadd.s32 $0x2000, s10  }
0xa: {  	s8 =	sshrl.u32 s7, $0x1;
	s26 =	sadd.s32 $0x4000, s10;
	[dreg:$0xd] =	wrdreg s11  }
0xb: {  	s7 =	ssub.s32 s7, s8;
	s12 =	sadd.s32 $0x6000, s10;
	[dreg:$0xe] =	wrdreg s26  }
0xc: {  	s8 =	sor.u32 s17, s25;
	s13 =	sadd.s32 $0x8000, s10;
	[dreg:$0xf] =	wrdreg s12  }
0xd: {  	s4 =	sadd.s32 s9, s1;
	s14 =	sadd.s32 $0xA000, s10;
	[dreg:$0x10] =	wrdreg s13  }
0xe: {  	s15 =	sadd.s32 $0xC000, s10;
	s16 =	smul.u32 $0x61, s8;
	[dreg:$0x11] =	wrdreg s14  }
0xf: {  	s18 =	smin.u32 s8, $0x15;
	s25 =	sadd.s32 $0x12000, s10;
	[dreg:$0x12] =	wrdreg s15  }
0x10: {  	p0 =	slt.u32 s8, $0x15;
	s12 =	sadd.s32 $0xE000, s10;
	[dreg:$0x16] =	wrdreg s25  }
0x11: {  	s14 =	smul.u32 $0x186A00, s5;
	s13 =	sadd.s32 $0x10000, s10;
	[dreg:$0x13] =	wrdreg s12  }
0x12: {  	s5 =	smul.u32 $0x610, s5;
	s25 =	simm.s32 $0x2800;
	[dreg:$0x14] =	wrdreg s13  }
0x13: {  	s11 =	sadd.s32 s18, s16;
	s13 =	simm.s32 $0xC4;
	s16 =	simm.s32 $0x1000  }
0x14: {  	[dreg:$0xb] =	wrdreg s25;
	s19 =	sadd.s32 s9, s14;
	s13 =	simm.s32 @!p0 $0xC2  }
0x15: {  	s21 =	sshrl.u32 s14, $0x3;
	s22 =	sadd.s32 s5, s18;
	s24 =	sshll.u32 s11, $0x7  }
0x16: {  	s26 =	sadd.s32 s20, s5;
	s9 =	sadd.s32 $0x14000, s10;
	[dreg:$0x5] =	wrdreg s16  }
0x17: {  	p0 =	seq.s32 s17, $0xF;
	s8 =	sshrl.u32 s19, $0x3;
	s23 =	sshll.u32 s13, $0x6  }
0x18: {  	s14 =	sadd.s32 s20, s22;
	[dreg:$0x17] =	wrdreg s9;
	s19 =	simm.s32 $0x1800  }
0x19: {  	s20 =	sadd.s32 $0x16000, s10;
	s22 =	sadd.s32 $0x18000, s10;
	[dreg:$0x4] =	wrdreg s23  }
0x1a: {  	s9 =	simm.s32 $0x4000;
	s10 =	simm.s32 $0x0;
	[dreg:$0x19] =	wrdreg s20  }
0x1b: {  	s8 =	sadd.s32 s2, s8;
	s2 =	sadd.s32 s2, s21;
	[dreg:$0x7] =	wrdreg s19  }
0x1c: {  	s14 =	sshll.u32 s14, $0x7;
	s21 =	simm.s32 $0x180;
	[dreg:$0x1a] =	wrdreg s22  }
0x1d: {  	s23 =	simm.s32 $0x2000;
	[dreg:$0x15] =	wrdreg s8;
	s8 =	sadd.s32 s0, s24  }
0x1e: {  	s15 =	sadd.s32 s14, s0;
	s14 =	sshll.u32 s11, $0xB;
	[dreg:$0x8] =	wrdreg s21  }
0x1f: {  	s0 =	sadd.s32 s18, s26;
	s18 =	simm.s32 $0x100;
	[dreg:$0x9] =	wrdreg s23  }
0x20: {  	s24 =	simm.s32 $0x200;
	s22 =	sadd.s32 $0x2DD20, s2;
	s23 =	smax.u32 s7, $0x1  }
0x21: {  	s26 =	simm.s32 $0x280;
	s2 =	simm.s32 $0x3;
	[dreg:$0x6] =	wrdreg s18  }
0x22: {  	s7 =	simm.s32 $0x3800;
	s5 =	sadd.s32 s6, s14;
	[dreg:$0xa] =	wrdreg s24  }
0x23: {  	s0 =	sshll.u32 s0, $0xB;
	s21 =	sadd.s32 $0x61A80, s8;
	[dreg:$0xc] =	wrdreg s26  }
0x24: {  	s26 =	sadd.s32 $0x186900, s1;
	s8 =	simm.s32 $0x380;
	[dreg:$0x18] =	wrdreg s5  }
0x25: {  	s0 =	sadd.s32 s0, s6;
	s5 =	simm.s32 $0x3000;
	s6 =	simm.s32 $0x300  }
0x26: {  	v0 =	vimm.f32 $0.0e+00;
	s16 =	sadd.s32 $0x400, s0;
	s14 =	sadd.s32 $0x800, s0;
	s0 =	simm.s32 $0x80  }
.LBB2_1:
0x27: {  	s11 =	simm.s32 $0x40;
	s12 =	simm.s32 $0x0  }
.LBB2_2:
0x28: {  	p1 =	sne.s32 s11, $0x7FC0;
	[tilespmem:s12+$0x800] =	vst v0;
	s12 =	smov.u32 s11;
	s11 =	sadd.s32 $0x40, s11  }
.Ltmp0:
0x29: {  	(pc) =	sbr.rel @p1 .LBB2_2-.Ltmp0, $2  }
0x2a: {  	_ =	sdelay $0x2  }
0x2b: {  	s12 =	sshra.s32 s12, $0x2  }
0x2c: {  	[tilespmem:s12+$0x800] =	vst v0  }
0x2d: {  	[spmem:s4] =	stream.linear.scatter [tilespmem:s28], [sflag:$0x4], $0x2000, $0x38;
	[tilespmem:$0x1CEA0] =	vst v63  }
0x2e: {  	_ =	swait.ge [sflag:s29], $0x2000  }
0x2f: {  	[sflag:s29] =	ssyncset.done $0x0  }
0x30: {  	s11 =	rddreg [dreg:$0xd];
	[sflag:s29] =	ssyncadd.s32 $0xFFFFE000  }
0x31: {  	[spmem:s11] =	stream.linear.scatter [tilespmem:s28], [sflag:$0x4], $0x2000, $0x38;
	[tilespmem:$0x1CEA0] =	vst v63  }
0x32: {  	_ =	swait.ge [sflag:s29], $0x2000  }
0x33: {  	[sflag:s29] =	ssyncset.done $0x0  }
0x34: {  	s18 =	rddreg [dreg:$0xe];
	[sflag:s29] =	ssyncadd.s32 $0xFFFFE000  }
0x35: {  	[spmem:s18] =	stream.linear.scatter [tilespmem:s28], [sflag:$0x4], $0x2000, $0x38;
	[tilespmem:$0x1CEA0] =	vst v63  }
0x36: {  	_ =	swait.ge [sflag:s29], $0x2000  }
0x37: {  	[sflag:s29] =	ssyncset.done $0x0  }
0x38: {  	s19 =	rddreg [dreg:$0xf];
	[sflag:s29] =	ssyncadd.s32 $0xFFFFE000  }
0x39: {  	[spmem:s19] =	stream.linear.scatter [tilespmem:s28], [sflag:$0x4], $0x2000, $0x38;
	[tilespmem:$0x1CEA0] =	vst v63  }
0x3a: {  	_ =	swait.ge [sflag:s29], $0x2000  }
0x3b: {  	[sflag:s29] =	ssyncset.done $0x0  }
0x3c: {  	s20 =	rddreg [dreg:$0x10];
	[sflag:s29] =	ssyncadd.s32 $0xFFFFE000  }
0x3d: {  	[spmem:s20] =	stream.linear.scatter [tilespmem:s28], [sflag:$0x4], $0x2000, $0x38;
	[tilespmem:$0x1CEA0] =	vst v63  }
0x3e: {  	_ =	swait.ge [sflag:s29], $0x2000  }
0x3f: {  	[sflag:s29] =	ssyncset.done $0x0  }
0x40: {  	s24 =	rddreg [dreg:$0x11];
	[sflag:s29] =	ssyncadd.s32 $0xFFFFE000  }
0x41: {  	[spmem:s24] =	stream.linear.scatter [tilespmem:s28], [sflag:$0x4], $0x2000, $0x38;
	[tilespmem:$0x1CEA0] =	vst v63  }
0x42: {  	_ =	swait.ge [sflag:s29], $0x2000  }
0x43: {  	[sflag:s29] =	ssyncset.done $0x0  }
0x44: {  	s25 =	rddreg [dreg:$0x12];
	[sflag:s29] =	ssyncadd.s32 $0xFFFFE000  }
0x45: {  	[spmem:s25] =	stream.linear.scatter [tilespmem:s28], [sflag:$0x4], $0x2000, $0x38;
	[tilespmem:$0x1CEA0] =	vst v63  }
0x46: {  	_ =	swait.ge [sflag:s29], $0x2000  }
0x47: {  	[sflag:s29] =	ssyncset.done $0x0  }
0x48: {  	s12 =	rddreg [dreg:$0x13];
	[sflag:s29] =	ssyncadd.s32 $0xFFFFE000  }
0x49: {  	[spmem:s12] =	stream.linear.scatter [tilespmem:s28], [sflag:$0x4], $0x2000, $0x38;
	[tilespmem:$0x1CEA0] =	vst v63  }
0x4a: {  	_ =	swait.ge [sflag:s29], $0x2000  }
0x4b: {  	[sflag:s29] =	ssyncset.done $0x0  }
0x4c: {  	s17 =	rddreg [dreg:$0x14];
	[sflag:s29] =	ssyncadd.s32 $0xFFFFE000  }
0x4d: {  	[spmem:s17] =	stream.linear.scatter [tilespmem:s28], [sflag:$0x4], $0x2000, $0x38;
	[tilespmem:$0x1CEA0] =	vst v63  }
0x4e: {  	_ =	swait.ge [sflag:s29], $0x2000  }
0x4f: {  	[sflag:s29] =	ssyncset.done $0x0  }
0x50: {  	s18 =	rddreg [dreg:$0x16];
	[sflag:s29] =	ssyncadd.s32 $0xFFFFE000  }
0x51: {  	[spmem:s18] =	stream.linear.scatter [tilespmem:s28], [sflag:$0x4], $0x2000, $0x38;
	[tilespmem:$0x1CEA0] =	vst v63  }
0x52: {  	_ =	swait.ge [sflag:s29], $0x2000  }
0x53: {  	[sflag:s29] =	ssyncset.done $0x0  }
0x54: {  	s19 =	rddreg [dreg:$0x17];
	[sflag:s29] =	ssyncadd.s32 $0xFFFFE000  }
0x55: {  	[spmem:s19] =	stream.linear.scatter [tilespmem:s28], [sflag:$0x4], $0x2000, $0x38;
	[tilespmem:$0x1CEA0] =	vst v63  }
0x56: {  	_ =	swait.ge [sflag:s29], $0x2000  }
0x57: {  	[sflag:s29] =	ssyncset.done $0x0  }
0x58: {  	s20 =	rddreg [dreg:$0x19];
	[sflag:s29] =	ssyncadd.s32 $0xFFFFE000  }
0x59: {  	[spmem:s20] =	stream.linear.scatter [tilespmem:s28], [sflag:$0x4], $0x2000, $0x38;
	[tilespmem:$0x1CEA0] =	vst v63  }
0x5a: {  	_ =	swait.ge [sflag:s29], $0x2000  }
0x5b: {  	[sflag:s29] =	ssyncset.done $0x0  }
0x5c: {  	s11 =	simm.s32 @p0 $0x800;
	[sflag:s29] =	ssyncadd.s32 $0xFFFFE000  }
0x5d: {  	[spmem:s26] =	stream.linear.scatter @p0 [tilespmem:s11], [sflag:$0x4], $0x100, $0x38;
	[tilespmem:$0x1CEA0] =	vst v63  }
0x5e: {  	s11 =	simm.s32 @p0 $0x4  }
0x5f: {  	_ =	swait.ge @p0 [sflag:s11], $0x100  }
0x60: {  	[sflag:s11] =	ssyncset.done @p0 $0x0  }
0x61: {  	s12 =	rddreg [dreg:$0x1a];
	[sflag:s11] =	ssyncadd.s32 @p0 $0xFFFFFF00;
	s11 =	simm.s32 @!p0 $0x800  }
0x62: {  	[spmem:s12] =	stream.linear.scatter @!p0 [tilespmem:s11], [sflag:$0x4], $0x700, $0x38;
	[tilespmem:$0x1CEA0] =	vst v63  }
0x63: {  	s11 =	simm.s32 @!p0 $0x4  }
0x64: {  	_ =	swait.ge @!p0 [sflag:s11], $0x700  }
0x65: {  	[sflag:s11] =	ssyncset.done @!p0 $0x0  }
0x66: {  	[sflag:s11] =	ssyncadd.s32 @!p0 $0xFFFFF900  }
0x67: {  	[bflag:$0x0] =	sbarrier.arrive $0xFFFF  }
0x68: {  	s11 =	simm.s32 $0x0;
	s24 =	rddreg [dreg:$0x18]  }
0x69: {  	[tilespmem:s28], [sflag:$0x1] =	stream.linear.gather [hbm4b:s24+s11], $0x2000, $0x38;
	[tilespmem:$0x1CEA0] =	vst v63  }
0x6a: {  	s25 =	simm.s32 $0x400  }
0x6b: {  	[tilespmem:s25], [sflag:$0x1] =	stream.linear.gather [hbm4b:s21+s11], $0x200, $0x38;
	[tilespmem:$0x1CEA0] =	vst v63  }
0x6c: {  	s12 =	simm.s32 $0x1;
	s24 =	smov.u32 s16;
	s25 =	smov.u32 s14  }
.LBB2_4:
0x6d: {  	p1 =	sge.u32 s12, s13  }
0x6e: {  	s17 =	simm.s32 @!p1 $0x0;
	s18 =	simm.s32 @!p1 $0x2800  }
0x6f: {  	[tilespmem:s18], [sflag:$0x2] =	stream.linear.gather @!p1 [hbm4b:s24+s17], $0x2000, $0x38;
	[tilespmem:$0x1CEA0] =	vst v63  }
0x70: {  	s18 =	sadd.s32 @!p1 s11, s15  }
0x71: {  	s19 =	simm.s32 @!p1 $0x600;
	s18 =	sadd.s32 @!p1 $0x61AC0, s18  }
0x72: {  	[tilespmem:s19], [sflag:$0x2] =	stream.linear.gather @!p1 [hbm4b:s18+s17], $0x200, $0x38;
	[tilespmem:$0x1CEA0] =	vst v63  }
0x73: {  	_ =	swait.ge [sflag:s31], $0x2000  }
0x74: {  	[sflag:s31] =	ssyncset.done $0x0  }
0x75: {  	[sflag:s31] =	ssyncadd.s32 $0xFFFFE000  }
0x76: {  	_ =	swait.ge [sflag:s31], $0x200  }
0x77: {  	[sflag:s31] =	ssyncset.done $0x0  }
0x78: {  	[sflag:s31] =	ssyncadd.s32 $0xFFFFFE00  }
0x79: {  	v1 =	vld [tilespmem:$0x400]  }
0x7a: {  	v2 =	vld [tilespmem:$0x410]  }
0x7b: {  	v3 =	vld [tilespmem:$0x420]  }
0x7c: {  	v4 =	vld [tilespmem:$0x430]  }
0x7d: {  	v5 =	vld [tilespmem:$0x440]  }
0x7e: {  	[tilespmem:$0x0] =	vst v1;
	v1 =	vld [tilespmem:$0x450]  }
0x7f: {  	[tilespmem:$0x10] =	vst v2;
	v2 =	vld [tilespmem:$0x460]  }
0x80: {  	v42 =	vld [tilespmem:$0x480];
	[tilespmem:$0x20] =	vst v3  }
0x81: {  	v43 =	vld [tilespmem:$0x490];
	[tilespmem:$0x30] =	vst v4  }
0x82: {  	v3 =	vld [tilespmem:$0x470];
	[tilespmem:$0x40] =	vst v5  }
0x83: {  	[tilespmem:$0x50] =	vst v1;
	v1 =	vld [tilespmem:$0x4A0]  }
0x84: {  	[tilespmem:$0x60] =	vst v2;
	v2 =	vld [tilespmem:$0x4B0]  }
0x85: {  	v44 =	vld [tilespmem:$0x4D0];
	[tilespmem:$0x80] =	vst v42  }
0x86: {  	v45 =	vld [tilespmem:$0x4E0];
	[tilespmem:$0x90] =	vst v43  }
0x87: {  	[tilespmem:$0x70] =	vst v3;
	v3 =	vld [tilespmem:$0x4C0]  }
0x88: {  	[tilespmem:$0xA0] =	vst v1;
	v1 =	vld [tilespmem:$0x4F0]  }
0x89: {  	[tilespmem:$0xB0] =	vst v2;
	v2 =	vld [tilespmem:$0x500]  }
0x8a: {  	v46 =	vld [tilespmem:$0x520];
	[tilespmem:$0xD0] =	vst v44  }
0x8b: {  	v47 =	vld [tilespmem:$0x530];
	[tilespmem:$0xE0] =	vst v45  }
0x8c: {  	[tilespmem:$0xC0] =	vst v3;
	v3 =	vld [tilespmem:$0x510]  }
0x8d: {  	[tilespmem:$0xF0] =	vst v1;
	v1 =	vld [tilespmem:$0x540]  }
0x8e: {  	[tilespmem:$0x100] =	vst v2;
	v2 =	vld [tilespmem:$0x550]  }
0x8f: {  	v48 =	vld [tilespmem:$0x570];
	[tilespmem:$0x120] =	vst v46  }
0x90: {  	v49 =	vld [tilespmem:$0x580];
	[tilespmem:$0x130] =	vst v47  }
0x91: {  	[tilespmem:$0x110] =	vst v3;
	v3 =	vld [tilespmem:$0x560]  }
0x92: {  	[tilespmem:$0x140] =	vst v1;
	v1 =	vld [tilespmem:$0x590]  }
0x93: {  	[tilespmem:$0x150] =	vst v2;
	v2 =	vld [tilespmem:$0x5A0]  }
0x94: {  	v50 =	vld [tilespmem:$0x5C0];
	[tilespmem:$0x170] =	vst v48  }
0x95: {  	v51 =	vld [tilespmem:$0x5D0];
	[tilespmem:$0x180] =	vst v49  }
0x96: {  	[tilespmem:$0x160] =	vst v3;
	v3 =	vld [tilespmem:$0x5B0]  }
0x97: {  	[tilespmem:$0x190] =	vst v1;
	v1 =	vld [tilespmem:$0x5E0]  }
0x98: {  	[tilespmem:$0x1A0] =	vst v2;
	v2 =	vld [tilespmem:$0x5F0]  }
0x99: {  	[tilespmem:$0x1C0] =	vst v50  }
0x9a: {  	[tilespmem:$0x1D0] =	vst v51  }
0x9b: {  	[tilespmem:$0x1B0] =	vst v3  }
0x9c: {  	s19 =	rddreg [dreg:$0x5];
	[tilespmem:$0x1E0] =	vst v1  }
0x9d: {  	s17 =	rddreg [dreg:$0x6];
	[tilespmem:$0x1F0] =	vst v2  }
0x9e: {  	[spmem:s1] =	stream.indirect.scatter.add.f32 [tilespmem:s28], [sflag:$0x3], $0x10, s3, s0, $0xb8;
	[tilespmem:$0x1CEA0] =	vst v63  }
0x9f: {  	s18 =	rddreg [dreg:$0x7]  }
0xa0: {  	[spmem:s1] =	stream.indirect.scatter.add.f32 [tilespmem:s19], [sflag:$0x3], $0x10, s0, s0, $0xb8;
	[tilespmem:$0x1CEA0] =	vst v63  }
0xa1: {  	s20 =	rddreg [dreg:$0x9]  }
0xa2: {  	[spmem:s1] =	stream.indirect.scatter.add.f32 [tilespmem:s18], [sflag:$0x3], $0x10, s17, s0, $0xb8;
	[tilespmem:$0x1CEA0] =	vst v63  }
0xa3: {  	s19 =	rddreg [dreg:$0x8]  }
0xa4: {  	[spmem:s1] =	stream.indirect.scatter.add.f32 [tilespmem:s20], [sflag:$0x3], $0x10, s19, s0, $0xb8;
	[tilespmem:$0x1CEA0] =	vst v63  }
0xa5: {  	_ =	swait.ge [sflag:s2], $0x800  }
0xa6: {  	[sflag:s2] =	ssyncset.done $0x0  }
0xa7: {  	[sflag:s2] =	ssyncadd.s32 $0xFFFFF800  }
0xa8: {  	_ =	swait.ge [sflag:s2], $0x800  }
0xa9: {  	[sflag:s2] =	ssyncset.done $0x0  }
0xaa: {  	[sflag:s2] =	ssyncadd.s32 $0xFFFFF800  }
0xab: {  	_ =	swait.ge [sflag:s2], $0x800  }
0xac: {  	[sflag:s2] =	ssyncset.done $0x0  }
0xad: {  	[sflag:s2] =	ssyncadd.s32 $0xFFFFF800  }
0xae: {  	s20 =	sadd.s32 $0x1, s12;
	_ =	swait.ge [sflag:s2], $0x800  }
0xaf: {  	p1 =	sge.u32 s20, s13;
	[sflag:s2] =	ssyncset.done $0x0  }
0xb0: {  	s17 =	simm.s32 @!p1 $0x0;
	s18 =	simm.s32 @!p1 $0x800;
	[sflag:s2] =	ssyncadd.s32 $0xFFFFF800  }
0xb1: {  	[tilespmem:s18], [sflag:$0x1] =	stream.linear.gather @!p1 [hbm4b:s25+s17], $0x2000, $0x38;
	[tilespmem:$0x1CEA0] =	vst v63  }
0xb2: {  	s18 =	sadd.s32 @!p1 s11, s15  }
0xb3: {  	s19 =	simm.s32 @!p1 $0x400;
	s18 =	sadd.s32 @!p1 $0x61B00, s18  }
0xb4: {  	[tilespmem:s19], [sflag:$0x1] =	stream.linear.gather @!p1 [hbm4b:s18+s17], $0x200, $0x38;
	[tilespmem:$0x1CEA0] =	vst v63  }
0xb5: {  	_ =	swait.ge [sflag:s30], $0x2000  }
0xb6: {  	[sflag:s30] =	ssyncset.done $0x0  }
0xb7: {  	[sflag:s30] =	ssyncadd.s32 $0xFFFFE000  }
0xb8: {  	_ =	swait.ge [sflag:s30], $0x200  }
0xb9: {  	[sflag:s30] =	ssyncset.done $0x0  }
0xba: {  	[sflag:s30] =	ssyncadd.s32 $0xFFFFFE00  }
0xbb: {  	v1 =	vld [tilespmem:$0x600]  }
0xbc: {  	v2 =	vld [tilespmem:$0x610]  }
0xbd: {  	v3 =	vld [tilespmem:$0x620]  }
0xbe: {  	v52 =	vld [tilespmem:$0x630]  }
0xbf: {  	v53 =	vld [tilespmem:$0x640]  }
0xc0: {  	[tilespmem:$0x200] =	vst v1;
	v1 =	vld [tilespmem:$0x650]  }
0xc1: {  	[tilespmem:$0x210] =	vst v2;
	v2 =	vld [tilespmem:$0x660]  }
0xc2: {  	v54 =	vld [tilespmem:$0x680];
	[tilespmem:$0x220] =	vst v3  }
0xc3: {  	v55 =	vld [tilespmem:$0x690];
	[tilespmem:$0x230] =	vst v52  }
0xc4: {  	v3 =	vld [tilespmem:$0x670];
	[tilespmem:$0x240] =	vst v53  }
0xc5: {  	[tilespmem:$0x250] =	vst v1;
	v1 =	vld [tilespmem:$0x6A0]  }
0xc6: {  	[tilespmem:$0x260] =	vst v2;
	v2 =	vld [tilespmem:$0x6B0]  }
0xc7: {  	v56 =	vld [tilespmem:$0x6D0];
	[tilespmem:$0x280] =	vst v54  }
0xc8: {  	v57 =	vld [tilespmem:$0x6E0];
	[tilespmem:$0x290] =	vst v55  }
0xc9: {  	[tilespmem:$0x270] =	vst v3;
	v3 =	vld [tilespmem:$0x6C0]  }
0xca: {  	[tilespmem:$0x2A0] =	vst v1;
	v1 =	vld [tilespmem:$0x6F0]  }
0xcb: {  	[tilespmem:$0x2B0] =	vst v2;
	v2 =	vld [tilespmem:$0x700]  }
0xcc: {  	v58 =	vld [tilespmem:$0x720];
	[tilespmem:$0x2D0] =	vst v56  }
0xcd: {  	v59 =	vld [tilespmem:$0x730];
	[tilespmem:$0x2E0] =	vst v57  }
0xce: {  	[tilespmem:$0x2C0] =	vst v3;
	v3 =	vld [tilespmem:$0x710]  }
0xcf: {  	[tilespmem:$0x2F0] =	vst v1;
	v1 =	vld [tilespmem:$0x740]  }
0xd0: {  	[tilespmem:$0x300] =	vst v2;
	v2 =	vld [tilespmem:$0x750]  }
0xd1: {  	v60 =	vld [tilespmem:$0x770];
	[tilespmem:$0x320] =	vst v58  }
0xd2: {  	v61 =	vld [tilespmem:$0x780];
	[tilespmem:$0x330] =	vst v59  }
0xd3: {  	[tilespmem:$0x310] =	vst v3;
	v3 =	vld [tilespmem:$0x760]  }
0xd4: {  	[tilespmem:$0x340] =	vst v1;
	v1 =	vld [tilespmem:$0x790]  }
0xd5: {  	[tilespmem:$0x350] =	vst v2;
	v2 =	vld [tilespmem:$0x7A0]  }
0xd6: {  	v62 =	vld [tilespmem:$0x7C0];
	[tilespmem:$0x370] =	vst v60  }
0xd7: {  	v63 =	vld [tilespmem:$0x7D0];
	[tilespmem:$0x380] =	vst v61  }
0xd8: {  	[tilespmem:$0x360] =	vst v3;
	v3 =	vld [tilespmem:$0x7B0]  }
0xd9: {  	[tilespmem:$0x390] =	vst v1;
	v1 =	vld [tilespmem:$0x7E0]  }
0xda: {  	[tilespmem:$0x3A0] =	vst v2;
	v2 =	vld [tilespmem:$0x7F0]  }
0xdb: {  	[tilespmem:$0x3C0] =	vst v62  }
0xdc: {  	[tilespmem:$0x3D0] =	vst v63  }
0xdd: {  	[tilespmem:$0x3B0] =	vst v3  }
0xde: {  	s18 =	rddreg [dreg:$0xa];
	[tilespmem:$0x3E0] =	vst v1  }
0xdf: {  	s19 =	rddreg [dreg:$0xb];
	[tilespmem:$0x3F0] =	vst v2  }
0xe0: {  	[spmem:s1] =	stream.indirect.scatter.add.f32 [tilespmem:s19], [sflag:$0x3], $0x10, s18, s0, $0xb8;
	[tilespmem:$0x1CEA0] =	vst v63  }
0xe1: {  	s20 =	rddreg [dreg:$0xc]  }
0xe2: {  	[spmem:s1] =	stream.indirect.scatter.add.f32 [tilespmem:s5], [sflag:$0x3], $0x10, s20, s0, $0xb8;
	[tilespmem:$0x1CEA0] =	vst v63  }
0xe3: {  	_ = 	snop  }
0xe4: {  	[spmem:s1] =	stream.indirect.scatter.add.f32 [tilespmem:s7], [sflag:$0x3], $0x10, s6, s0, $0xb8;
	[tilespmem:$0x1CEA0] =	vst v63  }
0xe5: {  	_ = 	snop  }
0xe6: {  	[spmem:s1] =	stream.indirect.scatter.add.f32 [tilespmem:s9], [sflag:$0x3], $0x10, s8, s0, $0xb8;
	[tilespmem:$0x1CEA0] =	vst v63  }
0xe7: {  	_ =	swait.ge [sflag:s2], $0x800  }
0xe8: {  	[sflag:s2] =	ssyncset.done $0x0  }
0xe9: {  	[sflag:s2] =	ssyncadd.s32 $0xFFFFF800  }
0xea: {  	_ =	swait.ge [sflag:s2], $0x800  }
0xeb: {  	[sflag:s2] =	ssyncset.done $0x0  }
0xec: {  	[sflag:s2] =	ssyncadd.s32 $0xFFFFF800  }
0xed: {  	_ =	swait.ge [sflag:s2], $0x800  }
0xee: {  	[sflag:s2] =	ssyncset.done $0x0  }
0xef: {  	[sflag:s2] =	ssyncadd.s32 $0xFFFFF800  }
0xf0: {  	_ =	swait.ge [sflag:s2], $0x800  }
0xf1: {  	s11 =	sadd.s32 $0x80, s11;
	s20 =	rddreg [dreg:$0x4]  }
0xf2: {  	p1 =	sne.s32 s20, s11  }
.Ltmp1:
0xf3: {  	_ = 	snop;
	(pc) =	sbr.rel @p1 .LBB2_4-.Ltmp1, $3  }
0xf4: {  	_ =	sdelay $0x1  }
0xf5: {  	s24 =	sadd.s32 $0x800, s24;
	[sflag:s2] =	ssyncset.done $0x0  }
0xf6: {  	s12 =	sadd.s32 $0x2, s12;
	s25 =	sadd.s32 $0x800, s25;
	[sflag:s2] =	ssyncadd.s32 $0xFFFFF800  }
0xf7: {  	[bflag:$0x0] =	sbarrier.arrive $0xFFFF;
	s11 =	sshrl.u32 @p0 s4, $0x3;
	s12 =	simm.s32 @p0 $0x1FC4  }
0xf8: {  	[hbm:s22], [sflag:s12] =	dma.local @p0 [spmem:s11], $0x3020  }
0xf9: {  	s10 =	sadd.s32 $0x1, s10;
	s11 =	simm.s32 @p0 $0x4  }
0xfa: {  	s12 =	stileid.u32;
	p1 =	sne.s32 s10, s23;
	_ =	swait.ge @p0 [sflag:s11], $0x3020  }
0xfb: {  	s12 =	sshll.u32 @!p0 s12, $0x6;
	[sflag:s11] =	ssyncset.done @p0 $0x0;
	s17 =	rddreg [dreg:$0x15]  }
0xfc: {  	[sflag:s11] =	ssyncadd.s32 @p0 $0xFFFFCFE0;
	s11 =	sor.u32 @!p0 $0x1C04, s12;
	s12 =	sshrl.u32 @!p0 s4, $0x3  }
0xfd: {  	[hbm:s17], [sflag:s11] =	dma.local @!p0 [spmem:s12], $0x30E0  }
.Ltmp2:
0xfe: {  	_ = 	snop;
	(pc) =	sbr.rel @p1 .LBB2_1-.Ltmp2, $4  }
0xff: {  	s11 =	simm.s32 @!p0 $0x4  }
0x100: {  	_ =	swait.ge @!p0 [sflag:s11], $0x30E0  }
0x101: {  	[sflag:s11] =	ssyncset.done @!p0 $0x0  }
0x102: {  	[sflag:s11] =	ssyncadd.s32 @!p0 $0xFFFFCF20  }
0x103: {  	_ =	sfence.sel $0x180000  }
0x104: {  	[bflag:$0x0] =	sbarrier.arrive $0xFFFF  }
0x105: {  	_ =	strace $0x90000047  }
0x106: {  	s0 =	stileid.u32;
	[bflag:$0x2] =	sbarrier.arrive $0xFFFF  }
0x107: {  	p0 =	sne.s32 s0, $0x0;
	s0 =	rddreg [dreg:$0x3]  }
0x108: {  	s0 =	sadd.s32 @!p0 $0x100000, s0  }
0x109: {  	[sflag:s0] =	ssyncadd.tile.s32 @!p0 $0x1;
	_ =	shalt  }
.Lfunc_end2:
_tile_overlayer_lowered:
.L_overlay_start_2:
0x10a: {  	(tag) =	ssettag $0x2  }
0x10b: {  	s0 =	rddreg [dreg:$0x0];
	s2 =	stileid.u32  }
0x10c: {  	s1 =	rddreg [dreg:$0x1];
	p0 =	sne.s32 s2, $0x0  }
0x10d: {  	s3 =	rddreg [dreg:$0x2];
	[bflag:$0x3] =	sbarrier.arrive $0xFFFF;
	s2 =	simm.s32 @!p0 $0x1C04  }
0x10e: {  	[timem:s3], [sflag:s2] =	dma.local @!p0 [hbm:s0], s1  }
0x10f: {  	s0 =	simm.s32 @!p0 $0x4  }
0x110: {  	_ =	swait.ge @!p0 [sflag:s0], s1  }
0x111: {  	s1 =	ssub.s32 @!p0 $0x0, s1;
	[sflag:s0] =	ssyncset.done @!p0 $0x0  }
0x112: {  	[sflag:s0] =	ssyncadd.s32 @!p0 s1  }
0x113: {  	[bflag:$0x3] =	sbarrier.arrive $0xFFFF  }
0x114: {  	_ =	shalt  }

</sc_bundles>
